<compile_context>
chip_gen: v7x
topology: tpu7x:2x2x1
jax: 0.10.2.dev20260603
libtpu: 0.0.44.dev20260713+nightly
codegen_flags: <defaults>
</compile_context>

<pallas_src>
import functools

import jax
import jax.numpy as jnp
from jax import lax
from jax.experimental import pallas as pl
from jax.experimental.pallas import tpu as pltpu
from jax.experimental.pallas import tpu_sc as plsc

N_NODES = 10000
D = 128
E = 320000
COEFS = (1.0, -0.5, 0.25, -0.125, 0.0625)

NC = 2
NS = 16
NW = NC * NS

CH = 128
NCH = 80
EPW = NCH * CH
E_PAD = EPW * NW
NCH_PAD = NCH + 4
N_PAD = 10112
ROWS_PER_SUB = N_PAD // NS
DEG_W = 128


def _sc_mesh():
    return plsc.VectorSubcoreMesh(core_axis_name="c", subcore_axis_name="s")


def _sc_deg(dstp, ones_hbm, zeros_hbm):
    @functools.partial(
        pl.kernel,
        out_type=jax.ShapeDtypeStruct((NC, N_PAD, DEG_W), jnp.float32),
        mesh=_sc_mesh(),
        scratch_types=[
            pltpu.VMEM((NCH, CH), jnp.int32),
            pltpu.VMEM((CH, DEG_W), jnp.float32),
            pltpu.VMEM_SHARED((N_PAD, DEG_W), jnp.float32),
        ],
    )
    def k(dstp_hbm, ones_h, zeros_h, out_hbm, dbuf, ones_v, dega):
        c = lax.axis_index("c")
        s = lax.axis_index("s")
        wid = c * NS + s
        pltpu.sync_copy(zeros_h, dega.at[pl.ds(s * ROWS_PER_SUB, ROWS_PER_SUB)])
        pltpu.sync_copy(dstp_hbm.at[wid], dbuf)
        pltpu.sync_copy(ones_h, ones_v)
        plsc.subcore_barrier()

        def body(j, carry):
            pltpu.sync_copy(ones_v, dega.at[dbuf.at[j]], add=True)
            return carry

        lax.fori_loop(0, NCH, body, 0)
        plsc.subcore_barrier()
        sl = pl.ds(s * ROWS_PER_SUB, ROWS_PER_SUB)
        pltpu.sync_copy(dega.at[sl], out_hbm.at[c].at[sl])

    return k(dstp, ones_hbm, zeros_hbm)


def _sc_round(g, idxp, zeros_hbm):
    @functools.partial(
        pl.kernel,
        out_type=jax.ShapeDtypeStruct((NC, N_PAD, D), jnp.float32),
        mesh=_sc_mesh(),
        scratch_types=(
            [pltpu.VMEM((2, CH), jnp.int32) for _ in range(3)]
            + [pltpu.VMEM((CH, D), jnp.float32) for _ in range(3)]
            + [pltpu.VMEM_SHARED((N_PAD, D), jnp.float32)]
            + [pltpu.SemaphoreType.DMA] * 6
        ),
    )
    def k(g_hbm, idxp_hbm, zeros_h, out_hbm, *refs):
        ib = refs[0:3]
        r = refs[3:6]
        agg = refs[6]
        si = refs[7:10]
        gr = refs[10:13]
        c = lax.axis_index("c")
        s = lax.axis_index("s")
        wid = c * NS + s
        pltpu.sync_copy(zeros_h, agg.at[pl.ds(s * ROWS_PER_SUB, ROWS_PER_SUB)])
        plsc.subcore_barrier()

        my_idx = idxp_hbm.at[wid]

        def fetch_idx(j, slot):
            pltpu.async_copy(my_idx.at[j], ib[slot], si[slot])

        def wait_idx(slot):
            pltpu.make_async_copy(my_idx.at[0], ib[slot], si[slot]).wait()

        def gather(slot):
            pltpu.async_copy(g_hbm.at[ib[slot].at[0]], r[slot], gr[slot])

        def wait_gather(slot):
            pltpu.make_async_copy(
                g_hbm.at[ib[slot].at[0]], r[slot], gr[slot]).wait()

        def scatter(slot):
            pltpu.sync_copy(r[slot], agg.at[ib[slot].at[1]], add=True)

        def step(j, b):
            b2 = (b + 2) % 3
            wait_gather(b)
            wait_idx(b2)
            gather(b2)
            scatter(b)
            fetch_idx(j + 3, b)

        fetch_idx(0, 0)
        fetch_idx(1, 1)
        wait_idx(0)
        gather(0)
        wait_idx(1)
        gather(1)
        fetch_idx(2, 2)

        def body(jg, carry):
            j = 3 * jg
            for u in range(3):
                step(j + u, u)
            return carry

        lax.fori_loop(0, 25, body, 0)

        step(75, 0)
        step(76, 1)
        wait_gather(2)
        wait_idx(1)
        gather(1)
        scatter(2)

        wait_gather((NCH - 2) % 3)
        scatter((NCH - 2) % 3)
        wait_gather((NCH - 1) % 3)
        scatter((NCH - 1) % 3)

        plsc.subcore_barrier()
        sl = pl.ds(s * ROWS_PER_SUB, ROWS_PER_SUB)
        pltpu.sync_copy(agg.at[sl], out_hbm.at[c].at[sl])

    return k(g, idxp, zeros_hbm)


_TC_BLK = 1264
_TC_GRID = N_PAD // _TC_BLK


def _row_spec(w):
    return pl.BlockSpec((_TC_BLK, w), lambda i: (i, 0))


def _tc_prep(d0, d1, x):
    def body(d0_ref, d1_ref, x_ref, dis_ref, g_ref):
        deg = d0_ref[:, 0:1] + d1_ref[:, 0:1]
        dis = lax.rsqrt(jnp.maximum(deg, 1.0))
        dis_ref[...] = dis
        g_ref[...] = x_ref[...] * dis

    return pl.pallas_call(
        body,
        grid=(_TC_GRID,),
        in_specs=[_row_spec(DEG_W), _row_spec(DEG_W), _row_spec(D)],
        out_specs=[_row_spec(1), _row_spec(D)],
        out_shape=[
            jax.ShapeDtypeStruct((N_PAD, 1), jnp.float32),
            jax.ShapeDtypeStruct((N_PAD, D), jnp.float32),
        ],
    )(d0, d1, x)


def _tc_dense(theta, p0, p1, feat, dis, h):
    def body(p0_ref, p1_ref, feat_ref, dis_ref, h_ref,
             feat_o, h_o, g_o):
        agg = p0_ref[...] + p1_ref[...]
        dis = dis_ref[...]
        f = feat_ref[...] - dis * agg
        feat_o[...] = f
        h_o[...] = h_ref[...] + theta * f
        g_o[...] = f * dis

    return pl.pallas_call(
        body,
        grid=(_TC_GRID,),
        in_specs=[_row_spec(D), _row_spec(D), _row_spec(D), _row_spec(1),
                  _row_spec(D)],
        out_specs=[_row_spec(D), _row_spec(D), _row_spec(D)],
        out_shape=[
            jax.ShapeDtypeStruct((N_PAD, D), jnp.float32),
            jax.ShapeDtypeStruct((N_PAD, D), jnp.float32),
            jax.ShapeDtypeStruct((N_PAD, D), jnp.float32),
        ],
    )(p0, p1, feat, dis, h)


def kernel(x, edge_index):
    src = edge_index[0].astype(jnp.int32)
    dst = edge_index[1].astype(jnp.int32)
    pad = E_PAD - E
    srcp = jnp.concatenate([src, jnp.zeros((pad,), jnp.int32)])
    dstp = jnp.concatenate([dst, jnp.full((pad,), N_NODES, jnp.int32)])
    srcp = srcp.reshape(NW, NCH, CH)
    dstp = dstp.reshape(NW, NCH, CH)
    idxp = jnp.stack([srcp, dstp], axis=2)
    idx_tail = jnp.tile(
        jnp.stack([jnp.zeros((CH,), jnp.int32),
                   jnp.full((CH,), N_NODES, jnp.int32)])[None, None],
        (NW, NCH_PAD - NCH, 1, 1))
    idxp = jnp.concatenate([idxp, idx_tail], axis=1)

    x_pad = jnp.concatenate(
        [x, jnp.zeros((N_PAD - N_NODES, D), jnp.float32)], axis=0)

    ones_hbm = jnp.ones((CH, DEG_W), jnp.float32)
    zeros_d = jnp.zeros((ROWS_PER_SUB, DEG_W), jnp.float32)
    zeros_f = jnp.zeros((ROWS_PER_SUB, D), jnp.float32)

    deg_parts = _sc_deg(dstp, ones_hbm, zeros_d)
    dis, g = _tc_prep(deg_parts[0], deg_parts[1], x_pad)

    feat = x_pad
    h = COEFS[0] * x_pad
    for k in range(1, len(COEFS)):
        parts = _sc_round(g, idxp, zeros_f)
        feat, h, g = _tc_dense(COEFS[k], parts[0], parts[1], feat, dis, h)

    return h[:N_NODES]

# --- scband reference (transcript-rebuilt; emitter-appended) ---
"""Pipeline reference for scband-poly-conv-39608188404451 (READ-ONLY COPY).

The authoritative reference and input builder live on the scoring server;
editing this copy changes nothing except your own understanding.
"""

import jax, jax.numpy as jnp
import numpy as np

N_NODES = 10000
N_EDGES = 320000
D_FEAT = 128
THETA = [1.0, -0.5, 0.25, -0.125, 0.0625]


def setup_inputs(seed: int = 0) -> dict:
    key = jax.random.key(seed)
    k1, k2 = jax.random.split(key)
    x = jax.random.normal(k1, (N_NODES, D_FEAT), dtype=jnp.float32)
    edge_index = jax.random.randint(k2, (2, N_EDGES), 0, N_NODES, dtype=jnp.int64)
    return {"x": x, "edge_index": edge_index}


def reference(x, edge_index):
    N = x.shape[0]
    src = edge_index[0]
    dst = edge_index[1]
    ones = jnp.ones((src.shape[0],), dtype=x.dtype)
    deg = jax.ops.segment_sum(ones, dst, num_segments=N)
    deg = jnp.clip(deg, 1.0, None)[:, None]
    deg_inv_sqrt = deg ** -0.5
    h_acc = THETA[0] * x
    feat = x
    for k in range(1, len(THETA)):
        src_norm = feat[src] * deg_inv_sqrt[src]
        out_agg = jax.ops.segment_sum(src_norm, dst, num_segments=N)
        feat = feat - deg_inv_sqrt * out_agg
        h_acc = h_acc + THETA[k] * feat
    return h_acc

if __name__ == "__main__":
    import jax
    _d = setup_inputs()
    print(jax.jit(kernel)(*tuple(_d.values())))

</pallas_src>

<mosaic_0001>
#map = affine_map<(d0, d1) -> (0, 0)>
#map1 = affine_map<(d0, d1) -> (0, 0, 0, 0)>
#map2 = affine_map<(d0, d1) -> (0, 0, 0)>
module attributes {stable_mosaic.version = 14 : i64} {
  func.func @k(%arg0: i32, %arg1: i32, %arg2: memref<10112x128xf32, #tpu.memory_space<hbm>>, %arg3: memref<32x84x2x128xi32, #tpu.memory_space<hbm>>, %arg4: memref<632x128xf32, #tpu.memory_space<hbm>>, %arg5: memref<2x10112x128xf32, #tpu.memory_space<hbm>>, %arg6: memref<2x128xi32, #tpu.memory_space<vmem>>, %arg7: memref<2x128xi32, #tpu.memory_space<vmem>>, %arg8: memref<2x128xi32, #tpu.memory_space<vmem>>, %arg9: memref<128x128xf32, #tpu.memory_space<vmem>>, %arg10: memref<128x128xf32, #tpu.memory_space<vmem>>, %arg11: memref<128x128xf32, #tpu.memory_space<vmem>>, %arg12: memref<10112x128xf32, #tpu.memory_space<vmem_shared>>, %arg13: memref<!tpu.dma_semaphore, #tpu.memory_space<semaphore_mem>>, %arg14: memref<!tpu.dma_semaphore, #tpu.memory_space<semaphore_mem>>, %arg15: memref<!tpu.dma_semaphore, #tpu.memory_space<semaphore_mem>>, %arg16: memref<!tpu.dma_semaphore, #tpu.memory_space<semaphore_mem>>, %arg17: memref<!tpu.dma_semaphore, #tpu.memory_space<semaphore_mem>>, %arg18: memref<!tpu.dma_semaphore, #tpu.memory_space<semaphore_mem>>) attributes {dimension_semantics = [#tpu.dimension_semantics<core_parallel>, #tpu.dimension_semantics<subcore_parallel>], iteration_bounds = array<i64: 2, 16>, scalar_prefetch = 0 : i64, scratch_operands = 13 : i64, tpu.core_type = #tpu.core_type<sc_vector_subcore>, window_params = [{transform_indices = #map}, {transform_indices = #map1}, {transform_indices = #map}, {transform_indices = #map2}]} {
    %mul3A = arith.constant 16 : i32
    %mul3A_0 = arith.muli %arg0, %mul3A : i32
    %add3A = arith.addi %mul3A_0, %arg1 : i32
    %mul3A_1 = arith.constant 632 : i32
    %mul3A_2 = arith.muli %arg1, %mul3A_1 : i32
    "tpu.region"() ({
      %run_scoped3A_273 = tpu.sem_alloc : memref<!tpu.dma_semaphore, #tpu.memory_space<semaphore_mem>>
      %dma_start3A_274 = arith.constant 0 : i32
      %dma_start3A_275 = tpu.memref_slice %arg12[%mul3A_2, %dma_start3A_274] : memref<10112x128xf32, #tpu.memory_space<vmem_shared>> -> memref<632x128xf32, #tpu.memory_space<vmem_shared>>
      tpu.enqueue_dma source(%arg4 : memref<632x128xf32, #tpu.memory_space<hbm>>) target(%dma_start3A_275 : memref<632x128xf32, #tpu.memory_space<vmem_shared>>) target_semaphore(%run_scoped3A_273 : memref<!tpu.dma_semaphore, #tpu.memory_space<semaphore_mem>>)
      %dma_wait3A_276 = arith.constant 0 : i32
      %dma_wait3A_277 = tpu.memref_slice %arg12[%mul3A_2, %dma_wait3A_276] : memref<10112x128xf32, #tpu.memory_space<vmem_shared>> -> memref<632x128xf32, #tpu.memory_space<vmem_shared>>
      tpu.wait_dma2 semaphore(%run_scoped3A_273 : memref<!tpu.dma_semaphore, #tpu.memory_space<semaphore_mem>>) src(%arg4 : memref<632x128xf32, #tpu.memory_space<hbm>>) dst(%dma_wait3A_277 : memref<632x128xf32, #tpu.memory_space<vmem_shared>>)
      tpu.yield
    }) : () -> ()
    %barrier3A = arith.constant 0 : index
    tpu.barrier barrier_id(%barrier3A)
    %dma_start3A = arith.constant 0 : i32
    %dma_start3A_3 = arith.constant 0 : i32
    %dma_start3A_4 = arith.constant 0 : i32
    %dma_start3A_5 = arith.constant 0 : i32
    %dma_start3A_6 = tpu.memref_slice %arg3[%add3A, %dma_start3A_3, %dma_start3A_4, %dma_start3A_5] : memref<32x84x2x128xi32, #tpu.memory_space<hbm>> -> memref<1x84x2x128xi32, #tpu.memory_space<hbm>>
    %dma_start3A_7 = tpu.memref_squeeze %dma_start3A_6 : memref<1x84x2x128xi32, #tpu.memory_space<hbm>> -> memref<84x2x128xi32, #tpu.memory_space<hbm>>
    %dma_start3A_8 = arith.constant 0 : i32
    %dma_start3A_9 = arith.constant 0 : i32
    %dma_start3A_10 = tpu.memref_slice %dma_start3A_7[%dma_start3A, %dma_start3A_8, %dma_start3A_9] : memref<84x2x128xi32, #tpu.memory_space<hbm>> -> memref<1x2x128xi32, #tpu.memory_space<hbm>>
    %dma_start3A_11 = tpu.memref_squeeze %dma_start3A_10 : memref<1x2x128xi32, #tpu.memory_space<hbm>> -> memref<2x128xi32, #tpu.memory_space<hbm>>
    %dma_start3A_12 = arith.constant 0 : i32
    %dma_start3A_13 = arith.constant 0 : i32
    %dma_start3A_14 = arith.constant 0 : i32
    %dma_start3A_15 = tpu.memref_slice %arg3[%add3A, %dma_start3A_12, %dma_start3A_13, %dma_start3A_14] : memref<32x84x2x128xi32, #tpu.memory_space<hbm>> -> memref<1x84x2x128xi32, #tpu.memory_space<hbm>>
    %dma_start3A_16 = tpu.memref_squeeze %dma_start3A_15 : memref<1x84x2x128xi32, #tpu.memory_space<hbm>> -> memref<84x2x128xi32, #tpu.memory_space<hbm>>
    %dma_start3A_17 = arith.constant 0 : i32
    %dma_start3A_18 = arith.constant 0 : i32
    %dma_start3A_19 = tpu.memref_slice %dma_start3A_16[%dma_start3A, %dma_start3A_17, %dma_start3A_18] : memref<84x2x128xi32, #tpu.memory_space<hbm>> -> memref<1x2x128xi32, #tpu.memory_space<hbm>>
    %dma_start3A_20 = tpu.memref_squeeze %dma_start3A_19 : memref<1x2x128xi32, #tpu.memory_space<hbm>> -> memref<2x128xi32, #tpu.memory_space<hbm>>
    tpu.enqueue_dma source(%dma_start3A_20 : memref<2x128xi32, #tpu.memory_space<hbm>>) target(%arg6 : memref<2x128xi32, #tpu.memory_space<vmem>>) target_semaphore(%arg13 : memref<!tpu.dma_semaphore, #tpu.memory_space<semaphore_mem>>)
    %dma_start3A_21 = arith.constant 1 : i32
    %dma_start3A_22 = arith.constant 0 : i32
    %dma_start3A_23 = arith.constant 0 : i32
    %dma_start3A_24 = arith.constant 0 : i32
    %dma_start3A_25 = tpu.memref_slice %arg3[%add3A, %dma_start3A_22, %dma_start3A_23, %dma_start3A_24] : memref<32x84x2x128xi32, #tpu.memory_space<hbm>> -> memref<1x84x2x128xi32, #tpu.memory_space<hbm>>
    %dma_start3A_26 = tpu.memref_squeeze %dma_start3A_25 : memref<1x84x2x128xi32, #tpu.memory_space<hbm>> -> memref<84x2x128xi32, #tpu.memory_space<hbm>>
    %dma_start3A_27 = arith.constant 0 : i32
    %dma_start3A_28 = arith.constant 0 : i32
    %dma_start3A_29 = tpu.memref_slice %dma_start3A_26[%dma_start3A_21, %dma_start3A_27, %dma_start3A_28] : memref<84x2x128xi32, #tpu.memory_space<hbm>> -> memref<1x2x128xi32, #tpu.memory_space<hbm>>
    %dma_start3A_30 = tpu.memref_squeeze %dma_start3A_29 : memref<1x2x128xi32, #tpu.memory_space<hbm>> -> memref<2x128xi32, #tpu.memory_space<hbm>>
    %dma_start3A_31 = arith.constant 0 : i32
    %dma_start3A_32 = arith.constant 0 : i32
    %dma_start3A_33 = arith.constant 0 : i32
    %dma_start3A_34 = tpu.memref_slice %arg3[%add3A, %dma_start3A_31, %dma_start3A_32, %dma_start3A_33] : memref<32x84x2x128xi32, #tpu.memory_space<hbm>> -> memref<1x84x2x128xi32, #tpu.memory_space<hbm>>
    %dma_start3A_35 = tpu.memref_squeeze %dma_start3A_34 : memref<1x84x2x128xi32, #tpu.memory_space<hbm>> -> memref<84x2x128xi32, #tpu.memory_space<hbm>>
    %dma_start3A_36 = arith.constant 0 : i32
    %dma_start3A_37 = arith.constant 0 : i32
    %dma_start3A_38 = tpu.memref_slice %dma_start3A_35[%dma_start3A_21, %dma_start3A_36, %dma_start3A_37] : memref<84x2x128xi32, #tpu.memory_space<hbm>> -> memref<1x2x128xi32, #tpu.memory_space<hbm>>
    %dma_start3A_39 = tpu.memref_squeeze %dma_start3A_38 : memref<1x2x128xi32, #tpu.memory_space<hbm>> -> memref<2x128xi32, #tpu.memory_space<hbm>>
    tpu.enqueue_dma source(%dma_start3A_39 : memref<2x128xi32, #tpu.memory_space<hbm>>) target(%arg7 : memref<2x128xi32, #tpu.memory_space<vmem>>) target_semaphore(%arg14 : memref<!tpu.dma_semaphore, #tpu.memory_space<semaphore_mem>>)
    %dma_wait3A = arith.constant 0 : i32
    %dma_wait3A_40 = arith.constant 0 : i32
    %dma_wait3A_41 = arith.constant 0 : i32
    %dma_wait3A_42 = arith.constant 0 : i32
    %dma_wait3A_43 = tpu.memref_slice %arg3[%add3A, %dma_wait3A_40, %dma_wait3A_41, %dma_wait3A_42] : memref<32x84x2x128xi32, #tpu.memory_space<hbm>> -> memref<1x84x2x128xi32, #tpu.memory_space<hbm>>
    %dma_wait3A_44 = tpu.memref_squeeze %dma_wait3A_43 : memref<1x84x2x128xi32, #tpu.memory_space<hbm>> -> memref<84x2x128xi32, #tpu.memory_space<hbm>>
    %dma_wait3A_45 = arith.constant 0 : i32
    %dma_wait3A_46 = arith.constant 0 : i32
    %dma_wait3A_47 = tpu.memref_slice %dma_wait3A_44[%dma_wait3A, %dma_wait3A_45, %dma_wait3A_46] : memref<84x2x128xi32, #tpu.memory_space<hbm>> -> memref<1x2x128xi32, #tpu.memory_space<hbm>>
    %dma_wait3A_48 = tpu.memref_squeeze %dma_wait3A_47 : memref<1x2x128xi32, #tpu.memory_space<hbm>> -> memref<2x128xi32, #tpu.memory_space<hbm>>
    %dma_wait3A_49 = arith.constant 0 : i32
    %dma_wait3A_50 = arith.constant 0 : i32
    %dma_wait3A_51 = arith.constant 0 : i32
    %dma_wait3A_52 = tpu.memref_slice %arg3[%add3A, %dma_wait3A_49, %dma_wait3A_50, %dma_wait3A_51] : memref<32x84x2x128xi32, #tpu.memory_space<hbm>> -> memref<1x84x2x128xi32, #tpu.memory_space<hbm>>
    %dma_wait3A_53 = tpu.memref_squeeze %dma_wait3A_52 : memref<1x84x2x128xi32, #tpu.memory_space<hbm>> -> memref<84x2x128xi32, #tpu.memory_space<hbm>>
    %dma_wait3A_54 = arith.constant 0 : i32
    %dma_wait3A_55 = arith.constant 0 : i32
    %dma_wait3A_56 = tpu.memref_slice %dma_wait3A_53[%dma_wait3A, %dma_wait3A_54, %dma_wait3A_55] : memref<84x2x128xi32, #tpu.memory_space<hbm>> -> memref<1x2x128xi32, #tpu.memory_space<hbm>>
    %dma_wait3A_57 = tpu.memref_squeeze %dma_wait3A_56 : memref<1x2x128xi32, #tpu.memory_space<hbm>> -> memref<2x128xi32, #tpu.memory_space<hbm>>
    tpu.wait_dma2 semaphore(%arg13 : memref<!tpu.dma_semaphore, #tpu.memory_space<semaphore_mem>>) src(%dma_wait3A_57 : memref<2x128xi32, #tpu.memory_space<hbm>>) dst(%arg6 : memref<2x128xi32, #tpu.memory_space<vmem>>)
    %dma_start3A_58 = arith.constant 0 : i32
    %dma_start3A_59 = arith.constant 0 : i32
    %dma_start3A_60 = tpu.memref_slice %arg6[%dma_start3A_58, %dma_start3A_59] : memref<2x128xi32, #tpu.memory_space<vmem>> -> memref<1x128xi32, #tpu.memory_space<vmem>>
    %dma_start3A_61 = tpu.memref_squeeze %dma_start3A_60 : memref<1x128xi32, #tpu.memory_space<vmem>> -> memref<128xi32, #tpu.memory_space<vmem>>
    %dma_start3A_62 = arith.constant 0 : i32
    %dma_start3A_63 = arith.constant 0 : i32
    %dma_start3A_64 = tpu.memref_slice %arg2[%dma_start3A_62, %dma_start3A_63] : memref<10112x128xf32, #tpu.memory_space<hbm>> -> memref<10112x128xf32, #tpu.memory_space<hbm>>
    tpu.enqueue_indirect_dma source(%dma_start3A_64 : memref<10112x128xf32, #tpu.memory_space<hbm>>) target(%arg9 : memref<128x128xf32, #tpu.memory_space<vmem>>) offsets(%dma_start3A_61 : memref<128xi32, #tpu.memory_space<vmem>>) semaphore(%arg16 : memref<!tpu.dma_semaphore, #tpu.memory_space<semaphore_mem>>)
    %dma_wait3A_65 = arith.constant 0 : i32
    %dma_wait3A_66 = arith.constant 0 : i32
    %dma_wait3A_67 = arith.constant 0 : i32
    %dma_wait3A_68 = arith.constant 0 : i32
    %dma_wait3A_69 = tpu.memref_slice %arg3[%add3A, %dma_wait3A_66, %dma_wait3A_67, %dma_wait3A_68] : memref<32x84x2x128xi32, #tpu.memory_space<hbm>> -> memref<1x84x2x128xi32, #tpu.memory_space<hbm>>
    %dma_wait3A_70 = tpu.memref_squeeze %dma_wait3A_69 : memref<1x84x2x128xi32, #tpu.memory_space<hbm>> -> memref<84x2x128xi32, #tpu.memory_space<hbm>>
    %dma_wait3A_71 = arith.constant 0 : i32
    %dma_wait3A_72 = arith.constant 0 : i32
    %dma_wait3A_73 = tpu.memref_slice %dma_wait3A_70[%dma_wait3A_65, %dma_wait3A_71, %dma_wait3A_72] : memref<84x2x128xi32, #tpu.memory_space<hbm>> -> memref<1x2x128xi32, #tpu.memory_space<hbm>>
    %dma_wait3A_74 = tpu.memref_squeeze %dma_wait3A_73 : memref<1x2x128xi32, #tpu.memory_space<hbm>> -> memref<2x128xi32, #tpu.memory_space<hbm>>
    %dma_wait3A_75 = arith.constant 0 : i32
    %dma_wait3A_76 = arith.constant 0 : i32
    %dma_wait3A_77 = arith.constant 0 : i32
    %dma_wait3A_78 = tpu.memref_slice %arg3[%add3A, %dma_wait3A_75, %dma_wait3A_76, %dma_wait3A_77] : memref<32x84x2x128xi32, #tpu.memory_space<hbm>> -> memref<1x84x2x128xi32, #tpu.memory_space<hbm>>
    %dma_wait3A_79 = tpu.memref_squeeze %dma_wait3A_78 : memref<1x84x2x128xi32, #tpu.memory_space<hbm>> -> memref<84x2x128xi32, #tpu.memory_space<hbm>>
    %dma_wait3A_80 = arith.constant 0 : i32
    %dma_wait3A_81 = arith.constant 0 : i32
    %dma_wait3A_82 = tpu.memref_slice %dma_wait3A_79[%dma_wait3A_65, %dma_wait3A_80, %dma_wait3A_81] : memref<84x2x128xi32, #tpu.memory_space<hbm>> -> memref<1x2x128xi32, #tpu.memory_space<hbm>>
    %dma_wait3A_83 = tpu.memref_squeeze %dma_wait3A_82 : memref<1x2x128xi32, #tpu.memory_space<hbm>> -> memref<2x128xi32, #tpu.memory_space<hbm>>
    tpu.wait_dma2 semaphore(%arg14 : memref<!tpu.dma_semaphore, #tpu.memory_space<semaphore_mem>>) src(%dma_wait3A_83 : memref<2x128xi32, #tpu.memory_space<hbm>>) dst(%arg7 : memref<2x128xi32, #tpu.memory_space<vmem>>)
    %dma_start3A_84 = arith.constant 0 : i32
    %dma_start3A_85 = arith.constant 0 : i32
    %dma_start3A_86 = tpu.memref_slice %arg7[%dma_start3A_84, %dma_start3A_85] : memref<2x128xi32, #tpu.memory_space<vmem>> -> memref<1x128xi32, #tpu.memory_space<vmem>>
    %dma_start3A_87 = tpu.memref_squeeze %dma_start3A_86 : memref<1x128xi32, #tpu.memory_space<vmem>> -> memref<128xi32, #tpu.memory_space<vmem>>
    %dma_start3A_88 = arith.constant 0 : i32
    %dma_start3A_89 = arith.constant 0 : i32
    %dma_start3A_90 = tpu.memref_slice %arg2[%dma_start3A_88, %dma_start3A_89] : memref<10112x128xf32, #tpu.memory_space<hbm>> -> memref<10112x128xf32, #tpu.memory_space<hbm>>
    tpu.enqueue_indirect_dma source(%dma_start3A_90 : memref<10112x128xf32, #tpu.memory_space<hbm>>) target(%arg10 : memref<128x128xf32, #tpu.memory_space<vmem>>) offsets(%dma_start3A_87 : memref<128xi32, #tpu.memory_space<vmem>>) semaphore(%arg17 : memref<!tpu.dma_semaphore, #tpu.memory_space<semaphore_mem>>)
    %dma_start3A_91 = arith.constant 2 : i32
    %dma_start3A_92 = arith.constant 0 : i32
    %dma_start3A_93 = arith.constant 0 : i32
    %dma_start3A_94 = arith.constant 0 : i32
    %dma_start3A_95 = tpu.memref_slice %arg3[%add3A, %dma_start3A_92, %dma_start3A_93, %dma_start3A_94] : memref<32x84x2x128xi32, #tpu.memory_space<hbm>> -> memref<1x84x2x128xi32, #tpu.memory_space<hbm>>
    %dma_start3A_96 = tpu.memref_squeeze %dma_start3A_95 : memref<1x84x2x128xi32, #tpu.memory_space<hbm>> -> memref<84x2x128xi32, #tpu.memory_space<hbm>>
    %dma_start3A_97 = arith.constant 0 : i32
    %dma_start3A_98 = arith.constant 0 : i32
    %dma_start3A_99 = tpu.memref_slice %dma_start3A_96[%dma_start3A_91, %dma_start3A_97, %dma_start3A_98] : memref<84x2x128xi32, #tpu.memory_space<hbm>> -> memref<1x2x128xi32, #tpu.memory_space<hbm>>
    %dma_start3A_100 = tpu.memref_squeeze %dma_start3A_99 : memref<1x2x128xi32, #tpu.memory_space<hbm>> -> memref<2x128xi32, #tpu.memory_space<hbm>>
    %dma_start3A_101 = arith.constant 0 : i32
    %dma_start3A_102 = arith.constant 0 : i32
    %dma_start3A_103 = arith.constant 0 : i32
    %dma_start3A_104 = tpu.memref_slice %arg3[%add3A, %dma_start3A_101, %dma_start3A_102, %dma_start3A_103] : memref<32x84x2x128xi32, #tpu.memory_space<hbm>> -> memref<1x84x2x128xi32, #tpu.memory_space<hbm>>
    %dma_start3A_105 = tpu.memref_squeeze %dma_start3A_104 : memref<1x84x2x128xi32, #tpu.memory_space<hbm>> -> memref<84x2x128xi32, #tpu.memory_space<hbm>>
    %dma_start3A_106 = arith.constant 0 : i32
    %dma_start3A_107 = arith.constant 0 : i32
    %dma_start3A_108 = tpu.memref_slice %dma_start3A_105[%dma_start3A_91, %dma_start3A_106, %dma_start3A_107] : memref<84x2x128xi32, #tpu.memory_space<hbm>> -> memref<1x2x128xi32, #tpu.memory_space<hbm>>
    %dma_start3A_109 = tpu.memref_squeeze %dma_start3A_108 : memref<1x2x128xi32, #tpu.memory_space<hbm>> -> memref<2x128xi32, #tpu.memory_space<hbm>>
    tpu.enqueue_dma source(%dma_start3A_109 : memref<2x128xi32, #tpu.memory_space<hbm>>) target(%arg8 : memref<2x128xi32, #tpu.memory_space<vmem>>) target_semaphore(%arg15 : memref<!tpu.dma_semaphore, #tpu.memory_space<semaphore_mem>>)
    %scan3A = arith.constant 0 : i32
    %scan3A_110 = arith.constant 0 : i32
    %scan3A_111 = arith.constant 25 : i32
    %scan3A_112 = arith.addi %scan3A_110, %scan3A_111 : i32
    %scan3A_113 = arith.constant 1 : i32
    scf.for %scan3A_273 = %scan3A_110 to %scan3A_112 step %scan3A_113  : i32 {
      %mul3A_274 = arith.constant 3 : i32
      %mul3A_275 = arith.muli %mul3A_274, %scan3A_273 : i32
      %add3A_276 = arith.constant 0 : i32
      %add3A_277 = arith.addi %mul3A_275, %add3A_276 : i32
      %dma_wait3A_278 = arith.constant 0 : i32
      %dma_wait3A_279 = arith.constant 0 : i32
      %dma_wait3A_280 = tpu.memref_slice %arg6[%dma_wait3A_278, %dma_wait3A_279] : memref<2x128xi32, #tpu.memory_space<vmem>> -> memref<1x128xi32, #tpu.memory_space<vmem>>
      %dma_wait3A_281 = tpu.memref_squeeze %dma_wait3A_280 : memref<1x128xi32, #tpu.memory_space<vmem>> -> memref<128xi32, #tpu.memory_space<vmem>>
      %dma_wait3A_282 = arith.constant 0 : i32
      %dma_wait3A_283 = arith.constant 0 : i32
      %dma_wait3A_284 = tpu.memref_slice %arg2[%dma_wait3A_282, %dma_wait3A_283] : memref<10112x128xf32, #tpu.memory_space<hbm>> -> memref<10112x128xf32, #tpu.memory_space<hbm>>
      tpu.wait_indirect_dma semaphore(%arg16 : memref<!tpu.dma_semaphore, #tpu.memory_space<semaphore_mem>>) src(%dma_wait3A_284 : memref<10112x128xf32, #tpu.memory_space<hbm>>) dst(%arg9 : memref<128x128xf32, #tpu.memory_space<vmem>>)
      %dma_wait3A_285 = arith.constant 0 : i32
      %dma_wait3A_286 = arith.constant 0 : i32
      %dma_wait3A_287 = arith.constant 0 : i32
      %dma_wait3A_288 = arith.constant 0 : i32
      %dma_wait3A_289 = tpu.memref_slice %arg3[%add3A, %dma_wait3A_286, %dma_wait3A_287, %dma_wait3A_288] : memref<32x84x2x128xi32, #tpu.memory_space<hbm>> -> memref<1x84x2x128xi32, #tpu.memory_space<hbm>>
      %dma_wait3A_290 = tpu.memref_squeeze %dma_wait3A_289 : memref<1x84x2x128xi32, #tpu.memory_space<hbm>> -> memref<84x2x128xi32, #tpu.memory_space<hbm>>
      %dma_wait3A_291 = arith.constant 0 : i32
      %dma_wait3A_292 = arith.constant 0 : i32
      %dma_wait3A_293 = tpu.memref_slice %dma_wait3A_290[%dma_wait3A_285, %dma_wait3A_291, %dma_wait3A_292] : memref<84x2x128xi32, #tpu.memory_space<hbm>> -> memref<1x2x128xi32, #tpu.memory_space<hbm>>
      %dma_wait3A_294 = tpu.memref_squeeze %dma_wait3A_293 : memref<1x2x128xi32, #tpu.memory_space<hbm>> -> memref<2x128xi32, #tpu.memory_space<hbm>>
      %dma_wait3A_295 = arith.constant 0 : i32
      %dma_wait3A_296 = arith.constant 0 : i32
      %dma_wait3A_297 = arith.constant 0 : i32
      %dma_wait3A_298 = tpu.memref_slice %arg3[%add3A, %dma_wait3A_295, %dma_wait3A_296, %dma_wait3A_297] : memref<32x84x2x128xi32, #tpu.memory_space<hbm>> -> memref<1x84x2x128xi32, #tpu.memory_space<hbm>>
      %dma_wait3A_299 = tpu.memref_squeeze %dma_wait3A_298 : memref<1x84x2x128xi32, #tpu.memory_space<hbm>> -> memref<84x2x128xi32, #tpu.memory_space<hbm>>
      %dma_wait3A_300 = arith.constant 0 : i32
      %dma_wait3A_301 = arith.constant 0 : i32
      %dma_wait3A_302 = tpu.memref_slice %dma_wait3A_299[%dma_wait3A_285, %dma_wait3A_300, %dma_wait3A_301] : memref<84x2x128xi32, #tpu.memory_space<hbm>> -> memref<1x2x128xi32, #tpu.memory_space<hbm>>
      %dma_wait3A_303 = tpu.memref_squeeze %dma_wait3A_302 : memref<1x2x128xi32, #tpu.memory_space<hbm>> -> memref<2x128xi32, #tpu.memory_space<hbm>>
      tpu.wait_dma2 semaphore(%arg15 : memref<!tpu.dma_semaphore, #tpu.memory_space<semaphore_mem>>) src(%dma_wait3A_303 : memref<2x128xi32, #tpu.memory_space<hbm>>) dst(%arg8 : memref<2x128xi32, #tpu.memory_space<vmem>>)
      %dma_start3A_304 = arith.constant 0 : i32
      %dma_start3A_305 = arith.constant 0 : i32
      %dma_start3A_306 = tpu.memref_slice %arg8[%dma_start3A_304, %dma_start3A_305] : memref<2x128xi32, #tpu.memory_space<vmem>> -> memref<1x128xi32, #tpu.memory_space<vmem>>
      %dma_start3A_307 = tpu.memref_squeeze %dma_start3A_306 : memref<1x128xi32, #tpu.memory_space<vmem>> -> memref<128xi32, #tpu.memory_space<vmem>>
      %dma_start3A_308 = arith.constant 0 : i32
      %dma_start3A_309 = arith.constant 0 : i32
      %dma_start3A_310 = tpu.memref_slice %arg2[%dma_start3A_308, %dma_start3A_309] : memref<10112x128xf32, #tpu.memory_space<hbm>> -> memref<10112x128xf32, #tpu.memory_space<hbm>>
      tpu.enqueue_indirect_dma source(%dma_start3A_310 : memref<10112x128xf32, #tpu.memory_space<hbm>>) target(%arg11 : memref<128x128xf32, #tpu.memory_space<vmem>>) offsets(%dma_start3A_307 : memref<128xi32, #tpu.memory_space<vmem>>) semaphore(%arg18 : memref<!tpu.dma_semaphore, #tpu.memory_space<semaphore_mem>>)
      %run_scoped3A_311 = arith.constant 1 : i32
      "tpu.region"() ({
        %run_scoped3A_444 = tpu.sem_alloc : memref<!tpu.dma_semaphore, #tpu.memory_space<semaphore_mem>>
        %dma_start3A_445 = arith.constant 0 : i32
        %dma_start3A_446 = tpu.memref_slice %arg6[%run_scoped3A_311, %dma_start3A_445] : memref<2x128xi32, #tpu.memory_space<vmem>> -> memref<1x128xi32, #tpu.memory_space<vmem>>
        %dma_start3A_447 = tpu.memref_squeeze %dma_start3A_446 : memref<1x128xi32, #tpu.memory_space<vmem>> -> memref<128xi32, #tpu.memory_space<vmem>>
        %dma_start3A_448 = arith.constant 0 : i32
        %dma_start3A_449 = arith.constant 0 : i32
        %dma_start3A_450 = tpu.memref_slice %arg12[%dma_start3A_448, %dma_start3A_449] : memref<10112x128xf32, #tpu.memory_space<vmem_shared>> -> memref<10112x128xf32, #tpu.memory_space<vmem_shared>>
        tpu.enqueue_indirect_dma source(%arg9 : memref<128x128xf32, #tpu.memory_space<vmem>>) target(%dma_start3A_450 : memref<10112x128xf32, #tpu.memory_space<vmem_shared>>) offsets(%dma_start3A_447 : memref<128xi32, #tpu.memory_space<vmem>>) semaphore(%run_scoped3A_444 : memref<!tpu.dma_semaphore, #tpu.memory_space<semaphore_mem>>) {add = true}
        %dma_wait3A_451 = arith.constant 0 : i32
        %dma_wait3A_452 = tpu.memref_slice %arg6[%run_scoped3A_311, %dma_wait3A_451] : memref<2x128xi32, #tpu.memory_space<vmem>> -> memref<1x128xi32, #tpu.memory_space<vmem>>
        %dma_wait3A_453 = tpu.memref_squeeze %dma_wait3A_452 : memref<1x128xi32, #tpu.memory_space<vmem>> -> memref<128xi32, #tpu.memory_space<vmem>>
        %dma_wait3A_454 = arith.constant 0 : i32
        %dma_wait3A_455 = arith.constant 0 : i32
        %dma_wait3A_456 = tpu.memref_slice %arg12[%dma_wait3A_454, %dma_wait3A_455] : memref<10112x128xf32, #tpu.memory_space<vmem_shared>> -> memref<10112x128xf32, #tpu.memory_space<vmem_shared>>
        tpu.wait_indirect_dma semaphore(%run_scoped3A_444 : memref<!tpu.dma_semaphore, #tpu.memory_space<semaphore_mem>>) src(%arg9 : memref<128x128xf32, #tpu.memory_space<vmem>>) dst(%dma_wait3A_456 : memref<10112x128xf32, #tpu.memory_space<vmem_shared>>)
        tpu.yield
      }) : () -> ()
      %add3A_312 = arith.constant 3 : i32
      %add3A_313 = arith.addi %add3A_277, %add3A_312 : i32
      %dma_start3A_314 = arith.constant 0 : i32
      %dma_start3A_315 = arith.constant 0 : i32
      %dma_start3A_316 = arith.constant 0 : i32
      %dma_start3A_317 = tpu.memref_slice %arg3[%add3A, %dma_start3A_314, %dma_start3A_315, %dma_start3A_316] : memref<32x84x2x128xi32, #tpu.memory_space<hbm>> -> memref<1x84x2x128xi32, #tpu.memory_space<hbm>>
      %dma_start3A_318 = tpu.memref_squeeze %dma_start3A_317 : memref<1x84x2x128xi32, #tpu.memory_space<hbm>> -> memref<84x2x128xi32, #tpu.memory_space<hbm>>
      %dma_start3A_319 = arith.constant 0 : i32
      %dma_start3A_320 = arith.constant 0 : i32
      %dma_start3A_321 = tpu.memref_slice %dma_start3A_318[%add3A_313, %dma_start3A_319, %dma_start3A_320] : memref<84x2x128xi32, #tpu.memory_space<hbm>> -> memref<1x2x128xi32, #tpu.memory_space<hbm>>
      %dma_start3A_322 = tpu.memref_squeeze %dma_start3A_321 : memref<1x2x128xi32, #tpu.memory_space<hbm>> -> memref<2x128xi32, #tpu.memory_space<hbm>>
      %dma_start3A_323 = arith.constant 0 : i32
      %dma_start3A_324 = arith.constant 0 : i32
      %dma_start3A_325 = arith.constant 0 : i32
      %dma_start3A_326 = tpu.memref_slice %arg3[%add3A, %dma_start3A_323, %dma_start3A_324, %dma_start3A_325] : memref<32x84x2x128xi32, #tpu.memory_space<hbm>> -> memref<1x84x2x128xi32, #tpu.memory_space<hbm>>
      %dma_start3A_327 = tpu.memref_squeeze %dma_start3A_326 : memref<1x84x2x128xi32, #tpu.memory_space<hbm>> -> memref<84x2x128xi32, #tpu.memory_space<hbm>>
      %dma_start3A_328 = arith.constant 0 : i32
      %dma_start3A_329 = arith.constant 0 : i32
      %dma_start3A_330 = tpu.memref_slice %dma_start3A_327[%add3A_313, %dma_start3A_328, %dma_start3A_329] : memref<84x2x128xi32, #tpu.memory_space<hbm>> -> memref<1x2x128xi32, #tpu.memory_space<hbm>>
      %dma_start3A_331 = tpu.memref_squeeze %dma_start3A_330 : memref<1x2x128xi32, #tpu.memory_space<hbm>> -> memref<2x128xi32, #tpu.memory_space<hbm>>
      tpu.enqueue_dma source(%dma_start3A_331 : memref<2x128xi32, #tpu.memory_space<hbm>>) target(%arg6 : memref<2x128xi32, #tpu.memory_space<vmem>>) target_semaphore(%arg13 : memref<!tpu.dma_semaphore, #tpu.memory_space<semaphore_mem>>)
      %add3A_332 = arith.constant 1 : i32
      %add3A_333 = arith.addi %mul3A_275, %add3A_332 : i32
      %dma_wait3A_334 = arith.constant 0 : i32
      %dma_wait3A_335 = arith.constant 0 : i32
      %dma_wait3A_336 = tpu.memref_slice %arg7[%dma_wait3A_334, %dma_wait3A_335] : memref<2x128xi32, #tpu.memory_space<vmem>> -> memref<1x128xi32, #tpu.memory_space<vmem>>
      %dma_wait3A_337 = tpu.memref_squeeze %dma_wait3A_336 : memref<1x128xi32, #tpu.memory_space<vmem>> -> memref<128xi32, #tpu.memory_space<vmem>>
      %dma_wait3A_338 = arith.constant 0 : i32
      %dma_wait3A_339 = arith.constant 0 : i32
      %dma_wait3A_340 = tpu.memref_slice %arg2[%dma_wait3A_338, %dma_wait3A_339] : memref<10112x128xf32, #tpu.memory_space<hbm>> -> memref<10112x128xf32, #tpu.memory_space<hbm>>
      tpu.wait_indirect_dma semaphore(%arg17 : memref<!tpu.dma_semaphore, #tpu.memory_space<semaphore_mem>>) src(%dma_wait3A_340 : memref<10112x128xf32, #tpu.memory_space<hbm>>) dst(%arg10 : memref<128x128xf32, #tpu.memory_space<vmem>>)
      %dma_wait3A_341 = arith.constant 0 : i32
      %dma_wait3A_342 = arith.constant 0 : i32
      %dma_wait3A_343 = arith.constant 0 : i32
      %dma_wait3A_344 = arith.constant 0 : i32
      %dma_wait3A_345 = tpu.memref_slice %arg3[%add3A, %dma_wait3A_342, %dma_wait3A_343, %dma_wait3A_344] : memref<32x84x2x128xi32, #tpu.memory_space<hbm>> -> memref<1x84x2x128xi32, #tpu.memory_space<hbm>>
      %dma_wait3A_346 = tpu.memref_squeeze %dma_wait3A_345 : memref<1x84x2x128xi32, #tpu.memory_space<hbm>> -> memref<84x2x128xi32, #tpu.memory_space<hbm>>
      %dma_wait3A_347 = arith.constant 0 : i32
      %dma_wait3A_348 = arith.constant 0 : i32
      %dma_wait3A_349 = tpu.memref_slice %dma_wait3A_346[%dma_wait3A_341, %dma_wait3A_347, %dma_wait3A_348] : memref<84x2x128xi32, #tpu.memory_space<hbm>> -> memref<1x2x128xi32, #tpu.memory_space<hbm>>
      %dma_wait3A_350 = tpu.memref_squeeze %dma_wait3A_349 : memref<1x2x128xi32, #tpu.memory_space<hbm>> -> memref<2x128xi32, #tpu.memory_space<hbm>>
      %dma_wait3A_351 = arith.constant 0 : i32
      %dma_wait3A_352 = arith.constant 0 : i32
      %dma_wait3A_353 = arith.constant 0 : i32
      %dma_wait3A_354 = tpu.memref_slice %arg3[%add3A, %dma_wait3A_351, %dma_wait3A_352, %dma_wait3A_353] : memref<32x84x2x128xi32, #tpu.memory_space<hbm>> -> memref<1x84x2x128xi32, #tpu.memory_space<hbm>>
      %dma_wait3A_355 = tpu.memref_squeeze %dma_wait3A_354 : memref<1x84x2x128xi32, #tpu.memory_space<hbm>> -> memref<84x2x128xi32, #tpu.memory_space<hbm>>
      %dma_wait3A_356 = arith.constant 0 : i32
      %dma_wait3A_357 = arith.constant 0 : i32
      %dma_wait3A_358 = tpu.memref_slice %dma_wait3A_355[%dma_wait3A_341, %dma_wait3A_356, %dma_wait3A_357] : memref<84x2x128xi32, #tpu.memory_space<hbm>> -> memref<1x2x128xi32, #tpu.memory_space<hbm>>
      %dma_wait3A_359 = tpu.memref_squeeze %dma_wait3A_358 : memref<1x2x128xi32, #tpu.memory_space<hbm>> -> memref<2x128xi32, #tpu.memory_space<hbm>>
      tpu.wait_dma2 semaphore(%arg13 : memref<!tpu.dma_semaphore, #tpu.memory_space<semaphore_mem>>) src(%dma_wait3A_359 : memref<2x128xi32, #tpu.memory_space<hbm>>) dst(%arg6 : memref<2x128xi32, #tpu.memory_space<vmem>>)
      %dma_start3A_360 = arith.constant 0 : i32
      %dma_start3A_361 = arith.constant 0 : i32
      %dma_start3A_362 = tpu.memref_slice %arg6[%dma_start3A_360, %dma_start3A_361] : memref<2x128xi32, #tpu.memory_space<vmem>> -> memref<1x128xi32, #tpu.memory_space<vmem>>
      %dma_start3A_363 = tpu.memref_squeeze %dma_start3A_362 : memref<1x128xi32, #tpu.memory_space<vmem>> -> memref<128xi32, #tpu.memory_space<vmem>>
      %dma_start3A_364 = arith.constant 0 : i32
      %dma_start3A_365 = arith.constant 0 : i32
      %dma_start3A_366 = tpu.memref_slice %arg2[%dma_start3A_364, %dma_start3A_365] : memref<10112x128xf32, #tpu.memory_space<hbm>> -> memref<10112x128xf32, #tpu.memory_space<hbm>>
      tpu.enqueue_indirect_dma source(%dma_start3A_366 : memref<10112x128xf32, #tpu.memory_space<hbm>>) target(%arg9 : memref<128x128xf32, #tpu.memory_space<vmem>>) offsets(%dma_start3A_363 : memref<128xi32, #tpu.memory_space<vmem>>) semaphore(%arg16 : memref<!tpu.dma_semaphore, #tpu.memory_space<semaphore_mem>>)
      %run_scoped3A_367 = arith.constant 1 : i32
      "tpu.region"() ({
        %run_scoped3A_444 = tpu.sem_alloc : memref<!tpu.dma_semaphore, #tpu.memory_space<semaphore_mem>>
        %dma_start3A_445 = arith.constant 0 : i32
        %dma_start3A_446 = tpu.memref_slice %arg7[%run_scoped3A_367, %dma_start3A_445] : memref<2x128xi32, #tpu.memory_space<vmem>> -> memref<1x128xi32, #tpu.memory_space<vmem>>
        %dma_start3A_447 = tpu.memref_squeeze %dma_start3A_446 : memref<1x128xi32, #tpu.memory_space<vmem>> -> memref<128xi32, #tpu.memory_space<vmem>>
        %dma_start3A_448 = arith.constant 0 : i32
        %dma_start3A_449 = arith.constant 0 : i32
        %dma_start3A_450 = tpu.memref_slice %arg12[%dma_start3A_448, %dma_start3A_449] : memref<10112x128xf32, #tpu.memory_space<vmem_shared>> -> memref<10112x128xf32, #tpu.memory_space<vmem_shared>>
        tpu.enqueue_indirect_dma source(%arg10 : memref<128x128xf32, #tpu.memory_space<vmem>>) target(%dma_start3A_450 : memref<10112x128xf32, #tpu.memory_space<vmem_shared>>) offsets(%dma_start3A_447 : memref<128xi32, #tpu.memory_space<vmem>>) semaphore(%run_scoped3A_444 : memref<!tpu.dma_semaphore, #tpu.memory_space<semaphore_mem>>) {add = true}
        %dma_wait3A_451 = arith.constant 0 : i32
        %dma_wait3A_452 = tpu.memref_slice %arg7[%run_scoped3A_367, %dma_wait3A_451] : memref<2x128xi32, #tpu.memory_space<vmem>> -> memref<1x128xi32, #tpu.memory_space<vmem>>
        %dma_wait3A_453 = tpu.memref_squeeze %dma_wait3A_452 : memref<1x128xi32, #tpu.memory_space<vmem>> -> memref<128xi32, #tpu.memory_space<vmem>>
        %dma_wait3A_454 = arith.constant 0 : i32
        %dma_wait3A_455 = arith.constant 0 : i32
        %dma_wait3A_456 = tpu.memref_slice %arg12[%dma_wait3A_454, %dma_wait3A_455] : memref<10112x128xf32, #tpu.memory_space<vmem_shared>> -> memref<10112x128xf32, #tpu.memory_space<vmem_shared>>
        tpu.wait_indirect_dma semaphore(%run_scoped3A_444 : memref<!tpu.dma_semaphore, #tpu.memory_space<semaphore_mem>>) src(%arg10 : memref<128x128xf32, #tpu.memory_space<vmem>>) dst(%dma_wait3A_456 : memref<10112x128xf32, #tpu.memory_space<vmem_shared>>)
        tpu.yield
      }) : () -> ()
      %add3A_368 = arith.constant 3 : i32
      %add3A_369 = arith.addi %add3A_333, %add3A_368 : i32
      %dma_start3A_370 = arith.constant 0 : i32
      %dma_start3A_371 = arith.constant 0 : i32
      %dma_start3A_372 = arith.constant 0 : i32
      %dma_start3A_373 = tpu.memref_slice %arg3[%add3A, %dma_start3A_370, %dma_start3A_371, %dma_start3A_372] : memref<32x84x2x128xi32, #tpu.memory_space<hbm>> -> memref<1x84x2x128xi32, #tpu.memory_space<hbm>>
      %dma_start3A_374 = tpu.memref_squeeze %dma_start3A_373 : memref<1x84x2x128xi32, #tpu.memory_space<hbm>> -> memref<84x2x128xi32, #tpu.memory_space<hbm>>
      %dma_start3A_375 = arith.constant 0 : i32
      %dma_start3A_376 = arith.constant 0 : i32
      %dma_start3A_377 = tpu.memref_slice %dma_start3A_374[%add3A_369, %dma_start3A_375, %dma_start3A_376] : memref<84x2x128xi32, #tpu.memory_space<hbm>> -> memref<1x2x128xi32, #tpu.memory_space<hbm>>
      %dma_start3A_378 = tpu.memref_squeeze %dma_start3A_377 : memref<1x2x128xi32, #tpu.memory_space<hbm>> -> memref<2x128xi32, #tpu.memory_space<hbm>>
      %dma_start3A_379 = arith.constant 0 : i32
      %dma_start3A_380 = arith.constant 0 : i32
      %dma_start3A_381 = arith.constant 0 : i32
      %dma_start3A_382 = tpu.memref_slice %arg3[%add3A, %dma_start3A_379, %dma_start3A_380, %dma_start3A_381] : memref<32x84x2x128xi32, #tpu.memory_space<hbm>> -> memref<1x84x2x128xi32, #tpu.memory_space<hbm>>
      %dma_start3A_383 = tpu.memref_squeeze %dma_start3A_382 : memref<1x84x2x128xi32, #tpu.memory_space<hbm>> -> memref<84x2x128xi32, #tpu.memory_space<hbm>>
      %dma_start3A_384 = arith.constant 0 : i32
      %dma_start3A_385 = arith.constant 0 : i32
      %dma_start3A_386 = tpu.memref_slice %dma_start3A_383[%add3A_369, %dma_start3A_384, %dma_start3A_385] : memref<84x2x128xi32, #tpu.memory_space<hbm>> -> memref<1x2x128xi32, #tpu.memory_space<hbm>>
      %dma_start3A_387 = tpu.memref_squeeze %dma_start3A_386 : memref<1x2x128xi32, #tpu.memory_space<hbm>> -> memref<2x128xi32, #tpu.memory_space<hbm>>
      tpu.enqueue_dma source(%dma_start3A_387 : memref<2x128xi32, #tpu.memory_space<hbm>>) target(%arg7 : memref<2x128xi32, #tpu.memory_space<vmem>>) target_semaphore(%arg14 : memref<!tpu.dma_semaphore, #tpu.memory_space<semaphore_mem>>)
      %add3A_388 = arith.constant 2 : i32
      %add3A_389 = arith.addi %mul3A_275, %add3A_388 : i32
      %dma_wait3A_390 = arith.constant 0 : i32
      %dma_wait3A_391 = arith.constant 0 : i32
      %dma_wait3A_392 = tpu.memref_slice %arg8[%dma_wait3A_390, %dma_wait3A_391] : memref<2x128xi32, #tpu.memory_space<vmem>> -> memref<1x128xi32, #tpu.memory_space<vmem>>
      %dma_wait3A_393 = tpu.memref_squeeze %dma_wait3A_392 : memref<1x128xi32, #tpu.memory_space<vmem>> -> memref<128xi32, #tpu.memory_space<vmem>>
      %dma_wait3A_394 = arith.constant 0 : i32
      %dma_wait3A_395 = arith.constant 0 : i32
      %dma_wait3A_396 = tpu.memref_slice %arg2[%dma_wait3A_394, %dma_wait3A_395] : memref<10112x128xf32, #tpu.memory_space<hbm>> -> memref<10112x128xf32, #tpu.memory_space<hbm>>
      tpu.wait_indirect_dma semaphore(%arg18 : memref<!tpu.dma_semaphore, #tpu.memory_space<semaphore_mem>>) src(%dma_wait3A_396 : memref<10112x128xf32, #tpu.memory_space<hbm>>) dst(%arg11 : memref<128x128xf32, #tpu.memory_space<vmem>>)
      %dma_wait3A_397 = arith.constant 0 : i32
      %dma_wait3A_398 = arith.constant 0 : i32
      %dma_wait3A_399 = arith.constant 0 : i32
      %dma_wait3A_400 = arith.constant 0 : i32
      %dma_wait3A_401 = tpu.memref_slice %arg3[%add3A, %dma_wait3A_398, %dma_wait3A_399, %dma_wait3A_400] : memref<32x84x2x128xi32, #tpu.memory_space<hbm>> -> memref<1x84x2x128xi32, #tpu.memory_space<hbm>>
      %dma_wait3A_402 = tpu.memref_squeeze %dma_wait3A_401 : memref<1x84x2x128xi32, #tpu.memory_space<hbm>> -> memref<84x2x128xi32, #tpu.memory_space<hbm>>
      %dma_wait3A_403 = arith.constant 0 : i32
      %dma_wait3A_404 = arith.constant 0 : i32
      %dma_wait3A_405 = tpu.memref_slice %dma_wait3A_402[%dma_wait3A_397, %dma_wait3A_403, %dma_wait3A_404] : memref<84x2x128xi32, #tpu.memory_space<hbm>> -> memref<1x2x128xi32, #tpu.memory_space<hbm>>
      %dma_wait3A_406 = tpu.memref_squeeze %dma_wait3A_405 : memref<1x2x128xi32, #tpu.memory_space<hbm>> -> memref<2x128xi32, #tpu.memory_space<hbm>>
      %dma_wait3A_407 = arith.constant 0 : i32
      %dma_wait3A_408 = arith.constant 0 : i32
      %dma_wait3A_409 = arith.constant 0 : i32
      %dma_wait3A_410 = tpu.memref_slice %arg3[%add3A, %dma_wait3A_407, %dma_wait3A_408, %dma_wait3A_409] : memref<32x84x2x128xi32, #tpu.memory_space<hbm>> -> memref<1x84x2x128xi32, #tpu.memory_space<hbm>>
      %dma_wait3A_411 = tpu.memref_squeeze %dma_wait3A_410 : memref<1x84x2x128xi32, #tpu.memory_space<hbm>> -> memref<84x2x128xi32, #tpu.memory_space<hbm>>
      %dma_wait3A_412 = arith.constant 0 : i32
      %dma_wait3A_413 = arith.constant 0 : i32
      %dma_wait3A_414 = tpu.memref_slice %dma_wait3A_411[%dma_wait3A_397, %dma_wait3A_412, %dma_wait3A_413] : memref<84x2x128xi32, #tpu.memory_space<hbm>> -> memref<1x2x128xi32, #tpu.memory_space<hbm>>
      %dma_wait3A_415 = tpu.memref_squeeze %dma_wait3A_414 : memref<1x2x128xi32, #tpu.memory_space<hbm>> -> memref<2x128xi32, #tpu.memory_space<hbm>>
      tpu.wait_dma2 semaphore(%arg14 : memref<!tpu.dma_semaphore, #tpu.memory_space<semaphore_mem>>) src(%dma_wait3A_415 : memref<2x128xi32, #tpu.memory_space<hbm>>) dst(%arg7 : memref<2x128xi32, #tpu.memory_space<vmem>>)
      %dma_start3A_416 = arith.constant 0 : i32
      %dma_start3A_417 = arith.constant 0 : i32
      %dma_start3A_418 = tpu.memref_slice %arg7[%dma_start3A_416, %dma_start3A_417] : memref<2x128xi32, #tpu.memory_space<vmem>> -> memref<1x128xi32, #tpu.memory_space<vmem>>
      %dma_start3A_419 = tpu.memref_squeeze %dma_start3A_418 : memref<1x128xi32, #tpu.memory_space<vmem>> -> memref<128xi32, #tpu.memory_space<vmem>>
      %dma_start3A_420 = arith.constant 0 : i32
      %dma_start3A_421 = arith.constant 0 : i32
      %dma_start3A_422 = tpu.memref_slice %arg2[%dma_start3A_420, %dma_start3A_421] : memref<10112x128xf32, #tpu.memory_space<hbm>> -> memref<10112x128xf32, #tpu.memory_space<hbm>>
      tpu.enqueue_indirect_dma source(%dma_start3A_422 : memref<10112x128xf32, #tpu.memory_space<hbm>>) target(%arg10 : memref<128x128xf32, #tpu.memory_space<vmem>>) offsets(%dma_start3A_419 : memref<128xi32, #tpu.memory_space<vmem>>) semaphore(%arg17 : memref<!tpu.dma_semaphore, #tpu.memory_space<semaphore_mem>>)
      %run_scoped3A_423 = arith.constant 1 : i32
      "tpu.region"() ({
        %run_scoped3A_444 = tpu.sem_alloc : memref<!tpu.dma_semaphore, #tpu.memory_space<semaphore_mem>>
        %dma_start3A_445 = arith.constant 0 : i32
        %dma_start3A_446 = tpu.memref_slice %arg8[%run_scoped3A_423, %dma_start3A_445] : memref<2x128xi32, #tpu.memory_space<vmem>> -> memref<1x128xi32, #tpu.memory_space<vmem>>
        %dma_start3A_447 = tpu.memref_squeeze %dma_start3A_446 : memref<1x128xi32, #tpu.memory_space<vmem>> -> memref<128xi32, #tpu.memory_space<vmem>>
        %dma_start3A_448 = arith.constant 0 : i32
        %dma_start3A_449 = arith.constant 0 : i32
        %dma_start3A_450 = tpu.memref_slice %arg12[%dma_start3A_448, %dma_start3A_449] : memref<10112x128xf32, #tpu.memory_space<vmem_shared>> -> memref<10112x128xf32, #tpu.memory_space<vmem_shared>>
        tpu.enqueue_indirect_dma source(%arg11 : memref<128x128xf32, #tpu.memory_space<vmem>>) target(%dma_start3A_450 : memref<10112x128xf32, #tpu.memory_space<vmem_shared>>) offsets(%dma_start3A_447 : memref<128xi32, #tpu.memory_space<vmem>>) semaphore(%run_scoped3A_444 : memref<!tpu.dma_semaphore, #tpu.memory_space<semaphore_mem>>) {add = true}
        %dma_wait3A_451 = arith.constant 0 : i32
        %dma_wait3A_452 = tpu.memref_slice %arg8[%run_scoped3A_423, %dma_wait3A_451] : memref<2x128xi32, #tpu.memory_space<vmem>> -> memref<1x128xi32, #tpu.memory_space<vmem>>
        %dma_wait3A_453 = tpu.memref_squeeze %dma_wait3A_452 : memref<1x128xi32, #tpu.memory_space<vmem>> -> memref<128xi32, #tpu.memory_space<vmem>>
        %dma_wait3A_454 = arith.constant 0 : i32
        %dma_wait3A_455 = arith.constant 0 : i32
        %dma_wait3A_456 = tpu.memref_slice %arg12[%dma_wait3A_454, %dma_wait3A_455] : memref<10112x128xf32, #tpu.memory_space<vmem_shared>> -> memref<10112x128xf32, #tpu.memory_space<vmem_shared>>
        tpu.wait_indirect_dma semaphore(%run_scoped3A_444 : memref<!tpu.dma_semaphore, #tpu.memory_space<semaphore_mem>>) src(%arg11 : memref<128x128xf32, #tpu.memory_space<vmem>>) dst(%dma_wait3A_456 : memref<10112x128xf32, #tpu.memory_space<vmem_shared>>)
        tpu.yield
      }) : () -> ()
      %add3A_424 = arith.constant 3 : i32
      %add3A_425 = arith.addi %add3A_389, %add3A_424 : i32
      %dma_start3A_426 = arith.constant 0 : i32
      %dma_start3A_427 = arith.constant 0 : i32
      %dma_start3A_428 = arith.constant 0 : i32
      %dma_start3A_429 = tpu.memref_slice %arg3[%add3A, %dma_start3A_426, %dma_start3A_427, %dma_start3A_428] : memref<32x84x2x128xi32, #tpu.memory_space<hbm>> -> memref<1x84x2x128xi32, #tpu.memory_space<hbm>>
      %dma_start3A_430 = tpu.memref_squeeze %dma_start3A_429 : memref<1x84x2x128xi32, #tpu.memory_space<hbm>> -> memref<84x2x128xi32, #tpu.memory_space<hbm>>
      %dma_start3A_431 = arith.constant 0 : i32
      %dma_start3A_432 = arith.constant 0 : i32
      %dma_start3A_433 = tpu.memref_slice %dma_start3A_430[%add3A_425, %dma_start3A_431, %dma_start3A_432] : memref<84x2x128xi32, #tpu.memory_space<hbm>> -> memref<1x2x128xi32, #tpu.memory_space<hbm>>
      %dma_start3A_434 = tpu.memref_squeeze %dma_start3A_433 : memref<1x2x128xi32, #tpu.memory_space<hbm>> -> memref<2x128xi32, #tpu.memory_space<hbm>>
      %dma_start3A_435 = arith.constant 0 : i32
      %dma_start3A_436 = arith.constant 0 : i32
      %dma_start3A_437 = arith.constant 0 : i32
      %dma_start3A_438 = tpu.memref_slice %arg3[%add3A, %dma_start3A_435, %dma_start3A_436, %dma_start3A_437] : memref<32x84x2x128xi32, #tpu.memory_space<hbm>> -> memref<1x84x2x128xi32, #tpu.memory_space<hbm>>
      %dma_start3A_439 = tpu.memref_squeeze %dma_start3A_438 : memref<1x84x2x128xi32, #tpu.memory_space<hbm>> -> memref<84x2x128xi32, #tpu.memory_space<hbm>>
      %dma_start3A_440 = arith.constant 0 : i32
      %dma_start3A_441 = arith.constant 0 : i32
      %dma_start3A_442 = tpu.memref_slice %dma_start3A_439[%add3A_425, %dma_start3A_440, %dma_start3A_441] : memref<84x2x128xi32, #tpu.memory_space<hbm>> -> memref<1x2x128xi32, #tpu.memory_space<hbm>>
      %dma_start3A_443 = tpu.memref_squeeze %dma_start3A_442 : memref<1x2x128xi32, #tpu.memory_space<hbm>> -> memref<2x128xi32, #tpu.memory_space<hbm>>
      tpu.enqueue_dma source(%dma_start3A_443 : memref<2x128xi32, #tpu.memory_space<hbm>>) target(%arg8 : memref<2x128xi32, #tpu.memory_space<vmem>>) target_semaphore(%arg15 : memref<!tpu.dma_semaphore, #tpu.memory_space<semaphore_mem>>)
    }
    %scan3A_114 = arith.constant 25 : i32
    %dma_wait3A_115 = arith.constant 0 : i32
    %dma_wait3A_116 = arith.constant 0 : i32
    %dma_wait3A_117 = tpu.memref_slice %arg6[%dma_wait3A_115, %dma_wait3A_116] : memref<2x128xi32, #tpu.memory_space<vmem>> -> memref<1x128xi32, #tpu.memory_space<vmem>>
    %dma_wait3A_118 = tpu.memref_squeeze %dma_wait3A_117 : memref<1x128xi32, #tpu.memory_space<vmem>> -> memref<128xi32, #tpu.memory_space<vmem>>
    %dma_wait3A_119 = arith.constant 0 : i32
    %dma_wait3A_120 = arith.constant 0 : i32
    %dma_wait3A_121 = tpu.memref_slice %arg2[%dma_wait3A_119, %dma_wait3A_120] : memref<10112x128xf32, #tpu.memory_space<hbm>> -> memref<10112x128xf32, #tpu.memory_space<hbm>>
    tpu.wait_indirect_dma semaphore(%arg16 : memref<!tpu.dma_semaphore, #tpu.memory_space<semaphore_mem>>) src(%dma_wait3A_121 : memref<10112x128xf32, #tpu.memory_space<hbm>>) dst(%arg9 : memref<128x128xf32, #tpu.memory_space<vmem>>)
    %dma_wait3A_122 = arith.constant 0 : i32
    %dma_wait3A_123 = arith.constant 0 : i32
    %dma_wait3A_124 = arith.constant 0 : i32
    %dma_wait3A_125 = arith.constant 0 : i32
    %dma_wait3A_126 = tpu.memref_slice %arg3[%add3A, %dma_wait3A_123, %dma_wait3A_124, %dma_wait3A_125] : memref<32x84x2x128xi32, #tpu.memory_space<hbm>> -> memref<1x84x2x128xi32, #tpu.memory_space<hbm>>
    %dma_wait3A_127 = tpu.memref_squeeze %dma_wait3A_126 : memref<1x84x2x128xi32, #tpu.memory_space<hbm>> -> memref<84x2x128xi32, #tpu.memory_space<hbm>>
    %dma_wait3A_128 = arith.constant 0 : i32
    %dma_wait3A_129 = arith.constant 0 : i32
    %dma_wait3A_130 = tpu.memref_slice %dma_wait3A_127[%dma_wait3A_122, %dma_wait3A_128, %dma_wait3A_129] : memref<84x2x128xi32, #tpu.memory_space<hbm>> -> memref<1x2x128xi32, #tpu.memory_space<hbm>>
    %dma_wait3A_131 = tpu.memref_squeeze %dma_wait3A_130 : memref<1x2x128xi32, #tpu.memory_space<hbm>> -> memref<2x128xi32, #tpu.memory_space<hbm>>
    %dma_wait3A_132 = arith.constant 0 : i32
    %dma_wait3A_133 = arith.constant 0 : i32
    %dma_wait3A_134 = arith.constant 0 : i32
    %dma_wait3A_135 = tpu.memref_slice %arg3[%add3A, %dma_wait3A_132, %dma_wait3A_133, %dma_wait3A_134] : memref<32x84x2x128xi32, #tpu.memory_space<hbm>> -> memref<1x84x2x128xi32, #tpu.memory_space<hbm>>
    %dma_wait3A_136 = tpu.memref_squeeze %dma_wait3A_135 : memref<1x84x2x128xi32, #tpu.memory_space<hbm>> -> memref<84x2x128xi32, #tpu.memory_space<hbm>>
    %dma_wait3A_137 = arith.constant 0 : i32
    %dma_wait3A_138 = arith.constant 0 : i32
    %dma_wait3A_139 = tpu.memref_slice %dma_wait3A_136[%dma_wait3A_122, %dma_wait3A_137, %dma_wait3A_138] : memref<84x2x128xi32, #tpu.memory_space<hbm>> -> memref<1x2x128xi32, #tpu.memory_space<hbm>>
    %dma_wait3A_140 = tpu.memref_squeeze %dma_wait3A_139 : memref<1x2x128xi32, #tpu.memory_space<hbm>> -> memref<2x128xi32, #tpu.memory_space<hbm>>
    tpu.wait_dma2 semaphore(%arg15 : memref<!tpu.dma_semaphore, #tpu.memory_space<semaphore_mem>>) src(%dma_wait3A_140 : memref<2x128xi32, #tpu.memory_space<hbm>>) dst(%arg8 : memref<2x128xi32, #tpu.memory_space<vmem>>)
    %dma_start3A_141 = arith.constant 0 : i32
    %dma_start3A_142 = arith.constant 0 : i32
    %dma_start3A_143 = tpu.memref_slice %arg8[%dma_start3A_141, %dma_start3A_142] : memref<2x128xi32, #tpu.memory_space<vmem>> -> memref<1x128xi32, #tpu.memory_space<vmem>>
    %dma_start3A_144 = tpu.memref_squeeze %dma_start3A_143 : memref<1x128xi32, #tpu.memory_space<vmem>> -> memref<128xi32, #tpu.memory_space<vmem>>
    %dma_start3A_145 = arith.constant 0 : i32
    %dma_start3A_146 = arith.constant 0 : i32
    %dma_start3A_147 = tpu.memref_slice %arg2[%dma_start3A_145, %dma_start3A_146] : memref<10112x128xf32, #tpu.memory_space<hbm>> -> memref<10112x128xf32, #tpu.memory_space<hbm>>
    tpu.enqueue_indirect_dma source(%dma_start3A_147 : memref<10112x128xf32, #tpu.memory_space<hbm>>) target(%arg11 : memref<128x128xf32, #tpu.memory_space<vmem>>) offsets(%dma_start3A_144 : memref<128xi32, #tpu.memory_space<vmem>>) semaphore(%arg18 : memref<!tpu.dma_semaphore, #tpu.memory_space<semaphore_mem>>)
    %run_scoped3A = arith.constant 1 : i32
    "tpu.region"() ({
      %run_scoped3A_273 = tpu.sem_alloc : memref<!tpu.dma_semaphore, #tpu.memory_space<semaphore_mem>>
      %dma_start3A_274 = arith.constant 0 : i32
      %dma_start3A_275 = tpu.memref_slice %arg6[%run_scoped3A, %dma_start3A_274] : memref<2x128xi32, #tpu.memory_space<vmem>> -> memref<1x128xi32, #tpu.memory_space<vmem>>
      %dma_start3A_276 = tpu.memref_squeeze %dma_start3A_275 : memref<1x128xi32, #tpu.memory_space<vmem>> -> memref<128xi32, #tpu.memory_space<vmem>>
      %dma_start3A_277 = arith.constant 0 : i32
      %dma_start3A_278 = arith.constant 0 : i32
      %dma_start3A_279 = tpu.memref_slice %arg12[%dma_start3A_277, %dma_start3A_278] : memref<10112x128xf32, #tpu.memory_space<vmem_shared>> -> memref<10112x128xf32, #tpu.memory_space<vmem_shared>>
      tpu.enqueue_indirect_dma source(%arg9 : memref<128x128xf32, #tpu.memory_space<vmem>>) target(%dma_start3A_279 : memref<10112x128xf32, #tpu.memory_space<vmem_shared>>) offsets(%dma_start3A_276 : memref<128xi32, #tpu.memory_space<vmem>>) semaphore(%run_scoped3A_273 : memref<!tpu.dma_semaphore, #tpu.memory_space<semaphore_mem>>) {add = true}
      %dma_wait3A_280 = arith.constant 0 : i32
      %dma_wait3A_281 = tpu.memref_slice %arg6[%run_scoped3A, %dma_wait3A_280] : memref<2x128xi32, #tpu.memory_space<vmem>> -> memref<1x128xi32, #tpu.memory_space<vmem>>
      %dma_wait3A_282 = tpu.memref_squeeze %dma_wait3A_281 : memref<1x128xi32, #tpu.memory_space<vmem>> -> memref<128xi32, #tpu.memory_space<vmem>>
      %dma_wait3A_283 = arith.constant 0 : i32
      %dma_wait3A_284 = arith.constant 0 : i32
      %dma_wait3A_285 = tpu.memref_slice %arg12[%dma_wait3A_283, %dma_wait3A_284] : memref<10112x128xf32, #tpu.memory_space<vmem_shared>> -> memref<10112x128xf32, #tpu.memory_space<vmem_shared>>
      tpu.wait_indirect_dma semaphore(%run_scoped3A_273 : memref<!tpu.dma_semaphore, #tpu.memory_space<semaphore_mem>>) src(%arg9 : memref<128x128xf32, #tpu.memory_space<vmem>>) dst(%dma_wait3A_285 : memref<10112x128xf32, #tpu.memory_space<vmem_shared>>)
      tpu.yield
    }) : () -> ()
    %dma_start3A_148 = arith.constant 78 : i32
    %dma_start3A_149 = arith.constant 0 : i32
    %dma_start3A_150 = arith.constant 0 : i32
    %dma_start3A_151 = arith.constant 0 : i32
    %dma_start3A_152 = tpu.memref_slice %arg3[%add3A, %dma_start3A_149, %dma_start3A_150, %dma_start3A_151] : memref<32x84x2x128xi32, #tpu.memory_space<hbm>> -> memref<1x84x2x128xi32, #tpu.memory_space<hbm>>
    %dma_start3A_153 = tpu.memref_squeeze %dma_start3A_152 : memref<1x84x2x128xi32, #tpu.memory_space<hbm>> -> memref<84x2x128xi32, #tpu.memory_space<hbm>>
    %dma_start3A_154 = arith.constant 0 : i32
    %dma_start3A_155 = arith.constant 0 : i32
    %dma_start3A_156 = tpu.memref_slice %dma_start3A_153[%dma_start3A_148, %dma_start3A_154, %dma_start3A_155] : memref<84x2x128xi32, #tpu.memory_space<hbm>> -> memref<1x2x128xi32, #tpu.memory_space<hbm>>
    %dma_start3A_157 = tpu.memref_squeeze %dma_start3A_156 : memref<1x2x128xi32, #tpu.memory_space<hbm>> -> memref<2x128xi32, #tpu.memory_space<hbm>>
    %dma_start3A_158 = arith.constant 0 : i32
    %dma_start3A_159 = arith.constant 0 : i32
    %dma_start3A_160 = arith.constant 0 : i32
    %dma_start3A_161 = tpu.memref_slice %arg3[%add3A, %dma_start3A_158, %dma_start3A_159, %dma_start3A_160] : memref<32x84x2x128xi32, #tpu.memory_space<hbm>> -> memref<1x84x2x128xi32, #tpu.memory_space<hbm>>
    %dma_start3A_162 = tpu.memref_squeeze %dma_start3A_161 : memref<1x84x2x128xi32, #tpu.memory_space<hbm>> -> memref<84x2x128xi32, #tpu.memory_space<hbm>>
    %dma_start3A_163 = arith.constant 0 : i32
    %dma_start3A_164 = arith.constant 0 : i32
    %dma_start3A_165 = tpu.memref_slice %dma_start3A_162[%dma_start3A_148, %dma_start3A_163, %dma_start3A_164] : memref<84x2x128xi32, #tpu.memory_space<hbm>> -> memref<1x2x128xi32, #tpu.memory_space<hbm>>
    %dma_start3A_166 = tpu.memref_squeeze %dma_start3A_165 : memref<1x2x128xi32, #tpu.memory_space<hbm>> -> memref<2x128xi32, #tpu.memory_space<hbm>>
    tpu.enqueue_dma source(%dma_start3A_166 : memref<2x128xi32, #tpu.memory_space<hbm>>) target(%arg6 : memref<2x128xi32, #tpu.memory_space<vmem>>) target_semaphore(%arg13 : memref<!tpu.dma_semaphore, #tpu.memory_space<semaphore_mem>>)
    %dma_wait3A_167 = arith.constant 0 : i32
    %dma_wait3A_168 = arith.constant 0 : i32
    %dma_wait3A_169 = tpu.memref_slice %arg7[%dma_wait3A_167, %dma_wait3A_168] : memref<2x128xi32, #tpu.memory_space<vmem>> -> memref<1x128xi32, #tpu.memory_space<vmem>>
    %dma_wait3A_170 = tpu.memref_squeeze %dma_wait3A_169 : memref<1x128xi32, #tpu.memory_space<vmem>> -> memref<128xi32, #tpu.memory_space<vmem>>
    %dma_wait3A_171 = arith.constant 0 : i32
    %dma_wait3A_172 = arith.constant 0 : i32
    %dma_wait3A_173 = tpu.memref_slice %arg2[%dma_wait3A_171, %dma_wait3A_172] : memref<10112x128xf32, #tpu.memory_space<hbm>> -> memref<10112x128xf32, #tpu.memory_space<hbm>>
    tpu.wait_indirect_dma semaphore(%arg17 : memref<!tpu.dma_semaphore, #tpu.memory_space<semaphore_mem>>) src(%dma_wait3A_173 : memref<10112x128xf32, #tpu.memory_space<hbm>>) dst(%arg10 : memref<128x128xf32, #tpu.memory_space<vmem>>)
    %dma_wait3A_174 = arith.constant 0 : i32
    %dma_wait3A_175 = arith.constant 0 : i32
    %dma_wait3A_176 = arith.constant 0 : i32
    %dma_wait3A_177 = arith.constant 0 : i32
    %dma_wait3A_178 = tpu.memref_slice %arg3[%add3A, %dma_wait3A_175, %dma_wait3A_176, %dma_wait3A_177] : memref<32x84x2x128xi32, #tpu.memory_space<hbm>> -> memref<1x84x2x128xi32, #tpu.memory_space<hbm>>
    %dma_wait3A_179 = tpu.memref_squeeze %dma_wait3A_178 : memref<1x84x2x128xi32, #tpu.memory_space<hbm>> -> memref<84x2x128xi32, #tpu.memory_space<hbm>>
    %dma_wait3A_180 = arith.constant 0 : i32
    %dma_wait3A_181 = arith.constant 0 : i32
    %dma_wait3A_182 = tpu.memref_slice %dma_wait3A_179[%dma_wait3A_174, %dma_wait3A_180, %dma_wait3A_181] : memref<84x2x128xi32, #tpu.memory_space<hbm>> -> memref<1x2x128xi32, #tpu.memory_space<hbm>>
    %dma_wait3A_183 = tpu.memref_squeeze %dma_wait3A_182 : memref<1x2x128xi32, #tpu.memory_space<hbm>> -> memref<2x128xi32, #tpu.memory_space<hbm>>
    %dma_wait3A_184 = arith.constant 0 : i32
    %dma_wait3A_185 = arith.constant 0 : i32
    %dma_wait3A_186 = arith.constant 0 : i32
    %dma_wait3A_187 = tpu.memref_slice %arg3[%add3A, %dma_wait3A_184, %dma_wait3A_185, %dma_wait3A_186] : memref<32x84x2x128xi32, #tpu.memory_space<hbm>> -> memref<1x84x2x128xi32, #tpu.memory_space<hbm>>
    %dma_wait3A_188 = tpu.memref_squeeze %dma_wait3A_187 : memref<1x84x2x128xi32, #tpu.memory_space<hbm>> -> memref<84x2x128xi32, #tpu.memory_space<hbm>>
    %dma_wait3A_189 = arith.constant 0 : i32
    %dma_wait3A_190 = arith.constant 0 : i32
    %dma_wait3A_191 = tpu.memref_slice %dma_wait3A_188[%dma_wait3A_174, %dma_wait3A_189, %dma_wait3A_190] : memref<84x2x128xi32, #tpu.memory_space<hbm>> -> memref<1x2x128xi32, #tpu.memory_space<hbm>>
    %dma_wait3A_192 = tpu.memref_squeeze %dma_wait3A_191 : memref<1x2x128xi32, #tpu.memory_space<hbm>> -> memref<2x128xi32, #tpu.memory_space<hbm>>
    tpu.wait_dma2 semaphore(%arg13 : memref<!tpu.dma_semaphore, #tpu.memory_space<semaphore_mem>>) src(%dma_wait3A_192 : memref<2x128xi32, #tpu.memory_space<hbm>>) dst(%arg6 : memref<2x128xi32, #tpu.memory_space<vmem>>)
    %dma_start3A_193 = arith.constant 0 : i32
    %dma_start3A_194 = arith.constant 0 : i32
    %dma_start3A_195 = tpu.memref_slice %arg6[%dma_start3A_193, %dma_start3A_194] : memref<2x128xi32, #tpu.memory_space<vmem>> -> memref<1x128xi32, #tpu.memory_space<vmem>>
    %dma_start3A_196 = tpu.memref_squeeze %dma_start3A_195 : memref<1x128xi32, #tpu.memory_space<vmem>> -> memref<128xi32, #tpu.memory_space<vmem>>
    %dma_start3A_197 = arith.constant 0 : i32
    %dma_start3A_198 = arith.constant 0 : i32
    %dma_start3A_199 = tpu.memref_slice %arg2[%dma_start3A_197, %dma_start3A_198] : memref<10112x128xf32, #tpu.memory_space<hbm>> -> memref<10112x128xf32, #tpu.memory_space<hbm>>
    tpu.enqueue_indirect_dma source(%dma_start3A_199 : memref<10112x128xf32, #tpu.memory_space<hbm>>) target(%arg9 : memref<128x128xf32, #tpu.memory_space<vmem>>) offsets(%dma_start3A_196 : memref<128xi32, #tpu.memory_space<vmem>>) semaphore(%arg16 : memref<!tpu.dma_semaphore, #tpu.memory_space<semaphore_mem>>)
    %run_scoped3A_200 = arith.constant 1 : i32
    "tpu.region"() ({
      %run_scoped3A_273 = tpu.sem_alloc : memref<!tpu.dma_semaphore, #tpu.memory_space<semaphore_mem>>
      %dma_start3A_274 = arith.constant 0 : i32
      %dma_start3A_275 = tpu.memref_slice %arg7[%run_scoped3A_200, %dma_start3A_274] : memref<2x128xi32, #tpu.memory_space<vmem>> -> memref<1x128xi32, #tpu.memory_space<vmem>>
      %dma_start3A_276 = tpu.memref_squeeze %dma_start3A_275 : memref<1x128xi32, #tpu.memory_space<vmem>> -> memref<128xi32, #tpu.memory_space<vmem>>
      %dma_start3A_277 = arith.constant 0 : i32
      %dma_start3A_278 = arith.constant 0 : i32
      %dma_start3A_279 = tpu.memref_slice %arg12[%dma_start3A_277, %dma_start3A_278] : memref<10112x128xf32, #tpu.memory_space<vmem_shared>> -> memref<10112x128xf32, #tpu.memory_space<vmem_shared>>
      tpu.enqueue_indirect_dma source(%arg10 : memref<128x128xf32, #tpu.memory_space<vmem>>) target(%dma_start3A_279 : memref<10112x128xf32, #tpu.memory_space<vmem_shared>>) offsets(%dma_start3A_276 : memref<128xi32, #tpu.memory_space<vmem>>) semaphore(%run_scoped3A_273 : memref<!tpu.dma_semaphore, #tpu.memory_space<semaphore_mem>>) {add = true}
      %dma_wait3A_280 = arith.constant 0 : i32
      %dma_wait3A_281 = tpu.memref_slice %arg7[%run_scoped3A_200, %dma_wait3A_280] : memref<2x128xi32, #tpu.memory_space<vmem>> -> memref<1x128xi32, #tpu.memory_space<vmem>>
      %dma_wait3A_282 = tpu.memref_squeeze %dma_wait3A_281 : memref<1x128xi32, #tpu.memory_space<vmem>> -> memref<128xi32, #tpu.memory_space<vmem>>
      %dma_wait3A_283 = arith.constant 0 : i32
      %dma_wait3A_284 = arith.constant 0 : i32
      %dma_wait3A_285 = tpu.memref_slice %arg12[%dma_wait3A_283, %dma_wait3A_284] : memref<10112x128xf32, #tpu.memory_space<vmem_shared>> -> memref<10112x128xf32, #tpu.memory_space<vmem_shared>>
      tpu.wait_indirect_dma semaphore(%run_scoped3A_273 : memref<!tpu.dma_semaphore, #tpu.memory_space<semaphore_mem>>) src(%arg10 : memref<128x128xf32, #tpu.memory_space<vmem>>) dst(%dma_wait3A_285 : memref<10112x128xf32, #tpu.memory_space<vmem_shared>>)
      tpu.yield
    }) : () -> ()
    %dma_start3A_201 = arith.constant 79 : i32
    %dma_start3A_202 = arith.constant 0 : i32
    %dma_start3A_203 = arith.constant 0 : i32
    %dma_start3A_204 = arith.constant 0 : i32
    %dma_start3A_205 = tpu.memref_slice %arg3[%add3A, %dma_start3A_202, %dma_start3A_203, %dma_start3A_204] : memref<32x84x2x128xi32, #tpu.memory_space<hbm>> -> memref<1x84x2x128xi32, #tpu.memory_space<hbm>>
    %dma_start3A_206 = tpu.memref_squeeze %dma_start3A_205 : memref<1x84x2x128xi32, #tpu.memory_space<hbm>> -> memref<84x2x128xi32, #tpu.memory_space<hbm>>
    %dma_start3A_207 = arith.constant 0 : i32
    %dma_start3A_208 = arith.constant 0 : i32
    %dma_start3A_209 = tpu.memref_slice %dma_start3A_206[%dma_start3A_201, %dma_start3A_207, %dma_start3A_208] : memref<84x2x128xi32, #tpu.memory_space<hbm>> -> memref<1x2x128xi32, #tpu.memory_space<hbm>>
    %dma_start3A_210 = tpu.memref_squeeze %dma_start3A_209 : memref<1x2x128xi32, #tpu.memory_space<hbm>> -> memref<2x128xi32, #tpu.memory_space<hbm>>
    %dma_start3A_211 = arith.constant 0 : i32
    %dma_start3A_212 = arith.constant 0 : i32
    %dma_start3A_213 = arith.constant 0 : i32
    %dma_start3A_214 = tpu.memref_slice %arg3[%add3A, %dma_start3A_211, %dma_start3A_212, %dma_start3A_213] : memref<32x84x2x128xi32, #tpu.memory_space<hbm>> -> memref<1x84x2x128xi32, #tpu.memory_space<hbm>>
    %dma_start3A_215 = tpu.memref_squeeze %dma_start3A_214 : memref<1x84x2x128xi32, #tpu.memory_space<hbm>> -> memref<84x2x128xi32, #tpu.memory_space<hbm>>
    %dma_start3A_216 = arith.constant 0 : i32
    %dma_start3A_217 = arith.constant 0 : i32
    %dma_start3A_218 = tpu.memref_slice %dma_start3A_215[%dma_start3A_201, %dma_start3A_216, %dma_start3A_217] : memref<84x2x128xi32, #tpu.memory_space<hbm>> -> memref<1x2x128xi32, #tpu.memory_space<hbm>>
    %dma_start3A_219 = tpu.memref_squeeze %dma_start3A_218 : memref<1x2x128xi32, #tpu.memory_space<hbm>> -> memref<2x128xi32, #tpu.memory_space<hbm>>
    tpu.enqueue_dma source(%dma_start3A_219 : memref<2x128xi32, #tpu.memory_space<hbm>>) target(%arg7 : memref<2x128xi32, #tpu.memory_space<vmem>>) target_semaphore(%arg14 : memref<!tpu.dma_semaphore, #tpu.memory_space<semaphore_mem>>)
    %dma_wait3A_220 = arith.constant 0 : i32
    %dma_wait3A_221 = arith.constant 0 : i32
    %dma_wait3A_222 = tpu.memref_slice %arg8[%dma_wait3A_220, %dma_wait3A_221] : memref<2x128xi32, #tpu.memory_space<vmem>> -> memref<1x128xi32, #tpu.memory_space<vmem>>
    %dma_wait3A_223 = tpu.memref_squeeze %dma_wait3A_222 : memref<1x128xi32, #tpu.memory_space<vmem>> -> memref<128xi32, #tpu.memory_space<vmem>>
    %dma_wait3A_224 = arith.constant 0 : i32
    %dma_wait3A_225 = arith.constant 0 : i32
    %dma_wait3A_226 = tpu.memref_slice %arg2[%dma_wait3A_224, %dma_wait3A_225] : memref<10112x128xf32, #tpu.memory_space<hbm>> -> memref<10112x128xf32, #tpu.memory_space<hbm>>
    tpu.wait_indirect_dma semaphore(%arg18 : memref<!tpu.dma_semaphore, #tpu.memory_space<semaphore_mem>>) src(%dma_wait3A_226 : memref<10112x128xf32, #tpu.memory_space<hbm>>) dst(%arg11 : memref<128x128xf32, #tpu.memory_space<vmem>>)
    %dma_wait3A_227 = arith.constant 0 : i32
    %dma_wait3A_228 = arith.constant 0 : i32
    %dma_wait3A_229 = arith.constant 0 : i32
    %dma_wait3A_230 = arith.constant 0 : i32
    %dma_wait3A_231 = tpu.memref_slice %arg3[%add3A, %dma_wait3A_228, %dma_wait3A_229, %dma_wait3A_230] : memref<32x84x2x128xi32, #tpu.memory_space<hbm>> -> memref<1x84x2x128xi32, #tpu.memory_space<hbm>>
    %dma_wait3A_232 = tpu.memref_squeeze %dma_wait3A_231 : memref<1x84x2x128xi32, #tpu.memory_space<hbm>> -> memref<84x2x128xi32, #tpu.memory_space<hbm>>
    %dma_wait3A_233 = arith.constant 0 : i32
    %dma_wait3A_234 = arith.constant 0 : i32
    %dma_wait3A_235 = tpu.memref_slice %dma_wait3A_232[%dma_wait3A_227, %dma_wait3A_233, %dma_wait3A_234] : memref<84x2x128xi32, #tpu.memory_space<hbm>> -> memref<1x2x128xi32, #tpu.memory_space<hbm>>
    %dma_wait3A_236 = tpu.memref_squeeze %dma_wait3A_235 : memref<1x2x128xi32, #tpu.memory_space<hbm>> -> memref<2x128xi32, #tpu.memory_space<hbm>>
    %dma_wait3A_237 = arith.constant 0 : i32
    %dma_wait3A_238 = arith.constant 0 : i32
    %dma_wait3A_239 = arith.constant 0 : i32
    %dma_wait3A_240 = tpu.memref_slice %arg3[%add3A, %dma_wait3A_237, %dma_wait3A_238, %dma_wait3A_239] : memref<32x84x2x128xi32, #tpu.memory_space<hbm>> -> memref<1x84x2x128xi32, #tpu.memory_space<hbm>>
    %dma_wait3A_241 = tpu.memref_squeeze %dma_wait3A_240 : memref<1x84x2x128xi32, #tpu.memory_space<hbm>> -> memref<84x2x128xi32, #tpu.memory_space<hbm>>
    %dma_wait3A_242 = arith.constant 0 : i32
    %dma_wait3A_243 = arith.constant 0 : i32
    %dma_wait3A_244 = tpu.memref_slice %dma_wait3A_241[%dma_wait3A_227, %dma_wait3A_242, %dma_wait3A_243] : memref<84x2x128xi32, #tpu.memory_space<hbm>> -> memref<1x2x128xi32, #tpu.memory_space<hbm>>
    %dma_wait3A_245 = tpu.memref_squeeze %dma_wait3A_244 : memref<1x2x128xi32, #tpu.memory_space<hbm>> -> memref<2x128xi32, #tpu.memory_space<hbm>>
    tpu.wait_dma2 semaphore(%arg14 : memref<!tpu.dma_semaphore, #tpu.memory_space<semaphore_mem>>) src(%dma_wait3A_245 : memref<2x128xi32, #tpu.memory_space<hbm>>) dst(%arg7 : memref<2x128xi32, #tpu.memory_space<vmem>>)
    %dma_start3A_246 = arith.constant 0 : i32
    %dma_start3A_247 = arith.constant 0 : i32
    %dma_start3A_248 = tpu.memref_slice %arg7[%dma_start3A_246, %dma_start3A_247] : memref<2x128xi32, #tpu.memory_space<vmem>> -> memref<1x128xi32, #tpu.memory_space<vmem>>
    %dma_start3A_249 = tpu.memref_squeeze %dma_start3A_248 : memref<1x128xi32, #tpu.memory_space<vmem>> -> memref<128xi32, #tpu.memory_space<vmem>>
    %dma_start3A_250 = arith.constant 0 : i32
    %dma_start3A_251 = arith.constant 0 : i32
    %dma_start3A_252 = tpu.memref_slice %arg2[%dma_start3A_250, %dma_start3A_251] : memref<10112x128xf32, #tpu.memory_space<hbm>> -> memref<10112x128xf32, #tpu.memory_space<hbm>>
    tpu.enqueue_indirect_dma source(%dma_start3A_252 : memref<10112x128xf32, #tpu.memory_space<hbm>>) target(%arg10 : memref<128x128xf32, #tpu.memory_space<vmem>>) offsets(%dma_start3A_249 : memref<128xi32, #tpu.memory_space<vmem>>) semaphore(%arg17 : memref<!tpu.dma_semaphore, #tpu.memory_space<semaphore_mem>>)
    %run_scoped3A_253 = arith.constant 1 : i32
    "tpu.region"() ({
      %run_scoped3A_273 = tpu.sem_alloc : memref<!tpu.dma_semaphore, #tpu.memory_space<semaphore_mem>>
      %dma_start3A_274 = arith.constant 0 : i32
      %dma_start3A_275 = tpu.memref_slice %arg8[%run_scoped3A_253, %dma_start3A_274] : memref<2x128xi32, #tpu.memory_space<vmem>> -> memref<1x128xi32, #tpu.memory_space<vmem>>
      %dma_start3A_276 = tpu.memref_squeeze %dma_start3A_275 : memref<1x128xi32, #tpu.memory_space<vmem>> -> memref<128xi32, #tpu.memory_space<vmem>>
      %dma_start3A_277 = arith.constant 0 : i32
      %dma_start3A_278 = arith.constant 0 : i32
      %dma_start3A_279 = tpu.memref_slice %arg12[%dma_start3A_277, %dma_start3A_278] : memref<10112x128xf32, #tpu.memory_space<vmem_shared>> -> memref<10112x128xf32, #tpu.memory_space<vmem_shared>>
      tpu.enqueue_indirect_dma source(%arg11 : memref<128x128xf32, #tpu.memory_space<vmem>>) target(%dma_start3A_279 : memref<10112x128xf32, #tpu.memory_space<vmem_shared>>) offsets(%dma_start3A_276 : memref<128xi32, #tpu.memory_space<vmem>>) semaphore(%run_scoped3A_273 : memref<!tpu.dma_semaphore, #tpu.memory_space<semaphore_mem>>) {add = true}
      %dma_wait3A_280 = arith.constant 0 : i32
      %dma_wait3A_281 = tpu.memref_slice %arg8[%run_scoped3A_253, %dma_wait3A_280] : memref<2x128xi32, #tpu.memory_space<vmem>> -> memref<1x128xi32, #tpu.memory_space<vmem>>
      %dma_wait3A_282 = tpu.memref_squeeze %dma_wait3A_281 : memref<1x128xi32, #tpu.memory_space<vmem>> -> memref<128xi32, #tpu.memory_space<vmem>>
      %dma_wait3A_283 = arith.constant 0 : i32
      %dma_wait3A_284 = arith.constant 0 : i32
      %dma_wait3A_285 = tpu.memref_slice %arg12[%dma_wait3A_283, %dma_wait3A_284] : memref<10112x128xf32, #tpu.memory_space<vmem_shared>> -> memref<10112x128xf32, #tpu.memory_space<vmem_shared>>
      tpu.wait_indirect_dma semaphore(%run_scoped3A_273 : memref<!tpu.dma_semaphore, #tpu.memory_space<semaphore_mem>>) src(%arg11 : memref<128x128xf32, #tpu.memory_space<vmem>>) dst(%dma_wait3A_285 : memref<10112x128xf32, #tpu.memory_space<vmem_shared>>)
      tpu.yield
    }) : () -> ()
    %dma_wait3A_254 = arith.constant 0 : i32
    %dma_wait3A_255 = arith.constant 0 : i32
    %dma_wait3A_256 = tpu.memref_slice %arg6[%dma_wait3A_254, %dma_wait3A_255] : memref<2x128xi32, #tpu.memory_space<vmem>> -> memref<1x128xi32, #tpu.memory_space<vmem>>
    %dma_wait3A_257 = tpu.memref_squeeze %dma_wait3A_256 : memref<1x128xi32, #tpu.memory_space<vmem>> -> memref<128xi32, #tpu.memory_space<vmem>>
    %dma_wait3A_258 = arith.constant 0 : i32
    %dma_wait3A_259 = arith.constant 0 : i32
    %dma_wait3A_260 = tpu.memref_slice %arg2[%dma_wait3A_258, %dma_wait3A_259] : memref<10112x128xf32, #tpu.memory_space<hbm>> -> memref<10112x128xf32, #tpu.memory_space<hbm>>
    tpu.wait_indirect_dma semaphore(%arg16 : memref<!tpu.dma_semaphore, #tpu.memory_space<semaphore_mem>>) src(%dma_wait3A_260 : memref<10112x128xf32, #tpu.memory_space<hbm>>) dst(%arg9 : memref<128x128xf32, #tpu.memory_space<vmem>>)
    %run_scoped3A_261 = arith.constant 1 : i32
    "tpu.region"() ({
      %run_scoped3A_273 = tpu.sem_alloc : memref<!tpu.dma_semaphore, #tpu.memory_space<semaphore_mem>>
      %dma_start3A_274 = arith.constant 0 : i32
      %dma_start3A_275 = tpu.memref_slice %arg6[%run_scoped3A_261, %dma_start3A_274] : memref<2x128xi32, #tpu.memory_space<vmem>> -> memref<1x128xi32, #tpu.memory_space<vmem>>
      %dma_start3A_276 = tpu.memref_squeeze %dma_start3A_275 : memref<1x128xi32, #tpu.memory_space<vmem>> -> memref<128xi32, #tpu.memory_space<vmem>>
      %dma_start3A_277 = arith.constant 0 : i32
      %dma_start3A_278 = arith.constant 0 : i32
      %dma_start3A_279 = tpu.memref_slice %arg12[%dma_start3A_277, %dma_start3A_278] : memref<10112x128xf32, #tpu.memory_space<vmem_shared>> -> memref<10112x128xf32, #tpu.memory_space<vmem_shared>>
      tpu.enqueue_indirect_dma source(%arg9 : memref<128x128xf32, #tpu.memory_space<vmem>>) target(%dma_start3A_279 : memref<10112x128xf32, #tpu.memory_space<vmem_shared>>) offsets(%dma_start3A_276 : memref<128xi32, #tpu.memory_space<vmem>>) semaphore(%run_scoped3A_273 : memref<!tpu.dma_semaphore, #tpu.memory_space<semaphore_mem>>) {add = true}
      %dma_wait3A_280 = arith.constant 0 : i32
      %dma_wait3A_281 = tpu.memref_slice %arg6[%run_scoped3A_261, %dma_wait3A_280] : memref<2x128xi32, #tpu.memory_space<vmem>> -> memref<1x128xi32, #tpu.memory_space<vmem>>
      %dma_wait3A_282 = tpu.memref_squeeze %dma_wait3A_281 : memref<1x128xi32, #tpu.memory_space<vmem>> -> memref<128xi32, #tpu.memory_space<vmem>>
      %dma_wait3A_283 = arith.constant 0 : i32
      %dma_wait3A_284 = arith.constant 0 : i32
      %dma_wait3A_285 = tpu.memref_slice %arg12[%dma_wait3A_283, %dma_wait3A_284] : memref<10112x128xf32, #tpu.memory_space<vmem_shared>> -> memref<10112x128xf32, #tpu.memory_space<vmem_shared>>
      tpu.wait_indirect_dma semaphore(%run_scoped3A_273 : memref<!tpu.dma_semaphore, #tpu.memory_space<semaphore_mem>>) src(%arg9 : memref<128x128xf32, #tpu.memory_space<vmem>>) dst(%dma_wait3A_285 : memref<10112x128xf32, #tpu.memory_space<vmem_shared>>)
      tpu.yield
    }) : () -> ()
    %dma_wait3A_262 = arith.constant 0 : i32
    %dma_wait3A_263 = arith.constant 0 : i32
    %dma_wait3A_264 = tpu.memref_slice %arg7[%dma_wait3A_262, %dma_wait3A_263] : memref<2x128xi32, #tpu.memory_space<vmem>> -> memref<1x128xi32, #tpu.memory_space<vmem>>
    %dma_wait3A_265 = tpu.memref_squeeze %dma_wait3A_264 : memref<1x128xi32, #tpu.memory_space<vmem>> -> memref<128xi32, #tpu.memory_space<vmem>>
    %dma_wait3A_266 = arith.constant 0 : i32
    %dma_wait3A_267 = arith.constant 0 : i32
    %dma_wait3A_268 = tpu.memref_slice %arg2[%dma_wait3A_266, %dma_wait3A_267] : memref<10112x128xf32, #tpu.memory_space<hbm>> -> memref<10112x128xf32, #tpu.memory_space<hbm>>
    tpu.wait_indirect_dma semaphore(%arg17 : memref<!tpu.dma_semaphore, #tpu.memory_space<semaphore_mem>>) src(%dma_wait3A_268 : memref<10112x128xf32, #tpu.memory_space<hbm>>) dst(%arg10 : memref<128x128xf32, #tpu.memory_space<vmem>>)
    %run_scoped3A_269 = arith.constant 1 : i32
    "tpu.region"() ({
      %run_scoped3A_273 = tpu.sem_alloc : memref<!tpu.dma_semaphore, #tpu.memory_space<semaphore_mem>>
      %dma_start3A_274 = arith.constant 0 : i32
      %dma_start3A_275 = tpu.memref_slice %arg7[%run_scoped3A_269, %dma_start3A_274] : memref<2x128xi32, #tpu.memory_space<vmem>> -> memref<1x128xi32, #tpu.memory_space<vmem>>
      %dma_start3A_276 = tpu.memref_squeeze %dma_start3A_275 : memref<1x128xi32, #tpu.memory_space<vmem>> -> memref<128xi32, #tpu.memory_space<vmem>>
      %dma_start3A_277 = arith.constant 0 : i32
      %dma_start3A_278 = arith.constant 0 : i32
      %dma_start3A_279 = tpu.memref_slice %arg12[%dma_start3A_277, %dma_start3A_278] : memref<10112x128xf32, #tpu.memory_space<vmem_shared>> -> memref<10112x128xf32, #tpu.memory_space<vmem_shared>>
      tpu.enqueue_indirect_dma source(%arg10 : memref<128x128xf32, #tpu.memory_space<vmem>>) target(%dma_start3A_279 : memref<10112x128xf32, #tpu.memory_space<vmem_shared>>) offsets(%dma_start3A_276 : memref<128xi32, #tpu.memory_space<vmem>>) semaphore(%run_scoped3A_273 : memref<!tpu.dma_semaphore, #tpu.memory_space<semaphore_mem>>) {add = true}
      %dma_wait3A_280 = arith.constant 0 : i32
      %dma_wait3A_281 = tpu.memref_slice %arg7[%run_scoped3A_269, %dma_wait3A_280] : memref<2x128xi32, #tpu.memory_space<vmem>> -> memref<1x128xi32, #tpu.memory_space<vmem>>
      %dma_wait3A_282 = tpu.memref_squeeze %dma_wait3A_281 : memref<1x128xi32, #tpu.memory_space<vmem>> -> memref<128xi32, #tpu.memory_space<vmem>>
      %dma_wait3A_283 = arith.constant 0 : i32
      %dma_wait3A_284 = arith.constant 0 : i32
      %dma_wait3A_285 = tpu.memref_slice %arg12[%dma_wait3A_283, %dma_wait3A_284] : memref<10112x128xf32, #tpu.memory_space<vmem_shared>> -> memref<10112x128xf32, #tpu.memory_space<vmem_shared>>
      tpu.wait_indirect_dma semaphore(%run_scoped3A_273 : memref<!tpu.dma_semaphore, #tpu.memory_space<semaphore_mem>>) src(%arg10 : memref<128x128xf32, #tpu.memory_space<vmem>>) dst(%dma_wait3A_285 : memref<10112x128xf32, #tpu.memory_space<vmem_shared>>)
      tpu.yield
    }) : () -> ()
    %barrier3A_270 = arith.constant 0 : index
    tpu.barrier barrier_id(%barrier3A_270)
    %mul3A_271 = arith.constant 632 : i32
    %mul3A_272 = arith.muli %arg1, %mul3A_271 : i32
    "tpu.region"() ({
      %run_scoped3A_273 = tpu.sem_alloc : memref<!tpu.dma_semaphore, #tpu.memory_space<semaphore_mem>>
      %dma_start3A_274 = arith.constant 0 : i32
      %dma_start3A_275 = arith.constant 0 : i32
      %dma_start3A_276 = tpu.memref_slice %arg5[%arg0, %dma_start3A_274, %dma_start3A_275] : memref<2x10112x128xf32, #tpu.memory_space<hbm>> -> memref<1x10112x128xf32, #tpu.memory_space<hbm>>
      %dma_start3A_277 = tpu.memref_squeeze %dma_start3A_276 : memref<1x10112x128xf32, #tpu.memory_space<hbm>> -> memref<10112x128xf32, #tpu.memory_space<hbm>>
      %dma_start3A_278 = arith.constant 0 : i32
      %dma_start3A_279 = tpu.memref_slice %dma_start3A_277[%mul3A_272, %dma_start3A_278] : memref<10112x128xf32, #tpu.memory_space<hbm>> -> memref<632x128xf32, #tpu.memory_space<hbm>>
      %dma_start3A_280 = arith.constant 0 : i32
      %dma_start3A_281 = tpu.memref_slice %arg12[%mul3A_272, %dma_start3A_280] : memref<10112x128xf32, #tpu.memory_space<vmem_shared>> -> memref<632x128xf32, #tpu.memory_space<vmem_shared>>
      tpu.enqueue_dma source(%dma_start3A_281 : memref<632x128xf32, #tpu.memory_space<vmem_shared>>) target(%dma_start3A_279 : memref<632x128xf32, #tpu.memory_space<hbm>>) target_semaphore(%run_scoped3A_273 : memref<!tpu.dma_semaphore, #tpu.memory_space<semaphore_mem>>)
      %dma_wait3A_282 = arith.constant 0 : i32
      %dma_wait3A_283 = arith.constant 0 : i32
      %dma_wait3A_284 = tpu.memref_slice %arg5[%arg0, %dma_wait3A_282, %dma_wait3A_283] : memref<2x10112x128xf32, #tpu.memory_space<hbm>> -> memref<1x10112x128xf32, #tpu.memory_space<hbm>>
      %dma_wait3A_285 = tpu.memref_squeeze %dma_wait3A_284 : memref<1x10112x128xf32, #tpu.memory_space<hbm>> -> memref<10112x128xf32, #tpu.memory_space<hbm>>
      %dma_wait3A_286 = arith.constant 0 : i32
      %dma_wait3A_287 = tpu.memref_slice %dma_wait3A_285[%mul3A_272, %dma_wait3A_286] : memref<10112x128xf32, #tpu.memory_space<hbm>> -> memref<632x128xf32, #tpu.memory_space<hbm>>
      %dma_wait3A_288 = arith.constant 0 : i32
      %dma_wait3A_289 = tpu.memref_slice %arg12[%mul3A_272, %dma_wait3A_288] : memref<10112x128xf32, #tpu.memory_space<vmem_shared>> -> memref<632x128xf32, #tpu.memory_space<vmem_shared>>
      tpu.wait_dma2 semaphore(%run_scoped3A_273 : memref<!tpu.dma_semaphore, #tpu.memory_space<semaphore_mem>>) src(%dma_wait3A_289 : memref<632x128xf32, #tpu.memory_space<vmem_shared>>) dst(%dma_wait3A_287 : memref<632x128xf32, #tpu.memory_space<hbm>>)
      tpu.yield
    }) : () -> ()
    return
  }
}

#map = affine_map<(d0, d1) -> (0, 0, 0)>
#map1 = affine_map<(d0, d1) -> (0, 0)>
module attributes {stable_mosaic.version = 14 : i64} {
  func.func @k(%arg0: i32, %arg1: i32, %arg2: memref<32x80x128xi32, #tpu.memory_space<hbm>>, %arg3: memref<128x128xf32, #tpu.memory_space<hbm>>, %arg4: memref<632x128xf32, #tpu.memory_space<hbm>>, %arg5: memref<2x10112x128xf32, #tpu.memory_space<hbm>>, %arg6: memref<80x128xi32, #tpu.memory_space<vmem>>, %arg7: memref<128x128xf32, #tpu.memory_space<vmem>>, %arg8: memref<10112x128xf32, #tpu.memory_space<vmem_shared>>) attributes {dimension_semantics = [#tpu.dimension_semantics<core_parallel>, #tpu.dimension_semantics<subcore_parallel>], iteration_bounds = array<i64: 2, 16>, scalar_prefetch = 0 : i64, scratch_operands = 3 : i64, tpu.core_type = #tpu.core_type<sc_vector_subcore>, window_params = [{transform_indices = #map}, {transform_indices = #map1}, {transform_indices = #map1}, {transform_indices = #map}]} {
    %mul3A = arith.constant 16 : i32
    %mul3A_0 = arith.muli %arg0, %mul3A : i32
    %add3A = arith.addi %mul3A_0, %arg1 : i32
    %mul3A_1 = arith.constant 632 : i32
    %mul3A_2 = arith.muli %arg1, %mul3A_1 : i32
    "tpu.region"() ({
      %run_scoped3A = tpu.sem_alloc : memref<!tpu.dma_semaphore, #tpu.memory_space<semaphore_mem>>
      %dma_start3A = arith.constant 0 : i32
      %dma_start3A_11 = tpu.memref_slice %arg8[%mul3A_2, %dma_start3A] : memref<10112x128xf32, #tpu.memory_space<vmem_shared>> -> memref<632x128xf32, #tpu.memory_space<vmem_shared>>
      tpu.enqueue_dma source(%arg4 : memref<632x128xf32, #tpu.memory_space<hbm>>) target(%dma_start3A_11 : memref<632x128xf32, #tpu.memory_space<vmem_shared>>) target_semaphore(%run_scoped3A : memref<!tpu.dma_semaphore, #tpu.memory_space<semaphore_mem>>)
      %dma_wait3A = arith.constant 0 : i32
      %dma_wait3A_12 = tpu.memref_slice %arg8[%mul3A_2, %dma_wait3A] : memref<10112x128xf32, #tpu.memory_space<vmem_shared>> -> memref<632x128xf32, #tpu.memory_space<vmem_shared>>
      tpu.wait_dma2 semaphore(%run_scoped3A : memref<!tpu.dma_semaphore, #tpu.memory_space<semaphore_mem>>) src(%arg4 : memref<632x128xf32, #tpu.memory_space<hbm>>) dst(%dma_wait3A_12 : memref<632x128xf32, #tpu.memory_space<vmem_shared>>)
      tpu.yield
    }) : () -> ()
    "tpu.region"() ({
      %run_scoped3A = tpu.sem_alloc : memref<!tpu.dma_semaphore, #tpu.memory_space<semaphore_mem>>
      %dma_start3A = arith.constant 0 : i32
      %dma_start3A_11 = arith.constant 0 : i32
      %dma_start3A_12 = tpu.memref_slice %arg2[%add3A, %dma_start3A, %dma_start3A_11] : memref<32x80x128xi32, #tpu.memory_space<hbm>> -> memref<1x80x128xi32, #tpu.memory_space<hbm>>
      %dma_start3A_13 = tpu.memref_squeeze %dma_start3A_12 : memref<1x80x128xi32, #tpu.memory_space<hbm>> -> memref<80x128xi32, #tpu.memory_space<hbm>>
      %dma_start3A_14 = arith.constant 0 : i32
      %dma_start3A_15 = arith.constant 0 : i32
      %dma_start3A_16 = tpu.memref_slice %arg2[%add3A, %dma_start3A_14, %dma_start3A_15] : memref<32x80x128xi32, #tpu.memory_space<hbm>> -> memref<1x80x128xi32, #tpu.memory_space<hbm>>
      %dma_start3A_17 = tpu.memref_squeeze %dma_start3A_16 : memref<1x80x128xi32, #tpu.memory_space<hbm>> -> memref<80x128xi32, #tpu.memory_space<hbm>>
      tpu.enqueue_dma source(%dma_start3A_17 : memref<80x128xi32, #tpu.memory_space<hbm>>) target(%arg6 : memref<80x128xi32, #tpu.memory_space<vmem>>) target_semaphore(%run_scoped3A : memref<!tpu.dma_semaphore, #tpu.memory_space<semaphore_mem>>)
      %dma_wait3A = arith.constant 0 : i32
      %dma_wait3A_18 = arith.constant 0 : i32
      %dma_wait3A_19 = tpu.memref_slice %arg2[%add3A, %dma_wait3A, %dma_wait3A_18] : memref<32x80x128xi32, #tpu.memory_space<hbm>> -> memref<1x80x128xi32, #tpu.memory_space<hbm>>
      %dma_wait3A_20 = tpu.memref_squeeze %dma_wait3A_19 : memref<1x80x128xi32, #tpu.memory_space<hbm>> -> memref<80x128xi32, #tpu.memory_space<hbm>>
      %dma_wait3A_21 = arith.constant 0 : i32
      %dma_wait3A_22 = arith.constant 0 : i32
      %dma_wait3A_23 = tpu.memref_slice %arg2[%add3A, %dma_wait3A_21, %dma_wait3A_22] : memref<32x80x128xi32, #tpu.memory_space<hbm>> -> memref<1x80x128xi32, #tpu.memory_space<hbm>>
      %dma_wait3A_24 = tpu.memref_squeeze %dma_wait3A_23 : memref<1x80x128xi32, #tpu.memory_space<hbm>> -> memref<80x128xi32, #tpu.memory_space<hbm>>
      tpu.wait_dma2 semaphore(%run_scoped3A : memref<!tpu.dma_semaphore, #tpu.memory_space<semaphore_mem>>) src(%dma_wait3A_24 : memref<80x128xi32, #tpu.memory_space<hbm>>) dst(%arg6 : memref<80x128xi32, #tpu.memory_space<vmem>>)
      tpu.yield
    }) : () -> ()
    "tpu.region"() ({
      %run_scoped3A = tpu.sem_alloc : memref<!tpu.dma_semaphore, #tpu.memory_space<semaphore_mem>>
      tpu.enqueue_dma source(%arg3 : memref<128x128xf32, #tpu.memory_space<hbm>>) target(%arg7 : memref<128x128xf32, #tpu.memory_space<vmem>>) target_semaphore(%run_scoped3A : memref<!tpu.dma_semaphore, #tpu.memory_space<semaphore_mem>>)
      tpu.wait_dma2 semaphore(%run_scoped3A : memref<!tpu.dma_semaphore, #tpu.memory_space<semaphore_mem>>) src(%arg3 : memref<128x128xf32, #tpu.memory_space<hbm>>) dst(%arg7 : memref<128x128xf32, #tpu.memory_space<vmem>>)
      tpu.yield
    }) : () -> ()
    %barrier3A = arith.constant 0 : index
    tpu.barrier barrier_id(%barrier3A)
    %scan3A = arith.constant 0 : i32
    %scan3A_3 = arith.constant 0 : i32
    %scan3A_4 = arith.constant 80 : i32
    %scan3A_5 = arith.addi %scan3A_3, %scan3A_4 : i32
    %scan3A_6 = arith.constant 1 : i32
    scf.for %scan3A_11 = %scan3A_3 to %scan3A_5 step %scan3A_6  : i32 {
      "tpu.region"() ({
        %run_scoped3A = tpu.sem_alloc : memref<!tpu.dma_semaphore, #tpu.memory_space<semaphore_mem>>
        %dma_start3A = arith.constant 0 : i32
        %dma_start3A_12 = tpu.memref_slice %arg6[%scan3A_11, %dma_start3A] : memref<80x128xi32, #tpu.memory_space<vmem>> -> memref<1x128xi32, #tpu.memory_space<vmem>>
        %dma_start3A_13 = tpu.memref_squeeze %dma_start3A_12 : memref<1x128xi32, #tpu.memory_space<vmem>> -> memref<128xi32, #tpu.memory_space<vmem>>
        %dma_start3A_14 = arith.constant 0 : i32
        %dma_start3A_15 = arith.constant 0 : i32
        %dma_start3A_16 = tpu.memref_slice %arg8[%dma_start3A_14, %dma_start3A_15] : memref<10112x128xf32, #tpu.memory_space<vmem_shared>> -> memref<10112x128xf32, #tpu.memory_space<vmem_shared>>
        tpu.enqueue_indirect_dma source(%arg7 : memref<128x128xf32, #tpu.memory_space<vmem>>) target(%dma_start3A_16 : memref<10112x128xf32, #tpu.memory_space<vmem_shared>>) offsets(%dma_start3A_13 : memref<128xi32, #tpu.memory_space<vmem>>) semaphore(%run_scoped3A : memref<!tpu.dma_semaphore, #tpu.memory_space<semaphore_mem>>) {add = true}
        %dma_wait3A = arith.constant 0 : i32
        %dma_wait3A_17 = tpu.memref_slice %arg6[%scan3A_11, %dma_wait3A] : memref<80x128xi32, #tpu.memory_space<vmem>> -> memref<1x128xi32, #tpu.memory_space<vmem>>
        %dma_wait3A_18 = tpu.memref_squeeze %dma_wait3A_17 : memref<1x128xi32, #tpu.memory_space<vmem>> -> memref<128xi32, #tpu.memory_space<vmem>>
        %dma_wait3A_19 = arith.constant 0 : i32
        %dma_wait3A_20 = arith.constant 0 : i32
        %dma_wait3A_21 = tpu.memref_slice %arg8[%dma_wait3A_19, %dma_wait3A_20] : memref<10112x128xf32, #tpu.memory_space<vmem_shared>> -> memref<10112x128xf32, #tpu.memory_space<vmem_shared>>
        tpu.wait_indirect_dma semaphore(%run_scoped3A : memref<!tpu.dma_semaphore, #tpu.memory_space<semaphore_mem>>) src(%arg7 : memref<128x128xf32, #tpu.memory_space<vmem>>) dst(%dma_wait3A_21 : memref<10112x128xf32, #tpu.memory_space<vmem_shared>>)
        tpu.yield
      }) : () -> ()
    }
    %scan3A_7 = arith.constant 80 : i32
    %barrier3A_8 = arith.constant 0 : index
    tpu.barrier barrier_id(%barrier3A_8)
    %mul3A_9 = arith.constant 632 : i32
    %mul3A_10 = arith.muli %arg1, %mul3A_9 : i32
    "tpu.region"() ({
      %run_scoped3A = tpu.sem_alloc : memref<!tpu.dma_semaphore, #tpu.memory_space<semaphore_mem>>
      %dma_start3A = arith.constant 0 : i32
      %dma_start3A_11 = arith.constant 0 : i32
      %dma_start3A_12 = tpu.memref_slice %arg5[%arg0, %dma_start3A, %dma_start3A_11] : memref<2x10112x128xf32, #tpu.memory_space<hbm>> -> memref<1x10112x128xf32, #tpu.memory_space<hbm>>
      %dma_start3A_13 = tpu.memref_squeeze %dma_start3A_12 : memref<1x10112x128xf32, #tpu.memory_space<hbm>> -> memref<10112x128xf32, #tpu.memory_space<hbm>>
      %dma_start3A_14 = arith.constant 0 : i32
      %dma_start3A_15 = tpu.memref_slice %dma_start3A_13[%mul3A_10, %dma_start3A_14] : memref<10112x128xf32, #tpu.memory_space<hbm>> -> memref<632x128xf32, #tpu.memory_space<hbm>>
      %dma_start3A_16 = arith.constant 0 : i32
      %dma_start3A_17 = tpu.memref_slice %arg8[%mul3A_10, %dma_start3A_16] : memref<10112x128xf32, #tpu.memory_space<vmem_shared>> -> memref<632x128xf32, #tpu.memory_space<vmem_shared>>
      tpu.enqueue_dma source(%dma_start3A_17 : memref<632x128xf32, #tpu.memory_space<vmem_shared>>) target(%dma_start3A_15 : memref<632x128xf32, #tpu.memory_space<hbm>>) target_semaphore(%run_scoped3A : memref<!tpu.dma_semaphore, #tpu.memory_space<semaphore_mem>>)
      %dma_wait3A = arith.constant 0 : i32
      %dma_wait3A_18 = arith.constant 0 : i32
      %dma_wait3A_19 = tpu.memref_slice %arg5[%arg0, %dma_wait3A, %dma_wait3A_18] : memref<2x10112x128xf32, #tpu.memory_space<hbm>> -> memref<1x10112x128xf32, #tpu.memory_space<hbm>>
      %dma_wait3A_20 = tpu.memref_squeeze %dma_wait3A_19 : memref<1x10112x128xf32, #tpu.memory_space<hbm>> -> memref<10112x128xf32, #tpu.memory_space<hbm>>
      %dma_wait3A_21 = arith.constant 0 : i32
      %dma_wait3A_22 = tpu.memref_slice %dma_wait3A_20[%mul3A_10, %dma_wait3A_21] : memref<10112x128xf32, #tpu.memory_space<hbm>> -> memref<632x128xf32, #tpu.memory_space<hbm>>
      %dma_wait3A_23 = arith.constant 0 : i32
      %dma_wait3A_24 = tpu.memref_slice %arg8[%mul3A_10, %dma_wait3A_23] : memref<10112x128xf32, #tpu.memory_space<vmem_shared>> -> memref<632x128xf32, #tpu.memory_space<vmem_shared>>
      tpu.wait_dma2 semaphore(%run_scoped3A : memref<!tpu.dma_semaphore, #tpu.memory_space<semaphore_mem>>) src(%dma_wait3A_24 : memref<632x128xf32, #tpu.memory_space<vmem_shared>>) dst(%dma_wait3A_22 : memref<632x128xf32, #tpu.memory_space<hbm>>)
      tpu.yield
    }) : () -> ()
    return
  }
}

#map = affine_map<(d0, d1) -> (0, 0)>
#map1 = affine_map<(d0, d1) -> (0, 0, 0, 0)>
#map2 = affine_map<(d0, d1) -> (0, 0, 0)>
module attributes {stable_mosaic.version = 14 : i64} {
  func.func @k(%arg0: i32, %arg1: i32, %arg2: memref<10112x128xf32, #tpu.memory_space<hbm>>, %arg3: memref<32x84x2x128xi32, #tpu.memory_space<hbm>>, %arg4: memref<632x128xf32, #tpu.memory_space<hbm>>, %arg5: memref<2x10112x128xf32, #tpu.memory_space<hbm>>, %arg6: memref<2x128xi32, #tpu.memory_space<vmem>>, %arg7: memref<2x128xi32, #tpu.memory_space<vmem>>, %arg8: memref<2x128xi32, #tpu.memory_space<vmem>>, %arg9: memref<128x128xf32, #tpu.memory_space<vmem>>, %arg10: memref<128x128xf32, #tpu.memory_space<vmem>>, %arg11: memref<128x128xf32, #tpu.memory_space<vmem>>, %arg12: memref<10112x128xf32, #tpu.memory_space<vmem_shared>>, %arg13: memref<!tpu.dma_semaphore, #tpu.memory_space<semaphore_mem>>, %arg14: memref<!tpu.dma_semaphore, #tpu.memory_space<semaphore_mem>>, %arg15: memref<!tpu.dma_semaphore, #tpu.memory_space<semaphore_mem>>, %arg16: memref<!tpu.dma_semaphore, #tpu.memory_space<semaphore_mem>>, %arg17: memref<!tpu.dma_semaphore, #tpu.memory_space<semaphore_mem>>, %arg18: memref<!tpu.dma_semaphore, #tpu.memory_space<semaphore_mem>>) attributes {dimension_semantics = [#tpu.dimension_semantics<core_parallel>, #tpu.dimension_semantics<subcore_parallel>], iteration_bounds = array<i64: 2, 16>, scalar_prefetch = 0 : i64, scratch_operands = 13 : i64, tpu.core_type = #tpu.core_type<sc_vector_subcore>, window_params = [{transform_indices = #map}, {transform_indices = #map1}, {transform_indices = #map}, {transform_indices = #map2}]} {
    %mul3A = arith.constant 16 : i32
    %mul3A_0 = arith.muli %arg0, %mul3A : i32
    %add3A = arith.addi %mul3A_0, %arg1 : i32
    %mul3A_1 = arith.constant 632 : i32
    %mul3A_2 = arith.muli %arg1, %mul3A_1 : i32
    "tpu.region"() ({
      %run_scoped3A_273 = tpu.sem_alloc : memref<!tpu.dma_semaphore, #tpu.memory_space<semaphore_mem>>
      %dma_start3A_274 = arith.constant 0 : i32
      %dma_start3A_275 = tpu.memref_slice %arg12[%mul3A_2, %dma_start3A_274] : memref<10112x128xf32, #tpu.memory_space<vmem_shared>> -> memref<632x128xf32, #tpu.memory_space<vmem_shared>>
      tpu.enqueue_dma source(%arg4 : memref<632x128xf32, #tpu.memory_space<hbm>>) target(%dma_start3A_275 : memref<632x128xf32, #tpu.memory_space<vmem_shared>>) target_semaphore(%run_scoped3A_273 : memref<!tpu.dma_semaphore, #tpu.memory_space<semaphore_mem>>)
      %dma_wait3A_276 = arith.constant 0 : i32
      %dma_wait3A_277 = tpu.memref_slice %arg12[%mul3A_2, %dma_wait3A_276] : memref<10112x128xf32, #tpu.memory_space<vmem_shared>> -> memref<632x128xf32, #tpu.memory_space<vmem_shared>>
      tpu.wait_dma2 semaphore(%run_scoped3A_273 : memref<!tpu.dma_semaphore, #tpu.memory_space<semaphore_mem>>) src(%arg4 : memref<632x128xf32, #tpu.memory_space<hbm>>) dst(%dma_wait3A_277 : memref<632x128xf32, #tpu.memory_space<vmem_shared>>)
      tpu.yield
    }) : () -> ()
    %barrier3A = arith.constant 0 : index
    tpu.barrier barrier_id(%barrier3A)
    %dma_start3A = arith.constant 0 : i32
    %dma_start3A_3 = arith.constant 0 : i32
    %dma_start3A_4 = arith.constant 0 : i32
    %dma_start3A_5 = arith.constant 0 : i32
    %dma_start3A_6 = tpu.memref_slice %arg3[%add3A, %dma_start3A_3, %dma_start3A_4, %dma_start3A_5] : memref<32x84x2x128xi32, #tpu.memory_space<hbm>> -> memref<1x84x2x128xi32, #tpu.memory_space<hbm>>
    %dma_start3A_7 = tpu.memref_squeeze %dma_start3A_6 : memref<1x84x2x128xi32, #tpu.memory_space<hbm>> -> memref<84x2x128xi32, #tpu.memory_space<hbm>>
    %dma_start3A_8 = arith.constant 0 : i32
    %dma_start3A_9 = arith.constant 0 : i32
    %dma_start3A_10 = tpu.memref_slice %dma_start3A_7[%dma_start3A, %dma_start3A_8, %dma_start3A_9] : memref<84x2x128xi32, #tpu.memory_space<hbm>> -> memref<1x2x128xi32, #tpu.memory_space<hbm>>
    %dma_start3A_11 = tpu.memref_squeeze %dma_start3A_10 : memref<1x2x128xi32, #tpu.memory_space<hbm>> -> memref<2x128xi32, #tpu.memory_space<hbm>>
    %dma_start3A_12 = arith.constant 0 : i32
    %dma_start3A_13 = arith.constant 0 : i32
    %dma_start3A_14 = arith.constant 0 : i32
    %dma_start3A_15 = tpu.memref_slice %arg3[%add3A, %dma_start3A_12, %dma_start3A_13, %dma_start3A_14] : memref<32x84x2x128xi32, #tpu.memory_space<hbm>> -> memref<1x84x2x128xi32, #tpu.memory_space<hbm>>
    %dma_start3A_16 = tpu.memref_squeeze %dma_start3A_15 : memref<1x84x2x128xi32, #tpu.memory_space<hbm>> -> memref<84x2x128xi32, #tpu.memory_space<hbm>>
    %dma_start3A_17 = arith.constant 0 : i32
    %dma_start3A_18 = arith.constant 0 : i32
    %dma_start3A_19 = tpu.memref_slice %dma_start3A_16[%dma_start3A, %dma_start3A_17, %dma_start3A_18] : memref<84x2x128xi32, #tpu.memory_space<hbm>> -> memref<1x2x128xi32, #tpu.memory_space<hbm>>
    %dma_start3A_20 = tpu.memref_squeeze %dma_start3A_19 : memref<1x2x128xi32, #tpu.memory_space<hbm>> -> memref<2x128xi32, #tpu.memory_space<hbm>>
    tpu.enqueue_dma source(%dma_start3A_20 : memref<2x128xi32, #tpu.memory_space<hbm>>) target(%arg6 : memref<2x128xi32, #tpu.memory_space<vmem>>) target_semaphore(%arg13 : memref<!tpu.dma_semaphore, #tpu.memory_space<semaphore_mem>>)
    %dma_start3A_21 = arith.constant 1 : i32
    %dma_start3A_22 = arith.constant 0 : i32
    %dma_start3A_23 = arith.constant 0 : i32
    %dma_start3A_24 = arith.constant 0 : i32
    %dma_start3A_25 = tpu.memref_slice %arg3[%add3A, %dma_start3A_22, %dma_start3A_23, %dma_start3A_24] : memref<32x84x2x128xi32, #tpu.memory_space<hbm>> -> memref<1x84x2x128xi32, #tpu.memory_space<hbm>>
    %dma_start3A_26 = tpu.memref_squeeze %dma_start3A_25 : memref<1x84x2x128xi32, #tpu.memory_space<hbm>> -> memref<84x2x128xi32, #tpu.memory_space<hbm>>
    %dma_start3A_27 = arith.constant 0 : i32
    %dma_start3A_28 = arith.constant 0 : i32
    %dma_start3A_29 = tpu.memref_slice %dma_start3A_26[%dma_start3A_21, %dma_start3A_27, %dma_start3A_28] : memref<84x2x128xi32, #tpu.memory_space<hbm>> -> memref<1x2x128xi32, #tpu.memory_space<hbm>>
    %dma_start3A_30 = tpu.memref_squeeze %dma_start3A_29 : memref<1x2x128xi32, #tpu.memory_space<hbm>> -> memref<2x128xi32, #tpu.memory_space<hbm>>
    %dma_start3A_31 = arith.constant 0 : i32
    %dma_start3A_32 = arith.constant 0 : i32
    %dma_start3A_33 = arith.constant 0 : i32
    %dma_start3A_34 = tpu.memref_slice %arg3[%add3A, %dma_start3A_31, %dma_start3A_32, %dma_start3A_33] : memref<32x84x2x128xi32, #tpu.memory_space<hbm>> -> memref<1x84x2x128xi32, #tpu.memory_space<hbm>>
    %dma_start3A_35 = tpu.memref_squeeze %dma_start3A_34 : memref<1x84x2x128xi32, #tpu.memory_space<hbm>> -> memref<84x2x128xi32, #tpu.memory_space<hbm>>
    %dma_start3A_36 = arith.constant 0 : i32
    %dma_start3A_37 = arith.constant 0 : i32
    %dma_start3A_38 = tpu.memref_slice %dma_start3A_35[%dma_start3A_21, %dma_start3A_36, %dma_start3A_37] : memref<84x2x128xi32, #tpu.memory_space<hbm>> -> memref<1x2x128xi32, #tpu.memory_space<hbm>>
    %dma_start3A_39 = tpu.memref_squeeze %dma_start3A_38 : memref<1x2x128xi32, #tpu.memory_space<hbm>> -> memref<2x128xi32, #tpu.memory_space<hbm>>
    tpu.enqueue_dma source(%dma_start3A_39 : memref<2x128xi32, #tpu.memory_space<hbm>>) target(%arg7 : memref<2x128xi32, #tpu.memory_space<vmem>>) target_semaphore(%arg14 : memref<!tpu.dma_semaphore, #tpu.memory_space<semaphore_mem>>)
    %dma_wait3A = arith.constant 0 : i32
    %dma_wait3A_40 = arith.constant 0 : i32
    %dma_wait3A_41 = arith.constant 0 : i32
    %dma_wait3A_42 = arith.constant 0 : i32
    %dma_wait3A_43 = tpu.memref_slice %arg3[%add3A, %dma_wait3A_40, %dma_wait3A_41, %dma_wait3A_42] : memref<32x84x2x128xi32, #tpu.memory_space<hbm>> -> memref<1x84x2x128xi32, #tpu.memory_space<hbm>>
    %dma_wait3A_44 = tpu.memref_squeeze %dma_wait3A_43 : memref<1x84x2x128xi32, #tpu.memory_space<hbm>> -> memref<84x2x128xi32, #tpu.memory_space<hbm>>
    %dma_wait3A_45 = arith.constant 0 : i32
    %dma_wait3A_46 = arith.constant 0 : i32
    %dma_wait3A_47 = tpu.memref_slice %dma_wait3A_44[%dma_wait3A, %dma_wait3A_45, %dma_wait3A_46] : memref<84x2x128xi32, #tpu.memory_space<hbm>> -> memref<1x2x128xi32, #tpu.memory_space<hbm>>
    %dma_wait3A_48 = tpu.memref_squeeze %dma_wait3A_47 : memref<1x2x128xi32, #tpu.memory_space<hbm>> -> memref<2x128xi32, #tpu.memory_space<hbm>>
    %dma_wait3A_49 = arith.constant 0 : i32
    %dma_wait3A_50 = arith.constant 0 : i32
    %dma_wait3A_51 = arith.constant 0 : i32
    %dma_wait3A_52 = tpu.memref_slice %arg3[%add3A, %dma_wait3A_49, %dma_wait3A_50, %dma_wait3A_51] : memref<32x84x2x128xi32, #tpu.memory_space<hbm>> -> memref<1x84x2x128xi32, #tpu.memory_space<hbm>>
    %dma_wait3A_53 = tpu.memref_squeeze %dma_wait3A_52 : memref<1x84x2x128xi32, #tpu.memory_space<hbm>> -> memref<84x2x128xi32, #tpu.memory_space<hbm>>
    %dma_wait3A_54 = arith.constant 0 : i32
    %dma_wait3A_55 = arith.constant 0 : i32
    %dma_wait3A_56 = tpu.memref_slice %dma_wait3A_53[%dma_wait3A, %dma_wait3A_54, %dma_wait3A_55] : memref<84x2x128xi32, #tpu.memory_space<hbm>> -> memref<1x2x128xi32, #tpu.memory_space<hbm>>
    %dma_wait3A_57 = tpu.memref_squeeze %dma_wait3A_56 : memref<1x2x128xi32, #tpu.memory_space<hbm>> -> memref<2x128xi32, #tpu.memory_space<hbm>>
    tpu.wait_dma2 semaphore(%arg13 : memref<!tpu.dma_semaphore, #tpu.memory_space<semaphore_mem>>) src(%dma_wait3A_57 : memref<2x128xi32, #tpu.memory_space<hbm>>) dst(%arg6 : memref<2x128xi32, #tpu.memory_space<vmem>>)
    %dma_start3A_58 = arith.constant 0 : i32
    %dma_start3A_59 = arith.constant 0 : i32
    %dma_start3A_60 = tpu.memref_slice %arg6[%dma_start3A_58, %dma_start3A_59] : memref<2x128xi32, #tpu.memory_space<vmem>> -> memref<1x128xi32, #tpu.memory_space<vmem>>
    %dma_start3A_61 = tpu.memref_squeeze %dma_start3A_60 : memref<1x128xi32, #tpu.memory_space<vmem>> -> memref<128xi32, #tpu.memory_space<vmem>>
    %dma_start3A_62 = arith.constant 0 : i32
    %dma_start3A_63 = arith.constant 0 : i32
    %dma_start3A_64 = tpu.memref_slice %arg2[%dma_start3A_62, %dma_start3A_63] : memref<10112x128xf32, #tpu.memory_space<hbm>> -> memref<10112x128xf32, #tpu.memory_space<hbm>>
    tpu.enqueue_indirect_dma source(%dma_start3A_64 : memref<10112x128xf32, #tpu.memory_space<hbm>>) target(%arg9 : memref<128x128xf32, #tpu.memory_space<vmem>>) offsets(%dma_start3A_61 : memref<128xi32, #tpu.memory_space<vmem>>) semaphore(%arg16 : memref<!tpu.dma_semaphore, #tpu.memory_space<semaphore_mem>>)
    %dma_wait3A_65 = arith.constant 0 : i32
    %dma_wait3A_66 = arith.constant 0 : i32
    %dma_wait3A_67 = arith.constant 0 : i32
    %dma_wait3A_68 = arith.constant 0 : i32
    %dma_wait3A_69 = tpu.memref_slice %arg3[%add3A, %dma_wait3A_66, %dma_wait3A_67, %dma_wait3A_68] : memref<32x84x2x128xi32, #tpu.memory_space<hbm>> -> memref<1x84x2x128xi32, #tpu.memory_space<hbm>>
    %dma_wait3A_70 = tpu.memref_squeeze %dma_wait3A_69 : memref<1x84x2x128xi32, #tpu.memory_space<hbm>> -> memref<84x2x128xi32, #tpu.memory_space<hbm>>
    %dma_wait3A_71 = arith.constant 0 : i32
    %dma_wait3A_72 = arith.constant 0 : i32
    %dma_wait3A_73 = tpu.memref_slice %dma_wait3A_70[%dma_wait3A_65, %dma_wait3A_71, %dma_wait3A_72] : memref<84x2x128xi32, #tpu.memory_space<hbm>> -> memref<1x2x128xi32, #tpu.memory_space<hbm>>
    %dma_wait3A_74 = tpu.memref_squeeze %dma_wait3A_73 : memref<1x2x128xi32, #tpu.memory_space<hbm>> -> memref<2x128xi32, #tpu.memory_space<hbm>>
    %dma_wait3A_75 = arith.constant 0 : i32
    %dma_wait3A_76 = arith.constant 0 : i32
    %dma_wait3A_77 = arith.constant 0 : i32
    %dma_wait3A_78 = tpu.memref_slice %arg3[%add3A, %dma_wait3A_75, %dma_wait3A_76, %dma_wait3A_77] : memref<32x84x2x128xi32, #tpu.memory_space<hbm>> -> memref<1x84x2x128xi32, #tpu.memory_space<hbm>>
    %dma_wait3A_79 = tpu.memref_squeeze %dma_wait3A_78 : memref<1x84x2x128xi32, #tpu.memory_space<hbm>> -> memref<84x2x128xi32, #tpu.memory_space<hbm>>
    %dma_wait3A_80 = arith.constant 0 : i32
    %dma_wait3A_81 = arith.constant 0 : i32
    %dma_wait3A_82 = tpu.memref_slice %dma_wait3A_79[%dma_wait3A_65, %dma_wait3A_80, %dma_wait3A_81] : memref<84x2x128xi32, #tpu.memory_space<hbm>> -> memref<1x2x128xi32, #tpu.memory_space<hbm>>
    %dma_wait3A_83 = tpu.memref_squeeze %dma_wait3A_82 : memref<1x2x128xi32, #tpu.memory_space<hbm>> -> memref<2x128xi32, #tpu.memory_space<hbm>>
    tpu.wait_dma2 semaphore(%arg14 : memref<!tpu.dma_semaphore, #tpu.memory_space<semaphore_mem>>) src(%dma_wait3A_83 : memref<2x128xi32, #tpu.memory_space<hbm>>) dst(%arg7 : memref<2x128xi32, #tpu.memory_space<vmem>>)
    %dma_start3A_84 = arith.constant 0 : i32
    %dma_start3A_85 = arith.constant 0 : i32
    %dma_start3A_86 = tpu.memref_slice %arg7[%dma_start3A_84, %dma_start3A_85] : memref<2x128xi32, #tpu.memory_space<vmem>> -> memref<1x128xi32, #tpu.memory_space<vmem>>
    %dma_start3A_87 = tpu.memref_squeeze %dma_start3A_86 : memref<1x128xi32, #tpu.memory_space<vmem>> -> memref<128xi32, #tpu.memory_space<vmem>>
    %dma_start3A_88 = arith.constant 0 : i32
    %dma_start3A_89 = arith.constant 0 : i32
    %dma_start3A_90 = tpu.memref_slice %arg2[%dma_start3A_88, %dma_start3A_89] : memref<10112x128xf32, #tpu.memory_space<hbm>> -> memref<10112x128xf32, #tpu.memory_space<hbm>>
    tpu.enqueue_indirect_dma source(%dma_start3A_90 : memref<10112x128xf32, #tpu.memory_space<hbm>>) target(%arg10 : memref<128x128xf32, #tpu.memory_space<vmem>>) offsets(%dma_start3A_87 : memref<128xi32, #tpu.memory_space<vmem>>) semaphore(%arg17 : memref<!tpu.dma_semaphore, #tpu.memory_space<semaphore_mem>>)
    %dma_start3A_91 = arith.constant 2 : i32
    %dma_start3A_92 = arith.constant 0 : i32
    %dma_start3A_93 = arith.constant 0 : i32
    %dma_start3A_94 = arith.constant 0 : i32
    %dma_start3A_95 = tpu.memref_slice %arg3[%add3A, %dma_start3A_92, %dma_start3A_93, %dma_start3A_94] : memref<32x84x2x128xi32, #tpu.memory_space<hbm>> -> memref<1x84x2x128xi32, #tpu.memory_space<hbm>>
    %dma_start3A_96 = tpu.memref_squeeze %dma_start3A_95 : memref<1x84x2x128xi32, #tpu.memory_space<hbm>> -> memref<84x2x128xi32, #tpu.memory_space<hbm>>
    %dma_start3A_97 = arith.constant 0 : i32
    %dma_start3A_98 = arith.constant 0 : i32
    %dma_start3A_99 = tpu.memref_slice %dma_start3A_96[%dma_start3A_91, %dma_start3A_97, %dma_start3A_98] : memref<84x2x128xi32, #tpu.memory_space<hbm>> -> memref<1x2x128xi32, #tpu.memory_space<hbm>>
    %dma_start3A_100 = tpu.memref_squeeze %dma_start3A_99 : memref<1x2x128xi32, #tpu.memory_space<hbm>> -> memref<2x128xi32, #tpu.memory_space<hbm>>
    %dma_start3A_101 = arith.constant 0 : i32
    %dma_start3A_102 = arith.constant 0 : i32
    %dma_start3A_103 = arith.constant 0 : i32
    %dma_start3A_104 = tpu.memref_slice %arg3[%add3A, %dma_start3A_101, %dma_start3A_102, %dma_start3A_103] : memref<32x84x2x128xi32, #tpu.memory_space<hbm>> -> memref<1x84x2x128xi32, #tpu.memory_space<hbm>>
    %dma_start3A_105 = tpu.memref_squeeze %dma_start3A_104 : memref<1x84x2x128xi32, #tpu.memory_space<hbm>> -> memref<84x2x128xi32, #tpu.memory_space<hbm>>
    %dma_start3A_106 = arith.constant 0 : i32
    %dma_start3A_107 = arith.constant 0 : i32
    %dma_start3A_108 = tpu.memref_slice %dma_start3A_105[%dma_start3A_91, %dma_start3A_106, %dma_start3A_107] : memref<84x2x128xi32, #tpu.memory_space<hbm>> -> memref<1x2x128xi32, #tpu.memory_space<hbm>>
    %dma_start3A_109 = tpu.memref_squeeze %dma_start3A_108 : memref<1x2x128xi32, #tpu.memory_space<hbm>> -> memref<2x128xi32, #tpu.memory_space<hbm>>
    tpu.enqueue_dma source(%dma_start3A_109 : memref<2x128xi32, #tpu.memory_space<hbm>>) target(%arg8 : memref<2x128xi32, #tpu.memory_space<vmem>>) target_semaphore(%arg15 : memref<!tpu.dma_semaphore, #tpu.memory_space<semaphore_mem>>)
    %scan3A = arith.constant 0 : i32
    %scan3A_110 = arith.constant 0 : i32
    %scan3A_111 = arith.constant 25 : i32
    %scan3A_112 = arith.addi %scan3A_110, %scan3A_111 : i32
    %scan3A_113 = arith.constant 1 : i32
    scf.for %scan3A_273 = %scan3A_110 to %scan3A_112 step %scan3A_113  : i32 {
      %mul3A_274 = arith.constant 3 : i32
      %mul3A_275 = arith.muli %mul3A_274, %scan3A_273 : i32
      %add3A_276 = arith.constant 0 : i32
      %add3A_277 = arith.addi %mul3A_275, %add3A_276 : i32
      %dma_wait3A_278 = arith.constant 0 : i32
      %dma_wait3A_279 = arith.constant 0 : i32
      %dma_wait3A_280 = tpu.memref_slice %arg6[%dma_wait3A_278, %dma_wait3A_279] : memref<2x128xi32, #tpu.memory_space<vmem>> -> memref<1x128xi32, #tpu.memory_space<vmem>>
      %dma_wait3A_281 = tpu.memref_squeeze %dma_wait3A_280 : memref<1x128xi32, #tpu.memory_space<vmem>> -> memref<128xi32, #tpu.memory_space<vmem>>
      %dma_wait3A_282 = arith.constant 0 : i32
      %dma_wait3A_283 = arith.constant 0 : i32
      %dma_wait3A_284 = tpu.memref_slice %arg2[%dma_wait3A_282, %dma_wait3A_283] : memref<10112x128xf32, #tpu.memory_space<hbm>> -> memref<10112x128xf32, #tpu.memory_space<hbm>>
      tpu.wait_indirect_dma semaphore(%arg16 : memref<!tpu.dma_semaphore, #tpu.memory_space<semaphore_mem>>) src(%dma_wait3A_284 : memref<10112x128xf32, #tpu.memory_space<hbm>>) dst(%arg9 : memref<128x128xf32, #tpu.memory_space<vmem>>)
      %dma_wait3A_285 = arith.constant 0 : i32
      %dma_wait3A_286 = arith.constant 0 : i32
      %dma_wait3A_287 = arith.constant 0 : i32
      %dma_wait3A_288 = arith.constant 0 : i32
      %dma_wait3A_289 = tpu.memref_slice %arg3[%add3A, %dma_wait3A_286, %dma_wait3A_287, %dma_wait3A_288] : memref<32x84x2x128xi32, #tpu.memory_space<hbm>> -> memref<1x84x2x128xi32, #tpu.memory_space<hbm>>
      %dma_wait3A_290 = tpu.memref_squeeze %dma_wait3A_289 : memref<1x84x2x128xi32, #tpu.memory_space<hbm>> -> memref<84x2x128xi32, #tpu.memory_space<hbm>>
      %dma_wait3A_291 = arith.constant 0 : i32
      %dma_wait3A_292 = arith.constant 0 : i32
      %dma_wait3A_293 = tpu.memref_slice %dma_wait3A_290[%dma_wait3A_285, %dma_wait3A_291, %dma_wait3A_292] : memref<84x2x128xi32, #tpu.memory_space<hbm>> -> memref<1x2x128xi32, #tpu.memory_space<hbm>>
      %dma_wait3A_294 = tpu.memref_squeeze %dma_wait3A_293 : memref<1x2x128xi32, #tpu.memory_space<hbm>> -> memref<2x128xi32, #tpu.memory_space<hbm>>
      %dma_wait3A_295 = arith.constant 0 : i32
      %dma_wait3A_296 = arith.constant 0 : i32
      %dma_wait3A_297 = arith.constant 0 : i32
      %dma_wait3A_298 = tpu.memref_slice %arg3[%add3A, %dma_wait3A_295, %dma_wait3A_296, %dma_wait3A_297] : memref<32x84x2x128xi32, #tpu.memory_space<hbm>> -> memref<1x84x2x128xi32, #tpu.memory_space<hbm>>
      %dma_wait3A_299 = tpu.memref_squeeze %dma_wait3A_298 : memref<1x84x2x128xi32, #tpu.memory_space<hbm>> -> memref<84x2x128xi32, #tpu.memory_space<hbm>>
      %dma_wait3A_300 = arith.constant 0 : i32
      %dma_wait3A_301 = arith.constant 0 : i32
      %dma_wait3A_302 = tpu.memref_slice %dma_wait3A_299[%dma_wait3A_285, %dma_wait3A_300, %dma_wait3A_301] : memref<84x2x128xi32, #tpu.memory_space<hbm>> -> memref<1x2x128xi32, #tpu.memory_space<hbm>>
      %dma_wait3A_303 = tpu.memref_squeeze %dma_wait3A_302 : memref<1x2x128xi32, #tpu.memory_space<hbm>> -> memref<2x128xi32, #tpu.memory_space<hbm>>
      tpu.wait_dma2 semaphore(%arg15 : memref<!tpu.dma_semaphore, #tpu.memory_space<semaphore_mem>>) src(%dma_wait3A_303 : memref<2x128xi32, #tpu.memory_space<hbm>>) dst(%arg8 : memref<2x128xi32, #tpu.memory_space<vmem>>)
      %dma_start3A_304 = arith.constant 0 : i32
      %dma_start3A_305 = arith.constant 0 : i32
      %dma_start3A_306 = tpu.memref_slice %arg8[%dma_start3A_304, %dma_start3A_305] : memref<2x128xi32, #tpu.memory_space<vmem>> -> memref<1x128xi32, #tpu.memory_space<vmem>>
      %dma_start3A_307 = tpu.memref_squeeze %dma_start3A_306 : memref<1x128xi32, #tpu.memory_space<vmem>> -> memref<128xi32, #tpu.memory_space<vmem>>
      %dma_start3A_308 = arith.constant 0 : i32
      %dma_start3A_309 = arith.constant 0 : i32
      %dma_start3A_310 = tpu.memref_slice %arg2[%dma_start3A_308, %dma_start3A_309] : memref<10112x128xf32, #tpu.memory_space<hbm>> -> memref<10112x128xf32, #tpu.memory_space<hbm>>
      tpu.enqueue_indirect_dma source(%dma_start3A_310 : memref<10112x128xf32, #tpu.memory_space<hbm>>) target(%arg11 : memref<128x128xf32, #tpu.memory_space<vmem>>) offsets(%dma_start3A_307 : memref<128xi32, #tpu.memory_space<vmem>>) semaphore(%arg18 : memref<!tpu.dma_semaphore, #tpu.memory_space<semaphore_mem>>)
      %run_scoped3A_311 = arith.constant 1 : i32
      "tpu.region"() ({
        %run_scoped3A_444 = tpu.sem_alloc : memref<!tpu.dma_semaphore, #tpu.memory_space<semaphore_mem>>
        %dma_start3A_445 = arith.constant 0 : i32
        %dma_start3A_446 = tpu.memref_slice %arg6[%run_scoped3A_311, %dma_start3A_445] : memref<2x128xi32, #tpu.memory_space<vmem>> -> memref<1x128xi32, #tpu.memory_space<vmem>>
        %dma_start3A_447 = tpu.memref_squeeze %dma_start3A_446 : memref<1x128xi32, #tpu.memory_space<vmem>> -> memref<128xi32, #tpu.memory_space<vmem>>
        %dma_start3A_448 = arith.constant 0 : i32
        %dma_start3A_449 = arith.constant 0 : i32
        %dma_start3A_450 = tpu.memref_slice %arg12[%dma_start3A_448, %dma_start3A_449] : memref<10112x128xf32, #tpu.memory_space<vmem_shared>> -> memref<10112x128xf32, #tpu.memory_space<vmem_shared>>
        tpu.enqueue_indirect_dma source(%arg9 : memref<128x128xf32, #tpu.memory_space<vmem>>) target(%dma_start3A_450 : memref<10112x128xf32, #tpu.memory_space<vmem_shared>>) offsets(%dma_start3A_447 : memref<128xi32, #tpu.memory_space<vmem>>) semaphore(%run_scoped3A_444 : memref<!tpu.dma_semaphore, #tpu.memory_space<semaphore_mem>>) {add = true}
        %dma_wait3A_451 = arith.constant 0 : i32
        %dma_wait3A_452 = tpu.memref_slice %arg6[%run_scoped3A_311, %dma_wait3A_451] : memref<2x128xi32, #tpu.memory_space<vmem>> -> memref<1x128xi32, #tpu.memory_space<vmem>>
        %dma_wait3A_453 = tpu.memref_squeeze %dma_wait3A_452 : memref<1x128xi32, #tpu.memory_space<vmem>> -> memref<128xi32, #tpu.memory_space<vmem>>
        %dma_wait3A_454 = arith.constant 0 : i32
        %dma_wait3A_455 = arith.constant 0 : i32
        %dma_wait3A_456 = tpu.memref_slice %arg12[%dma_wait3A_454, %dma_wait3A_455] : memref<10112x128xf32, #tpu.memory_space<vmem_shared>> -> memref<10112x128xf32, #tpu.memory_space<vmem_shared>>
        tpu.wait_indirect_dma semaphore(%run_scoped3A_444 : memref<!tpu.dma_semaphore, #tpu.memory_space<semaphore_mem>>) src(%arg9 : memref<128x128xf32, #tpu.memory_space<vmem>>) dst(%dma_wait3A_456 : memref<10112x128xf32, #tpu.memory_space<vmem_shared>>)
        tpu.yield
      }) : () -> ()
      %add3A_312 = arith.constant 3 : i32
      %add3A_313 = arith.addi %add3A_277, %add3A_312 : i32
      %dma_start3A_314 = arith.constant 0 : i32
      %dma_start3A_315 = arith.constant 0 : i32
      %dma_start3A_316 = arith.constant 0 : i32
      %dma_start3A_317 = tpu.memref_slice %arg3[%add3A, %dma_start3A_314, %dma_start3A_315, %dma_start3A_316] : memref<32x84x2x128xi32, #tpu.memory_space<hbm>> -> memref<1x84x2x128xi32, #tpu.memory_space<hbm>>
      %dma_start3A_318 = tpu.memref_squeeze %dma_start3A_317 : memref<1x84x2x128xi32, #tpu.memory_space<hbm>> -> memref<84x2x128xi32, #tpu.memory_space<hbm>>
      %dma_start3A_319 = arith.constant 0 : i32
      %dma_start3A_320 = arith.constant 0 : i32
      %dma_start3A_321 = tpu.memref_slice %dma_start3A_318[%add3A_313, %dma_start3A_319, %dma_start3A_320] : memref<84x2x128xi32, #tpu.memory_space<hbm>> -> memref<1x2x128xi32, #tpu.memory_space<hbm>>
      %dma_start3A_322 = tpu.memref_squeeze %dma_start3A_321 : memref<1x2x128xi32, #tpu.memory_space<hbm>> -> memref<2x128xi32, #tpu.memory_space<hbm>>
      %dma_start3A_323 = arith.constant 0 : i32
      %dma_start3A_324 = arith.constant 0 : i32
      %dma_start3A_325 = arith.constant 0 : i32
      %dma_start3A_326 = tpu.memref_slice %arg3[%add3A, %dma_start3A_323, %dma_start3A_324, %dma_start3A_325] : memref<32x84x2x128xi32, #tpu.memory_space<hbm>> -> memref<1x84x2x128xi32, #tpu.memory_space<hbm>>
      %dma_start3A_327 = tpu.memref_squeeze %dma_start3A_326 : memref<1x84x2x128xi32, #tpu.memory_space<hbm>> -> memref<84x2x128xi32, #tpu.memory_space<hbm>>
      %dma_start3A_328 = arith.constant 0 : i32
      %dma_start3A_329 = arith.constant 0 : i32
      %dma_start3A_330 = tpu.memref_slice %dma_start3A_327[%add3A_313, %dma_start3A_328, %dma_start3A_329] : memref<84x2x128xi32, #tpu.memory_space<hbm>> -> memref<1x2x128xi32, #tpu.memory_space<hbm>>
      %dma_start3A_331 = tpu.memref_squeeze %dma_start3A_330 : memref<1x2x128xi32, #tpu.memory_space<hbm>> -> memref<2x128xi32, #tpu.memory_space<hbm>>
      tpu.enqueue_dma source(%dma_start3A_331 : memref<2x128xi32, #tpu.memory_space<hbm>>) target(%arg6 : memref<2x128xi32, #tpu.memory_space<vmem>>) target_semaphore(%arg13 : memref<!tpu.dma_semaphore, #tpu.memory_space<semaphore_mem>>)
      %add3A_332 = arith.constant 1 : i32
      %add3A_333 = arith.addi %mul3A_275, %add3A_332 : i32
      %dma_wait3A_334 = arith.constant 0 : i32
      %dma_wait3A_335 = arith.constant 0 : i32
      %dma_wait3A_336 = tpu.memref_slice %arg7[%dma_wait3A_334, %dma_wait3A_335] : memref<2x128xi32, #tpu.memory_space<vmem>> -> memref<1x128xi32, #tpu.memory_space<vmem>>
      %dma_wait3A_337 = tpu.memref_squeeze %dma_wait3A_336 : memref<1x128xi32, #tpu.memory_space<vmem>> -> memref<128xi32, #tpu.memory_space<vmem>>
      %dma_wait3A_338 = arith.constant 0 : i32
      %dma_wait3A_339 = arith.constant 0 : i32
      %dma_wait3A_340 = tpu.memref_slice %arg2[%dma_wait3A_338, %dma_wait3A_339] : memref<10112x128xf32, #tpu.memory_space<hbm>> -> memref<10112x128xf32, #tpu.memory_space<hbm>>
      tpu.wait_indirect_dma semaphore(%arg17 : memref<!tpu.dma_semaphore, #tpu.memory_space<semaphore_mem>>) src(%dma_wait3A_340 : memref<10112x128xf32, #tpu.memory_space<hbm>>) dst(%arg10 : memref<128x128xf32, #tpu.memory_space<vmem>>)
      %dma_wait3A_341 = arith.constant 0 : i32
      %dma_wait3A_342 = arith.constant 0 : i32
      %dma_wait3A_343 = arith.constant 0 : i32
      %dma_wait3A_344 = arith.constant 0 : i32
      %dma_wait3A_345 = tpu.memref_slice %arg3[%add3A, %dma_wait3A_342, %dma_wait3A_343, %dma_wait3A_344] : memref<32x84x2x128xi32, #tpu.memory_space<hbm>> -> memref<1x84x2x128xi32, #tpu.memory_space<hbm>>
      %dma_wait3A_346 = tpu.memref_squeeze %dma_wait3A_345 : memref<1x84x2x128xi32, #tpu.memory_space<hbm>> -> memref<84x2x128xi32, #tpu.memory_space<hbm>>
      %dma_wait3A_347 = arith.constant 0 : i32
      %dma_wait3A_348 = arith.constant 0 : i32
      %dma_wait3A_349 = tpu.memref_slice %dma_wait3A_346[%dma_wait3A_341, %dma_wait3A_347, %dma_wait3A_348] : memref<84x2x128xi32, #tpu.memory_space<hbm>> -> memref<1x2x128xi32, #tpu.memory_space<hbm>>
      %dma_wait3A_350 = tpu.memref_squeeze %dma_wait3A_349 : memref<1x2x128xi32, #tpu.memory_space<hbm>> -> memref<2x128xi32, #tpu.memory_space<hbm>>
      %dma_wait3A_351 = arith.constant 0 : i32
      %dma_wait3A_352 = arith.constant 0 : i32
      %dma_wait3A_353 = arith.constant 0 : i32
      %dma_wait3A_354 = tpu.memref_slice %arg3[%add3A, %dma_wait3A_351, %dma_wait3A_352, %dma_wait3A_353] : memref<32x84x2x128xi32, #tpu.memory_space<hbm>> -> memref<1x84x2x128xi32, #tpu.memory_space<hbm>>
      %dma_wait3A_355 = tpu.memref_squeeze %dma_wait3A_354 : memref<1x84x2x128xi32, #tpu.memory_space<hbm>> -> memref<84x2x128xi32, #tpu.memory_space<hbm>>
      %dma_wait3A_356 = arith.constant 0 : i32
      %dma_wait3A_357 = arith.constant 0 : i32
      %dma_wait3A_358 = tpu.memref_slice %dma_wait3A_355[%dma_wait3A_341, %dma_wait3A_356, %dma_wait3A_357] : memref<84x2x128xi32, #tpu.memory_space<hbm>> -> memref<1x2x128xi32, #tpu.memory_space<hbm>>
      %dma_wait3A_359 = tpu.memref_squeeze %dma_wait3A_358 : memref<1x2x128xi32, #tpu.memory_space<hbm>> -> memref<2x128xi32, #tpu.memory_space<hbm>>
      tpu.wait_dma2 semaphore(%arg13 : memref<!tpu.dma_semaphore, #tpu.memory_space<semaphore_mem>>) src(%dma_wait3A_359 : memref<2x128xi32, #tpu.memory_space<hbm>>) dst(%arg6 : memref<2x128xi32, #tpu.memory_space<vmem>>)
      %dma_start3A_360 = arith.constant 0 : i32
      %dma_start3A_361 = arith.constant 0 : i32
      %dma_start3A_362 = tpu.memref_slice %arg6[%dma_start3A_360, %dma_start3A_361] : memref<2x128xi32, #tpu.memory_space<vmem>> -> memref<1x128xi32, #tpu.memory_space<vmem>>
      %dma_start3A_363 = tpu.memref_squeeze %dma_start3A_362 : memref<1x128xi32, #tpu.memory_space<vmem>> -> memref<128xi32, #tpu.memory_space<vmem>>
      %dma_start3A_364 = arith.constant 0 : i32
      %dma_start3A_365 = arith.constant 0 : i32
      %dma_start3A_366 = tpu.memref_slice %arg2[%dma_start3A_364, %dma_start3A_365] : memref<10112x128xf32, #tpu.memory_space<hbm>> -> memref<10112x128xf32, #tpu.memory_space<hbm>>
      tpu.enqueue_indirect_dma source(%dma_start3A_366 : memref<10112x128xf32, #tpu.memory_space<hbm>>) target(%arg9 : memref<128x128xf32, #tpu.memory_space<vmem>>) offsets(%dma_start3A_363 : memref<128xi32, #tpu.memory_space<vmem>>) semaphore(%arg16 : memref<!tpu.dma_semaphore, #tpu.memory_space<semaphore_mem>>)
      %run_scoped3A_367 = arith.constant 1 : i32
      "tpu.region"() ({
        %run_scoped3A_444 = tpu.sem_alloc : memref<!tpu.dma_semaphore, #tpu.memory_space<semaphore_mem>>
        %dma_start3A_445 = arith.constant 0 : i32
        %dma_start3A_446 = tpu.memref_slice %arg7[%run_scoped3A_367, %dma_start3A_445] : memref<2x128xi32, #tpu.memory_space<vmem>> -> memref<1x128xi32, #tpu.memory_space<vmem>>
        %dma_start3A_447 = tpu.memref_squeeze %dma_start3A_446 : memref<1x128xi32, #tpu.memory_space<vmem>> -> memref<128xi32, #tpu.memory_space<vmem>>
        %dma_start3A_448 = arith.constant 0 : i32
        %dma_start3A_449 = arith.constant 0 : i32
        %dma_start3A_450 = tpu.memref_slice %arg12[%dma_start3A_448, %dma_start3A_449] : memref<10112x128xf32, #tpu.memory_space<vmem_shared>> -> memref<10112x128xf32, #tpu.memory_space<vmem_shared>>
        tpu.enqueue_indirect_dma source(%arg10 : memref<128x128xf32, #tpu.memory_space<vmem>>) target(%dma_start3A_450 : memref<10112x128xf32, #tpu.memory_space<vmem_shared>>) offsets(%dma_start3A_447 : memref<128xi32, #tpu.memory_space<vmem>>) semaphore(%run_scoped3A_444 : memref<!tpu.dma_semaphore, #tpu.memory_space<semaphore_mem>>) {add = true}
        %dma_wait3A_451 = arith.constant 0 : i32
        %dma_wait3A_452 = tpu.memref_slice %arg7[%run_scoped3A_367, %dma_wait3A_451] : memref<2x128xi32, #tpu.memory_space<vmem>> -> memref<1x128xi32, #tpu.memory_space<vmem>>
        %dma_wait3A_453 = tpu.memref_squeeze %dma_wait3A_452 : memref<1x128xi32, #tpu.memory_space<vmem>> -> memref<128xi32, #tpu.memory_space<vmem>>
        %dma_wait3A_454 = arith.constant 0 : i32
        %dma_wait3A_455 = arith.constant 0 : i32
        %dma_wait3A_456 = tpu.memref_slice %arg12[%dma_wait3A_454, %dma_wait3A_455] : memref<10112x128xf32, #tpu.memory_space<vmem_shared>> -> memref<10112x128xf32, #tpu.memory_space<vmem_shared>>
        tpu.wait_indirect_dma semaphore(%run_scoped3A_444 : memref<!tpu.dma_semaphore, #tpu.memory_space<semaphore_mem>>) src(%arg10 : memref<128x128xf32, #tpu.memory_space<vmem>>) dst(%dma_wait3A_456 : memref<10112x128xf32, #tpu.memory_space<vmem_shared>>)
        tpu.yield
      }) : () -> ()
      %add3A_368 = arith.constant 3 : i32
      %add3A_369 = arith.addi %add3A_333, %add3A_368 : i32
      %dma_start3A_370 = arith.constant 0 : i32
      %dma_start3A_371 = arith.constant 0 : i32
      %dma_start3A_372 = arith.constant 0 : i32
      %dma_start3A_373 = tpu.memref_slice %arg3[%add3A, %dma_start3A_370, %dma_start3A_371, %dma_start3A_372] : memref<32x84x2x128xi32, #tpu.memory_space<hbm>> -> memref<1x84x2x128xi32, #tpu.memory_space<hbm>>
      %dma_start3A_374 = tpu.memref_squeeze %dma_start3A_373 : memref<1x84x2x128xi32, #tpu.memory_space<hbm>> -> memref<84x2x128xi32, #tpu.memory_space<hbm>>
      %dma_start3A_375 = arith.constant 0 : i32
      %dma_start3A_376 = arith.constant 0 : i32
      %dma_start3A_377 = tpu.memref_slice %dma_start3A_374[%add3A_369, %dma_start3A_375, %dma_start3A_376] : memref<84x2x128xi32, #tpu.memory_space<hbm>> -> memref<1x2x128xi32, #tpu.memory_space<hbm>>
      %dma_start3A_378 = tpu.memref_squeeze %dma_start3A_377 : memref<1x2x128xi32, #tpu.memory_space<hbm>> -> memref<2x128xi32, #tpu.memory_space<hbm>>
      %dma_start3A_379 = arith.constant 0 : i32
      %dma_start3A_380 = arith.constant 0 : i32
      %dma_start3A_381 = arith.constant 0 : i32
      %dma_start3A_382 = tpu.memref_slice %arg3[%add3A, %dma_start3A_379, %dma_start3A_380, %dma_start3A_381] : memref<32x84x2x128xi32, #tpu.memory_space<hbm>> -> memref<1x84x2x128xi32, #tpu.memory_space<hbm>>
      %dma_start3A_383 = tpu.memref_squeeze %dma_start3A_382 : memref<1x84x2x128xi32, #tpu.memory_space<hbm>> -> memref<84x2x128xi32, #tpu.memory_space<hbm>>
      %dma_start3A_384 = arith.constant 0 : i32
      %dma_start3A_385 = arith.constant 0 : i32
      %dma_start3A_386 = tpu.memref_slice %dma_start3A_383[%add3A_369, %dma_start3A_384, %dma_start3A_385] : memref<84x2x128xi32, #tpu.memory_space<hbm>> -> memref<1x2x128xi32, #tpu.memory_space<hbm>>
      %dma_start3A_387 = tpu.memref_squeeze %dma_start3A_386 : memref<1x2x128xi32, #tpu.memory_space<hbm>> -> memref<2x128xi32, #tpu.memory_space<hbm>>
      tpu.enqueue_dma source(%dma_start3A_387 : memref<2x128xi32, #tpu.memory_space<hbm>>) target(%arg7 : memref<2x128xi32, #tpu.memory_space<vmem>>) target_semaphore(%arg14 : memref<!tpu.dma_semaphore, #tpu.memory_space<semaphore_mem>>)
      %add3A_388 = arith.constant 2 : i32
      %add3A_389 = arith.addi %mul3A_275, %add3A_388 : i32
      %dma_wait3A_390 = arith.constant 0 : i32
      %dma_wait3A_391 = arith.constant 0 : i32
      %dma_wait3A_392 = tpu.memref_slice %arg8[%dma_wait3A_390, %dma_wait3A_391] : memref<2x128xi32, #tpu.memory_space<vmem>> -> memref<1x128xi32, #tpu.memory_space<vmem>>
      %dma_wait3A_393 = tpu.memref_squeeze %dma_wait3A_392 : memref<1x128xi32, #tpu.memory_space<vmem>> -> memref<128xi32, #tpu.memory_space<vmem>>
      %dma_wait3A_394 = arith.constant 0 : i32
      %dma_wait3A_395 = arith.constant 0 : i32
      %dma_wait3A_396 = tpu.memref_slice %arg2[%dma_wait3A_394, %dma_wait3A_395] : memref<10112x128xf32, #tpu.memory_space<hbm>> -> memref<10112x128xf32, #tpu.memory_space<hbm>>
      tpu.wait_indirect_dma semaphore(%arg18 : memref<!tpu.dma_semaphore, #tpu.memory_space<semaphore_mem>>) src(%dma_wait3A_396 : memref<10112x128xf32, #tpu.memory_space<hbm>>) dst(%arg11 : memref<128x128xf32, #tpu.memory_space<vmem>>)
      %dma_wait3A_397 = arith.constant 0 : i32
      %dma_wait3A_398 = arith.constant 0 : i32
      %dma_wait3A_399 = arith.constant 0 : i32
      %dma_wait3A_400 = arith.constant 0 : i32
      %dma_wait3A_401 = tpu.memref_slice %arg3[%add3A, %dma_wait3A_398, %dma_wait3A_399, %dma_wait3A_400] : memref<32x84x2x128xi32, #tpu.memory_space<hbm>> -> memref<1x84x2x128xi32, #tpu.memory_space<hbm>>
      %dma_wait3A_402 = tpu.memref_squeeze %dma_wait3A_401 : memref<1x84x2x128xi32, #tpu.memory_space<hbm>> -> memref<84x2x128xi32, #tpu.memory_space<hbm>>
      %dma_wait3A_403 = arith.constant 0 : i32
      %dma_wait3A_404 = arith.constant 0 : i32
      %dma_wait3A_405 = tpu.memref_slice %dma_wait3A_402[%dma_wait3A_397, %dma_wait3A_403, %dma_wait3A_404] : memref<84x2x128xi32, #tpu.memory_space<hbm>> -> memref<1x2x128xi32, #tpu.memory_space<hbm>>
      %dma_wait3A_406 = tpu.memref_squeeze %dma_wait3A_405 : memref<1x2x128xi32, #tpu.memory_space<hbm>> -> memref<2x128xi32, #tpu.memory_space<hbm>>
      %dma_wait3A_407 = arith.constant 0 : i32
      %dma_wait3A_408 = arith.constant 0 : i32
      %dma_wait3A_409 = arith.constant 0 : i32
      %dma_wait3A_410 = tpu.memref_slice %arg3[%add3A, %dma_wait3A_407, %dma_wait3A_408, %dma_wait3A_409] : memref<32x84x2x128xi32, #tpu.memory_space<hbm>> -> memref<1x84x2x128xi32, #tpu.memory_space<hbm>>
      %dma_wait3A_411 = tpu.memref_squeeze %dma_wait3A_410 : memref<1x84x2x128xi32, #tpu.memory_space<hbm>> -> memref<84x2x128xi32, #tpu.memory_space<hbm>>
      %dma_wait3A_412 = arith.constant 0 : i32
      %dma_wait3A_413 = arith.constant 0 : i32
      %dma_wait3A_414 = tpu.memref_slice %dma_wait3A_411[%dma_wait3A_397, %dma_wait3A_412, %dma_wait3A_413] : memref<84x2x128xi32, #tpu.memory_space<hbm>> -> memref<1x2x128xi32, #tpu.memory_space<hbm>>
      %dma_wait3A_415 = tpu.memref_squeeze %dma_wait3A_414 : memref<1x2x128xi32, #tpu.memory_space<hbm>> -> memref<2x128xi32, #tpu.memory_space<hbm>>
      tpu.wait_dma2 semaphore(%arg14 : memref<!tpu.dma_semaphore, #tpu.memory_space<semaphore_mem>>) src(%dma_wait3A_415 : memref<2x128xi32, #tpu.memory_space<hbm>>) dst(%arg7 : memref<2x128xi32, #tpu.memory_space<vmem>>)
      %dma_start3A_416 = arith.constant 0 : i32
      %dma_start3A_417 = arith.constant 0 : i32
      %dma_start3A_418 = tpu.memref_slice %arg7[%dma_start3A_416, %dma_start3A_417] : memref<2x128xi32, #tpu.memory_space<vmem>> -> memref<1x128xi32, #tpu.memory_space<vmem>>
      %dma_start3A_419 = tpu.memref_squeeze %dma_start3A_418 : memref<1x128xi32, #tpu.memory_space<vmem>> -> memref<128xi32, #tpu.memory_space<vmem>>
      %dma_start3A_420 = arith.constant 0 : i32
      %dma_start3A_421 = arith.constant 0 : i32
      %dma_start3A_422 = tpu.memref_slice %arg2[%dma_start3A_420, %dma_start3A_421] : memref<10112x128xf32, #tpu.memory_space<hbm>> -> memref<10112x128xf32, #tpu.memory_space<hbm>>
      tpu.enqueue_indirect_dma source(%dma_start3A_422 : memref<10112x128xf32, #tpu.memory_space<hbm>>) target(%arg10 : memref<128x128xf32, #tpu.memory_space<vmem>>) offsets(%dma_start3A_419 : memref<128xi32, #tpu.memory_space<vmem>>) semaphore(%arg17 : memref<!tpu.dma_semaphore, #tpu.memory_space<semaphore_mem>>)
      %run_scoped3A_423 = arith.constant 1 : i32
      "tpu.region"() ({
        %run_scoped3A_444 = tpu.sem_alloc : memref<!tpu.dma_semaphore, #tpu.memory_space<semaphore_mem>>
        %dma_start3A_445 = arith.constant 0 : i32
        %dma_start3A_446 = tpu.memref_slice %arg8[%run_scoped3A_423, %dma_start3A_445] : memref<2x128xi32, #tpu.memory_space<vmem>> -> memref<1x128xi32, #tpu.memory_space<vmem>>
        %dma_start3A_447 = tpu.memref_squeeze %dma_start3A_446 : memref<1x128xi32, #tpu.memory_space<vmem>> -> memref<128xi32, #tpu.memory_space<vmem>>
        %dma_start3A_448 = arith.constant 0 : i32
        %dma_start3A_449 = arith.constant 0 : i32
        %dma_start3A_450 = tpu.memref_slice %arg12[%dma_start3A_448, %dma_start3A_449] : memref<10112x128xf32, #tpu.memory_space<vmem_shared>> -> memref<10112x128xf32, #tpu.memory_space<vmem_shared>>
        tpu.enqueue_indirect_dma source(%arg11 : memref<128x128xf32, #tpu.memory_space<vmem>>) target(%dma_start3A_450 : memref<10112x128xf32, #tpu.memory_space<vmem_shared>>) offsets(%dma_start3A_447 : memref<128xi32, #tpu.memory_space<vmem>>) semaphore(%run_scoped3A_444 : memref<!tpu.dma_semaphore, #tpu.memory_space<semaphore_mem>>) {add = true}
        %dma_wait3A_451 = arith.constant 0 : i32
        %dma_wait3A_452 = tpu.memref_slice %arg8[%run_scoped3A_423, %dma_wait3A_451] : memref<2x128xi32, #tpu.memory_space<vmem>> -> memref<1x128xi32, #tpu.memory_space<vmem>>
        %dma_wait3A_453 = tpu.memref_squeeze %dma_wait3A_452 : memref<1x128xi32, #tpu.memory_space<vmem>> -> memref<128xi32, #tpu.memory_space<vmem>>
        %dma_wait3A_454 = arith.constant 0 : i32
        %dma_wait3A_455 = arith.constant 0 : i32
        %dma_wait3A_456 = tpu.memref_slice %arg12[%dma_wait3A_454, %dma_wait3A_455] : memref<10112x128xf32, #tpu.memory_space<vmem_shared>> -> memref<10112x128xf32, #tpu.memory_space<vmem_shared>>
        tpu.wait_indirect_dma semaphore(%run_scoped3A_444 : memref<!tpu.dma_semaphore, #tpu.memory_space<semaphore_mem>>) src(%arg11 : memref<128x128xf32, #tpu.memory_space<vmem>>) dst(%dma_wait3A_456 : memref<10112x128xf32, #tpu.memory_space<vmem_shared>>)
        tpu.yield
      }) : () -> ()
      %add3A_424 = arith.constant 3 : i32
      %add3A_425 = arith.addi %add3A_389, %add3A_424 : i32
      %dma_start3A_426 = arith.constant 0 : i32
      %dma_start3A_427 = arith.constant 0 : i32
      %dma_start3A_428 = arith.constant 0 : i32
      %dma_start3A_429 = tpu.memref_slice %arg3[%add3A, %dma_start3A_426, %dma_start3A_427, %dma_start3A_428] : memref<32x84x2x128xi32, #tpu.memory_space<hbm>> -> memref<1x84x2x128xi32, #tpu.memory_space<hbm>>
      %dma_start3A_430 = tpu.memref_squeeze %dma_start3A_429 : memref<1x84x2x128xi32, #tpu.memory_space<hbm>> -> memref<84x2x128xi32, #tpu.memory_space<hbm>>
      %dma_start3A_431 = arith.constant 0 : i32
      %dma_start3A_432 = arith.constant 0 : i32
      %dma_start3A_433 = tpu.memref_slice %dma_start3A_430[%add3A_425, %dma_start3A_431, %dma_start3A_432] : memref<84x2x128xi32, #tpu.memory_space<hbm>> -> memref<1x2x128xi32, #tpu.memory_space<hbm>>
      %dma_start3A_434 = tpu.memref_squeeze %dma_start3A_433 : memref<1x2x128xi32, #tpu.memory_space<hbm>> -> memref<2x128xi32, #tpu.memory_space<hbm>>
      %dma_start3A_435 = arith.constant 0 : i32
      %dma_start3A_436 = arith.constant 0 : i32
      %dma_start3A_437 = arith.constant 0 : i32
      %dma_start3A_438 = tpu.memref_slice %arg3[%add3A, %dma_start3A_435, %dma_start3A_436, %dma_start3A_437] : memref<32x84x2x128xi32, #tpu.memory_space<hbm>> -> memref<1x84x2x128xi32, #tpu.memory_space<hbm>>
      %dma_start3A_439 = tpu.memref_squeeze %dma_start3A_438 : memref<1x84x2x128xi32, #tpu.memory_space<hbm>> -> memref<84x2x128xi32, #tpu.memory_space<hbm>>
      %dma_start3A_440 = arith.constant 0 : i32
      %dma_start3A_441 = arith.constant 0 : i32
      %dma_start3A_442 = tpu.memref_slice %dma_start3A_439[%add3A_425, %dma_start3A_440, %dma_start3A_441] : memref<84x2x128xi32, #tpu.memory_space<hbm>> -> memref<1x2x128xi32, #tpu.memory_space<hbm>>
      %dma_start3A_443 = tpu.memref_squeeze %dma_start3A_442 : memref<1x2x128xi32, #tpu.memory_space<hbm>> -> memref<2x128xi32, #tpu.memory_space<hbm>>
      tpu.enqueue_dma source(%dma_start3A_443 : memref<2x128xi32, #tpu.memory_space<hbm>>) target(%arg8 : memref<2x128xi32, #tpu.memory_space<vmem>>) target_semaphore(%arg15 : memref<!tpu.dma_semaphore, #tpu.memory_space<semaphore_mem>>)
    }
    %scan3A_114 = arith.constant 25 : i32
    %dma_wait3A_115 = arith.constant 0 : i32
    %dma_wait3A_116 = arith.constant 0 : i32
    %dma_wait3A_117 = tpu.memref_slice %arg6[%dma_wait3A_115, %dma_wait3A_116] : memref<2x128xi32, #tpu.memory_space<vmem>> -> memref<1x128xi32, #tpu.memory_space<vmem>>
    %dma_wait3A_118 = tpu.memref_squeeze %dma_wait3A_117 : memref<1x128xi32, #tpu.memory_space<vmem>> -> memref<128xi32, #tpu.memory_space<vmem>>
    %dma_wait3A_119 = arith.constant 0 : i32
    %dma_wait3A_120 = arith.constant 0 : i32
    %dma_wait3A_121 = tpu.memref_slice %arg2[%dma_wait3A_119, %dma_wait3A_120] : memref<10112x128xf32, #tpu.memory_space<hbm>> -> memref<10112x128xf32, #tpu.memory_space<hbm>>
    tpu.wait_indirect_dma semaphore(%arg16 : memref<!tpu.dma_semaphore, #tpu.memory_space<semaphore_mem>>) src(%dma_wait3A_121 : memref<10112x128xf32, #tpu.memory_space<hbm>>) dst(%arg9 : memref<128x128xf32, #tpu.memory_space<vmem>>)
    %dma_wait3A_122 = arith.constant 0 : i32
    %dma_wait3A_123 = arith.constant 0 : i32
    %dma_wait3A_124 = arith.constant 0 : i32
    %dma_wait3A_125 = arith.constant 0 : i32
    %dma_wait3A_126 = tpu.memref_slice %arg3[%add3A, %dma_wait3A_123, %dma_wait3A_124, %dma_wait3A_125] : memref<32x84x2x128xi32, #tpu.memory_space<hbm>> -> memref<1x84x2x128xi32, #tpu.memory_space<hbm>>
    %dma_wait3A_127 = tpu.memref_squeeze %dma_wait3A_126 : memref<1x84x2x128xi32, #tpu.memory_space<hbm>> -> memref<84x2x128xi32, #tpu.memory_space<hbm>>
    %dma_wait3A_128 = arith.constant 0 : i32
    %dma_wait3A_129 = arith.constant 0 : i32
    %dma_wait3A_130 = tpu.memref_slice %dma_wait3A_127[%dma_wait3A_122, %dma_wait3A_128, %dma_wait3A_129] : memref<84x2x128xi32, #tpu.memory_space<hbm>> -> memref<1x2x128xi32, #tpu.memory_space<hbm>>
    %dma_wait3A_131 = tpu.memref_squeeze %dma_wait3A_130 : memref<1x2x128xi32, #tpu.memory_space<hbm>> -> memref<2x128xi32, #tpu.memory_space<hbm>>
    %dma_wait3A_132 = arith.constant 0 : i32
    %dma_wait3A_133 = arith.constant 0 : i32
    %dma_wait3A_134 = arith.constant 0 : i32
    %dma_wait3A_135 = tpu.memref_slice %arg3[%add3A, %dma_wait3A_132, %dma_wait3A_133, %dma_wait3A_134] : memref<32x84x2x128xi32, #tpu.memory_space<hbm>> -> memref<1x84x2x128xi32, #tpu.memory_space<hbm>>
    %dma_wait3A_136 = tpu.memref_squeeze %dma_wait3A_135 : memref<1x84x2x128xi32, #tpu.memory_space<hbm>> -> memref<84x2x128xi32, #tpu.memory_space<hbm>>
    %dma_wait3A_137 = arith.constant 0 : i32
    %dma_wait3A_138 = arith.constant 0 : i32
    %dma_wait3A_139 = tpu.memref_slice %dma_wait3A_136[%dma_wait3A_122, %dma_wait3A_137, %dma_wait3A_138] : memref<84x2x128xi32, #tpu.memory_space<hbm>> -> memref<1x2x128xi32, #tpu.memory_space<hbm>>
    %dma_wait3A_140 = tpu.memref_squeeze %dma_wait3A_139 : memref<1x2x128xi32, #tpu.memory_space<hbm>> -> memref<2x128xi32, #tpu.memory_space<hbm>>
    tpu.wait_dma2 semaphore(%arg15 : memref<!tpu.dma_semaphore, #tpu.memory_space<semaphore_mem>>) src(%dma_wait3A_140 : memref<2x128xi32, #tpu.memory_space<hbm>>) dst(%arg8 : memref<2x128xi32, #tpu.memory_space<vmem>>)
    %dma_start3A_141 = arith.constant 0 : i32
    %dma_start3A_142 = arith.constant 0 : i32
    %dma_start3A_143 = tpu.memref_slice %arg8[%dma_start3A_141, %dma_start3A_142] : memref<2x128xi32, #tpu.memory_space<vmem>> -> memref<1x128xi32, #tpu.memory_space<vmem>>
    %dma_start3A_144 = tpu.memref_squeeze %dma_start3A_143 : memref<1x128xi32, #tpu.memory_space<vmem>> -> memref<128xi32, #tpu.memory_space<vmem>>
    %dma_start3A_145 = arith.constant 0 : i32
    %dma_start3A_146 = arith.constant 0 : i32
    %dma_start3A_147 = tpu.memref_slice %arg2[%dma_start3A_145, %dma_start3A_146] : memref<10112x128xf32, #tpu.memory_space<hbm>> -> memref<10112x128xf32, #tpu.memory_space<hbm>>
    tpu.enqueue_indirect_dma source(%dma_start3A_147 : memref<10112x128xf32, #tpu.memory_space<hbm>>) target(%arg11 : memref<128x128xf32, #tpu.memory_space<vmem>>) offsets(%dma_start3A_144 : memref<128xi32, #tpu.memory_space<vmem>>) semaphore(%arg18 : memref<!tpu.dma_semaphore, #tpu.memory_space<semaphore_mem>>)
    %run_scoped3A = arith.constant 1 : i32
    "tpu.region"() ({
      %run_scoped3A_273 = tpu.sem_alloc : memref<!tpu.dma_semaphore, #tpu.memory_space<semaphore_mem>>
      %dma_start3A_274 = arith.constant 0 : i32
      %dma_start3A_275 = tpu.memref_slice %arg6[%run_scoped3A, %dma_start3A_274] : memref<2x128xi32, #tpu.memory_space<vmem>> -> memref<1x128xi32, #tpu.memory_space<vmem>>
      %dma_start3A_276 = tpu.memref_squeeze %dma_start3A_275 : memref<1x128xi32, #tpu.memory_space<vmem>> -> memref<128xi32, #tpu.memory_space<vmem>>
      %dma_start3A_277 = arith.constant 0 : i32
      %dma_start3A_278 = arith.constant 0 : i32
      %dma_start3A_279 = tpu.memref_slice %arg12[%dma_start3A_277, %dma_start3A_278] : memref<10112x128xf32, #tpu.memory_space<vmem_shared>> -> memref<10112x128xf32, #tpu.memory_space<vmem_shared>>
      tpu.enqueue_indirect_dma source(%arg9 : memref<128x128xf32, #tpu.memory_space<vmem>>) target(%dma_start3A_279 : memref<10112x128xf32, #tpu.memory_space<vmem_shared>>) offsets(%dma_start3A_276 : memref<128xi32, #tpu.memory_space<vmem>>) semaphore(%run_scoped3A_273 : memref<!tpu.dma_semaphore, #tpu.memory_space<semaphore_mem>>) {add = true}
      %dma_wait3A_280 = arith.constant 0 : i32
      %dma_wait3A_281 = tpu.memref_slice %arg6[%run_scoped3A, %dma_wait3A_280] : memref<2x128xi32, #tpu.memory_space<vmem>> -> memref<1x128xi32, #tpu.memory_space<vmem>>
      %dma_wait3A_282 = tpu.memref_squeeze %dma_wait3A_281 : memref<1x128xi32, #tpu.memory_space<vmem>> -> memref<128xi32, #tpu.memory_space<vmem>>
      %dma_wait3A_283 = arith.constant 0 : i32
      %dma_wait3A_284 = arith.constant 0 : i32
      %dma_wait3A_285 = tpu.memref_slice %arg12[%dma_wait3A_283, %dma_wait3A_284] : memref<10112x128xf32, #tpu.memory_space<vmem_shared>> -> memref<10112x128xf32, #tpu.memory_space<vmem_shared>>
      tpu.wait_indirect_dma semaphore(%run_scoped3A_273 : memref<!tpu.dma_semaphore, #tpu.memory_space<semaphore_mem>>) src(%arg9 : memref<128x128xf32, #tpu.memory_space<vmem>>) dst(%dma_wait3A_285 : memref<10112x128xf32, #tpu.memory_space<vmem_shared>>)
      tpu.yield
    }) : () -> ()
    %dma_start3A_148 = arith.constant 78 : i32
    %dma_start3A_149 = arith.constant 0 : i32
    %dma_start3A_150 = arith.constant 0 : i32
    %dma_start3A_151 = arith.constant 0 : i32
    %dma_start3A_152 = tpu.memref_slice %arg3[%add3A, %dma_start3A_149, %dma_start3A_150, %dma_start3A_151] : memref<32x84x2x128xi32, #tpu.memory_space<hbm>> -> memref<1x84x2x128xi32, #tpu.memory_space<hbm>>
    %dma_start3A_153 = tpu.memref_squeeze %dma_start3A_152 : memref<1x84x2x128xi32, #tpu.memory_space<hbm>> -> memref<84x2x128xi32, #tpu.memory_space<hbm>>
    %dma_start3A_154 = arith.constant 0 : i32
    %dma_start3A_155 = arith.constant 0 : i32
    %dma_start3A_156 = tpu.memref_slice %dma_start3A_153[%dma_start3A_148, %dma_start3A_154, %dma_start3A_155] : memref<84x2x128xi32, #tpu.memory_space<hbm>> -> memref<1x2x128xi32, #tpu.memory_space<hbm>>
    %dma_start3A_157 = tpu.memref_squeeze %dma_start3A_156 : memref<1x2x128xi32, #tpu.memory_space<hbm>> -> memref<2x128xi32, #tpu.memory_space<hbm>>
    %dma_start3A_158 = arith.constant 0 : i32
    %dma_start3A_159 = arith.constant 0 : i32
    %dma_start3A_160 = arith.constant 0 : i32
    %dma_start3A_161 = tpu.memref_slice %arg3[%add3A, %dma_start3A_158, %dma_start3A_159, %dma_start3A_160] : memref<32x84x2x128xi32, #tpu.memory_space<hbm>> -> memref<1x84x2x128xi32, #tpu.memory_space<hbm>>
    %dma_start3A_162 = tpu.memref_squeeze %dma_start3A_161 : memref<1x84x2x128xi32, #tpu.memory_space<hbm>> -> memref<84x2x128xi32, #tpu.memory_space<hbm>>
    %dma_start3A_163 = arith.constant 0 : i32
    %dma_start3A_164 = arith.constant 0 : i32
    %dma_start3A_165 = tpu.memref_slice %dma_start3A_162[%dma_start3A_148, %dma_start3A_163, %dma_start3A_164] : memref<84x2x128xi32, #tpu.memory_space<hbm>> -> memref<1x2x128xi32, #tpu.memory_space<hbm>>
    %dma_start3A_166 = tpu.memref_squeeze %dma_start3A_165 : memref<1x2x128xi32, #tpu.memory_space<hbm>> -> memref<2x128xi32, #tpu.memory_space<hbm>>
    tpu.enqueue_dma source(%dma_start3A_166 : memref<2x128xi32, #tpu.memory_space<hbm>>) target(%arg6 : memref<2x128xi32, #tpu.memory_space<vmem>>) target_semaphore(%arg13 : memref<!tpu.dma_semaphore, #tpu.memory_space<semaphore_mem>>)
    %dma_wait3A_167 = arith.constant 0 : i32
    %dma_wait3A_168 = arith.constant 0 : i32
    %dma_wait3A_169 = tpu.memref_slice %arg7[%dma_wait3A_167, %dma_wait3A_168] : memref<2x128xi32, #tpu.memory_space<vmem>> -> memref<1x128xi32, #tpu.memory_space<vmem>>
    %dma_wait3A_170 = tpu.memref_squeeze %dma_wait3A_169 : memref<1x128xi32, #tpu.memory_space<vmem>> -> memref<128xi32, #tpu.memory_space<vmem>>
    %dma_wait3A_171 = arith.constant 0 : i32
    %dma_wait3A_172 = arith.constant 0 : i32
    %dma_wait3A_173 = tpu.memref_slice %arg2[%dma_wait3A_171, %dma_wait3A_172] : memref<10112x128xf32, #tpu.memory_space<hbm>> -> memref<10112x128xf32, #tpu.memory_space<hbm>>
    tpu.wait_indirect_dma semaphore(%arg17 : memref<!tpu.dma_semaphore, #tpu.memory_space<semaphore_mem>>) src(%dma_wait3A_173 : memref<10112x128xf32, #tpu.memory_space<hbm>>) dst(%arg10 : memref<128x128xf32, #tpu.memory_space<vmem>>)
    %dma_wait3A_174 = arith.constant 0 : i32
    %dma_wait3A_175 = arith.constant 0 : i32
    %dma_wait3A_176 = arith.constant 0 : i32
    %dma_wait3A_177 = arith.constant 0 : i32
    %dma_wait3A_178 = tpu.memref_slice %arg3[%add3A, %dma_wait3A_175, %dma_wait3A_176, %dma_wait3A_177] : memref<32x84x2x128xi32, #tpu.memory_space<hbm>> -> memref<1x84x2x128xi32, #tpu.memory_space<hbm>>
    %dma_wait3A_179 = tpu.memref_squeeze %dma_wait3A_178 : memref<1x84x2x128xi32, #tpu.memory_space<hbm>> -> memref<84x2x128xi32, #tpu.memory_space<hbm>>
    %dma_wait3A_180 = arith.constant 0 : i32
    %dma_wait3A_181 = arith.constant 0 : i32
    %dma_wait3A_182 = tpu.memref_slice %dma_wait3A_179[%dma_wait3A_174, %dma_wait3A_180, %dma_wait3A_181] : memref<84x2x128xi32, #tpu.memory_space<hbm>> -> memref<1x2x128xi32, #tpu.memory_space<hbm>>
    %dma_wait3A_183 = tpu.memref_squeeze %dma_wait3A_182 : memref<1x2x128xi32, #tpu.memory_space<hbm>> -> memref<2x128xi32, #tpu.memory_space<hbm>>
    %dma_wait3A_184 = arith.constant 0 : i32
    %dma_wait3A_185 = arith.constant 0 : i32
    %dma_wait3A_186 = arith.constant 0 : i32
    %dma_wait3A_187 = tpu.memref_slice %arg3[%add3A, %dma_wait3A_184, %dma_wait3A_185, %dma_wait3A_186] : memref<32x84x2x128xi32, #tpu.memory_space<hbm>> -> memref<1x84x2x128xi32, #tpu.memory_space<hbm>>
    %dma_wait3A_188 = tpu.memref_squeeze %dma_wait3A_187 : memref<1x84x2x128xi32, #tpu.memory_space<hbm>> -> memref<84x2x128xi32, #tpu.memory_space<hbm>>
    %dma_wait3A_189 = arith.constant 0 : i32
    %dma_wait3A_190 = arith.constant 0 : i32
    %dma_wait3A_191 = tpu.memref_slice %dma_wait3A_188[%dma_wait3A_174, %dma_wait3A_189, %dma_wait3A_190] : memref<84x2x128xi32, #tpu.memory_space<hbm>> -> memref<1x2x128xi32, #tpu.memory_space<hbm>>
    %dma_wait3A_192 = tpu.memref_squeeze %dma_wait3A_191 : memref<1x2x128xi32, #tpu.memory_space<hbm>> -> memref<2x128xi32, #tpu.memory_space<hbm>>
    tpu.wait_dma2 semaphore(%arg13 : memref<!tpu.dma_semaphore, #tpu.memory_space<semaphore_mem>>) src(%dma_wait3A_192 : memref<2x128xi32, #tpu.memory_space<hbm>>) dst(%arg6 : memref<2x128xi32, #tpu.memory_space<vmem>>)
    %dma_start3A_193 = arith.constant 0 : i32
    %dma_start3A_194 = arith.constant 0 : i32
    %dma_start3A_195 = tpu.memref_slice %arg6[%dma_start3A_193, %dma_start3A_194] : memref<2x128xi32, #tpu.memory_space<vmem>> -> memref<1x128xi32, #tpu.memory_space<vmem>>
    %dma_start3A_196 = tpu.memref_squeeze %dma_start3A_195 : memref<1x128xi32, #tpu.memory_space<vmem>> -> memref<128xi32, #tpu.memory_space<vmem>>
    %dma_start3A_197 = arith.constant 0 : i32
    %dma_start3A_198 = arith.constant 0 : i32
    %dma_start3A_199 = tpu.memref_slice %arg2[%dma_start3A_197, %dma_start3A_198] : memref<10112x128xf32, #tpu.memory_space<hbm>> -> memref<10112x128xf32, #tpu.memory_space<hbm>>
    tpu.enqueue_indirect_dma source(%dma_start3A_199 : memref<10112x128xf32, #tpu.memory_space<hbm>>) target(%arg9 : memref<128x128xf32, #tpu.memory_space<vmem>>) offsets(%dma_start3A_196 : memref<128xi32, #tpu.memory_space<vmem>>) semaphore(%arg16 : memref<!tpu.dma_semaphore, #tpu.memory_space<semaphore_mem>>)
    %run_scoped3A_200 = arith.constant 1 : i32
    "tpu.region"() ({
      %run_scoped3A_273 = tpu.sem_alloc : memref<!tpu.dma_semaphore, #tpu.memory_space<semaphore_mem>>
      %dma_start3A_274 = arith.constant 0 : i32
      %dma_start3A_275 = tpu.memref_slice %arg7[%run_scoped3A_200, %dma_start3A_274] : memref<2x128xi32, #tpu.memory_space<vmem>> -> memref<1x128xi32, #tpu.memory_space<vmem>>
      %dma_start3A_276 = tpu.memref_squeeze %dma_start3A_275 : memref<1x128xi32, #tpu.memory_space<vmem>> -> memref<128xi32, #tpu.memory_space<vmem>>
      %dma_start3A_277 = arith.constant 0 : i32
      %dma_start3A_278 = arith.constant 0 : i32
      %dma_start3A_279 = tpu.memref_slice %arg12[%dma_start3A_277, %dma_start3A_278] : memref<10112x128xf32, #tpu.memory_space<vmem_shared>> -> memref<10112x128xf32, #tpu.memory_space<vmem_shared>>
      tpu.enqueue_indirect_dma source(%arg10 : memref<128x128xf32, #tpu.memory_space<vmem>>) target(%dma_start3A_279 : memref<10112x128xf32, #tpu.memory_space<vmem_shared>>) offsets(%dma_start3A_276 : memref<128xi32, #tpu.memory_space<vmem>>) semaphore(%run_scoped3A_273 : memref<!tpu.dma_semaphore, #tpu.memory_space<semaphore_mem>>) {add = true}
      %dma_wait3A_280 = arith.constant 0 : i32
      %dma_wait3A_281 = tpu.memref_slice %arg7[%run_scoped3A_200, %dma_wait3A_280] : memref<2x128xi32, #tpu.memory_space<vmem>> -> memref<1x128xi32, #tpu.memory_space<vmem>>
      %dma_wait3A_282 = tpu.memref_squeeze %dma_wait3A_281 : memref<1x128xi32, #tpu.memory_space<vmem>> -> memref<128xi32, #tpu.memory_space<vmem>>
      %dma_wait3A_283 = arith.constant 0 : i32
      %dma_wait3A_284 = arith.constant 0 : i32
      %dma_wait3A_285 = tpu.memref_slice %arg12[%dma_wait3A_283, %dma_wait3A_284] : memref<10112x128xf32, #tpu.memory_space<vmem_shared>> -> memref<10112x128xf32, #tpu.memory_space<vmem_shared>>
      tpu.wait_indirect_dma semaphore(%run_scoped3A_273 : memref<!tpu.dma_semaphore, #tpu.memory_space<semaphore_mem>>) src(%arg10 : memref<128x128xf32, #tpu.memory_space<vmem>>) dst(%dma_wait3A_285 : memref<10112x128xf32, #tpu.memory_space<vmem_shared>>)
      tpu.yield
    }) : () -> ()
    %dma_start3A_201 = arith.constant 79 : i32
    %dma_start3A_202 = arith.constant 0 : i32
    %dma_start3A_203 = arith.constant 0 : i32
    %dma_start3A_204 = arith.constant 0 : i32
    %dma_start3A_205 = tpu.memref_slice %arg3[%add3A, %dma_start3A_202, %dma_start3A_203, %dma_start3A_204] : memref<32x84x2x128xi32, #tpu.memory_space<hbm>> -> memref<1x84x2x128xi32, #tpu.memory_space<hbm>>
    %dma_start3A_206 = tpu.memref_squeeze %dma_start3A_205 : memref<1x84x2x128xi32, #tpu.memory_space<hbm>> -> memref<84x2x128xi32, #tpu.memory_space<hbm>>
    %dma_start3A_207 = arith.constant 0 : i32
    %dma_start3A_208 = arith.constant 0 : i32
    %dma_start3A_209 = tpu.memref_slice %dma_start3A_206[%dma_start3A_201, %dma_start3A_207, %dma_start3A_208] : memref<84x2x128xi32, #tpu.memory_space<hbm>> -> memref<1x2x128xi32, #tpu.memory_space<hbm>>
    %dma_start3A_210 = tpu.memref_squeeze %dma_start3A_209 : memref<1x2x128xi32, #tpu.memory_space<hbm>> -> memref<2x128xi32, #tpu.memory_space<hbm>>
    %dma_start3A_211 = arith.constant 0 : i32
    %dma_start3A_212 = arith.constant 0 : i32
    %dma_start3A_213 = arith.constant 0 : i32
    %dma_start3A_214 = tpu.memref_slice %arg3[%add3A, %dma_start3A_211, %dma_start3A_212, %dma_start3A_213] : memref<32x84x2x128xi32, #tpu.memory_space<hbm>> -> memref<1x84x2x128xi32, #tpu.memory_space<hbm>>
    %dma_start3A_215 = tpu.memref_squeeze %dma_start3A_214 : memref<1x84x2x128xi32, #tpu.memory_space<hbm>> -> memref<84x2x128xi32, #tpu.memory_space<hbm>>
    %dma_start3A_216 = arith.constant 0 : i32
    %dma_start3A_217 = arith.constant 0 : i32
    %dma_start3A_218 = tpu.memref_slice %dma_start3A_215[%dma_start3A_201, %dma_start3A_216, %dma_start3A_217] : memref<84x2x128xi32, #tpu.memory_space<hbm>> -> memref<1x2x128xi32, #tpu.memory_space<hbm>>
    %dma_start3A_219 = tpu.memref_squeeze %dma_start3A_218 : memref<1x2x128xi32, #tpu.memory_space<hbm>> -> memref<2x128xi32, #tpu.memory_space<hbm>>
    tpu.enqueue_dma source(%dma_start3A_219 : memref<2x128xi32, #tpu.memory_space<hbm>>) target(%arg7 : memref<2x128xi32, #tpu.memory_space<vmem>>) target_semaphore(%arg14 : memref<!tpu.dma_semaphore, #tpu.memory_space<semaphore_mem>>)
    %dma_wait3A_220 = arith.constant 0 : i32
    %dma_wait3A_221 = arith.constant 0 : i32
    %dma_wait3A_222 = tpu.memref_slice %arg8[%dma_wait3A_220, %dma_wait3A_221] : memref<2x128xi32, #tpu.memory_space<vmem>> -> memref<1x128xi32, #tpu.memory_space<vmem>>
    %dma_wait3A_223 = tpu.memref_squeeze %dma_wait3A_222 : memref<1x128xi32, #tpu.memory_space<vmem>> -> memref<128xi32, #tpu.memory_space<vmem>>
    %dma_wait3A_224 = arith.constant 0 : i32
    %dma_wait3A_225 = arith.constant 0 : i32
    %dma_wait3A_226 = tpu.memref_slice %arg2[%dma_wait3A_224, %dma_wait3A_225] : memref<10112x128xf32, #tpu.memory_space<hbm>> -> memref<10112x128xf32, #tpu.memory_space<hbm>>
    tpu.wait_indirect_dma semaphore(%arg18 : memref<!tpu.dma_semaphore, #tpu.memory_space<semaphore_mem>>) src(%dma_wait3A_226 : memref<10112x128xf32, #tpu.memory_space<hbm>>) dst(%arg11 : memref<128x128xf32, #tpu.memory_space<vmem>>)
    %dma_wait3A_227 = arith.constant 0 : i32
    %dma_wait3A_228 = arith.constant 0 : i32
    %dma_wait3A_229 = arith.constant 0 : i32
    %dma_wait3A_230 = arith.constant 0 : i32
    %dma_wait3A_231 = tpu.memref_slice %arg3[%add3A, %dma_wait3A_228, %dma_wait3A_229, %dma_wait3A_230] : memref<32x84x2x128xi32, #tpu.memory_space<hbm>> -> memref<1x84x2x128xi32, #tpu.memory_space<hbm>>
    %dma_wait3A_232 = tpu.memref_squeeze %dma_wait3A_231 : memref<1x84x2x128xi32, #tpu.memory_space<hbm>> -> memref<84x2x128xi32, #tpu.memory_space<hbm>>
    %dma_wait3A_233 = arith.constant 0 : i32
    %dma_wait3A_234 = arith.constant 0 : i32
    %dma_wait3A_235 = tpu.memref_slice %dma_wait3A_232[%dma_wait3A_227, %dma_wait3A_233, %dma_wait3A_234] : memref<84x2x128xi32, #tpu.memory_space<hbm>> -> memref<1x2x128xi32, #tpu.memory_space<hbm>>
    %dma_wait3A_236 = tpu.memref_squeeze %dma_wait3A_235 : memref<1x2x128xi32, #tpu.memory_space<hbm>> -> memref<2x128xi32, #tpu.memory_space<hbm>>
    %dma_wait3A_237 = arith.constant 0 : i32
    %dma_wait3A_238 = arith.constant 0 : i32
    %dma_wait3A_239 = arith.constant 0 : i32
    %dma_wait3A_240 = tpu.memref_slice %arg3[%add3A, %dma_wait3A_237, %dma_wait3A_238, %dma_wait3A_239] : memref<32x84x2x128xi32, #tpu.memory_space<hbm>> -> memref<1x84x2x128xi32, #tpu.memory_space<hbm>>
    %dma_wait3A_241 = tpu.memref_squeeze %dma_wait3A_240 : memref<1x84x2x128xi32, #tpu.memory_space<hbm>> -> memref<84x2x128xi32, #tpu.memory_space<hbm>>
    %dma_wait3A_242 = arith.constant 0 : i32
    %dma_wait3A_243 = arith.constant 0 : i32
    %dma_wait3A_244 = tpu.memref_slice %dma_wait3A_241[%dma_wait3A_227, %dma_wait3A_242, %dma_wait3A_243] : memref<84x2x128xi32, #tpu.memory_space<hbm>> -> memref<1x2x128xi32, #tpu.memory_space<hbm>>
    %dma_wait3A_245 = tpu.memref_squeeze %dma_wait3A_244 : memref<1x2x128xi32, #tpu.memory_space<hbm>> -> memref<2x128xi32, #tpu.memory_space<hbm>>
    tpu.wait_dma2 semaphore(%arg14 : memref<!tpu.dma_semaphore, #tpu.memory_space<semaphore_mem>>) src(%dma_wait3A_245 : memref<2x128xi32, #tpu.memory_space<hbm>>) dst(%arg7 : memref<2x128xi32, #tpu.memory_space<vmem>>)
    %dma_start3A_246 = arith.constant 0 : i32
    %dma_start3A_247 = arith.constant 0 : i32
    %dma_start3A_248 = tpu.memref_slice %arg7[%dma_start3A_246, %dma_start3A_247] : memref<2x128xi32, #tpu.memory_space<vmem>> -> memref<1x128xi32, #tpu.memory_space<vmem>>
    %dma_start3A_249 = tpu.memref_squeeze %dma_start3A_248 : memref<1x128xi32, #tpu.memory_space<vmem>> -> memref<128xi32, #tpu.memory_space<vmem>>
    %dma_start3A_250 = arith.constant 0 : i32
    %dma_start3A_251 = arith.constant 0 : i32
    %dma_start3A_252 = tpu.memref_slice %arg2[%dma_start3A_250, %dma_start3A_251] : memref<10112x128xf32, #tpu.memory_space<hbm>> -> memref<10112x128xf32, #tpu.memory_space<hbm>>
    tpu.enqueue_indirect_dma source(%dma_start3A_252 : memref<10112x128xf32, #tpu.memory_space<hbm>>) target(%arg10 : memref<128x128xf32, #tpu.memory_space<vmem>>) offsets(%dma_start3A_249 : memref<128xi32, #tpu.memory_space<vmem>>) semaphore(%arg17 : memref<!tpu.dma_semaphore, #tpu.memory_space<semaphore_mem>>)
    %run_scoped3A_253 = arith.constant 1 : i32
    "tpu.region"() ({
      %run_scoped3A_273 = tpu.sem_alloc : memref<!tpu.dma_semaphore, #tpu.memory_space<semaphore_mem>>
      %dma_start3A_274 = arith.constant 0 : i32
      %dma_start3A_275 = tpu.memref_slice %arg8[%run_scoped3A_253, %dma_start3A_274] : memref<2x128xi32, #tpu.memory_space<vmem>> -> memref<1x128xi32, #tpu.memory_space<vmem>>
      %dma_start3A_276 = tpu.memref_squeeze %dma_start3A_275 : memref<1x128xi32, #tpu.memory_space<vmem>> -> memref<128xi32, #tpu.memory_space<vmem>>
      %dma_start3A_277 = arith.constant 0 : i32
      %dma_start3A_278 = arith.constant 0 : i32
      %dma_start3A_279 = tpu.memref_slice %arg12[%dma_start3A_277, %dma_start3A_278] : memref<10112x128xf32, #tpu.memory_space<vmem_shared>> -> memref<10112x128xf32, #tpu.memory_space<vmem_shared>>
      tpu.enqueue_indirect_dma source(%arg11 : memref<128x128xf32, #tpu.memory_space<vmem>>) target(%dma_start3A_279 : memref<10112x128xf32, #tpu.memory_space<vmem_shared>>) offsets(%dma_start3A_276 : memref<128xi32, #tpu.memory_space<vmem>>) semaphore(%run_scoped3A_273 : memref<!tpu.dma_semaphore, #tpu.memory_space<semaphore_mem>>) {add = true}
      %dma_wait3A_280 = arith.constant 0 : i32
      %dma_wait3A_281 = tpu.memref_slice %arg8[%run_scoped3A_253, %dma_wait3A_280] : memref<2x128xi32, #tpu.memory_space<vmem>> -> memref<1x128xi32, #tpu.memory_space<vmem>>
      %dma_wait3A_282 = tpu.memref_squeeze %dma_wait3A_281 : memref<1x128xi32, #tpu.memory_space<vmem>> -> memref<128xi32, #tpu.memory_space<vmem>>
      %dma_wait3A_283 = arith.constant 0 : i32
      %dma_wait3A_284 = arith.constant 0 : i32
      %dma_wait3A_285 = tpu.memref_slice %arg12[%dma_wait3A_283, %dma_wait3A_284] : memref<10112x128xf32, #tpu.memory_space<vmem_shared>> -> memref<10112x128xf32, #tpu.memory_space<vmem_shared>>
      tpu.wait_indirect_dma semaphore(%run_scoped3A_273 : memref<!tpu.dma_semaphore, #tpu.memory_space<semaphore_mem>>) src(%arg11 : memref<128x128xf32, #tpu.memory_space<vmem>>) dst(%dma_wait3A_285 : memref<10112x128xf32, #tpu.memory_space<vmem_shared>>)
      tpu.yield
    }) : () -> ()
    %dma_wait3A_254 = arith.constant 0 : i32
    %dma_wait3A_255 = arith.constant 0 : i32
    %dma_wait3A_256 = tpu.memref_slice %arg6[%dma_wait3A_254, %dma_wait3A_255] : memref<2x128xi32, #tpu.memory_space<vmem>> -> memref<1x128xi32, #tpu.memory_space<vmem>>
    %dma_wait3A_257 = tpu.memref_squeeze %dma_wait3A_256 : memref<1x128xi32, #tpu.memory_space<vmem>> -> memref<128xi32, #tpu.memory_space<vmem>>
    %dma_wait3A_258 = arith.constant 0 : i32
    %dma_wait3A_259 = arith.constant 0 : i32
    %dma_wait3A_260 = tpu.memref_slice %arg2[%dma_wait3A_258, %dma_wait3A_259] : memref<10112x128xf32, #tpu.memory_space<hbm>> -> memref<10112x128xf32, #tpu.memory_space<hbm>>
    tpu.wait_indirect_dma semaphore(%arg16 : memref<!tpu.dma_semaphore, #tpu.memory_space<semaphore_mem>>) src(%dma_wait3A_260 : memref<10112x128xf32, #tpu.memory_space<hbm>>) dst(%arg9 : memref<128x128xf32, #tpu.memory_space<vmem>>)
    %run_scoped3A_261 = arith.constant 1 : i32
    "tpu.region"() ({
      %run_scoped3A_273 = tpu.sem_alloc : memref<!tpu.dma_semaphore, #tpu.memory_space<semaphore_mem>>
      %dma_start3A_274 = arith.constant 0 : i32
      %dma_start3A_275 = tpu.memref_slice %arg6[%run_scoped3A_261, %dma_start3A_274] : memref<2x128xi32, #tpu.memory_space<vmem>> -> memref<1x128xi32, #tpu.memory_space<vmem>>
      %dma_start3A_276 = tpu.memref_squeeze %dma_start3A_275 : memref<1x128xi32, #tpu.memory_space<vmem>> -> memref<128xi32, #tpu.memory_space<vmem>>
      %dma_start3A_277 = arith.constant 0 : i32
      %dma_start3A_278 = arith.constant 0 : i32
      %dma_start3A_279 = tpu.memref_slice %arg12[%dma_start3A_277, %dma_start3A_278] : memref<10112x128xf32, #tpu.memory_space<vmem_shared>> -> memref<10112x128xf32, #tpu.memory_space<vmem_shared>>
      tpu.enqueue_indirect_dma source(%arg9 : memref<128x128xf32, #tpu.memory_space<vmem>>) target(%dma_start3A_279 : memref<10112x128xf32, #tpu.memory_space<vmem_shared>>) offsets(%dma_start3A_276 : memref<128xi32, #tpu.memory_space<vmem>>) semaphore(%run_scoped3A_273 : memref<!tpu.dma_semaphore, #tpu.memory_space<semaphore_mem>>) {add = true}
      %dma_wait3A_280 = arith.constant 0 : i32
      %dma_wait3A_281 = tpu.memref_slice %arg6[%run_scoped3A_261, %dma_wait3A_280] : memref<2x128xi32, #tpu.memory_space<vmem>> -> memref<1x128xi32, #tpu.memory_space<vmem>>
      %dma_wait3A_282 = tpu.memref_squeeze %dma_wait3A_281 : memref<1x128xi32, #tpu.memory_space<vmem>> -> memref<128xi32, #tpu.memory_space<vmem>>
      %dma_wait3A_283 = arith.constant 0 : i32
      %dma_wait3A_284 = arith.constant 0 : i32
      %dma_wait3A_285 = tpu.memref_slice %arg12[%dma_wait3A_283, %dma_wait3A_284] : memref<10112x128xf32, #tpu.memory_space<vmem_shared>> -> memref<10112x128xf32, #tpu.memory_space<vmem_shared>>
      tpu.wait_indirect_dma semaphore(%run_scoped3A_273 : memref<!tpu.dma_semaphore, #tpu.memory_space<semaphore_mem>>) src(%arg9 : memref<128x128xf32, #tpu.memory_space<vmem>>) dst(%dma_wait3A_285 : memref<10112x128xf32, #tpu.memory_space<vmem_shared>>)
      tpu.yield
    }) : () -> ()
    %dma_wait3A_262 = arith.constant 0 : i32
    %dma_wait3A_263 = arith.constant 0 : i32
    %dma_wait3A_264 = tpu.memref_slice %arg7[%dma_wait3A_262, %dma_wait3A_263] : memref<2x128xi32, #tpu.memory_space<vmem>> -> memref<1x128xi32, #tpu.memory_space<vmem>>
    %dma_wait3A_265 = tpu.memref_squeeze %dma_wait3A_264 : memref<1x128xi32, #tpu.memory_space<vmem>> -> memref<128xi32, #tpu.memory_space<vmem>>
    %dma_wait3A_266 = arith.constant 0 : i32
    %dma_wait3A_267 = arith.constant 0 : i32
    %dma_wait3A_268 = tpu.memref_slice %arg2[%dma_wait3A_266, %dma_wait3A_267] : memref<10112x128xf32, #tpu.memory_space<hbm>> -> memref<10112x128xf32, #tpu.memory_space<hbm>>
    tpu.wait_indirect_dma semaphore(%arg17 : memref<!tpu.dma_semaphore, #tpu.memory_space<semaphore_mem>>) src(%dma_wait3A_268 : memref<10112x128xf32, #tpu.memory_space<hbm>>) dst(%arg10 : memref<128x128xf32, #tpu.memory_space<vmem>>)
    %run_scoped3A_269 = arith.constant 1 : i32
    "tpu.region"() ({
      %run_scoped3A_273 = tpu.sem_alloc : memref<!tpu.dma_semaphore, #tpu.memory_space<semaphore_mem>>
      %dma_start3A_274 = arith.constant 0 : i32
      %dma_start3A_275 = tpu.memref_slice %arg7[%run_scoped3A_269, %dma_start3A_274] : memref<2x128xi32, #tpu.memory_space<vmem>> -> memref<1x128xi32, #tpu.memory_space<vmem>>
      %dma_start3A_276 = tpu.memref_squeeze %dma_start3A_275 : memref<1x128xi32, #tpu.memory_space<vmem>> -> memref<128xi32, #tpu.memory_space<vmem>>
      %dma_start3A_277 = arith.constant 0 : i32
      %dma_start3A_278 = arith.constant 0 : i32
      %dma_start3A_279 = tpu.memref_slice %arg12[%dma_start3A_277, %dma_start3A_278] : memref<10112x128xf32, #tpu.memory_space<vmem_shared>> -> memref<10112x128xf32, #tpu.memory_space<vmem_shared>>
      tpu.enqueue_indirect_dma source(%arg10 : memref<128x128xf32, #tpu.memory_space<vmem>>) target(%dma_start3A_279 : memref<10112x128xf32, #tpu.memory_space<vmem_shared>>) offsets(%dma_start3A_276 : memref<128xi32, #tpu.memory_space<vmem>>) semaphore(%run_scoped3A_273 : memref<!tpu.dma_semaphore, #tpu.memory_space<semaphore_mem>>) {add = true}
      %dma_wait3A_280 = arith.constant 0 : i32
      %dma_wait3A_281 = tpu.memref_slice %arg7[%run_scoped3A_269, %dma_wait3A_280] : memref<2x128xi32, #tpu.memory_space<vmem>> -> memref<1x128xi32, #tpu.memory_space<vmem>>
      %dma_wait3A_282 = tpu.memref_squeeze %dma_wait3A_281 : memref<1x128xi32, #tpu.memory_space<vmem>> -> memref<128xi32, #tpu.memory_space<vmem>>
      %dma_wait3A_283 = arith.constant 0 : i32
      %dma_wait3A_284 = arith.constant 0 : i32
      %dma_wait3A_285 = tpu.memref_slice %arg12[%dma_wait3A_283, %dma_wait3A_284] : memref<10112x128xf32, #tpu.memory_space<vmem_shared>> -> memref<10112x128xf32, #tpu.memory_space<vmem_shared>>
      tpu.wait_indirect_dma semaphore(%run_scoped3A_273 : memref<!tpu.dma_semaphore, #tpu.memory_space<semaphore_mem>>) src(%arg10 : memref<128x128xf32, #tpu.memory_space<vmem>>) dst(%dma_wait3A_285 : memref<10112x128xf32, #tpu.memory_space<vmem_shared>>)
      tpu.yield
    }) : () -> ()
    %barrier3A_270 = arith.constant 0 : index
    tpu.barrier barrier_id(%barrier3A_270)
    %mul3A_271 = arith.constant 632 : i32
    %mul3A_272 = arith.muli %arg1, %mul3A_271 : i32
    "tpu.region"() ({
      %run_scoped3A_273 = tpu.sem_alloc : memref<!tpu.dma_semaphore, #tpu.memory_space<semaphore_mem>>
      %dma_start3A_274 = arith.constant 0 : i32
      %dma_start3A_275 = arith.constant 0 : i32
      %dma_start3A_276 = tpu.memref_slice %arg5[%arg0, %dma_start3A_274, %dma_start3A_275] : memref<2x10112x128xf32, #tpu.memory_space<hbm>> -> memref<1x10112x128xf32, #tpu.memory_space<hbm>>
      %dma_start3A_277 = tpu.memref_squeeze %dma_start3A_276 : memref<1x10112x128xf32, #tpu.memory_space<hbm>> -> memref<10112x128xf32, #tpu.memory_space<hbm>>
      %dma_start3A_278 = arith.constant 0 : i32
      %dma_start3A_279 = tpu.memref_slice %dma_start3A_277[%mul3A_272, %dma_start3A_278] : memref<10112x128xf32, #tpu.memory_space<hbm>> -> memref<632x128xf32, #tpu.memory_space<hbm>>
      %dma_start3A_280 = arith.constant 0 : i32
      %dma_start3A_281 = tpu.memref_slice %arg12[%mul3A_272, %dma_start3A_280] : memref<10112x128xf32, #tpu.memory_space<vmem_shared>> -> memref<632x128xf32, #tpu.memory_space<vmem_shared>>
      tpu.enqueue_dma source(%dma_start3A_281 : memref<632x128xf32, #tpu.memory_space<vmem_shared>>) target(%dma_start3A_279 : memref<632x128xf32, #tpu.memory_space<hbm>>) target_semaphore(%run_scoped3A_273 : memref<!tpu.dma_semaphore, #tpu.memory_space<semaphore_mem>>)
      %dma_wait3A_282 = arith.constant 0 : i32
      %dma_wait3A_283 = arith.constant 0 : i32
      %dma_wait3A_284 = tpu.memref_slice %arg5[%arg0, %dma_wait3A_282, %dma_wait3A_283] : memref<2x10112x128xf32, #tpu.memory_space<hbm>> -> memref<1x10112x128xf32, #tpu.memory_space<hbm>>
      %dma_wait3A_285 = tpu.memref_squeeze %dma_wait3A_284 : memref<1x10112x128xf32, #tpu.memory_space<hbm>> -> memref<10112x128xf32, #tpu.memory_space<hbm>>
      %dma_wait3A_286 = arith.constant 0 : i32
      %dma_wait3A_287 = tpu.memref_slice %dma_wait3A_285[%mul3A_272, %dma_wait3A_286] : memref<10112x128xf32, #tpu.memory_space<hbm>> -> memref<632x128xf32, #tpu.memory_space<hbm>>
      %dma_wait3A_288 = arith.constant 0 : i32
      %dma_wait3A_289 = tpu.memref_slice %arg12[%mul3A_272, %dma_wait3A_288] : memref<10112x128xf32, #tpu.memory_space<vmem_shared>> -> memref<632x128xf32, #tpu.memory_space<vmem_shared>>
      tpu.wait_dma2 semaphore(%run_scoped3A_273 : memref<!tpu.dma_semaphore, #tpu.memory_space<semaphore_mem>>) src(%dma_wait3A_289 : memref<632x128xf32, #tpu.memory_space<vmem_shared>>) dst(%dma_wait3A_287 : memref<632x128xf32, #tpu.memory_space<hbm>>)
      tpu.yield
    }) : () -> ()
    return
  }
}

#map = affine_map<(d0, d1) -> (0, 0)>
#map1 = affine_map<(d0, d1) -> (0, 0, 0, 0)>
#map2 = affine_map<(d0, d1) -> (0, 0, 0)>
module attributes {stable_mosaic.version = 14 : i64} {
  func.func @k(%arg0: i32, %arg1: i32, %arg2: memref<10112x128xf32, #tpu.memory_space<hbm>>, %arg3: memref<32x84x2x128xi32, #tpu.memory_space<hbm>>, %arg4: memref<632x128xf32, #tpu.memory_space<hbm>>, %arg5: memref<2x10112x128xf32, #tpu.memory_space<hbm>>, %arg6: memref<2x128xi32, #tpu.memory_space<vmem>>, %arg7: memref<2x128xi32, #tpu.memory_space<vmem>>, %arg8: memref<2x128xi32, #tpu.memory_space<vmem>>, %arg9: memref<128x128xf32, #tpu.memory_space<vmem>>, %arg10: memref<128x128xf32, #tpu.memory_space<vmem>>, %arg11: memref<128x128xf32, #tpu.memory_space<vmem>>, %arg12: memref<10112x128xf32, #tpu.memory_space<vmem_shared>>, %arg13: memref<!tpu.dma_semaphore, #tpu.memory_space<semaphore_mem>>, %arg14: memref<!tpu.dma_semaphore, #tpu.memory_space<semaphore_mem>>, %arg15: memref<!tpu.dma_semaphore, #tpu.memory_space<semaphore_mem>>, %arg16: memref<!tpu.dma_semaphore, #tpu.memory_space<semaphore_mem>>, %arg17: memref<!tpu.dma_semaphore, #tpu.memory_space<semaphore_mem>>, %arg18: memref<!tpu.dma_semaphore, #tpu.memory_space<semaphore_mem>>) attributes {dimension_semantics = [#tpu.dimension_semantics<core_parallel>, #tpu.dimension_semantics<subcore_parallel>], iteration_bounds = array<i64: 2, 16>, scalar_prefetch = 0 : i64, scratch_operands = 13 : i64, tpu.core_type = #tpu.core_type<sc_vector_subcore>, window_params = [{transform_indices = #map}, {transform_indices = #map1}, {transform_indices = #map}, {transform_indices = #map2}]} {
    %mul3A = arith.constant 16 : i32
    %mul3A_0 = arith.muli %arg0, %mul3A : i32
    %add3A = arith.addi %mul3A_0, %arg1 : i32
    %mul3A_1 = arith.constant 632 : i32
    %mul3A_2 = arith.muli %arg1, %mul3A_1 : i32
    "tpu.region"() ({
      %run_scoped3A_273 = tpu.sem_alloc : memref<!tpu.dma_semaphore, #tpu.memory_space<semaphore_mem>>
      %dma_start3A_274 = arith.constant 0 : i32
      %dma_start3A_275 = tpu.memref_slice %arg12[%mul3A_2, %dma_start3A_274] : memref<10112x128xf32, #tpu.memory_space<vmem_shared>> -> memref<632x128xf32, #tpu.memory_space<vmem_shared>>
      tpu.enqueue_dma source(%arg4 : memref<632x128xf32, #tpu.memory_space<hbm>>) target(%dma_start3A_275 : memref<632x128xf32, #tpu.memory_space<vmem_shared>>) target_semaphore(%run_scoped3A_273 : memref<!tpu.dma_semaphore, #tpu.memory_space<semaphore_mem>>)
      %dma_wait3A_276 = arith.constant 0 : i32
      %dma_wait3A_277 = tpu.memref_slice %arg12[%mul3A_2, %dma_wait3A_276] : memref<10112x128xf32, #tpu.memory_space<vmem_shared>> -> memref<632x128xf32, #tpu.memory_space<vmem_shared>>
      tpu.wait_dma2 semaphore(%run_scoped3A_273 : memref<!tpu.dma_semaphore, #tpu.memory_space<semaphore_mem>>) src(%arg4 : memref<632x128xf32, #tpu.memory_space<hbm>>) dst(%dma_wait3A_277 : memref<632x128xf32, #tpu.memory_space<vmem_shared>>)
      tpu.yield
    }) : () -> ()
    %barrier3A = arith.constant 0 : index
    tpu.barrier barrier_id(%barrier3A)
    %dma_start3A = arith.constant 0 : i32
    %dma_start3A_3 = arith.constant 0 : i32
    %dma_start3A_4 = arith.constant 0 : i32
    %dma_start3A_5 = arith.constant 0 : i32
    %dma_start3A_6 = tpu.memref_slice %arg3[%add3A, %dma_start3A_3, %dma_start3A_4, %dma_start3A_5] : memref<32x84x2x128xi32, #tpu.memory_space<hbm>> -> memref<1x84x2x128xi32, #tpu.memory_space<hbm>>
    %dma_start3A_7 = tpu.memref_squeeze %dma_start3A_6 : memref<1x84x2x128xi32, #tpu.memory_space<hbm>> -> memref<84x2x128xi32, #tpu.memory_space<hbm>>
    %dma_start3A_8 = arith.constant 0 : i32
    %dma_start3A_9 = arith.constant 0 : i32
    %dma_start3A_10 = tpu.memref_slice %dma_start3A_7[%dma_start3A, %dma_start3A_8, %dma_start3A_9] : memref<84x2x128xi32, #tpu.memory_space<hbm>> -> memref<1x2x128xi32, #tpu.memory_space<hbm>>
    %dma_start3A_11 = tpu.memref_squeeze %dma_start3A_10 : memref<1x2x128xi32, #tpu.memory_space<hbm>> -> memref<2x128xi32, #tpu.memory_space<hbm>>
    %dma_start3A_12 = arith.constant 0 : i32
    %dma_start3A_13 = arith.constant 0 : i32
    %dma_start3A_14 = arith.constant 0 : i32
    %dma_start3A_15 = tpu.memref_slice %arg3[%add3A, %dma_start3A_12, %dma_start3A_13, %dma_start3A_14] : memref<32x84x2x128xi32, #tpu.memory_space<hbm>> -> memref<1x84x2x128xi32, #tpu.memory_space<hbm>>
    %dma_start3A_16 = tpu.memref_squeeze %dma_start3A_15 : memref<1x84x2x128xi32, #tpu.memory_space<hbm>> -> memref<84x2x128xi32, #tpu.memory_space<hbm>>
    %dma_start3A_17 = arith.constant 0 : i32
    %dma_start3A_18 = arith.constant 0 : i32
    %dma_start3A_19 = tpu.memref_slice %dma_start3A_16[%dma_start3A, %dma_start3A_17, %dma_start3A_18] : memref<84x2x128xi32, #tpu.memory_space<hbm>> -> memref<1x2x128xi32, #tpu.memory_space<hbm>>
    %dma_start3A_20 = tpu.memref_squeeze %dma_start3A_19 : memref<1x2x128xi32, #tpu.memory_space<hbm>> -> memref<2x128xi32, #tpu.memory_space<hbm>>
    tpu.enqueue_dma source(%dma_start3A_20 : memref<2x128xi32, #tpu.memory_space<hbm>>) target(%arg6 : memref<2x128xi32, #tpu.memory_space<vmem>>) target_semaphore(%arg13 : memref<!tpu.dma_semaphore, #tpu.memory_space<semaphore_mem>>)
    %dma_start3A_21 = arith.constant 1 : i32
    %dma_start3A_22 = arith.constant 0 : i32
    %dma_start3A_23 = arith.constant 0 : i32
    %dma_start3A_24 = arith.constant 0 : i32
    %dma_start3A_25 = tpu.memref_slice %arg3[%add3A, %dma_start3A_22, %dma_start3A_23, %dma_start3A_24] : memref<32x84x2x128xi32, #tpu.memory_space<hbm>> -> memref<1x84x2x128xi32, #tpu.memory_space<hbm>>
    %dma_start3A_26 = tpu.memref_squeeze %dma_start3A_25 : memref<1x84x2x128xi32, #tpu.memory_space<hbm>> -> memref<84x2x128xi32, #tpu.memory_space<hbm>>
    %dma_start3A_27 = arith.constant 0 : i32
    %dma_start3A_28 = arith.constant 0 : i32
    %dma_start3A_29 = tpu.memref_slice %dma_start3A_26[%dma_start3A_21, %dma_start3A_27, %dma_start3A_28] : memref<84x2x128xi32, #tpu.memory_space<hbm>> -> memref<1x2x128xi32, #tpu.memory_space<hbm>>
    %dma_start3A_30 = tpu.memref_squeeze %dma_start3A_29 : memref<1x2x128xi32, #tpu.memory_space<hbm>> -> memref<2x128xi32, #tpu.memory_space<hbm>>
    %dma_start3A_31 = arith.constant 0 : i32
    %dma_start3A_32 = arith.constant 0 : i32
    %dma_start3A_33 = arith.constant 0 : i32
    %dma_start3A_34 = tpu.memref_slice %arg3[%add3A, %dma_start3A_31, %dma_start3A_32, %dma_start3A_33] : memref<32x84x2x128xi32, #tpu.memory_space<hbm>> -> memref<1x84x2x128xi32, #tpu.memory_space<hbm>>
    %dma_start3A_35 = tpu.memref_squeeze %dma_start3A_34 : memref<1x84x2x128xi32, #tpu.memory_space<hbm>> -> memref<84x2x128xi32, #tpu.memory_space<hbm>>
    %dma_start3A_36 = arith.constant 0 : i32
    %dma_start3A_37 = arith.constant 0 : i32
    %dma_start3A_38 = tpu.memref_slice %dma_start3A_35[%dma_start3A_21, %dma_start3A_36, %dma_start3A_37] : memref<84x2x128xi32, #tpu.memory_space<hbm>> -> memref<1x2x128xi32, #tpu.memory_space<hbm>>
    %dma_start3A_39 = tpu.memref_squeeze %dma_start3A_38 : memref<1x2x128xi32, #tpu.memory_space<hbm>> -> memref<2x128xi32, #tpu.memory_space<hbm>>
    tpu.enqueue_dma source(%dma_start3A_39 : memref<2x128xi32, #tpu.memory_space<hbm>>) target(%arg7 : memref<2x128xi32, #tpu.memory_space<vmem>>) target_semaphore(%arg14 : memref<!tpu.dma_semaphore, #tpu.memory_space<semaphore_mem>>)
    %dma_wait3A = arith.constant 0 : i32
    %dma_wait3A_40 = arith.constant 0 : i32
    %dma_wait3A_41 = arith.constant 0 : i32
    %dma_wait3A_42 = arith.constant 0 : i32
    %dma_wait3A_43 = tpu.memref_slice %arg3[%add3A, %dma_wait3A_40, %dma_wait3A_41, %dma_wait3A_42] : memref<32x84x2x128xi32, #tpu.memory_space<hbm>> -> memref<1x84x2x128xi32, #tpu.memory_space<hbm>>
    %dma_wait3A_44 = tpu.memref_squeeze %dma_wait3A_43 : memref<1x84x2x128xi32, #tpu.memory_space<hbm>> -> memref<84x2x128xi32, #tpu.memory_space<hbm>>
    %dma_wait3A_45 = arith.constant 0 : i32
    %dma_wait3A_46 = arith.constant 0 : i32
    %dma_wait3A_47 = tpu.memref_slice %dma_wait3A_44[%dma_wait3A, %dma_wait3A_45, %dma_wait3A_46] : memref<84x2x128xi32, #tpu.memory_space<hbm>> -> memref<1x2x128xi32, #tpu.memory_space<hbm>>
    %dma_wait3A_48 = tpu.memref_squeeze %dma_wait3A_47 : memref<1x2x128xi32, #tpu.memory_space<hbm>> -> memref<2x128xi32, #tpu.memory_space<hbm>>
    %dma_wait3A_49 = arith.constant 0 : i32
    %dma_wait3A_50 = arith.constant 0 : i32
    %dma_wait3A_51 = arith.constant 0 : i32
    %dma_wait3A_52 = tpu.memref_slice %arg3[%add3A, %dma_wait3A_49, %dma_wait3A_50, %dma_wait3A_51] : memref<32x84x2x128xi32, #tpu.memory_space<hbm>> -> memref<1x84x2x128xi32, #tpu.memory_space<hbm>>
    %dma_wait3A_53 = tpu.memref_squeeze %dma_wait3A_52 : memref<1x84x2x128xi32, #tpu.memory_space<hbm>> -> memref<84x2x128xi32, #tpu.memory_space<hbm>>
    %dma_wait3A_54 = arith.constant 0 : i32
    %dma_wait3A_55 = arith.constant 0 : i32
    %dma_wait3A_56 = tpu.memref_slice %dma_wait3A_53[%dma_wait3A, %dma_wait3A_54, %dma_wait3A_55] : memref<84x2x128xi32, #tpu.memory_space<hbm>> -> memref<1x2x128xi32, #tpu.memory_space<hbm>>
    %dma_wait3A_57 = tpu.memref_squeeze %dma_wait3A_56 : memref<1x2x128xi32, #tpu.memory_space<hbm>> -> memref<2x128xi32, #tpu.memory_space<hbm>>
    tpu.wait_dma2 semaphore(%arg13 : memref<!tpu.dma_semaphore, #tpu.memory_space<semaphore_mem>>) src(%dma_wait3A_57 : memref<2x128xi32, #tpu.memory_space<hbm>>) dst(%arg6 : memref<2x128xi32, #tpu.memory_space<vmem>>)
    %dma_start3A_58 = arith.constant 0 : i32
    %dma_start3A_59 = arith.constant 0 : i32
    %dma_start3A_60 = tpu.memref_slice %arg6[%dma_start3A_58, %dma_start3A_59] : memref<2x128xi32, #tpu.memory_space<vmem>> -> memref<1x128xi32, #tpu.memory_space<vmem>>
    %dma_start3A_61 = tpu.memref_squeeze %dma_start3A_60 : memref<1x128xi32, #tpu.memory_space<vmem>> -> memref<128xi32, #tpu.memory_space<vmem>>
    %dma_start3A_62 = arith.constant 0 : i32
    %dma_start3A_63 = arith.constant 0 : i32
    %dma_start3A_64 = tpu.memref_slice %arg2[%dma_start3A_62, %dma_start3A_63] : memref<10112x128xf32, #tpu.memory_space<hbm>> -> memref<10112x128xf32, #tpu.memory_space<hbm>>
    tpu.enqueue_indirect_dma source(%dma_start3A_64 : memref<10112x128xf32, #tpu.memory_space<hbm>>) target(%arg9 : memref<128x128xf32, #tpu.memory_space<vmem>>) offsets(%dma_start3A_61 : memref<128xi32, #tpu.memory_space<vmem>>) semaphore(%arg16 : memref<!tpu.dma_semaphore, #tpu.memory_space<semaphore_mem>>)
    %dma_wait3A_65 = arith.constant 0 : i32
    %dma_wait3A_66 = arith.constant 0 : i32
    %dma_wait3A_67 = arith.constant 0 : i32
    %dma_wait3A_68 = arith.constant 0 : i32
    %dma_wait3A_69 = tpu.memref_slice %arg3[%add3A, %dma_wait3A_66, %dma_wait3A_67, %dma_wait3A_68] : memref<32x84x2x128xi32, #tpu.memory_space<hbm>> -> memref<1x84x2x128xi32, #tpu.memory_space<hbm>>
    %dma_wait3A_70 = tpu.memref_squeeze %dma_wait3A_69 : memref<1x84x2x128xi32, #tpu.memory_space<hbm>> -> memref<84x2x128xi32, #tpu.memory_space<hbm>>
    %dma_wait3A_71 = arith.constant 0 : i32
    %dma_wait3A_72 = arith.constant 0 : i32
    %dma_wait3A_73 = tpu.memref_slice %dma_wait3A_70[%dma_wait3A_65, %dma_wait3A_71, %dma_wait3A_72] : memref<84x2x128xi32, #tpu.memory_space<hbm>> -> memref<1x2x128xi32, #tpu.memory_space<hbm>>
    %dma_wait3A_74 = tpu.memref_squeeze %dma_wait3A_73 : memref<1x2x128xi32, #tpu.memory_space<hbm>> -> memref<2x128xi32, #tpu.memory_space<hbm>>
    %dma_wait3A_75 = arith.constant 0 : i32
    %dma_wait3A_76 = arith.constant 0 : i32
    %dma_wait3A_77 = arith.constant 0 : i32
    %dma_wait3A_78 = tpu.memref_slice %arg3[%add3A, %dma_wait3A_75, %dma_wait3A_76, %dma_wait3A_77] : memref<32x84x2x128xi32, #tpu.memory_space<hbm>> -> memref<1x84x2x128xi32, #tpu.memory_space<hbm>>
    %dma_wait3A_79 = tpu.memref_squeeze %dma_wait3A_78 : memref<1x84x2x128xi32, #tpu.memory_space<hbm>> -> memref<84x2x128xi32, #tpu.memory_space<hbm>>
    %dma_wait3A_80 = arith.constant 0 : i32
    %dma_wait3A_81 = arith.constant 0 : i32
    %dma_wait3A_82 = tpu.memref_slice %dma_wait3A_79[%dma_wait3A_65, %dma_wait3A_80, %dma_wait3A_81] : memref<84x2x128xi32, #tpu.memory_space<hbm>> -> memref<1x2x128xi32, #tpu.memory_space<hbm>>
    %dma_wait3A_83 = tpu.memref_squeeze %dma_wait3A_82 : memref<1x2x128xi32, #tpu.memory_space<hbm>> -> memref<2x128xi32, #tpu.memory_space<hbm>>
    tpu.wait_dma2 semaphore(%arg14 : memref<!tpu.dma_semaphore, #tpu.memory_space<semaphore_mem>>) src(%dma_wait3A_83 : memref<2x128xi32, #tpu.memory_space<hbm>>) dst(%arg7 : memref<2x128xi32, #tpu.memory_space<vmem>>)
    %dma_start3A_84 = arith.constant 0 : i32
    %dma_start3A_85 = arith.constant 0 : i32
    %dma_start3A_86 = tpu.memref_slice %arg7[%dma_start3A_84, %dma_start3A_85] : memref<2x128xi32, #tpu.memory_space<vmem>> -> memref<1x128xi32, #tpu.memory_space<vmem>>
    %dma_start3A_87 = tpu.memref_squeeze %dma_start3A_86 : memref<1x128xi32, #tpu.memory_space<vmem>> -> memref<128xi32, #tpu.memory_space<vmem>>
    %dma_start3A_88 = arith.constant 0 : i32
    %dma_start3A_89 = arith.constant 0 : i32
    %dma_start3A_90 = tpu.memref_slice %arg2[%dma_start3A_88, %dma_start3A_89] : memref<10112x128xf32, #tpu.memory_space<hbm>> -> memref<10112x128xf32, #tpu.memory_space<hbm>>
    tpu.enqueue_indirect_dma source(%dma_start3A_90 : memref<10112x128xf32, #tpu.memory_space<hbm>>) target(%arg10 : memref<128x128xf32, #tpu.memory_space<vmem>>) offsets(%dma_start3A_87 : memref<128xi32, #tpu.memory_space<vmem>>) semaphore(%arg17 : memref<!tpu.dma_semaphore, #tpu.memory_space<semaphore_mem>>)
    %dma_start3A_91 = arith.constant 2 : i32
    %dma_start3A_92 = arith.constant 0 : i32
    %dma_start3A_93 = arith.constant 0 : i32
    %dma_start3A_94 = arith.constant 0 : i32
    %dma_start3A_95 = tpu.memref_slice %arg3[%add3A, %dma_start3A_92, %dma_start3A_93, %dma_start3A_94] : memref<32x84x2x128xi32, #tpu.memory_space<hbm>> -> memref<1x84x2x128xi32, #tpu.memory_space<hbm>>
    %dma_start3A_96 = tpu.memref_squeeze %dma_start3A_95 : memref<1x84x2x128xi32, #tpu.memory_space<hbm>> -> memref<84x2x128xi32, #tpu.memory_space<hbm>>
    %dma_start3A_97 = arith.constant 0 : i32
    %dma_start3A_98 = arith.constant 0 : i32
    %dma_start3A_99 = tpu.memref_slice %dma_start3A_96[%dma_start3A_91, %dma_start3A_97, %dma_start3A_98] : memref<84x2x128xi32, #tpu.memory_space<hbm>> -> memref<1x2x128xi32, #tpu.memory_space<hbm>>
    %dma_start3A_100 = tpu.memref_squeeze %dma_start3A_99 : memref<1x2x128xi32, #tpu.memory_space<hbm>> -> memref<2x128xi32, #tpu.memory_space<hbm>>
    %dma_start3A_101 = arith.constant 0 : i32
    %dma_start3A_102 = arith.constant 0 : i32
    %dma_start3A_103 = arith.constant 0 : i32
    %dma_start3A_104 = tpu.memref_slice %arg3[%add3A, %dma_start3A_101, %dma_start3A_102, %dma_start3A_103] : memref<32x84x2x128xi32, #tpu.memory_space<hbm>> -> memref<1x84x2x128xi32, #tpu.memory_space<hbm>>
    %dma_start3A_105 = tpu.memref_squeeze %dma_start3A_104 : memref<1x84x2x128xi32, #tpu.memory_space<hbm>> -> memref<84x2x128xi32, #tpu.memory_space<hbm>>
    %dma_start3A_106 = arith.constant 0 : i32
    %dma_start3A_107 = arith.constant 0 : i32
    %dma_start3A_108 = tpu.memref_slice %dma_start3A_105[%dma_start3A_91, %dma_start3A_106, %dma_start3A_107] : memref<84x2x128xi32, #tpu.memory_space<hbm>> -> memref<1x2x128xi32, #tpu.memory_space<hbm>>
    %dma_start3A_109 = tpu.memref_squeeze %dma_start3A_108 : memref<1x2x128xi32, #tpu.memory_space<hbm>> -> memref<2x128xi32, #tpu.memory_space<hbm>>
    tpu.enqueue_dma source(%dma_start3A_109 : memref<2x128xi32, #tpu.memory_space<hbm>>) target(%arg8 : memref<2x128xi32, #tpu.memory_space<vmem>>) target_semaphore(%arg15 : memref<!tpu.dma_semaphore, #tpu.memory_space<semaphore_mem>>)
    %scan3A = arith.constant 0 : i32
    %scan3A_110 = arith.constant 0 : i32
    %scan3A_111 = arith.constant 25 : i32
    %scan3A_112 = arith.addi %scan3A_110, %scan3A_111 : i32
    %scan3A_113 = arith.constant 1 : i32
    scf.for %scan3A_273 = %scan3A_110 to %scan3A_112 step %scan3A_113  : i32 {
      %mul3A_274 = arith.constant 3 : i32
      %mul3A_275 = arith.muli %mul3A_274, %scan3A_273 : i32
      %add3A_276 = arith.constant 0 : i32
      %add3A_277 = arith.addi %mul3A_275, %add3A_276 : i32
      %dma_wait3A_278 = arith.constant 0 : i32
      %dma_wait3A_279 = arith.constant 0 : i32
      %dma_wait3A_280 = tpu.memref_slice %arg6[%dma_wait3A_278, %dma_wait3A_279] : memref<2x128xi32, #tpu.memory_space<vmem>> -> memref<1x128xi32, #tpu.memory_space<vmem>>
      %dma_wait3A_281 = tpu.memref_squeeze %dma_wait3A_280 : memref<1x128xi32, #tpu.memory_space<vmem>> -> memref<128xi32, #tpu.memory_space<vmem>>
      %dma_wait3A_282 = arith.constant 0 : i32
      %dma_wait3A_283 = arith.constant 0 : i32
      %dma_wait3A_284 = tpu.memref_slice %arg2[%dma_wait3A_282, %dma_wait3A_283] : memref<10112x128xf32, #tpu.memory_space<hbm>> -> memref<10112x128xf32, #tpu.memory_space<hbm>>
      tpu.wait_indirect_dma semaphore(%arg16 : memref<!tpu.dma_semaphore, #tpu.memory_space<semaphore_mem>>) src(%dma_wait3A_284 : memref<10112x128xf32, #tpu.memory_space<hbm>>) dst(%arg9 : memref<128x128xf32, #tpu.memory_space<vmem>>)
      %dma_wait3A_285 = arith.constant 0 : i32
      %dma_wait3A_286 = arith.constant 0 : i32
      %dma_wait3A_287 = arith.constant 0 : i32
      %dma_wait3A_288 = arith.constant 0 : i32
      %dma_wait3A_289 = tpu.memref_slice %arg3[%add3A, %dma_wait3A_286, %dma_wait3A_287, %dma_wait3A_288] : memref<32x84x2x128xi32, #tpu.memory_space<hbm>> -> memref<1x84x2x128xi32, #tpu.memory_space<hbm>>
      %dma_wait3A_290 = tpu.memref_squeeze %dma_wait3A_289 : memref<1x84x2x128xi32, #tpu.memory_space<hbm>> -> memref<84x2x128xi32, #tpu.memory_space<hbm>>
      %dma_wait3A_291 = arith.constant 0 : i32
      %dma_wait3A_292 = arith.constant 0 : i32
      %dma_wait3A_293 = tpu.memref_slice %dma_wait3A_290[%dma_wait3A_285, %dma_wait3A_291, %dma_wait3A_292] : memref<84x2x128xi32, #tpu.memory_space<hbm>> -> memref<1x2x128xi32, #tpu.memory_space<hbm>>
      %dma_wait3A_294 = tpu.memref_squeeze %dma_wait3A_293 : memref<1x2x128xi32, #tpu.memory_space<hbm>> -> memref<2x128xi32, #tpu.memory_space<hbm>>
      %dma_wait3A_295 = arith.constant 0 : i32
      %dma_wait3A_296 = arith.constant 0 : i32
      %dma_wait3A_297 = arith.constant 0 : i32
      %dma_wait3A_298 = tpu.memref_slice %arg3[%add3A, %dma_wait3A_295, %dma_wait3A_296, %dma_wait3A_297] : memref<32x84x2x128xi32, #tpu.memory_space<hbm>> -> memref<1x84x2x128xi32, #tpu.memory_space<hbm>>
      %dma_wait3A_299 = tpu.memref_squeeze %dma_wait3A_298 : memref<1x84x2x128xi32, #tpu.memory_space<hbm>> -> memref<84x2x128xi32, #tpu.memory_space<hbm>>
      %dma_wait3A_300 = arith.constant 0 : i32
      %dma_wait3A_301 = arith.constant 0 : i32
      %dma_wait3A_302 = tpu.memref_slice %dma_wait3A_299[%dma_wait3A_285, %dma_wait3A_300, %dma_wait3A_301] : memref<84x2x128xi32, #tpu.memory_space<hbm>> -> memref<1x2x128xi32, #tpu.memory_space<hbm>>
      %dma_wait3A_303 = tpu.memref_squeeze %dma_wait3A_302 : memref<1x2x128xi32, #tpu.memory_space<hbm>> -> memref<2x128xi32, #tpu.memory_space<hbm>>
      tpu.wait_dma2 semaphore(%arg15 : memref<!tpu.dma_semaphore, #tpu.memory_space<semaphore_mem>>) src(%dma_wait3A_303 : memref<2x128xi32, #tpu.memory_space<hbm>>) dst(%arg8 : memref<2x128xi32, #tpu.memory_space<vmem>>)
      %dma_start3A_304 = arith.constant 0 : i32
      %dma_start3A_305 = arith.constant 0 : i32
      %dma_start3A_306 = tpu.memref_slice %arg8[%dma_start3A_304, %dma_start3A_305] : memref<2x128xi32, #tpu.memory_space<vmem>> -> memref<1x128xi32, #tpu.memory_space<vmem>>
      %dma_start3A_307 = tpu.memref_squeeze %dma_start3A_306 : memref<1x128xi32, #tpu.memory_space<vmem>> -> memref<128xi32, #tpu.memory_space<vmem>>
      %dma_start3A_308 = arith.constant 0 : i32
      %dma_start3A_309 = arith.constant 0 : i32
      %dma_start3A_310 = tpu.memref_slice %arg2[%dma_start3A_308, %dma_start3A_309] : memref<10112x128xf32, #tpu.memory_space<hbm>> -> memref<10112x128xf32, #tpu.memory_space<hbm>>
      tpu.enqueue_indirect_dma source(%dma_start3A_310 : memref<10112x128xf32, #tpu.memory_space<hbm>>) target(%arg11 : memref<128x128xf32, #tpu.memory_space<vmem>>) offsets(%dma_start3A_307 : memref<128xi32, #tpu.memory_space<vmem>>) semaphore(%arg18 : memref<!tpu.dma_semaphore, #tpu.memory_space<semaphore_mem>>)
      %run_scoped3A_311 = arith.constant 1 : i32
      "tpu.region"() ({
        %run_scoped3A_444 = tpu.sem_alloc : memref<!tpu.dma_semaphore, #tpu.memory_space<semaphore_mem>>
        %dma_start3A_445 = arith.constant 0 : i32
        %dma_start3A_446 = tpu.memref_slice %arg6[%run_scoped3A_311, %dma_start3A_445] : memref<2x128xi32, #tpu.memory_space<vmem>> -> memref<1x128xi32, #tpu.memory_space<vmem>>
        %dma_start3A_447 = tpu.memref_squeeze %dma_start3A_446 : memref<1x128xi32, #tpu.memory_space<vmem>> -> memref<128xi32, #tpu.memory_space<vmem>>
        %dma_start3A_448 = arith.constant 0 : i32
        %dma_start3A_449 = arith.constant 0 : i32
        %dma_start3A_450 = tpu.memref_slice %arg12[%dma_start3A_448, %dma_start3A_449] : memref<10112x128xf32, #tpu.memory_space<vmem_shared>> -> memref<10112x128xf32, #tpu.memory_space<vmem_shared>>
        tpu.enqueue_indirect_dma source(%arg9 : memref<128x128xf32, #tpu.memory_space<vmem>>) target(%dma_start3A_450 : memref<10112x128xf32, #tpu.memory_space<vmem_shared>>) offsets(%dma_start3A_447 : memref<128xi32, #tpu.memory_space<vmem>>) semaphore(%run_scoped3A_444 : memref<!tpu.dma_semaphore, #tpu.memory_space<semaphore_mem>>) {add = true}
        %dma_wait3A_451 = arith.constant 0 : i32
        %dma_wait3A_452 = tpu.memref_slice %arg6[%run_scoped3A_311, %dma_wait3A_451] : memref<2x128xi32, #tpu.memory_space<vmem>> -> memref<1x128xi32, #tpu.memory_space<vmem>>
        %dma_wait3A_453 = tpu.memref_squeeze %dma_wait3A_452 : memref<1x128xi32, #tpu.memory_space<vmem>> -> memref<128xi32, #tpu.memory_space<vmem>>
        %dma_wait3A_454 = arith.constant 0 : i32
        %dma_wait3A_455 = arith.constant 0 : i32
        %dma_wait3A_456 = tpu.memref_slice %arg12[%dma_wait3A_454, %dma_wait3A_455] : memref<10112x128xf32, #tpu.memory_space<vmem_shared>> -> memref<10112x128xf32, #tpu.memory_space<vmem_shared>>
        tpu.wait_indirect_dma semaphore(%run_scoped3A_444 : memref<!tpu.dma_semaphore, #tpu.memory_space<semaphore_mem>>) src(%arg9 : memref<128x128xf32, #tpu.memory_space<vmem>>) dst(%dma_wait3A_456 : memref<10112x128xf32, #tpu.memory_space<vmem_shared>>)
        tpu.yield
      }) : () -> ()
      %add3A_312 = arith.constant 3 : i32
      %add3A_313 = arith.addi %add3A_277, %add3A_312 : i32
      %dma_start3A_314 = arith.constant 0 : i32
      %dma_start3A_315 = arith.constant 0 : i32
      %dma_start3A_316 = arith.constant 0 : i32
      %dma_start3A_317 = tpu.memref_slice %arg3[%add3A, %dma_start3A_314, %dma_start3A_315, %dma_start3A_316] : memref<32x84x2x128xi32, #tpu.memory_space<hbm>> -> memref<1x84x2x128xi32, #tpu.memory_space<hbm>>
      %dma_start3A_318 = tpu.memref_squeeze %dma_start3A_317 : memref<1x84x2x128xi32, #tpu.memory_space<hbm>> -> memref<84x2x128xi32, #tpu.memory_space<hbm>>
      %dma_start3A_319 = arith.constant 0 : i32
      %dma_start3A_320 = arith.constant 0 : i32
      %dma_start3A_321 = tpu.memref_slice %dma_start3A_318[%add3A_313, %dma_start3A_319, %dma_start3A_320] : memref<84x2x128xi32, #tpu.memory_space<hbm>> -> memref<1x2x128xi32, #tpu.memory_space<hbm>>
      %dma_start3A_322 = tpu.memref_squeeze %dma_start3A_321 : memref<1x2x128xi32, #tpu.memory_space<hbm>> -> memref<2x128xi32, #tpu.memory_space<hbm>>
      %dma_start3A_323 = arith.constant 0 : i32
      %dma_start3A_324 = arith.constant 0 : i32
      %dma_start3A_325 = arith.constant 0 : i32
      %dma_start3A_326 = tpu.memref_slice %arg3[%add3A, %dma_start3A_323, %dma_start3A_324, %dma_start3A_325] : memref<32x84x2x128xi32, #tpu.memory_space<hbm>> -> memref<1x84x2x128xi32, #tpu.memory_space<hbm>>
      %dma_start3A_327 = tpu.memref_squeeze %dma_start3A_326 : memref<1x84x2x128xi32, #tpu.memory_space<hbm>> -> memref<84x2x128xi32, #tpu.memory_space<hbm>>
      %dma_start3A_328 = arith.constant 0 : i32
      %dma_start3A_329 = arith.constant 0 : i32
      %dma_start3A_330 = tpu.memref_slice %dma_start3A_327[%add3A_313, %dma_start3A_328, %dma_start3A_329] : memref<84x2x128xi32, #tpu.memory_space<hbm>> -> memref<1x2x128xi32, #tpu.memory_space<hbm>>
      %dma_start3A_331 = tpu.memref_squeeze %dma_start3A_330 : memref<1x2x128xi32, #tpu.memory_space<hbm>> -> memref<2x128xi32, #tpu.memory_space<hbm>>
      tpu.enqueue_dma source(%dma_start3A_331 : memref<2x128xi32, #tpu.memory_space<hbm>>) target(%arg6 : memref<2x128xi32, #tpu.memory_space<vmem>>) target_semaphore(%arg13 : memref<!tpu.dma_semaphore, #tpu.memory_space<semaphore_mem>>)
      %add3A_332 = arith.constant 1 : i32
      %add3A_333 = arith.addi %mul3A_275, %add3A_332 : i32
      %dma_wait3A_334 = arith.constant 0 : i32
      %dma_wait3A_335 = arith.constant 0 : i32
      %dma_wait3A_336 = tpu.memref_slice %arg7[%dma_wait3A_334, %dma_wait3A_335] : memref<2x128xi32, #tpu.memory_space<vmem>> -> memref<1x128xi32, #tpu.memory_space<vmem>>
      %dma_wait3A_337 = tpu.memref_squeeze %dma_wait3A_336 : memref<1x128xi32, #tpu.memory_space<vmem>> -> memref<128xi32, #tpu.memory_space<vmem>>
      %dma_wait3A_338 = arith.constant 0 : i32
      %dma_wait3A_339 = arith.constant 0 : i32
      %dma_wait3A_340 = tpu.memref_slice %arg2[%dma_wait3A_338, %dma_wait3A_339] : memref<10112x128xf32, #tpu.memory_space<hbm>> -> memref<10112x128xf32, #tpu.memory_space<hbm>>
      tpu.wait_indirect_dma semaphore(%arg17 : memref<!tpu.dma_semaphore, #tpu.memory_space<semaphore_mem>>) src(%dma_wait3A_340 : memref<10112x128xf32, #tpu.memory_space<hbm>>) dst(%arg10 : memref<128x128xf32, #tpu.memory_space<vmem>>)
      %dma_wait3A_341 = arith.constant 0 : i32
      %dma_wait3A_342 = arith.constant 0 : i32
      %dma_wait3A_343 = arith.constant 0 : i32
      %dma_wait3A_344 = arith.constant 0 : i32
      %dma_wait3A_345 = tpu.memref_slice %arg3[%add3A, %dma_wait3A_342, %dma_wait3A_343, %dma_wait3A_344] : memref<32x84x2x128xi32, #tpu.memory_space<hbm>> -> memref<1x84x2x128xi32, #tpu.memory_space<hbm>>
      %dma_wait3A_346 = tpu.memref_squeeze %dma_wait3A_345 : memref<1x84x2x128xi32, #tpu.memory_space<hbm>> -> memref<84x2x128xi32, #tpu.memory_space<hbm>>
      %dma_wait3A_347 = arith.constant 0 : i32
      %dma_wait3A_348 = arith.constant 0 : i32
      %dma_wait3A_349 = tpu.memref_slice %dma_wait3A_346[%dma_wait3A_341, %dma_wait3A_347, %dma_wait3A_348] : memref<84x2x128xi32, #tpu.memory_space<hbm>> -> memref<1x2x128xi32, #tpu.memory_space<hbm>>
      %dma_wait3A_350 = tpu.memref_squeeze %dma_wait3A_349 : memref<1x2x128xi32, #tpu.memory_space<hbm>> -> memref<2x128xi32, #tpu.memory_space<hbm>>
      %dma_wait3A_351 = arith.constant 0 : i32
      %dma_wait3A_352 = arith.constant 0 : i32
      %dma_wait3A_353 = arith.constant 0 : i32
      %dma_wait3A_354 = tpu.memref_slice %arg3[%add3A, %dma_wait3A_351, %dma_wait3A_352, %dma_wait3A_353] : memref<32x84x2x128xi32, #tpu.memory_space<hbm>> -> memref<1x84x2x128xi32, #tpu.memory_space<hbm>>
      %dma_wait3A_355 = tpu.memref_squeeze %dma_wait3A_354 : memref<1x84x2x128xi32, #tpu.memory_space<hbm>> -> memref<84x2x128xi32, #tpu.memory_space<hbm>>
      %dma_wait3A_356 = arith.constant 0 : i32
      %dma_wait3A_357 = arith.constant 0 : i32
      %dma_wait3A_358 = tpu.memref_slice %dma_wait3A_355[%dma_wait3A_341, %dma_wait3A_356, %dma_wait3A_357] : memref<84x2x128xi32, #tpu.memory_space<hbm>> -> memref<1x2x128xi32, #tpu.memory_space<hbm>>
      %dma_wait3A_359 = tpu.memref_squeeze %dma_wait3A_358 : memref<1x2x128xi32, #tpu.memory_space<hbm>> -> memref<2x128xi32, #tpu.memory_space<hbm>>
      tpu.wait_dma2 semaphore(%arg13 : memref<!tpu.dma_semaphore, #tpu.memory_space<semaphore_mem>>) src(%dma_wait3A_359 : memref<2x128xi32, #tpu.memory_space<hbm>>) dst(%arg6 : memref<2x128xi32, #tpu.memory_space<vmem>>)
      %dma_start3A_360 = arith.constant 0 : i32
      %dma_start3A_361 = arith.constant 0 : i32
      %dma_start3A_362 = tpu.memref_slice %arg6[%dma_start3A_360, %dma_start3A_361] : memref<2x128xi32, #tpu.memory_space<vmem>> -> memref<1x128xi32, #tpu.memory_space<vmem>>
      %dma_start3A_363 = tpu.memref_squeeze %dma_start3A_362 : memref<1x128xi32, #tpu.memory_space<vmem>> -> memref<128xi32, #tpu.memory_space<vmem>>
      %dma_start3A_364 = arith.constant 0 : i32
      %dma_start3A_365 = arith.constant 0 : i32
      %dma_start3A_366 = tpu.memref_slice %arg2[%dma_start3A_364, %dma_start3A_365] : memref<10112x128xf32, #tpu.memory_space<hbm>> -> memref<10112x128xf32, #tpu.memory_space<hbm>>
      tpu.enqueue_indirect_dma source(%dma_start3A_366 : memref<10112x128xf32, #tpu.memory_space<hbm>>) target(%arg9 : memref<128x128xf32, #tpu.memory_space<vmem>>) offsets(%dma_start3A_363 : memref<128xi32, #tpu.memory_space<vmem>>) semaphore(%arg16 : memref<!tpu.dma_semaphore, #tpu.memory_space<semaphore_mem>>)
      %run_scoped3A_367 = arith.constant 1 : i32
      "tpu.region"() ({
        %run_scoped3A_444 = tpu.sem_alloc : memref<!tpu.dma_semaphore, #tpu.memory_space<semaphore_mem>>
        %dma_start3A_445 = arith.constant 0 : i32
        %dma_start3A_446 = tpu.memref_slice %arg7[%run_scoped3A_367, %dma_start3A_445] : memref<2x128xi32, #tpu.memory_space<vmem>> -> memref<1x128xi32, #tpu.memory_space<vmem>>
        %dma_start3A_447 = tpu.memref_squeeze %dma_start3A_446 : memref<1x128xi32, #tpu.memory_space<vmem>> -> memref<128xi32, #tpu.memory_space<vmem>>
        %dma_start3A_448 = arith.constant 0 : i32
        %dma_start3A_449 = arith.constant 0 : i32
        %dma_start3A_450 = tpu.memref_slice %arg12[%dma_start3A_448, %dma_start3A_449] : memref<10112x128xf32, #tpu.memory_space<vmem_shared>> -> memref<10112x128xf32, #tpu.memory_space<vmem_shared>>
        tpu.enqueue_indirect_dma source(%arg10 : memref<128x128xf32, #tpu.memory_space<vmem>>) target(%dma_start3A_450 : memref<10112x128xf32, #tpu.memory_space<vmem_shared>>) offsets(%dma_start3A_447 : memref<128xi32, #tpu.memory_space<vmem>>) semaphore(%run_scoped3A_444 : memref<!tpu.dma_semaphore, #tpu.memory_space<semaphore_mem>>) {add = true}
        %dma_wait3A_451 = arith.constant 0 : i32
        %dma_wait3A_452 = tpu.memref_slice %arg7[%run_scoped3A_367, %dma_wait3A_451] : memref<2x128xi32, #tpu.memory_space<vmem>> -> memref<1x128xi32, #tpu.memory_space<vmem>>
        %dma_wait3A_453 = tpu.memref_squeeze %dma_wait3A_452 : memref<1x128xi32, #tpu.memory_space<vmem>> -> memref<128xi32, #tpu.memory_space<vmem>>
        %dma_wait3A_454 = arith.constant 0 : i32
        %dma_wait3A_455 = arith.constant 0 : i32
        %dma_wait3A_456 = tpu.memref_slice %arg12[%dma_wait3A_454, %dma_wait3A_455] : memref<10112x128xf32, #tpu.memory_space<vmem_shared>> -> memref<10112x128xf32, #tpu.memory_space<vmem_shared>>
        tpu.wait_indirect_dma semaphore(%run_scoped3A_444 : memref<!tpu.dma_semaphore, #tpu.memory_space<semaphore_mem>>) src(%arg10 : memref<128x128xf32, #tpu.memory_space<vmem>>) dst(%dma_wait3A_456 : memref<10112x128xf32, #tpu.memory_space<vmem_shared>>)
        tpu.yield
      }) : () -> ()
      %add3A_368 = arith.constant 3 : i32
      %add3A_369 = arith.addi %add3A_333, %add3A_368 : i32
      %dma_start3A_370 = arith.constant 0 : i32
      %dma_start3A_371 = arith.constant 0 : i32
      %dma_start3A_372 = arith.constant 0 : i32
      %dma_start3A_373 = tpu.memref_slice %arg3[%add3A, %dma_start3A_370, %dma_start3A_371, %dma_start3A_372] : memref<32x84x2x128xi32, #tpu.memory_space<hbm>> -> memref<1x84x2x128xi32, #tpu.memory_space<hbm>>
      %dma_start3A_374 = tpu.memref_squeeze %dma_start3A_373 : memref<1x84x2x128xi32, #tpu.memory_space<hbm>> -> memref<84x2x128xi32, #tpu.memory_space<hbm>>
      %dma_start3A_375 = arith.constant 0 : i32
      %dma_start3A_376 = arith.constant 0 : i32
      %dma_start3A_377 = tpu.memref_slice %dma_start3A_374[%add3A_369, %dma_start3A_375, %dma_start3A_376] : memref<84x2x128xi32, #tpu.memory_space<hbm>> -> memref<1x2x128xi32, #tpu.memory_space<hbm>>
      %dma_start3A_378 = tpu.memref_squeeze %dma_start3A_377 : memref<1x2x128xi32, #tpu.memory_space<hbm>> -> memref<2x128xi32, #tpu.memory_space<hbm>>
      %dma_start3A_379 = arith.constant 0 : i32
      %dma_start3A_380 = arith.constant 0 : i32
      %dma_start3A_381 = arith.constant 0 : i32
      %dma_start3A_382 = tpu.memref_slice %arg3[%add3A, %dma_start3A_379, %dma_start3A_380, %dma_start3A_381] : memref<32x84x2x128xi32, #tpu.memory_space<hbm>> -> memref<1x84x2x128xi32, #tpu.memory_space<hbm>>
      %dma_start3A_383 = tpu.memref_squeeze %dma_start3A_382 : memref<1x84x2x128xi32, #tpu.memory_space<hbm>> -> memref<84x2x128xi32, #tpu.memory_space<hbm>>
      %dma_start3A_384 = arith.constant 0 : i32
      %dma_start3A_385 = arith.constant 0 : i32
      %dma_start3A_386 = tpu.memref_slice %dma_start3A_383[%add3A_369, %dma_start3A_384, %dma_start3A_385] : memref<84x2x128xi32, #tpu.memory_space<hbm>> -> memref<1x2x128xi32, #tpu.memory_space<hbm>>
      %dma_start3A_387 = tpu.memref_squeeze %dma_start3A_386 : memref<1x2x128xi32, #tpu.memory_space<hbm>> -> memref<2x128xi32, #tpu.memory_space<hbm>>
      tpu.enqueue_dma source(%dma_start3A_387 : memref<2x128xi32, #tpu.memory_space<hbm>>) target(%arg7 : memref<2x128xi32, #tpu.memory_space<vmem>>) target_semaphore(%arg14 : memref<!tpu.dma_semaphore, #tpu.memory_space<semaphore_mem>>)
      %add3A_388 = arith.constant 2 : i32
      %add3A_389 = arith.addi %mul3A_275, %add3A_388 : i32
      %dma_wait3A_390 = arith.constant 0 : i32
      %dma_wait3A_391 = arith.constant 0 : i32
      %dma_wait3A_392 = tpu.memref_slice %arg8[%dma_wait3A_390, %dma_wait3A_391] : memref<2x128xi32, #tpu.memory_space<vmem>> -> memref<1x128xi32, #tpu.memory_space<vmem>>
      %dma_wait3A_393 = tpu.memref_squeeze %dma_wait3A_392 : memref<1x128xi32, #tpu.memory_space<vmem>> -> memref<128xi32, #tpu.memory_space<vmem>>
      %dma_wait3A_394 = arith.constant 0 : i32
      %dma_wait3A_395 = arith.constant 0 : i32
      %dma_wait3A_396 = tpu.memref_slice %arg2[%dma_wait3A_394, %dma_wait3A_395] : memref<10112x128xf32, #tpu.memory_space<hbm>> -> memref<10112x128xf32, #tpu.memory_space<hbm>>
      tpu.wait_indirect_dma semaphore(%arg18 : memref<!tpu.dma_semaphore, #tpu.memory_space<semaphore_mem>>) src(%dma_wait3A_396 : memref<10112x128xf32, #tpu.memory_space<hbm>>) dst(%arg11 : memref<128x128xf32, #tpu.memory_space<vmem>>)
      %dma_wait3A_397 = arith.constant 0 : i32
      %dma_wait3A_398 = arith.constant 0 : i32
      %dma_wait3A_399 = arith.constant 0 : i32
      %dma_wait3A_400 = arith.constant 0 : i32
      %dma_wait3A_401 = tpu.memref_slice %arg3[%add3A, %dma_wait3A_398, %dma_wait3A_399, %dma_wait3A_400] : memref<32x84x2x128xi32, #tpu.memory_space<hbm>> -> memref<1x84x2x128xi32, #tpu.memory_space<hbm>>
      %dma_wait3A_402 = tpu.memref_squeeze %dma_wait3A_401 : memref<1x84x2x128xi32, #tpu.memory_space<hbm>> -> memref<84x2x128xi32, #tpu.memory_space<hbm>>
      %dma_wait3A_403 = arith.constant 0 : i32
      %dma_wait3A_404 = arith.constant 0 : i32
      %dma_wait3A_405 = tpu.memref_slice %dma_wait3A_402[%dma_wait3A_397, %dma_wait3A_403, %dma_wait3A_404] : memref<84x2x128xi32, #tpu.memory_space<hbm>> -> memref<1x2x128xi32, #tpu.memory_space<hbm>>
      %dma_wait3A_406 = tpu.memref_squeeze %dma_wait3A_405 : memref<1x2x128xi32, #tpu.memory_space<hbm>> -> memref<2x128xi32, #tpu.memory_space<hbm>>
      %dma_wait3A_407 = arith.constant 0 : i32
      %dma_wait3A_408 = arith.constant 0 : i32
      %dma_wait3A_409 = arith.constant 0 : i32
      %dma_wait3A_410 = tpu.memref_slice %arg3[%add3A, %dma_wait3A_407, %dma_wait3A_408, %dma_wait3A_409] : memref<32x84x2x128xi32, #tpu.memory_space<hbm>> -> memref<1x84x2x128xi32, #tpu.memory_space<hbm>>
      %dma_wait3A_411 = tpu.memref_squeeze %dma_wait3A_410 : memref<1x84x2x128xi32, #tpu.memory_space<hbm>> -> memref<84x2x128xi32, #tpu.memory_space<hbm>>
      %dma_wait3A_412 = arith.constant 0 : i32
      %dma_wait3A_413 = arith.constant 0 : i32
      %dma_wait3A_414 = tpu.memref_slice %dma_wait3A_411[%dma_wait3A_397, %dma_wait3A_412, %dma_wait3A_413] : memref<84x2x128xi32, #tpu.memory_space<hbm>> -> memref<1x2x128xi32, #tpu.memory_space<hbm>>
      %dma_wait3A_415 = tpu.memref_squeeze %dma_wait3A_414 : memref<1x2x128xi32, #tpu.memory_space<hbm>> -> memref<2x128xi32, #tpu.memory_space<hbm>>
      tpu.wait_dma2 semaphore(%arg14 : memref<!tpu.dma_semaphore, #tpu.memory_space<semaphore_mem>>) src(%dma_wait3A_415 : memref<2x128xi32, #tpu.memory_space<hbm>>) dst(%arg7 : memref<2x128xi32, #tpu.memory_space<vmem>>)
      %dma_start3A_416 = arith.constant 0 : i32
      %dma_start3A_417 = arith.constant 0 : i32
      %dma_start3A_418 = tpu.memref_slice %arg7[%dma_start3A_416, %dma_start3A_417] : memref<2x128xi32, #tpu.memory_space<vmem>> -> memref<1x128xi32, #tpu.memory_space<vmem>>
      %dma_start3A_419 = tpu.memref_squeeze %dma_start3A_418 : memref<1x128xi32, #tpu.memory_space<vmem>> -> memref<128xi32, #tpu.memory_space<vmem>>
      %dma_start3A_420 = arith.constant 0 : i32
      %dma_start3A_421 = arith.constant 0 : i32
      %dma_start3A_422 = tpu.memref_slice %arg2[%dma_start3A_420, %dma_start3A_421] : memref<10112x128xf32, #tpu.memory_space<hbm>> -> memref<10112x128xf32, #tpu.memory_space<hbm>>
      tpu.enqueue_indirect_dma source(%dma_start3A_422 : memref<10112x128xf32, #tpu.memory_space<hbm>>) target(%arg10 : memref<128x128xf32, #tpu.memory_space<vmem>>) offsets(%dma_start3A_419 : memref<128xi32, #tpu.memory_space<vmem>>) semaphore(%arg17 : memref<!tpu.dma_semaphore, #tpu.memory_space<semaphore_mem>>)
      %run_scoped3A_423 = arith.constant 1 : i32
      "tpu.region"() ({
        %run_scoped3A_444 = tpu.sem_alloc : memref<!tpu.dma_semaphore, #tpu.memory_space<semaphore_mem>>
        %dma_start3A_445 = arith.constant 0 : i32
        %dma_start3A_446 = tpu.memref_slice %arg8[%run_scoped3A_423, %dma_start3A_445] : memref<2x128xi32, #tpu.memory_space<vmem>> -> memref<1x128xi32, #tpu.memory_space<vmem>>
        %dma_start3A_447 = tpu.memref_squeeze %dma_start3A_446 : memref<1x128xi32, #tpu.memory_space<vmem>> -> memref<128xi32, #tpu.memory_space<vmem>>
        %dma_start3A_448 = arith.constant 0 : i32
        %dma_start3A_449 = arith.constant 0 : i32
        %dma_start3A_450 = tpu.memref_slice %arg12[%dma_start3A_448, %dma_start3A_449] : memref<10112x128xf32, #tpu.memory_space<vmem_shared>> -> memref<10112x128xf32, #tpu.memory_space<vmem_shared>>
        tpu.enqueue_indirect_dma source(%arg11 : memref<128x128xf32, #tpu.memory_space<vmem>>) target(%dma_start3A_450 : memref<10112x128xf32, #tpu.memory_space<vmem_shared>>) offsets(%dma_start3A_447 : memref<128xi32, #tpu.memory_space<vmem>>) semaphore(%run_scoped3A_444 : memref<!tpu.dma_semaphore, #tpu.memory_space<semaphore_mem>>) {add = true}
        %dma_wait3A_451 = arith.constant 0 : i32
        %dma_wait3A_452 = tpu.memref_slice %arg8[%run_scoped3A_423, %dma_wait3A_451] : memref<2x128xi32, #tpu.memory_space<vmem>> -> memref<1x128xi32, #tpu.memory_space<vmem>>
        %dma_wait3A_453 = tpu.memref_squeeze %dma_wait3A_452 : memref<1x128xi32, #tpu.memory_space<vmem>> -> memref<128xi32, #tpu.memory_space<vmem>>
        %dma_wait3A_454 = arith.constant 0 : i32
        %dma_wait3A_455 = arith.constant 0 : i32
        %dma_wait3A_456 = tpu.memref_slice %arg12[%dma_wait3A_454, %dma_wait3A_455] : memref<10112x128xf32, #tpu.memory_space<vmem_shared>> -> memref<10112x128xf32, #tpu.memory_space<vmem_shared>>
        tpu.wait_indirect_dma semaphore(%run_scoped3A_444 : memref<!tpu.dma_semaphore, #tpu.memory_space<semaphore_mem>>) src(%arg11 : memref<128x128xf32, #tpu.memory_space<vmem>>) dst(%dma_wait3A_456 : memref<10112x128xf32, #tpu.memory_space<vmem_shared>>)
        tpu.yield
      }) : () -> ()
      %add3A_424 = arith.constant 3 : i32
      %add3A_425 = arith.addi %add3A_389, %add3A_424 : i32
      %dma_start3A_426 = arith.constant 0 : i32
      %dma_start3A_427 = arith.constant 0 : i32
      %dma_start3A_428 = arith.constant 0 : i32
      %dma_start3A_429 = tpu.memref_slice %arg3[%add3A, %dma_start3A_426, %dma_start3A_427, %dma_start3A_428] : memref<32x84x2x128xi32, #tpu.memory_space<hbm>> -> memref<1x84x2x128xi32, #tpu.memory_space<hbm>>
      %dma_start3A_430 = tpu.memref_squeeze %dma_start3A_429 : memref<1x84x2x128xi32, #tpu.memory_space<hbm>> -> memref<84x2x128xi32, #tpu.memory_space<hbm>>
      %dma_start3A_431 = arith.constant 0 : i32
      %dma_start3A_432 = arith.constant 0 : i32
      %dma_start3A_433 = tpu.memref_slice %dma_start3A_430[%add3A_425, %dma_start3A_431, %dma_start3A_432] : memref<84x2x128xi32, #tpu.memory_space<hbm>> -> memref<1x2x128xi32, #tpu.memory_space<hbm>>
      %dma_start3A_434 = tpu.memref_squeeze %dma_start3A_433 : memref<1x2x128xi32, #tpu.memory_space<hbm>> -> memref<2x128xi32, #tpu.memory_space<hbm>>
      %dma_start3A_435 = arith.constant 0 : i32
      %dma_start3A_436 = arith.constant 0 : i32
      %dma_start3A_437 = arith.constant 0 : i32
      %dma_start3A_438 = tpu.memref_slice %arg3[%add3A, %dma_start3A_435, %dma_start3A_436, %dma_start3A_437] : memref<32x84x2x128xi32, #tpu.memory_space<hbm>> -> memref<1x84x2x128xi32, #tpu.memory_space<hbm>>
      %dma_start3A_439 = tpu.memref_squeeze %dma_start3A_438 : memref<1x84x2x128xi32, #tpu.memory_space<hbm>> -> memref<84x2x128xi32, #tpu.memory_space<hbm>>
      %dma_start3A_440 = arith.constant 0 : i32
      %dma_start3A_441 = arith.constant 0 : i32
      %dma_start3A_442 = tpu.memref_slice %dma_start3A_439[%add3A_425, %dma_start3A_440, %dma_start3A_441] : memref<84x2x128xi32, #tpu.memory_space<hbm>> -> memref<1x2x128xi32, #tpu.memory_space<hbm>>
      %dma_start3A_443 = tpu.memref_squeeze %dma_start3A_442 : memref<1x2x128xi32, #tpu.memory_space<hbm>> -> memref<2x128xi32, #tpu.memory_space<hbm>>
      tpu.enqueue_dma source(%dma_start3A_443 : memref<2x128xi32, #tpu.memory_space<hbm>>) target(%arg8 : memref<2x128xi32, #tpu.memory_space<vmem>>) target_semaphore(%arg15 : memref<!tpu.dma_semaphore, #tpu.memory_space<semaphore_mem>>)
    }
    %scan3A_114 = arith.constant 25 : i32
    %dma_wait3A_115 = arith.constant 0 : i32
    %dma_wait3A_116 = arith.constant 0 : i32
    %dma_wait3A_117 = tpu.memref_slice %arg6[%dma_wait3A_115, %dma_wait3A_116] : memref<2x128xi32, #tpu.memory_space<vmem>> -> memref<1x128xi32, #tpu.memory_space<vmem>>
    %dma_wait3A_118 = tpu.memref_squeeze %dma_wait3A_117 : memref<1x128xi32, #tpu.memory_space<vmem>> -> memref<128xi32, #tpu.memory_space<vmem>>
    %dma_wait3A_119 = arith.constant 0 : i32
    %dma_wait3A_120 = arith.constant 0 : i32
    %dma_wait3A_121 = tpu.memref_slice %arg2[%dma_wait3A_119, %dma_wait3A_120] : memref<10112x128xf32, #tpu.memory_space<hbm>> -> memref<10112x128xf32, #tpu.memory_space<hbm>>
    tpu.wait_indirect_dma semaphore(%arg16 : memref<!tpu.dma_semaphore, #tpu.memory_space<semaphore_mem>>) src(%dma_wait3A_121 : memref<10112x128xf32, #tpu.memory_space<hbm>>) dst(%arg9 : memref<128x128xf32, #tpu.memory_space<vmem>>)
    %dma_wait3A_122 = arith.constant 0 : i32
    %dma_wait3A_123 = arith.constant 0 : i32
    %dma_wait3A_124 = arith.constant 0 : i32
    %dma_wait3A_125 = arith.constant 0 : i32
    %dma_wait3A_126 = tpu.memref_slice %arg3[%add3A, %dma_wait3A_123, %dma_wait3A_124, %dma_wait3A_125] : memref<32x84x2x128xi32, #tpu.memory_space<hbm>> -> memref<1x84x2x128xi32, #tpu.memory_space<hbm>>
    %dma_wait3A_127 = tpu.memref_squeeze %dma_wait3A_126 : memref<1x84x2x128xi32, #tpu.memory_space<hbm>> -> memref<84x2x128xi32, #tpu.memory_space<hbm>>
    %dma_wait3A_128 = arith.constant 0 : i32
    %dma_wait3A_129 = arith.constant 0 : i32
    %dma_wait3A_130 = tpu.memref_slice %dma_wait3A_127[%dma_wait3A_122, %dma_wait3A_128, %dma_wait3A_129] : memref<84x2x128xi32, #tpu.memory_space<hbm>> -> memref<1x2x128xi32, #tpu.memory_space<hbm>>
    %dma_wait3A_131 = tpu.memref_squeeze %dma_wait3A_130 : memref<1x2x128xi32, #tpu.memory_space<hbm>> -> memref<2x128xi32, #tpu.memory_space<hbm>>
    %dma_wait3A_132 = arith.constant 0 : i32
    %dma_wait3A_133 = arith.constant 0 : i32
    %dma_wait3A_134 = arith.constant 0 : i32
    %dma_wait3A_135 = tpu.memref_slice %arg3[%add3A, %dma_wait3A_132, %dma_wait3A_133, %dma_wait3A_134] : memref<32x84x2x128xi32, #tpu.memory_space<hbm>> -> memref<1x84x2x128xi32, #tpu.memory_space<hbm>>
    %dma_wait3A_136 = tpu.memref_squeeze %dma_wait3A_135 : memref<1x84x2x128xi32, #tpu.memory_space<hbm>> -> memref<84x2x128xi32, #tpu.memory_space<hbm>>
    %dma_wait3A_137 = arith.constant 0 : i32
    %dma_wait3A_138 = arith.constant 0 : i32
    %dma_wait3A_139 = tpu.memref_slice %dma_wait3A_136[%dma_wait3A_122, %dma_wait3A_137, %dma_wait3A_138] : memref<84x2x128xi32, #tpu.memory_space<hbm>> -> memref<1x2x128xi32, #tpu.memory_space<hbm>>
    %dma_wait3A_140 = tpu.memref_squeeze %dma_wait3A_139 : memref<1x2x128xi32, #tpu.memory_space<hbm>> -> memref<2x128xi32, #tpu.memory_space<hbm>>
    tpu.wait_dma2 semaphore(%arg15 : memref<!tpu.dma_semaphore, #tpu.memory_space<semaphore_mem>>) src(%dma_wait3A_140 : memref<2x128xi32, #tpu.memory_space<hbm>>) dst(%arg8 : memref<2x128xi32, #tpu.memory_space<vmem>>)
    %dma_start3A_141 = arith.constant 0 : i32
    %dma_start3A_142 = arith.constant 0 : i32
    %dma_start3A_143 = tpu.memref_slice %arg8[%dma_start3A_141, %dma_start3A_142] : memref<2x128xi32, #tpu.memory_space<vmem>> -> memref<1x128xi32, #tpu.memory_space<vmem>>
    %dma_start3A_144 = tpu.memref_squeeze %dma_start3A_143 : memref<1x128xi32, #tpu.memory_space<vmem>> -> memref<128xi32, #tpu.memory_space<vmem>>
    %dma_start3A_145 = arith.constant 0 : i32
    %dma_start3A_146 = arith.constant 0 : i32
    %dma_start3A_147 = tpu.memref_slice %arg2[%dma_start3A_145, %dma_start3A_146] : memref<10112x128xf32, #tpu.memory_space<hbm>> -> memref<10112x128xf32, #tpu.memory_space<hbm>>
    tpu.enqueue_indirect_dma source(%dma_start3A_147 : memref<10112x128xf32, #tpu.memory_space<hbm>>) target(%arg11 : memref<128x128xf32, #tpu.memory_space<vmem>>) offsets(%dma_start3A_144 : memref<128xi32, #tpu.memory_space<vmem>>) semaphore(%arg18 : memref<!tpu.dma_semaphore, #tpu.memory_space<semaphore_mem>>)
    %run_scoped3A = arith.constant 1 : i32
    "tpu.region"() ({
      %run_scoped3A_273 = tpu.sem_alloc : memref<!tpu.dma_semaphore, #tpu.memory_space<semaphore_mem>>
      %dma_start3A_274 = arith.constant 0 : i32
      %dma_start3A_275 = tpu.memref_slice %arg6[%run_scoped3A, %dma_start3A_274] : memref<2x128xi32, #tpu.memory_space<vmem>> -> memref<1x128xi32, #tpu.memory_space<vmem>>
      %dma_start3A_276 = tpu.memref_squeeze %dma_start3A_275 : memref<1x128xi32, #tpu.memory_space<vmem>> -> memref<128xi32, #tpu.memory_space<vmem>>
      %dma_start3A_277 = arith.constant 0 : i32
      %dma_start3A_278 = arith.constant 0 : i32
      %dma_start3A_279 = tpu.memref_slice %arg12[%dma_start3A_277, %dma_start3A_278] : memref<10112x128xf32, #tpu.memory_space<vmem_shared>> -> memref<10112x128xf32, #tpu.memory_space<vmem_shared>>
      tpu.enqueue_indirect_dma source(%arg9 : memref<128x128xf32, #tpu.memory_space<vmem>>) target(%dma_start3A_279 : memref<10112x128xf32, #tpu.memory_space<vmem_shared>>) offsets(%dma_start3A_276 : memref<128xi32, #tpu.memory_space<vmem>>) semaphore(%run_scoped3A_273 : memref<!tpu.dma_semaphore, #tpu.memory_space<semaphore_mem>>) {add = true}
      %dma_wait3A_280 = arith.constant 0 : i32
      %dma_wait3A_281 = tpu.memref_slice %arg6[%run_scoped3A, %dma_wait3A_280] : memref<2x128xi32, #tpu.memory_space<vmem>> -> memref<1x128xi32, #tpu.memory_space<vmem>>
      %dma_wait3A_282 = tpu.memref_squeeze %dma_wait3A_281 : memref<1x128xi32, #tpu.memory_space<vmem>> -> memref<128xi32, #tpu.memory_space<vmem>>
      %dma_wait3A_283 = arith.constant 0 : i32
      %dma_wait3A_284 = arith.constant 0 : i32
      %dma_wait3A_285 = tpu.memref_slice %arg12[%dma_wait3A_283, %dma_wait3A_284] : memref<10112x128xf32, #tpu.memory_space<vmem_shared>> -> memref<10112x128xf32, #tpu.memory_space<vmem_shared>>
      tpu.wait_indirect_dma semaphore(%run_scoped3A_273 : memref<!tpu.dma_semaphore, #tpu.memory_space<semaphore_mem>>) src(%arg9 : memref<128x128xf32, #tpu.memory_space<vmem>>) dst(%dma_wait3A_285 : memref<10112x128xf32, #tpu.memory_space<vmem_shared>>)
      tpu.yield
    }) : () -> ()
    %dma_start3A_148 = arith.constant 78 : i32
    %dma_start3A_149 = arith.constant 0 : i32
    %dma_start3A_150 = arith.constant 0 : i32
    %dma_start3A_151 = arith.constant 0 : i32
    %dma_start3A_152 = tpu.memref_slice %arg3[%add3A, %dma_start3A_149, %dma_start3A_150, %dma_start3A_151] : memref<32x84x2x128xi32, #tpu.memory_space<hbm>> -> memref<1x84x2x128xi32, #tpu.memory_space<hbm>>
    %dma_start3A_153 = tpu.memref_squeeze %dma_start3A_152 : memref<1x84x2x128xi32, #tpu.memory_space<hbm>> -> memref<84x2x128xi32, #tpu.memory_space<hbm>>
    %dma_start3A_154 = arith.constant 0 : i32
    %dma_start3A_155 = arith.constant 0 : i32
    %dma_start3A_156 = tpu.memref_slice %dma_start3A_153[%dma_start3A_148, %dma_start3A_154, %dma_start3A_155] : memref<84x2x128xi32, #tpu.memory_space<hbm>> -> memref<1x2x128xi32, #tpu.memory_space<hbm>>
    %dma_start3A_157 = tpu.memref_squeeze %dma_start3A_156 : memref<1x2x128xi32, #tpu.memory_space<hbm>> -> memref<2x128xi32, #tpu.memory_space<hbm>>
    %dma_start3A_158 = arith.constant 0 : i32
    %dma_start3A_159 = arith.constant 0 : i32
    %dma_start3A_160 = arith.constant 0 : i32
    %dma_start3A_161 = tpu.memref_slice %arg3[%add3A, %dma_start3A_158, %dma_start3A_159, %dma_start3A_160] : memref<32x84x2x128xi32, #tpu.memory_space<hbm>> -> memref<1x84x2x128xi32, #tpu.memory_space<hbm>>
    %dma_start3A_162 = tpu.memref_squeeze %dma_start3A_161 : memref<1x84x2x128xi32, #tpu.memory_space<hbm>> -> memref<84x2x128xi32, #tpu.memory_space<hbm>>
    %dma_start3A_163 = arith.constant 0 : i32
    %dma_start3A_164 = arith.constant 0 : i32
    %dma_start3A_165 = tpu.memref_slice %dma_start3A_162[%dma_start3A_148, %dma_start3A_163, %dma_start3A_164] : memref<84x2x128xi32, #tpu.memory_space<hbm>> -> memref<1x2x128xi32, #tpu.memory_space<hbm>>
    %dma_start3A_166 = tpu.memref_squeeze %dma_start3A_165 : memref<1x2x128xi32, #tpu.memory_space<hbm>> -> memref<2x128xi32, #tpu.memory_space<hbm>>
    tpu.enqueue_dma source(%dma_start3A_166 : memref<2x128xi32, #tpu.memory_space<hbm>>) target(%arg6 : memref<2x128xi32, #tpu.memory_space<vmem>>) target_semaphore(%arg13 : memref<!tpu.dma_semaphore, #tpu.memory_space<semaphore_mem>>)
    %dma_wait3A_167 = arith.constant 0 : i32
    %dma_wait3A_168 = arith.constant 0 : i32
    %dma_wait3A_169 = tpu.memref_slice %arg7[%dma_wait3A_167, %dma_wait3A_168] : memref<2x128xi32, #tpu.memory_space<vmem>> -> memref<1x128xi32, #tpu.memory_space<vmem>>
    %dma_wait3A_170 = tpu.memref_squeeze %dma_wait3A_169 : memref<1x128xi32, #tpu.memory_space<vmem>> -> memref<128xi32, #tpu.memory_space<vmem>>
    %dma_wait3A_171 = arith.constant 0 : i32
    %dma_wait3A_172 = arith.constant 0 : i32
    %dma_wait3A_173 = tpu.memref_slice %arg2[%dma_wait3A_171, %dma_wait3A_172] : memref<10112x128xf32, #tpu.memory_space<hbm>> -> memref<10112x128xf32, #tpu.memory_space<hbm>>
    tpu.wait_indirect_dma semaphore(%arg17 : memref<!tpu.dma_semaphore, #tpu.memory_space<semaphore_mem>>) src(%dma_wait3A_173 : memref<10112x128xf32, #tpu.memory_space<hbm>>) dst(%arg10 : memref<128x128xf32, #tpu.memory_space<vmem>>)
    %dma_wait3A_174 = arith.constant 0 : i32
    %dma_wait3A_175 = arith.constant 0 : i32
    %dma_wait3A_176 = arith.constant 0 : i32
    %dma_wait3A_177 = arith.constant 0 : i32
    %dma_wait3A_178 = tpu.memref_slice %arg3[%add3A, %dma_wait3A_175, %dma_wait3A_176, %dma_wait3A_177] : memref<32x84x2x128xi32, #tpu.memory_space<hbm>> -> memref<1x84x2x128xi32, #tpu.memory_space<hbm>>
    %dma_wait3A_179 = tpu.memref_squeeze %dma_wait3A_178 : memref<1x84x2x128xi32, #tpu.memory_space<hbm>> -> memref<84x2x128xi32, #tpu.memory_space<hbm>>
    %dma_wait3A_180 = arith.constant 0 : i32
    %dma_wait3A_181 = arith.constant 0 : i32
    %dma_wait3A_182 = tpu.memref_slice %dma_wait3A_179[%dma_wait3A_174, %dma_wait3A_180, %dma_wait3A_181] : memref<84x2x128xi32, #tpu.memory_space<hbm>> -> memref<1x2x128xi32, #tpu.memory_space<hbm>>
    %dma_wait3A_183 = tpu.memref_squeeze %dma_wait3A_182 : memref<1x2x128xi32, #tpu.memory_space<hbm>> -> memref<2x128xi32, #tpu.memory_space<hbm>>
    %dma_wait3A_184 = arith.constant 0 : i32
    %dma_wait3A_185 = arith.constant 0 : i32
    %dma_wait3A_186 = arith.constant 0 : i32
    %dma_wait3A_187 = tpu.memref_slice %arg3[%add3A, %dma_wait3A_184, %dma_wait3A_185, %dma_wait3A_186] : memref<32x84x2x128xi32, #tpu.memory_space<hbm>> -> memref<1x84x2x128xi32, #tpu.memory_space<hbm>>
    %dma_wait3A_188 = tpu.memref_squeeze %dma_wait3A_187 : memref<1x84x2x128xi32, #tpu.memory_space<hbm>> -> memref<84x2x128xi32, #tpu.memory_space<hbm>>
    %dma_wait3A_189 = arith.constant 0 : i32
    %dma_wait3A_190 = arith.constant 0 : i32
    %dma_wait3A_191 = tpu.memref_slice %dma_wait3A_188[%dma_wait3A_174, %dma_wait3A_189, %dma_wait3A_190] : memref<84x2x128xi32, #tpu.memory_space<hbm>> -> memref<1x2x128xi32, #tpu.memory_space<hbm>>
    %dma_wait3A_192 = tpu.memref_squeeze %dma_wait3A_191 : memref<1x2x128xi32, #tpu.memory_space<hbm>> -> memref<2x128xi32, #tpu.memory_space<hbm>>
    tpu.wait_dma2 semaphore(%arg13 : memref<!tpu.dma_semaphore, #tpu.memory_space<semaphore_mem>>) src(%dma_wait3A_192 : memref<2x128xi32, #tpu.memory_space<hbm>>) dst(%arg6 : memref<2x128xi32, #tpu.memory_space<vmem>>)
    %dma_start3A_193 = arith.constant 0 : i32
    %dma_start3A_194 = arith.constant 0 : i32
    %dma_start3A_195 = tpu.memref_slice %arg6[%dma_start3A_193, %dma_start3A_194] : memref<2x128xi32, #tpu.memory_space<vmem>> -> memref<1x128xi32, #tpu.memory_space<vmem>>
    %dma_start3A_196 = tpu.memref_squeeze %dma_start3A_195 : memref<1x128xi32, #tpu.memory_space<vmem>> -> memref<128xi32, #tpu.memory_space<vmem>>
    %dma_start3A_197 = arith.constant 0 : i32
    %dma_start3A_198 = arith.constant 0 : i32
    %dma_start3A_199 = tpu.memref_slice %arg2[%dma_start3A_197, %dma_start3A_198] : memref<10112x128xf32, #tpu.memory_space<hbm>> -> memref<10112x128xf32, #tpu.memory_space<hbm>>
    tpu.enqueue_indirect_dma source(%dma_start3A_199 : memref<10112x128xf32, #tpu.memory_space<hbm>>) target(%arg9 : memref<128x128xf32, #tpu.memory_space<vmem>>) offsets(%dma_start3A_196 : memref<128xi32, #tpu.memory_space<vmem>>) semaphore(%arg16 : memref<!tpu.dma_semaphore, #tpu.memory_space<semaphore_mem>>)
    %run_scoped3A_200 = arith.constant 1 : i32
    "tpu.region"() ({
      %run_scoped3A_273 = tpu.sem_alloc : memref<!tpu.dma_semaphore, #tpu.memory_space<semaphore_mem>>
      %dma_start3A_274 = arith.constant 0 : i32
      %dma_start3A_275 = tpu.memref_slice %arg7[%run_scoped3A_200, %dma_start3A_274] : memref<2x128xi32, #tpu.memory_space<vmem>> -> memref<1x128xi32, #tpu.memory_space<vmem>>
      %dma_start3A_276 = tpu.memref_squeeze %dma_start3A_275 : memref<1x128xi32, #tpu.memory_space<vmem>> -> memref<128xi32, #tpu.memory_space<vmem>>
      %dma_start3A_277 = arith.constant 0 : i32
      %dma_start3A_278 = arith.constant 0 : i32
      %dma_start3A_279 = tpu.memref_slice %arg12[%dma_start3A_277, %dma_start3A_278] : memref<10112x128xf32, #tpu.memory_space<vmem_shared>> -> memref<10112x128xf32, #tpu.memory_space<vmem_shared>>
      tpu.enqueue_indirect_dma source(%arg10 : memref<128x128xf32, #tpu.memory_space<vmem>>) target(%dma_start3A_279 : memref<10112x128xf32, #tpu.memory_space<vmem_shared>>) offsets(%dma_start3A_276 : memref<128xi32, #tpu.memory_space<vmem>>) semaphore(%run_scoped3A_273 : memref<!tpu.dma_semaphore, #tpu.memory_space<semaphore_mem>>) {add = true}
      %dma_wait3A_280 = arith.constant 0 : i32
      %dma_wait3A_281 = tpu.memref_slice %arg7[%run_scoped3A_200, %dma_wait3A_280] : memref<2x128xi32, #tpu.memory_space<vmem>> -> memref<1x128xi32, #tpu.memory_space<vmem>>
      %dma_wait3A_282 = tpu.memref_squeeze %dma_wait3A_281 : memref<1x128xi32, #tpu.memory_space<vmem>> -> memref<128xi32, #tpu.memory_space<vmem>>
      %dma_wait3A_283 = arith.constant 0 : i32
      %dma_wait3A_284 = arith.constant 0 : i32
      %dma_wait3A_285 = tpu.memref_slice %arg12[%dma_wait3A_283, %dma_wait3A_284] : memref<10112x128xf32, #tpu.memory_space<vmem_shared>> -> memref<10112x128xf32, #tpu.memory_space<vmem_shared>>
      tpu.wait_indirect_dma semaphore(%run_scoped3A_273 : memref<!tpu.dma_semaphore, #tpu.memory_space<semaphore_mem>>) src(%arg10 : memref<128x128xf32, #tpu.memory_space<vmem>>) dst(%dma_wait3A_285 : memref<10112x128xf32, #tpu.memory_space<vmem_shared>>)
      tpu.yield
    }) : () -> ()
    %dma_start3A_201 = arith.constant 79 : i32
    %dma_start3A_202 = arith.constant 0 : i32
    %dma_start3A_203 = arith.constant 0 : i32
    %dma_start3A_204 = arith.constant 0 : i32
    %dma_start3A_205 = tpu.memref_slice %arg3[%add3A, %dma_start3A_202, %dma_start3A_203, %dma_start3A_204] : memref<32x84x2x128xi32, #tpu.memory_space<hbm>> -> memref<1x84x2x128xi32, #tpu.memory_space<hbm>>
    %dma_start3A_206 = tpu.memref_squeeze %dma_start3A_205 : memref<1x84x2x128xi32, #tpu.memory_space<hbm>> -> memref<84x2x128xi32, #tpu.memory_space<hbm>>
    %dma_start3A_207 = arith.constant 0 : i32
    %dma_start3A_208 = arith.constant 0 : i32
    %dma_start3A_209 = tpu.memref_slice %dma_start3A_206[%dma_start3A_201, %dma_start3A_207, %dma_start3A_208] : memref<84x2x128xi32, #tpu.memory_space<hbm>> -> memref<1x2x128xi32, #tpu.memory_space<hbm>>
    %dma_start3A_210 = tpu.memref_squeeze %dma_start3A_209 : memref<1x2x128xi32, #tpu.memory_space<hbm>> -> memref<2x128xi32, #tpu.memory_space<hbm>>
    %dma_start3A_211 = arith.constant 0 : i32
    %dma_start3A_212 = arith.constant 0 : i32
    %dma_start3A_213 = arith.constant 0 : i32
    %dma_start3A_214 = tpu.memref_slice %arg3[%add3A, %dma_start3A_211, %dma_start3A_212, %dma_start3A_213] : memref<32x84x2x128xi32, #tpu.memory_space<hbm>> -> memref<1x84x2x128xi32, #tpu.memory_space<hbm>>
    %dma_start3A_215 = tpu.memref_squeeze %dma_start3A_214 : memref<1x84x2x128xi32, #tpu.memory_space<hbm>> -> memref<84x2x128xi32, #tpu.memory_space<hbm>>
    %dma_start3A_216 = arith.constant 0 : i32
    %dma_start3A_217 = arith.constant 0 : i32
    %dma_start3A_218 = tpu.memref_slice %dma_start3A_215[%dma_start3A_201, %dma_start3A_216, %dma_start3A_217] : memref<84x2x128xi32, #tpu.memory_space<hbm>> -> memref<1x2x128xi32, #tpu.memory_space<hbm>>
    %dma_start3A_219 = tpu.memref_squeeze %dma_start3A_218 : memref<1x2x128xi32, #tpu.memory_space<hbm>> -> memref<2x128xi32, #tpu.memory_space<hbm>>
    tpu.enqueue_dma source(%dma_start3A_219 : memref<2x128xi32, #tpu.memory_space<hbm>>) target(%arg7 : memref<2x128xi32, #tpu.memory_space<vmem>>) target_semaphore(%arg14 : memref<!tpu.dma_semaphore, #tpu.memory_space<semaphore_mem>>)
    %dma_wait3A_220 = arith.constant 0 : i32
    %dma_wait3A_221 = arith.constant 0 : i32
    %dma_wait3A_222 = tpu.memref_slice %arg8[%dma_wait3A_220, %dma_wait3A_221] : memref<2x128xi32, #tpu.memory_space<vmem>> -> memref<1x128xi32, #tpu.memory_space<vmem>>
    %dma_wait3A_223 = tpu.memref_squeeze %dma_wait3A_222 : memref<1x128xi32, #tpu.memory_space<vmem>> -> memref<128xi32, #tpu.memory_space<vmem>>
    %dma_wait3A_224 = arith.constant 0 : i32
    %dma_wait3A_225 = arith.constant 0 : i32
    %dma_wait3A_226 = tpu.memref_slice %arg2[%dma_wait3A_224, %dma_wait3A_225] : memref<10112x128xf32, #tpu.memory_space<hbm>> -> memref<10112x128xf32, #tpu.memory_space<hbm>>
    tpu.wait_indirect_dma semaphore(%arg18 : memref<!tpu.dma_semaphore, #tpu.memory_space<semaphore_mem>>) src(%dma_wait3A_226 : memref<10112x128xf32, #tpu.memory_space<hbm>>) dst(%arg11 : memref<128x128xf32, #tpu.memory_space<vmem>>)
    %dma_wait3A_227 = arith.constant 0 : i32
    %dma_wait3A_228 = arith.constant 0 : i32
    %dma_wait3A_229 = arith.constant 0 : i32
    %dma_wait3A_230 = arith.constant 0 : i32
    %dma_wait3A_231 = tpu.memref_slice %arg3[%add3A, %dma_wait3A_228, %dma_wait3A_229, %dma_wait3A_230] : memref<32x84x2x128xi32, #tpu.memory_space<hbm>> -> memref<1x84x2x128xi32, #tpu.memory_space<hbm>>
    %dma_wait3A_232 = tpu.memref_squeeze %dma_wait3A_231 : memref<1x84x2x128xi32, #tpu.memory_space<hbm>> -> memref<84x2x128xi32, #tpu.memory_space<hbm>>
    %dma_wait3A_233 = arith.constant 0 : i32
    %dma_wait3A_234 = arith.constant 0 : i32
    %dma_wait3A_235 = tpu.memref_slice %dma_wait3A_232[%dma_wait3A_227, %dma_wait3A_233, %dma_wait3A_234] : memref<84x2x128xi32, #tpu.memory_space<hbm>> -> memref<1x2x128xi32, #tpu.memory_space<hbm>>
    %dma_wait3A_236 = tpu.memref_squeeze %dma_wait3A_235 : memref<1x2x128xi32, #tpu.memory_space<hbm>> -> memref<2x128xi32, #tpu.memory_space<hbm>>
    %dma_wait3A_237 = arith.constant 0 : i32
    %dma_wait3A_238 = arith.constant 0 : i32
    %dma_wait3A_239 = arith.constant 0 : i32
    %dma_wait3A_240 = tpu.memref_slice %arg3[%add3A, %dma_wait3A_237, %dma_wait3A_238, %dma_wait3A_239] : memref<32x84x2x128xi32, #tpu.memory_space<hbm>> -> memref<1x84x2x128xi32, #tpu.memory_space<hbm>>
    %dma_wait3A_241 = tpu.memref_squeeze %dma_wait3A_240 : memref<1x84x2x128xi32, #tpu.memory_space<hbm>> -> memref<84x2x128xi32, #tpu.memory_space<hbm>>
    %dma_wait3A_242 = arith.constant 0 : i32
    %dma_wait3A_243 = arith.constant 0 : i32
    %dma_wait3A_244 = tpu.memref_slice %dma_wait3A_241[%dma_wait3A_227, %dma_wait3A_242, %dma_wait3A_243] : memref<84x2x128xi32, #tpu.memory_space<hbm>> -> memref<1x2x128xi32, #tpu.memory_space<hbm>>
    %dma_wait3A_245 = tpu.memref_squeeze %dma_wait3A_244 : memref<1x2x128xi32, #tpu.memory_space<hbm>> -> memref<2x128xi32, #tpu.memory_space<hbm>>
    tpu.wait_dma2 semaphore(%arg14 : memref<!tpu.dma_semaphore, #tpu.memory_space<semaphore_mem>>) src(%dma_wait3A_245 : memref<2x128xi32, #tpu.memory_space<hbm>>) dst(%arg7 : memref<2x128xi32, #tpu.memory_space<vmem>>)
    %dma_start3A_246 = arith.constant 0 : i32
    %dma_start3A_247 = arith.constant 0 : i32
    %dma_start3A_248 = tpu.memref_slice %arg7[%dma_start3A_246, %dma_start3A_247] : memref<2x128xi32, #tpu.memory_space<vmem>> -> memref<1x128xi32, #tpu.memory_space<vmem>>
    %dma_start3A_249 = tpu.memref_squeeze %dma_start3A_248 : memref<1x128xi32, #tpu.memory_space<vmem>> -> memref<128xi32, #tpu.memory_space<vmem>>
    %dma_start3A_250 = arith.constant 0 : i32
    %dma_start3A_251 = arith.constant 0 : i32
    %dma_start3A_252 = tpu.memref_slice %arg2[%dma_start3A_250, %dma_start3A_251] : memref<10112x128xf32, #tpu.memory_space<hbm>> -> memref<10112x128xf32, #tpu.memory_space<hbm>>
    tpu.enqueue_indirect_dma source(%dma_start3A_252 : memref<10112x128xf32, #tpu.memory_space<hbm>>) target(%arg10 : memref<128x128xf32, #tpu.memory_space<vmem>>) offsets(%dma_start3A_249 : memref<128xi32, #tpu.memory_space<vmem>>) semaphore(%arg17 : memref<!tpu.dma_semaphore, #tpu.memory_space<semaphore_mem>>)
    %run_scoped3A_253 = arith.constant 1 : i32
    "tpu.region"() ({
      %run_scoped3A_273 = tpu.sem_alloc : memref<!tpu.dma_semaphore, #tpu.memory_space<semaphore_mem>>
      %dma_start3A_274 = arith.constant 0 : i32
      %dma_start3A_275 = tpu.memref_slice %arg8[%run_scoped3A_253, %dma_start3A_274] : memref<2x128xi32, #tpu.memory_space<vmem>> -> memref<1x128xi32, #tpu.memory_space<vmem>>
      %dma_start3A_276 = tpu.memref_squeeze %dma_start3A_275 : memref<1x128xi32, #tpu.memory_space<vmem>> -> memref<128xi32, #tpu.memory_space<vmem>>
      %dma_start3A_277 = arith.constant 0 : i32
      %dma_start3A_278 = arith.constant 0 : i32
      %dma_start3A_279 = tpu.memref_slice %arg12[%dma_start3A_277, %dma_start3A_278] : memref<10112x128xf32, #tpu.memory_space<vmem_shared>> -> memref<10112x128xf32, #tpu.memory_space<vmem_shared>>
      tpu.enqueue_indirect_dma source(%arg11 : memref<128x128xf32, #tpu.memory_space<vmem>>) target(%dma_start3A_279 : memref<10112x128xf32, #tpu.memory_space<vmem_shared>>) offsets(%dma_start3A_276 : memref<128xi32, #tpu.memory_space<vmem>>) semaphore(%run_scoped3A_273 : memref<!tpu.dma_semaphore, #tpu.memory_space<semaphore_mem>>) {add = true}
      %dma_wait3A_280 = arith.constant 0 : i32
      %dma_wait3A_281 = tpu.memref_slice %arg8[%run_scoped3A_253, %dma_wait3A_280] : memref<2x128xi32, #tpu.memory_space<vmem>> -> memref<1x128xi32, #tpu.memory_space<vmem>>
      %dma_wait3A_282 = tpu.memref_squeeze %dma_wait3A_281 : memref<1x128xi32, #tpu.memory_space<vmem>> -> memref<128xi32, #tpu.memory_space<vmem>>
      %dma_wait3A_283 = arith.constant 0 : i32
      %dma_wait3A_284 = arith.constant 0 : i32
      %dma_wait3A_285 = tpu.memref_slice %arg12[%dma_wait3A_283, %dma_wait3A_284] : memref<10112x128xf32, #tpu.memory_space<vmem_shared>> -> memref<10112x128xf32, #tpu.memory_space<vmem_shared>>
      tpu.wait_indirect_dma semaphore(%run_scoped3A_273 : memref<!tpu.dma_semaphore, #tpu.memory_space<semaphore_mem>>) src(%arg11 : memref<128x128xf32, #tpu.memory_space<vmem>>) dst(%dma_wait3A_285 : memref<10112x128xf32, #tpu.memory_space<vmem_shared>>)
      tpu.yield
    }) : () -> ()
    %dma_wait3A_254 = arith.constant 0 : i32
    %dma_wait3A_255 = arith.constant 0 : i32
    %dma_wait3A_256 = tpu.memref_slice %arg6[%dma_wait3A_254, %dma_wait3A_255] : memref<2x128xi32, #tpu.memory_space<vmem>> -> memref<1x128xi32, #tpu.memory_space<vmem>>
    %dma_wait3A_257 = tpu.memref_squeeze %dma_wait3A_256 : memref<1x128xi32, #tpu.memory_space<vmem>> -> memref<128xi32, #tpu.memory_space<vmem>>
    %dma_wait3A_258 = arith.constant 0 : i32
    %dma_wait3A_259 = arith.constant 0 : i32
    %dma_wait3A_260 = tpu.memref_slice %arg2[%dma_wait3A_258, %dma_wait3A_259] : memref<10112x128xf32, #tpu.memory_space<hbm>> -> memref<10112x128xf32, #tpu.memory_space<hbm>>
    tpu.wait_indirect_dma semaphore(%arg16 : memref<!tpu.dma_semaphore, #tpu.memory_space<semaphore_mem>>) src(%dma_wait3A_260 : memref<10112x128xf32, #tpu.memory_space<hbm>>) dst(%arg9 : memref<128x128xf32, #tpu.memory_space<vmem>>)
    %run_scoped3A_261 = arith.constant 1 : i32
    "tpu.region"() ({
      %run_scoped3A_273 = tpu.sem_alloc : memref<!tpu.dma_semaphore, #tpu.memory_space<semaphore_mem>>
      %dma_start3A_274 = arith.constant 0 : i32
      %dma_start3A_275 = tpu.memref_slice %arg6[%run_scoped3A_261, %dma_start3A_274] : memref<2x128xi32, #tpu.memory_space<vmem>> -> memref<1x128xi32, #tpu.memory_space<vmem>>
      %dma_start3A_276 = tpu.memref_squeeze %dma_start3A_275 : memref<1x128xi32, #tpu.memory_space<vmem>> -> memref<128xi32, #tpu.memory_space<vmem>>
      %dma_start3A_277 = arith.constant 0 : i32
      %dma_start3A_278 = arith.constant 0 : i32
      %dma_start3A_279 = tpu.memref_slice %arg12[%dma_start3A_277, %dma_start3A_278] : memref<10112x128xf32, #tpu.memory_space<vmem_shared>> -> memref<10112x128xf32, #tpu.memory_space<vmem_shared>>
      tpu.enqueue_indirect_dma source(%arg9 : memref<128x128xf32, #tpu.memory_space<vmem>>) target(%dma_start3A_279 : memref<10112x128xf32, #tpu.memory_space<vmem_shared>>) offsets(%dma_start3A_276 : memref<128xi32, #tpu.memory_space<vmem>>) semaphore(%run_scoped3A_273 : memref<!tpu.dma_semaphore, #tpu.memory_space<semaphore_mem>>) {add = true}
      %dma_wait3A_280 = arith.constant 0 : i32
      %dma_wait3A_281 = tpu.memref_slice %arg6[%run_scoped3A_261, %dma_wait3A_280] : memref<2x128xi32, #tpu.memory_space<vmem>> -> memref<1x128xi32, #tpu.memory_space<vmem>>
      %dma_wait3A_282 = tpu.memref_squeeze %dma_wait3A_281 : memref<1x128xi32, #tpu.memory_space<vmem>> -> memref<128xi32, #tpu.memory_space<vmem>>
      %dma_wait3A_283 = arith.constant 0 : i32
      %dma_wait3A_284 = arith.constant 0 : i32
      %dma_wait3A_285 = tpu.memref_slice %arg12[%dma_wait3A_283, %dma_wait3A_284] : memref<10112x128xf32, #tpu.memory_space<vmem_shared>> -> memref<10112x128xf32, #tpu.memory_space<vmem_shared>>
      tpu.wait_indirect_dma semaphore(%run_scoped3A_273 : memref<!tpu.dma_semaphore, #tpu.memory_space<semaphore_mem>>) src(%arg9 : memref<128x128xf32, #tpu.memory_space<vmem>>) dst(%dma_wait3A_285 : memref<10112x128xf32, #tpu.memory_space<vmem_shared>>)
      tpu.yield
    }) : () -> ()
    %dma_wait3A_262 = arith.constant 0 : i32
    %dma_wait3A_263 = arith.constant 0 : i32
    %dma_wait3A_264 = tpu.memref_slice %arg7[%dma_wait3A_262, %dma_wait3A_263] : memref<2x128xi32, #tpu.memory_space<vmem>> -> memref<1x128xi32, #tpu.memory_space<vmem>>
    %dma_wait3A_265 = tpu.memref_squeeze %dma_wait3A_264 : memref<1x128xi32, #tpu.memory_space<vmem>> -> memref<128xi32, #tpu.memory_space<vmem>>
    %dma_wait3A_266 = arith.constant 0 : i32
    %dma_wait3A_267 = arith.constant 0 : i32
    %dma_wait3A_268 = tpu.memref_slice %arg2[%dma_wait3A_266, %dma_wait3A_267] : memref<10112x128xf32, #tpu.memory_space<hbm>> -> memref<10112x128xf32, #tpu.memory_space<hbm>>
    tpu.wait_indirect_dma semaphore(%arg17 : memref<!tpu.dma_semaphore, #tpu.memory_space<semaphore_mem>>) src(%dma_wait3A_268 : memref<10112x128xf32, #tpu.memory_space<hbm>>) dst(%arg10 : memref<128x128xf32, #tpu.memory_space<vmem>>)
    %run_scoped3A_269 = arith.constant 1 : i32
    "tpu.region"() ({
      %run_scoped3A_273 = tpu.sem_alloc : memref<!tpu.dma_semaphore, #tpu.memory_space<semaphore_mem>>
      %dma_start3A_274 = arith.constant 0 : i32
      %dma_start3A_275 = tpu.memref_slice %arg7[%run_scoped3A_269, %dma_start3A_274] : memref<2x128xi32, #tpu.memory_space<vmem>> -> memref<1x128xi32, #tpu.memory_space<vmem>>
      %dma_start3A_276 = tpu.memref_squeeze %dma_start3A_275 : memref<1x128xi32, #tpu.memory_space<vmem>> -> memref<128xi32, #tpu.memory_space<vmem>>
      %dma_start3A_277 = arith.constant 0 : i32
      %dma_start3A_278 = arith.constant 0 : i32
      %dma_start3A_279 = tpu.memref_slice %arg12[%dma_start3A_277, %dma_start3A_278] : memref<10112x128xf32, #tpu.memory_space<vmem_shared>> -> memref<10112x128xf32, #tpu.memory_space<vmem_shared>>
      tpu.enqueue_indirect_dma source(%arg10 : memref<128x128xf32, #tpu.memory_space<vmem>>) target(%dma_start3A_279 : memref<10112x128xf32, #tpu.memory_space<vmem_shared>>) offsets(%dma_start3A_276 : memref<128xi32, #tpu.memory_space<vmem>>) semaphore(%run_scoped3A_273 : memref<!tpu.dma_semaphore, #tpu.memory_space<semaphore_mem>>) {add = true}
      %dma_wait3A_280 = arith.constant 0 : i32
      %dma_wait3A_281 = tpu.memref_slice %arg7[%run_scoped3A_269, %dma_wait3A_280] : memref<2x128xi32, #tpu.memory_space<vmem>> -> memref<1x128xi32, #tpu.memory_space<vmem>>
      %dma_wait3A_282 = tpu.memref_squeeze %dma_wait3A_281 : memref<1x128xi32, #tpu.memory_space<vmem>> -> memref<128xi32, #tpu.memory_space<vmem>>
      %dma_wait3A_283 = arith.constant 0 : i32
      %dma_wait3A_284 = arith.constant 0 : i32
      %dma_wait3A_285 = tpu.memref_slice %arg12[%dma_wait3A_283, %dma_wait3A_284] : memref<10112x128xf32, #tpu.memory_space<vmem_shared>> -> memref<10112x128xf32, #tpu.memory_space<vmem_shared>>
      tpu.wait_indirect_dma semaphore(%run_scoped3A_273 : memref<!tpu.dma_semaphore, #tpu.memory_space<semaphore_mem>>) src(%arg10 : memref<128x128xf32, #tpu.memory_space<vmem>>) dst(%dma_wait3A_285 : memref<10112x128xf32, #tpu.memory_space<vmem_shared>>)
      tpu.yield
    }) : () -> ()
    %barrier3A_270 = arith.constant 0 : index
    tpu.barrier barrier_id(%barrier3A_270)
    %mul3A_271 = arith.constant 632 : i32
    %mul3A_272 = arith.muli %arg1, %mul3A_271 : i32
    "tpu.region"() ({
      %run_scoped3A_273 = tpu.sem_alloc : memref<!tpu.dma_semaphore, #tpu.memory_space<semaphore_mem>>
      %dma_start3A_274 = arith.constant 0 : i32
      %dma_start3A_275 = arith.constant 0 : i32
      %dma_start3A_276 = tpu.memref_slice %arg5[%arg0, %dma_start3A_274, %dma_start3A_275] : memref<2x10112x128xf32, #tpu.memory_space<hbm>> -> memref<1x10112x128xf32, #tpu.memory_space<hbm>>
      %dma_start3A_277 = tpu.memref_squeeze %dma_start3A_276 : memref<1x10112x128xf32, #tpu.memory_space<hbm>> -> memref<10112x128xf32, #tpu.memory_space<hbm>>
      %dma_start3A_278 = arith.constant 0 : i32
      %dma_start3A_279 = tpu.memref_slice %dma_start3A_277[%mul3A_272, %dma_start3A_278] : memref<10112x128xf32, #tpu.memory_space<hbm>> -> memref<632x128xf32, #tpu.memory_space<hbm>>
      %dma_start3A_280 = arith.constant 0 : i32
      %dma_start3A_281 = tpu.memref_slice %arg12[%mul3A_272, %dma_start3A_280] : memref<10112x128xf32, #tpu.memory_space<vmem_shared>> -> memref<632x128xf32, #tpu.memory_space<vmem_shared>>
      tpu.enqueue_dma source(%dma_start3A_281 : memref<632x128xf32, #tpu.memory_space<vmem_shared>>) target(%dma_start3A_279 : memref<632x128xf32, #tpu.memory_space<hbm>>) target_semaphore(%run_scoped3A_273 : memref<!tpu.dma_semaphore, #tpu.memory_space<semaphore_mem>>)
      %dma_wait3A_282 = arith.constant 0 : i32
      %dma_wait3A_283 = arith.constant 0 : i32
      %dma_wait3A_284 = tpu.memref_slice %arg5[%arg0, %dma_wait3A_282, %dma_wait3A_283] : memref<2x10112x128xf32, #tpu.memory_space<hbm>> -> memref<1x10112x128xf32, #tpu.memory_space<hbm>>
      %dma_wait3A_285 = tpu.memref_squeeze %dma_wait3A_284 : memref<1x10112x128xf32, #tpu.memory_space<hbm>> -> memref<10112x128xf32, #tpu.memory_space<hbm>>
      %dma_wait3A_286 = arith.constant 0 : i32
      %dma_wait3A_287 = tpu.memref_slice %dma_wait3A_285[%mul3A_272, %dma_wait3A_286] : memref<10112x128xf32, #tpu.memory_space<hbm>> -> memref<632x128xf32, #tpu.memory_space<hbm>>
      %dma_wait3A_288 = arith.constant 0 : i32
      %dma_wait3A_289 = tpu.memref_slice %arg12[%mul3A_272, %dma_wait3A_288] : memref<10112x128xf32, #tpu.memory_space<vmem_shared>> -> memref<632x128xf32, #tpu.memory_space<vmem_shared>>
      tpu.wait_dma2 semaphore(%run_scoped3A_273 : memref<!tpu.dma_semaphore, #tpu.memory_space<semaphore_mem>>) src(%dma_wait3A_289 : memref<632x128xf32, #tpu.memory_space<vmem_shared>>) dst(%dma_wait3A_287 : memref<632x128xf32, #tpu.memory_space<hbm>>)
      tpu.yield
    }) : () -> ()
    return
  }
}

#map = affine_map<(d0, d1) -> (0, 0)>
#map1 = affine_map<(d0, d1) -> (0, 0, 0, 0)>
#map2 = affine_map<(d0, d1) -> (0, 0, 0)>
module attributes {stable_mosaic.version = 14 : i64} {
  func.func @k(%arg0: i32, %arg1: i32, %arg2: memref<10112x128xf32, #tpu.memory_space<hbm>>, %arg3: memref<32x84x2x128xi32, #tpu.memory_space<hbm>>, %arg4: memref<632x128xf32, #tpu.memory_space<hbm>>, %arg5: memref<2x10112x128xf32, #tpu.memory_space<hbm>>, %arg6: memref<2x128xi32, #tpu.memory_space<vmem>>, %arg7: memref<2x128xi32, #tpu.memory_space<vmem>>, %arg8: memref<2x128xi32, #tpu.memory_space<vmem>>, %arg9: memref<128x128xf32, #tpu.memory_space<vmem>>, %arg10: memref<128x128xf32, #tpu.memory_space<vmem>>, %arg11: memref<128x128xf32, #tpu.memory_space<vmem>>, %arg12: memref<10112x128xf32, #tpu.memory_space<vmem_shared>>, %arg13: memref<!tpu.dma_semaphore, #tpu.memory_space<semaphore_mem>>, %arg14: memref<!tpu.dma_semaphore, #tpu.memory_space<semaphore_mem>>, %arg15: memref<!tpu.dma_semaphore, #tpu.memory_space<semaphore_mem>>, %arg16: memref<!tpu.dma_semaphore, #tpu.memory_space<semaphore_mem>>, %arg17: memref<!tpu.dma_semaphore, #tpu.memory_space<semaphore_mem>>, %arg18: memref<!tpu.dma_semaphore, #tpu.memory_space<semaphore_mem>>) attributes {dimension_semantics = [#tpu.dimension_semantics<core_parallel>, #tpu.dimension_semantics<subcore_parallel>], iteration_bounds = array<i64: 2, 16>, scalar_prefetch = 0 : i64, scratch_operands = 13 : i64, tpu.core_type = #tpu.core_type<sc_vector_subcore>, window_params = [{transform_indices = #map}, {transform_indices = #map1}, {transform_indices = #map}, {transform_indices = #map2}]} {
    %mul3A = arith.constant 16 : i32
    %mul3A_0 = arith.muli %arg0, %mul3A : i32
    %add3A = arith.addi %mul3A_0, %arg1 : i32
    %mul3A_1 = arith.constant 632 : i32
    %mul3A_2 = arith.muli %arg1, %mul3A_1 : i32
    "tpu.region"() ({
      %run_scoped3A_273 = tpu.sem_alloc : memref<!tpu.dma_semaphore, #tpu.memory_space<semaphore_mem>>
      %dma_start3A_274 = arith.constant 0 : i32
      %dma_start3A_275 = tpu.memref_slice %arg12[%mul3A_2, %dma_start3A_274] : memref<10112x128xf32, #tpu.memory_space<vmem_shared>> -> memref<632x128xf32, #tpu.memory_space<vmem_shared>>
      tpu.enqueue_dma source(%arg4 : memref<632x128xf32, #tpu.memory_space<hbm>>) target(%dma_start3A_275 : memref<632x128xf32, #tpu.memory_space<vmem_shared>>) target_semaphore(%run_scoped3A_273 : memref<!tpu.dma_semaphore, #tpu.memory_space<semaphore_mem>>)
      %dma_wait3A_276 = arith.constant 0 : i32
      %dma_wait3A_277 = tpu.memref_slice %arg12[%mul3A_2, %dma_wait3A_276] : memref<10112x128xf32, #tpu.memory_space<vmem_shared>> -> memref<632x128xf32, #tpu.memory_space<vmem_shared>>
      tpu.wait_dma2 semaphore(%run_scoped3A_273 : memref<!tpu.dma_semaphore, #tpu.memory_space<semaphore_mem>>) src(%arg4 : memref<632x128xf32, #tpu.memory_space<hbm>>) dst(%dma_wait3A_277 : memref<632x128xf32, #tpu.memory_space<vmem_shared>>)
      tpu.yield
    }) : () -> ()
    %barrier3A = arith.constant 0 : index
    tpu.barrier barrier_id(%barrier3A)
    %dma_start3A = arith.constant 0 : i32
    %dma_start3A_3 = arith.constant 0 : i32
    %dma_start3A_4 = arith.constant 0 : i32
    %dma_start3A_5 = arith.constant 0 : i32
    %dma_start3A_6 = tpu.memref_slice %arg3[%add3A, %dma_start3A_3, %dma_start3A_4, %dma_start3A_5] : memref<32x84x2x128xi32, #tpu.memory_space<hbm>> -> memref<1x84x2x128xi32, #tpu.memory_space<hbm>>
    %dma_start3A_7 = tpu.memref_squeeze %dma_start3A_6 : memref<1x84x2x128xi32, #tpu.memory_space<hbm>> -> memref<84x2x128xi32, #tpu.memory_space<hbm>>
    %dma_start3A_8 = arith.constant 0 : i32
    %dma_start3A_9 = arith.constant 0 : i32
    %dma_start3A_10 = tpu.memref_slice %dma_start3A_7[%dma_start3A, %dma_start3A_8, %dma_start3A_9] : memref<84x2x128xi32, #tpu.memory_space<hbm>> -> memref<1x2x128xi32, #tpu.memory_space<hbm>>
    %dma_start3A_11 = tpu.memref_squeeze %dma_start3A_10 : memref<1x2x128xi32, #tpu.memory_space<hbm>> -> memref<2x128xi32, #tpu.memory_space<hbm>>
    %dma_start3A_12 = arith.constant 0 : i32
    %dma_start3A_13 = arith.constant 0 : i32
    %dma_start3A_14 = arith.constant 0 : i32
    %dma_start3A_15 = tpu.memref_slice %arg3[%add3A, %dma_start3A_12, %dma_start3A_13, %dma_start3A_14] : memref<32x84x2x128xi32, #tpu.memory_space<hbm>> -> memref<1x84x2x128xi32, #tpu.memory_space<hbm>>
    %dma_start3A_16 = tpu.memref_squeeze %dma_start3A_15 : memref<1x84x2x128xi32, #tpu.memory_space<hbm>> -> memref<84x2x128xi32, #tpu.memory_space<hbm>>
    %dma_start3A_17 = arith.constant 0 : i32
    %dma_start3A_18 = arith.constant 0 : i32
    %dma_start3A_19 = tpu.memref_slice %dma_start3A_16[%dma_start3A, %dma_start3A_17, %dma_start3A_18] : memref<84x2x128xi32, #tpu.memory_space<hbm>> -> memref<1x2x128xi32, #tpu.memory_space<hbm>>
    %dma_start3A_20 = tpu.memref_squeeze %dma_start3A_19 : memref<1x2x128xi32, #tpu.memory_space<hbm>> -> memref<2x128xi32, #tpu.memory_space<hbm>>
    tpu.enqueue_dma source(%dma_start3A_20 : memref<2x128xi32, #tpu.memory_space<hbm>>) target(%arg6 : memref<2x128xi32, #tpu.memory_space<vmem>>) target_semaphore(%arg13 : memref<!tpu.dma_semaphore, #tpu.memory_space<semaphore_mem>>)
    %dma_start3A_21 = arith.constant 1 : i32
    %dma_start3A_22 = arith.constant 0 : i32
    %dma_start3A_23 = arith.constant 0 : i32
    %dma_start3A_24 = arith.constant 0 : i32
    %dma_start3A_25 = tpu.memref_slice %arg3[%add3A, %dma_start3A_22, %dma_start3A_23, %dma_start3A_24] : memref<32x84x2x128xi32, #tpu.memory_space<hbm>> -> memref<1x84x2x128xi32, #tpu.memory_space<hbm>>
    %dma_start3A_26 = tpu.memref_squeeze %dma_start3A_25 : memref<1x84x2x128xi32, #tpu.memory_space<hbm>> -> memref<84x2x128xi32, #tpu.memory_space<hbm>>
    %dma_start3A_27 = arith.constant 0 : i32
    %dma_start3A_28 = arith.constant 0 : i32
    %dma_start3A_29 = tpu.memref_slice %dma_start3A_26[%dma_start3A_21, %dma_start3A_27, %dma_start3A_28] : memref<84x2x128xi32, #tpu.memory_space<hbm>> -> memref<1x2x128xi32, #tpu.memory_space<hbm>>
    %dma_start3A_30 = tpu.memref_squeeze %dma_start3A_29 : memref<1x2x128xi32, #tpu.memory_space<hbm>> -> memref<2x128xi32, #tpu.memory_space<hbm>>
    %dma_start3A_31 = arith.constant 0 : i32
    %dma_start3A_32 = arith.constant 0 : i32
    %dma_start3A_33 = arith.constant 0 : i32
    %dma_start3A_34 = tpu.memref_slice %arg3[%add3A, %dma_start3A_31, %dma_start3A_32, %dma_start3A_33] : memref<32x84x2x128xi32, #tpu.memory_space<hbm>> -> memref<1x84x2x128xi32, #tpu.memory_space<hbm>>
    %dma_start3A_35 = tpu.memref_squeeze %dma_start3A_34 : memref<1x84x2x128xi32, #tpu.memory_space<hbm>> -> memref<84x2x128xi32, #tpu.memory_space<hbm>>
    %dma_start3A_36 = arith.constant 0 : i32
    %dma_start3A_37 = arith.constant 0 : i32
    %dma_start3A_38 = tpu.memref_slice %dma_start3A_35[%dma_start3A_21, %dma_start3A_36, %dma_start3A_37] : memref<84x2x128xi32, #tpu.memory_space<hbm>> -> memref<1x2x128xi32, #tpu.memory_space<hbm>>
    %dma_start3A_39 = tpu.memref_squeeze %dma_start3A_38 : memref<1x2x128xi32, #tpu.memory_space<hbm>> -> memref<2x128xi32, #tpu.memory_space<hbm>>
    tpu.enqueue_dma source(%dma_start3A_39 : memref<2x128xi32, #tpu.memory_space<hbm>>) target(%arg7 : memref<2x128xi32, #tpu.memory_space<vmem>>) target_semaphore(%arg14 : memref<!tpu.dma_semaphore, #tpu.memory_space<semaphore_mem>>)
    %dma_wait3A = arith.constant 0 : i32
    %dma_wait3A_40 = arith.constant 0 : i32
    %dma_wait3A_41 = arith.constant 0 : i32
    %dma_wait3A_42 = arith.constant 0 : i32
    %dma_wait3A_43 = tpu.memref_slice %arg3[%add3A, %dma_wait3A_40, %dma_wait3A_41, %dma_wait3A_42] : memref<32x84x2x128xi32, #tpu.memory_space<hbm>> -> memref<1x84x2x128xi32, #tpu.memory_space<hbm>>
    %dma_wait3A_44 = tpu.memref_squeeze %dma_wait3A_43 : memref<1x84x2x128xi32, #tpu.memory_space<hbm>> -> memref<84x2x128xi32, #tpu.memory_space<hbm>>
    %dma_wait3A_45 = arith.constant 0 : i32
    %dma_wait3A_46 = arith.constant 0 : i32
    %dma_wait3A_47 = tpu.memref_slice %dma_wait3A_44[%dma_wait3A, %dma_wait3A_45, %dma_wait3A_46] : memref<84x2x128xi32, #tpu.memory_space<hbm>> -> memref<1x2x128xi32, #tpu.memory_space<hbm>>
    %dma_wait3A_48 = tpu.memref_squeeze %dma_wait3A_47 : memref<1x2x128xi32, #tpu.memory_space<hbm>> -> memref<2x128xi32, #tpu.memory_space<hbm>>
    %dma_wait3A_49 = arith.constant 0 : i32
    %dma_wait3A_50 = arith.constant 0 : i32
    %dma_wait3A_51 = arith.constant 0 : i32
    %dma_wait3A_52 = tpu.memref_slice %arg3[%add3A, %dma_wait3A_49, %dma_wait3A_50, %dma_wait3A_51] : memref<32x84x2x128xi32, #tpu.memory_space<hbm>> -> memref<1x84x2x128xi32, #tpu.memory_space<hbm>>
    %dma_wait3A_53 = tpu.memref_squeeze %dma_wait3A_52 : memref<1x84x2x128xi32, #tpu.memory_space<hbm>> -> memref<84x2x128xi32, #tpu.memory_space<hbm>>
    %dma_wait3A_54 = arith.constant 0 : i32
    %dma_wait3A_55 = arith.constant 0 : i32
    %dma_wait3A_56 = tpu.memref_slice %dma_wait3A_53[%dma_wait3A, %dma_wait3A_54, %dma_wait3A_55] : memref<84x2x128xi32, #tpu.memory_space<hbm>> -> memref<1x2x128xi32, #tpu.memory_space<hbm>>
    %dma_wait3A_57 = tpu.memref_squeeze %dma_wait3A_56 : memref<1x2x128xi32, #tpu.memory_space<hbm>> -> memref<2x128xi32, #tpu.memory_space<hbm>>
    tpu.wait_dma2 semaphore(%arg13 : memref<!tpu.dma_semaphore, #tpu.memory_space<semaphore_mem>>) src(%dma_wait3A_57 : memref<2x128xi32, #tpu.memory_space<hbm>>) dst(%arg6 : memref<2x128xi32, #tpu.memory_space<vmem>>)
    %dma_start3A_58 = arith.constant 0 : i32
    %dma_start3A_59 = arith.constant 0 : i32
    %dma_start3A_60 = tpu.memref_slice %arg6[%dma_start3A_58, %dma_start3A_59] : memref<2x128xi32, #tpu.memory_space<vmem>> -> memref<1x128xi32, #tpu.memory_space<vmem>>
    %dma_start3A_61 = tpu.memref_squeeze %dma_start3A_60 : memref<1x128xi32, #tpu.memory_space<vmem>> -> memref<128xi32, #tpu.memory_space<vmem>>
    %dma_start3A_62 = arith.constant 0 : i32
    %dma_start3A_63 = arith.constant 0 : i32
    %dma_start3A_64 = tpu.memref_slice %arg2[%dma_start3A_62, %dma_start3A_63] : memref<10112x128xf32, #tpu.memory_space<hbm>> -> memref<10112x128xf32, #tpu.memory_space<hbm>>
    tpu.enqueue_indirect_dma source(%dma_start3A_64 : memref<10112x128xf32, #tpu.memory_space<hbm>>) target(%arg9 : memref<128x128xf32, #tpu.memory_space<vmem>>) offsets(%dma_start3A_61 : memref<128xi32, #tpu.memory_space<vmem>>) semaphore(%arg16 : memref<!tpu.dma_semaphore, #tpu.memory_space<semaphore_mem>>)
    %dma_wait3A_65 = arith.constant 0 : i32
    %dma_wait3A_66 = arith.constant 0 : i32
    %dma_wait3A_67 = arith.constant 0 : i32
    %dma_wait3A_68 = arith.constant 0 : i32
    %dma_wait3A_69 = tpu.memref_slice %arg3[%add3A, %dma_wait3A_66, %dma_wait3A_67, %dma_wait3A_68] : memref<32x84x2x128xi32, #tpu.memory_space<hbm>> -> memref<1x84x2x128xi32, #tpu.memory_space<hbm>>
    %dma_wait3A_70 = tpu.memref_squeeze %dma_wait3A_69 : memref<1x84x2x128xi32, #tpu.memory_space<hbm>> -> memref<84x2x128xi32, #tpu.memory_space<hbm>>
    %dma_wait3A_71 = arith.constant 0 : i32
    %dma_wait3A_72 = arith.constant 0 : i32
    %dma_wait3A_73 = tpu.memref_slice %dma_wait3A_70[%dma_wait3A_65, %dma_wait3A_71, %dma_wait3A_72] : memref<84x2x128xi32, #tpu.memory_space<hbm>> -> memref<1x2x128xi32, #tpu.memory_space<hbm>>
    %dma_wait3A_74 = tpu.memref_squeeze %dma_wait3A_73 : memref<1x2x128xi32, #tpu.memory_space<hbm>> -> memref<2x128xi32, #tpu.memory_space<hbm>>
    %dma_wait3A_75 = arith.constant 0 : i32
    %dma_wait3A_76 = arith.constant 0 : i32
    %dma_wait3A_77 = arith.constant 0 : i32
    %dma_wait3A_78 = tpu.memref_slice %arg3[%add3A, %dma_wait3A_75, %dma_wait3A_76, %dma_wait3A_77] : memref<32x84x2x128xi32, #tpu.memory_space<hbm>> -> memref<1x84x2x128xi32, #tpu.memory_space<hbm>>
    %dma_wait3A_79 = tpu.memref_squeeze %dma_wait3A_78 : memref<1x84x2x128xi32, #tpu.memory_space<hbm>> -> memref<84x2x128xi32, #tpu.memory_space<hbm>>
    %dma_wait3A_80 = arith.constant 0 : i32
    %dma_wait3A_81 = arith.constant 0 : i32
    %dma_wait3A_82 = tpu.memref_slice %dma_wait3A_79[%dma_wait3A_65, %dma_wait3A_80, %dma_wait3A_81] : memref<84x2x128xi32, #tpu.memory_space<hbm>> -> memref<1x2x128xi32, #tpu.memory_space<hbm>>
    %dma_wait3A_83 = tpu.memref_squeeze %dma_wait3A_82 : memref<1x2x128xi32, #tpu.memory_space<hbm>> -> memref<2x128xi32, #tpu.memory_space<hbm>>
    tpu.wait_dma2 semaphore(%arg14 : memref<!tpu.dma_semaphore, #tpu.memory_space<semaphore_mem>>) src(%dma_wait3A_83 : memref<2x128xi32, #tpu.memory_space<hbm>>) dst(%arg7 : memref<2x128xi32, #tpu.memory_space<vmem>>)
    %dma_start3A_84 = arith.constant 0 : i32
    %dma_start3A_85 = arith.constant 0 : i32
    %dma_start3A_86 = tpu.memref_slice %arg7[%dma_start3A_84, %dma_start3A_85] : memref<2x128xi32, #tpu.memory_space<vmem>> -> memref<1x128xi32, #tpu.memory_space<vmem>>
    %dma_start3A_87 = tpu.memref_squeeze %dma_start3A_86 : memref<1x128xi32, #tpu.memory_space<vmem>> -> memref<128xi32, #tpu.memory_space<vmem>>
    %dma_start3A_88 = arith.constant 0 : i32
    %dma_start3A_89 = arith.constant 0 : i32
    %dma_start3A_90 = tpu.memref_slice %arg2[%dma_start3A_88, %dma_start3A_89] : memref<10112x128xf32, #tpu.memory_space<hbm>> -> memref<10112x128xf32, #tpu.memory_space<hbm>>
    tpu.enqueue_indirect_dma source(%dma_start3A_90 : memref<10112x128xf32, #tpu.memory_space<hbm>>) target(%arg10 : memref<128x128xf32, #tpu.memory_space<vmem>>) offsets(%dma_start3A_87 : memref<128xi32, #tpu.memory_space<vmem>>) semaphore(%arg17 : memref<!tpu.dma_semaphore, #tpu.memory_space<semaphore_mem>>)
    %dma_start3A_91 = arith.constant 2 : i32
    %dma_start3A_92 = arith.constant 0 : i32
    %dma_start3A_93 = arith.constant 0 : i32
    %dma_start3A_94 = arith.constant 0 : i32
    %dma_start3A_95 = tpu.memref_slice %arg3[%add3A, %dma_start3A_92, %dma_start3A_93, %dma_start3A_94] : memref<32x84x2x128xi32, #tpu.memory_space<hbm>> -> memref<1x84x2x128xi32, #tpu.memory_space<hbm>>
    %dma_start3A_96 = tpu.memref_squeeze %dma_start3A_95 : memref<1x84x2x128xi32, #tpu.memory_space<hbm>> -> memref<84x2x128xi32, #tpu.memory_space<hbm>>
    %dma_start3A_97 = arith.constant 0 : i32
    %dma_start3A_98 = arith.constant 0 : i32
    %dma_start3A_99 = tpu.memref_slice %dma_start3A_96[%dma_start3A_91, %dma_start3A_97, %dma_start3A_98] : memref<84x2x128xi32, #tpu.memory_space<hbm>> -> memref<1x2x128xi32, #tpu.memory_space<hbm>>
    %dma_start3A_100 = tpu.memref_squeeze %dma_start3A_99 : memref<1x2x128xi32, #tpu.memory_space<hbm>> -> memref<2x128xi32, #tpu.memory_space<hbm>>
    %dma_start3A_101 = arith.constant 0 : i32
    %dma_start3A_102 = arith.constant 0 : i32
    %dma_start3A_103 = arith.constant 0 : i32
    %dma_start3A_104 = tpu.memref_slice %arg3[%add3A, %dma_start3A_101, %dma_start3A_102, %dma_start3A_103] : memref<32x84x2x128xi32, #tpu.memory_space<hbm>> -> memref<1x84x2x128xi32, #tpu.memory_space<hbm>>
    %dma_start3A_105 = tpu.memref_squeeze %dma_start3A_104 : memref<1x84x2x128xi32, #tpu.memory_space<hbm>> -> memref<84x2x128xi32, #tpu.memory_space<hbm>>
    %dma_start3A_106 = arith.constant 0 : i32
    %dma_start3A_107 = arith.constant 0 : i32
    %dma_start3A_108 = tpu.memref_slice %dma_start3A_105[%dma_start3A_91, %dma_start3A_106, %dma_start3A_107] : memref<84x2x128xi32, #tpu.memory_space<hbm>> -> memref<1x2x128xi32, #tpu.memory_space<hbm>>
    %dma_start3A_109 = tpu.memref_squeeze %dma_start3A_108 : memref<1x2x128xi32, #tpu.memory_space<hbm>> -> memref<2x128xi32, #tpu.memory_space<hbm>>
    tpu.enqueue_dma source(%dma_start3A_109 : memref<2x128xi32, #tpu.memory_space<hbm>>) target(%arg8 : memref<2x128xi32, #tpu.memory_space<vmem>>) target_semaphore(%arg15 : memref<!tpu.dma_semaphore, #tpu.memory_space<semaphore_mem>>)
    %scan3A = arith.constant 0 : i32
    %scan3A_110 = arith.constant 0 : i32
    %scan3A_111 = arith.constant 25 : i32
    %scan3A_112 = arith.addi %scan3A_110, %scan3A_111 : i32
    %scan3A_113 = arith.constant 1 : i32
    scf.for %scan3A_273 = %scan3A_110 to %scan3A_112 step %scan3A_113  : i32 {
      %mul3A_274 = arith.constant 3 : i32
      %mul3A_275 = arith.muli %mul3A_274, %scan3A_273 : i32
      %add3A_276 = arith.constant 0 : i32
      %add3A_277 = arith.addi %mul3A_275, %add3A_276 : i32
      %dma_wait3A_278 = arith.constant 0 : i32
      %dma_wait3A_279 = arith.constant 0 : i32
      %dma_wait3A_280 = tpu.memref_slice %arg6[%dma_wait3A_278, %dma_wait3A_279] : memref<2x128xi32, #tpu.memory_space<vmem>> -> memref<1x128xi32, #tpu.memory_space<vmem>>
      %dma_wait3A_281 = tpu.memref_squeeze %dma_wait3A_280 : memref<1x128xi32, #tpu.memory_space<vmem>> -> memref<128xi32, #tpu.memory_space<vmem>>
      %dma_wait3A_282 = arith.constant 0 : i32
      %dma_wait3A_283 = arith.constant 0 : i32
      %dma_wait3A_284 = tpu.memref_slice %arg2[%dma_wait3A_282, %dma_wait3A_283] : memref<10112x128xf32, #tpu.memory_space<hbm>> -> memref<10112x128xf32, #tpu.memory_space<hbm>>
      tpu.wait_indirect_dma semaphore(%arg16 : memref<!tpu.dma_semaphore, #tpu.memory_space<semaphore_mem>>) src(%dma_wait3A_284 : memref<10112x128xf32, #tpu.memory_space<hbm>>) dst(%arg9 : memref<128x128xf32, #tpu.memory_space<vmem>>)
      %dma_wait3A_285 = arith.constant 0 : i32
      %dma_wait3A_286 = arith.constant 0 : i32
      %dma_wait3A_287 = arith.constant 0 : i32
      %dma_wait3A_288 = arith.constant 0 : i32
      %dma_wait3A_289 = tpu.memref_slice %arg3[%add3A, %dma_wait3A_286, %dma_wait3A_287, %dma_wait3A_288] : memref<32x84x2x128xi32, #tpu.memory_space<hbm>> -> memref<1x84x2x128xi32, #tpu.memory_space<hbm>>
      %dma_wait3A_290 = tpu.memref_squeeze %dma_wait3A_289 : memref<1x84x2x128xi32, #tpu.memory_space<hbm>> -> memref<84x2x128xi32, #tpu.memory_space<hbm>>
      %dma_wait3A_291 = arith.constant 0 : i32
      %dma_wait3A_292 = arith.constant 0 : i32
      %dma_wait3A_293 = tpu.memref_slice %dma_wait3A_290[%dma_wait3A_285, %dma_wait3A_291, %dma_wait3A_292] : memref<84x2x128xi32, #tpu.memory_space<hbm>> -> memref<1x2x128xi32, #tpu.memory_space<hbm>>
      %dma_wait3A_294 = tpu.memref_squeeze %dma_wait3A_293 : memref<1x2x128xi32, #tpu.memory_space<hbm>> -> memref<2x128xi32, #tpu.memory_space<hbm>>
      %dma_wait3A_295 = arith.constant 0 : i32
      %dma_wait3A_296 = arith.constant 0 : i32
      %dma_wait3A_297 = arith.constant 0 : i32
      %dma_wait3A_298 = tpu.memref_slice %arg3[%add3A, %dma_wait3A_295, %dma_wait3A_296, %dma_wait3A_297] : memref<32x84x2x128xi32, #tpu.memory_space<hbm>> -> memref<1x84x2x128xi32, #tpu.memory_space<hbm>>
      %dma_wait3A_299 = tpu.memref_squeeze %dma_wait3A_298 : memref<1x84x2x128xi32, #tpu.memory_space<hbm>> -> memref<84x2x128xi32, #tpu.memory_space<hbm>>
      %dma_wait3A_300 = arith.constant 0 : i32
      %dma_wait3A_301 = arith.constant 0 : i32
      %dma_wait3A_302 = tpu.memref_slice %dma_wait3A_299[%dma_wait3A_285, %dma_wait3A_300, %dma_wait3A_301] : memref<84x2x128xi32, #tpu.memory_space<hbm>> -> memref<1x2x128xi32, #tpu.memory_space<hbm>>
      %dma_wait3A_303 = tpu.memref_squeeze %dma_wait3A_302 : memref<1x2x128xi32, #tpu.memory_space<hbm>> -> memref<2x128xi32, #tpu.memory_space<hbm>>
      tpu.wait_dma2 semaphore(%arg15 : memref<!tpu.dma_semaphore, #tpu.memory_space<semaphore_mem>>) src(%dma_wait3A_303 : memref<2x128xi32, #tpu.memory_space<hbm>>) dst(%arg8 : memref<2x128xi32, #tpu.memory_space<vmem>>)
      %dma_start3A_304 = arith.constant 0 : i32
      %dma_start3A_305 = arith.constant 0 : i32
      %dma_start3A_306 = tpu.memref_slice %arg8[%dma_start3A_304, %dma_start3A_305] : memref<2x128xi32, #tpu.memory_space<vmem>> -> memref<1x128xi32, #tpu.memory_space<vmem>>
      %dma_start3A_307 = tpu.memref_squeeze %dma_start3A_306 : memref<1x128xi32, #tpu.memory_space<vmem>> -> memref<128xi32, #tpu.memory_space<vmem>>
      %dma_start3A_308 = arith.constant 0 : i32
      %dma_start3A_309 = arith.constant 0 : i32
      %dma_start3A_310 = tpu.memref_slice %arg2[%dma_start3A_308, %dma_start3A_309] : memref<10112x128xf32, #tpu.memory_space<hbm>> -> memref<10112x128xf32, #tpu.memory_space<hbm>>
      tpu.enqueue_indirect_dma source(%dma_start3A_310 : memref<10112x128xf32, #tpu.memory_space<hbm>>) target(%arg11 : memref<128x128xf32, #tpu.memory_space<vmem>>) offsets(%dma_start3A_307 : memref<128xi32, #tpu.memory_space<vmem>>) semaphore(%arg18 : memref<!tpu.dma_semaphore, #tpu.memory_space<semaphore_mem>>)
      %run_scoped3A_311 = arith.constant 1 : i32
      "tpu.region"() ({
        %run_scoped3A_444 = tpu.sem_alloc : memref<!tpu.dma_semaphore, #tpu.memory_space<semaphore_mem>>
        %dma_start3A_445 = arith.constant 0 : i32
        %dma_start3A_446 = tpu.memref_slice %arg6[%run_scoped3A_311, %dma_start3A_445] : memref<2x128xi32, #tpu.memory_space<vmem>> -> memref<1x128xi32, #tpu.memory_space<vmem>>
        %dma_start3A_447 = tpu.memref_squeeze %dma_start3A_446 : memref<1x128xi32, #tpu.memory_space<vmem>> -> memref<128xi32, #tpu.memory_space<vmem>>
        %dma_start3A_448 = arith.constant 0 : i32
        %dma_start3A_449 = arith.constant 0 : i32
        %dma_start3A_450 = tpu.memref_slice %arg12[%dma_start3A_448, %dma_start3A_449] : memref<10112x128xf32, #tpu.memory_space<vmem_shared>> -> memref<10112x128xf32, #tpu.memory_space<vmem_shared>>
        tpu.enqueue_indirect_dma source(%arg9 : memref<128x128xf32, #tpu.memory_space<vmem>>) target(%dma_start3A_450 : memref<10112x128xf32, #tpu.memory_space<vmem_shared>>) offsets(%dma_start3A_447 : memref<128xi32, #tpu.memory_space<vmem>>) semaphore(%run_scoped3A_444 : memref<!tpu.dma_semaphore, #tpu.memory_space<semaphore_mem>>) {add = true}
        %dma_wait3A_451 = arith.constant 0 : i32
        %dma_wait3A_452 = tpu.memref_slice %arg6[%run_scoped3A_311, %dma_wait3A_451] : memref<2x128xi32, #tpu.memory_space<vmem>> -> memref<1x128xi32, #tpu.memory_space<vmem>>
        %dma_wait3A_453 = tpu.memref_squeeze %dma_wait3A_452 : memref<1x128xi32, #tpu.memory_space<vmem>> -> memref<128xi32, #tpu.memory_space<vmem>>
        %dma_wait3A_454 = arith.constant 0 : i32
        %dma_wait3A_455 = arith.constant 0 : i32
        %dma_wait3A_456 = tpu.memref_slice %arg12[%dma_wait3A_454, %dma_wait3A_455] : memref<10112x128xf32, #tpu.memory_space<vmem_shared>> -> memref<10112x128xf32, #tpu.memory_space<vmem_shared>>
        tpu.wait_indirect_dma semaphore(%run_scoped3A_444 : memref<!tpu.dma_semaphore, #tpu.memory_space<semaphore_mem>>) src(%arg9 : memref<128x128xf32, #tpu.memory_space<vmem>>) dst(%dma_wait3A_456 : memref<10112x128xf32, #tpu.memory_space<vmem_shared>>)
        tpu.yield
      }) : () -> ()
      %add3A_312 = arith.constant 3 : i32
      %add3A_313 = arith.addi %add3A_277, %add3A_312 : i32
      %dma_start3A_314 = arith.constant 0 : i32
      %dma_start3A_315 = arith.constant 0 : i32
      %dma_start3A_316 = arith.constant 0 : i32
      %dma_start3A_317 = tpu.memref_slice %arg3[%add3A, %dma_start3A_314, %dma_start3A_315, %dma_start3A_316] : memref<32x84x2x128xi32, #tpu.memory_space<hbm>> -> memref<1x84x2x128xi32, #tpu.memory_space<hbm>>
      %dma_start3A_318 = tpu.memref_squeeze %dma_start3A_317 : memref<1x84x2x128xi32, #tpu.memory_space<hbm>> -> memref<84x2x128xi32, #tpu.memory_space<hbm>>
      %dma_start3A_319 = arith.constant 0 : i32
      %dma_start3A_320 = arith.constant 0 : i32
      %dma_start3A_321 = tpu.memref_slice %dma_start3A_318[%add3A_313, %dma_start3A_319, %dma_start3A_320] : memref<84x2x128xi32, #tpu.memory_space<hbm>> -> memref<1x2x128xi32, #tpu.memory_space<hbm>>
      %dma_start3A_322 = tpu.memref_squeeze %dma_start3A_321 : memref<1x2x128xi32, #tpu.memory_space<hbm>> -> memref<2x128xi32, #tpu.memory_space<hbm>>
      %dma_start3A_323 = arith.constant 0 : i32
      %dma_start3A_324 = arith.constant 0 : i32
      %dma_start3A_325 = arith.constant 0 : i32
      %dma_start3A_326 = tpu.memref_slice %arg3[%add3A, %dma_start3A_323, %dma_start3A_324, %dma_start3A_325] : memref<32x84x2x128xi32, #tpu.memory_space<hbm>> -> memref<1x84x2x128xi32, #tpu.memory_space<hbm>>
      %dma_start3A_327 = tpu.memref_squeeze %dma_start3A_326 : memref<1x84x2x128xi32, #tpu.memory_space<hbm>> -> memref<84x2x128xi32, #tpu.memory_space<hbm>>
      %dma_start3A_328 = arith.constant 0 : i32
      %dma_start3A_329 = arith.constant 0 : i32
      %dma_start3A_330 = tpu.memref_slice %dma_start3A_327[%add3A_313, %dma_start3A_328, %dma_start3A_329] : memref<84x2x128xi32, #tpu.memory_space<hbm>> -> memref<1x2x128xi32, #tpu.memory_space<hbm>>
      %dma_start3A_331 = tpu.memref_squeeze %dma_start3A_330 : memref<1x2x128xi32, #tpu.memory_space<hbm>> -> memref<2x128xi32, #tpu.memory_space<hbm>>
      tpu.enqueue_dma source(%dma_start3A_331 : memref<2x128xi32, #tpu.memory_space<hbm>>) target(%arg6 : memref<2x128xi32, #tpu.memory_space<vmem>>) target_semaphore(%arg13 : memref<!tpu.dma_semaphore, #tpu.memory_space<semaphore_mem>>)
      %add3A_332 = arith.constant 1 : i32
      %add3A_333 = arith.addi %mul3A_275, %add3A_332 : i32
      %dma_wait3A_334 = arith.constant 0 : i32
      %dma_wait3A_335 = arith.constant 0 : i32
      %dma_wait3A_336 = tpu.memref_slice %arg7[%dma_wait3A_334, %dma_wait3A_335] : memref<2x128xi32, #tpu.memory_space<vmem>> -> memref<1x128xi32, #tpu.memory_space<vmem>>
      %dma_wait3A_337 = tpu.memref_squeeze %dma_wait3A_336 : memref<1x128xi32, #tpu.memory_space<vmem>> -> memref<128xi32, #tpu.memory_space<vmem>>
      %dma_wait3A_338 = arith.constant 0 : i32
      %dma_wait3A_339 = arith.constant 0 : i32
      %dma_wait3A_340 = tpu.memref_slice %arg2[%dma_wait3A_338, %dma_wait3A_339] : memref<10112x128xf32, #tpu.memory_space<hbm>> -> memref<10112x128xf32, #tpu.memory_space<hbm>>
      tpu.wait_indirect_dma semaphore(%arg17 : memref<!tpu.dma_semaphore, #tpu.memory_space<semaphore_mem>>) src(%dma_wait3A_340 : memref<10112x128xf32, #tpu.memory_space<hbm>>) dst(%arg10 : memref<128x128xf32, #tpu.memory_space<vmem>>)
      %dma_wait3A_341 = arith.constant 0 : i32
      %dma_wait3A_342 = arith.constant 0 : i32
      %dma_wait3A_343 = arith.constant 0 : i32
      %dma_wait3A_344 = arith.constant 0 : i32
      %dma_wait3A_345 = tpu.memref_slice %arg3[%add3A, %dma_wait3A_342, %dma_wait3A_343, %dma_wait3A_344] : memref<32x84x2x128xi32, #tpu.memory_space<hbm>> -> memref<1x84x2x128xi32, #tpu.memory_space<hbm>>
      %dma_wait3A_346 = tpu.memref_squeeze %dma_wait3A_345 : memref<1x84x2x128xi32, #tpu.memory_space<hbm>> -> memref<84x2x128xi32, #tpu.memory_space<hbm>>
      %dma_wait3A_347 = arith.constant 0 : i32
      %dma_wait3A_348 = arith.constant 0 : i32
      %dma_wait3A_349 = tpu.memref_slice %dma_wait3A_346[%dma_wait3A_341, %dma_wait3A_347, %dma_wait3A_348] : memref<84x2x128xi32, #tpu.memory_space<hbm>> -> memref<1x2x128xi32, #tpu.memory_space<hbm>>
      %dma_wait3A_350 = tpu.memref_squeeze %dma_wait3A_349 : memref<1x2x128xi32, #tpu.memory_space<hbm>> -> memref<2x128xi32, #tpu.memory_space<hbm>>
      %dma_wait3A_351 = arith.constant 0 : i32
      %dma_wait3A_352 = arith.constant 0 : i32
      %dma_wait3A_353 = arith.constant 0 : i32
      %dma_wait3A_354 = tpu.memref_slice %arg3[%add3A, %dma_wait3A_351, %dma_wait3A_352, %dma_wait3A_353] : memref<32x84x2x128xi32, #tpu.memory_space<hbm>> -> memref<1x84x2x128xi32, #tpu.memory_space<hbm>>
      %dma_wait3A_355 = tpu.memref_squeeze %dma_wait3A_354 : memref<1x84x2x128xi32, #tpu.memory_space<hbm>> -> memref<84x2x128xi32, #tpu.memory_space<hbm>>
      %dma_wait3A_356 = arith.constant 0 : i32
      %dma_wait3A_357 = arith.constant 0 : i32
      %dma_wait3A_358 = tpu.memref_slice %dma_wait3A_355[%dma_wait3A_341, %dma_wait3A_356, %dma_wait3A_357] : memref<84x2x128xi32, #tpu.memory_space<hbm>> -> memref<1x2x128xi32, #tpu.memory_space<hbm>>
      %dma_wait3A_359 = tpu.memref_squeeze %dma_wait3A_358 : memref<1x2x128xi32, #tpu.memory_space<hbm>> -> memref<2x128xi32, #tpu.memory_space<hbm>>
      tpu.wait_dma2 semaphore(%arg13 : memref<!tpu.dma_semaphore, #tpu.memory_space<semaphore_mem>>) src(%dma_wait3A_359 : memref<2x128xi32, #tpu.memory_space<hbm>>) dst(%arg6 : memref<2x128xi32, #tpu.memory_space<vmem>>)
      %dma_start3A_360 = arith.constant 0 : i32
      %dma_start3A_361 = arith.constant 0 : i32
      %dma_start3A_362 = tpu.memref_slice %arg6[%dma_start3A_360, %dma_start3A_361] : memref<2x128xi32, #tpu.memory_space<vmem>> -> memref<1x128xi32, #tpu.memory_space<vmem>>
      %dma_start3A_363 = tpu.memref_squeeze %dma_start3A_362 : memref<1x128xi32, #tpu.memory_space<vmem>> -> memref<128xi32, #tpu.memory_space<vmem>>
      %dma_start3A_364 = arith.constant 0 : i32
      %dma_start3A_365 = arith.constant 0 : i32
      %dma_start3A_366 = tpu.memref_slice %arg2[%dma_start3A_364, %dma_start3A_365] : memref<10112x128xf32, #tpu.memory_space<hbm>> -> memref<10112x128xf32, #tpu.memory_space<hbm>>
      tpu.enqueue_indirect_dma source(%dma_start3A_366 : memref<10112x128xf32, #tpu.memory_space<hbm>>) target(%arg9 : memref<128x128xf32, #tpu.memory_space<vmem>>) offsets(%dma_start3A_363 : memref<128xi32, #tpu.memory_space<vmem>>) semaphore(%arg16 : memref<!tpu.dma_semaphore, #tpu.memory_space<semaphore_mem>>)
      %run_scoped3A_367 = arith.constant 1 : i32
      "tpu.region"() ({
        %run_scoped3A_444 = tpu.sem_alloc : memref<!tpu.dma_semaphore, #tpu.memory_space<semaphore_mem>>
        %dma_start3A_445 = arith.constant 0 : i32
        %dma_start3A_446 = tpu.memref_slice %arg7[%run_scoped3A_367, %dma_start3A_445] : memref<2x128xi32, #tpu.memory_space<vmem>> -> memref<1x128xi32, #tpu.memory_space<vmem>>
        %dma_start3A_447 = tpu.memref_squeeze %dma_start3A_446 : memref<1x128xi32, #tpu.memory_space<vmem>> -> memref<128xi32, #tpu.memory_space<vmem>>
        %dma_start3A_448 = arith.constant 0 : i32
        %dma_start3A_449 = arith.constant 0 : i32
        %dma_start3A_450 = tpu.memref_slice %arg12[%dma_start3A_448, %dma_start3A_449] : memref<10112x128xf32, #tpu.memory_space<vmem_shared>> -> memref<10112x128xf32, #tpu.memory_space<vmem_shared>>
        tpu.enqueue_indirect_dma source(%arg10 : memref<128x128xf32, #tpu.memory_space<vmem>>) target(%dma_start3A_450 : memref<10112x128xf32, #tpu.memory_space<vmem_shared>>) offsets(%dma_start3A_447 : memref<128xi32, #tpu.memory_space<vmem>>) semaphore(%run_scoped3A_444 : memref<!tpu.dma_semaphore, #tpu.memory_space<semaphore_mem>>) {add = true}
        %dma_wait3A_451 = arith.constant 0 : i32
        %dma_wait3A_452 = tpu.memref_slice %arg7[%run_scoped3A_367, %dma_wait3A_451] : memref<2x128xi32, #tpu.memory_space<vmem>> -> memref<1x128xi32, #tpu.memory_space<vmem>>
        %dma_wait3A_453 = tpu.memref_squeeze %dma_wait3A_452 : memref<1x128xi32, #tpu.memory_space<vmem>> -> memref<128xi32, #tpu.memory_space<vmem>>
        %dma_wait3A_454 = arith.constant 0 : i32
        %dma_wait3A_455 = arith.constant 0 : i32
        %dma_wait3A_456 = tpu.memref_slice %arg12[%dma_wait3A_454, %dma_wait3A_455] : memref<10112x128xf32, #tpu.memory_space<vmem_shared>> -> memref<10112x128xf32, #tpu.memory_space<vmem_shared>>
        tpu.wait_indirect_dma semaphore(%run_scoped3A_444 : memref<!tpu.dma_semaphore, #tpu.memory_space<semaphore_mem>>) src(%arg10 : memref<128x128xf32, #tpu.memory_space<vmem>>) dst(%dma_wait3A_456 : memref<10112x128xf32, #tpu.memory_space<vmem_shared>>)
        tpu.yield
      }) : () -> ()
      %add3A_368 = arith.constant 3 : i32
      %add3A_369 = arith.addi %add3A_333, %add3A_368 : i32
      %dma_start3A_370 = arith.constant 0 : i32
      %dma_start3A_371 = arith.constant 0 : i32
      %dma_start3A_372 = arith.constant 0 : i32
      %dma_start3A_373 = tpu.memref_slice %arg3[%add3A, %dma_start3A_370, %dma_start3A_371, %dma_start3A_372] : memref<32x84x2x128xi32, #tpu.memory_space<hbm>> -> memref<1x84x2x128xi32, #tpu.memory_space<hbm>>
      %dma_start3A_374 = tpu.memref_squeeze %dma_start3A_373 : memref<1x84x2x128xi32, #tpu.memory_space<hbm>> -> memref<84x2x128xi32, #tpu.memory_space<hbm>>
      %dma_start3A_375 = arith.constant 0 : i32
      %dma_start3A_376 = arith.constant 0 : i32
      %dma_start3A_377 = tpu.memref_slice %dma_start3A_374[%add3A_369, %dma_start3A_375, %dma_start3A_376] : memref<84x2x128xi32, #tpu.memory_space<hbm>> -> memref<1x2x128xi32, #tpu.memory_space<hbm>>
      %dma_start3A_378 = tpu.memref_squeeze %dma_start3A_377 : memref<1x2x128xi32, #tpu.memory_space<hbm>> -> memref<2x128xi32, #tpu.memory_space<hbm>>
      %dma_start3A_379 = arith.constant 0 : i32
      %dma_start3A_380 = arith.constant 0 : i32
      %dma_start3A_381 = arith.constant 0 : i32
      %dma_start3A_382 = tpu.memref_slice %arg3[%add3A, %dma_start3A_379, %dma_start3A_380, %dma_start3A_381] : memref<32x84x2x128xi32, #tpu.memory_space<hbm>> -> memref<1x84x2x128xi32, #tpu.memory_space<hbm>>
      %dma_start3A_383 = tpu.memref_squeeze %dma_start3A_382 : memref<1x84x2x128xi32, #tpu.memory_space<hbm>> -> memref<84x2x128xi32, #tpu.memory_space<hbm>>
      %dma_start3A_384 = arith.constant 0 : i32
      %dma_start3A_385 = arith.constant 0 : i32
      %dma_start3A_386 = tpu.memref_slice %dma_start3A_383[%add3A_369, %dma_start3A_384, %dma_start3A_385] : memref<84x2x128xi32, #tpu.memory_space<hbm>> -> memref<1x2x128xi32, #tpu.memory_space<hbm>>
      %dma_start3A_387 = tpu.memref_squeeze %dma_start3A_386 : memref<1x2x128xi32, #tpu.memory_space<hbm>> -> memref<2x128xi32, #tpu.memory_space<hbm>>
      tpu.enqueue_dma source(%dma_start3A_387 : memref<2x128xi32, #tpu.memory_space<hbm>>) target(%arg7 : memref<2x128xi32, #tpu.memory_space<vmem>>) target_semaphore(%arg14 : memref<!tpu.dma_semaphore, #tpu.memory_space<semaphore_mem>>)
      %add3A_388 = arith.constant 2 : i32
      %add3A_389 = arith.addi %mul3A_275, %add3A_388 : i32
      %dma_wait3A_390 = arith.constant 0 : i32
      %dma_wait3A_391 = arith.constant 0 : i32
      %dma_wait3A_392 = tpu.memref_slice %arg8[%dma_wait3A_390, %dma_wait3A_391] : memref<2x128xi32, #tpu.memory_space<vmem>> -> memref<1x128xi32, #tpu.memory_space<vmem>>
      %dma_wait3A_393 = tpu.memref_squeeze %dma_wait3A_392 : memref<1x128xi32, #tpu.memory_space<vmem>> -> memref<128xi32, #tpu.memory_space<vmem>>
      %dma_wait3A_394 = arith.constant 0 : i32
      %dma_wait3A_395 = arith.constant 0 : i32
      %dma_wait3A_396 = tpu.memref_slice %arg2[%dma_wait3A_394, %dma_wait3A_395] : memref<10112x128xf32, #tpu.memory_space<hbm>> -> memref<10112x128xf32, #tpu.memory_space<hbm>>
      tpu.wait_indirect_dma semaphore(%arg18 : memref<!tpu.dma_semaphore, #tpu.memory_space<semaphore_mem>>) src(%dma_wait3A_396 : memref<10112x128xf32, #tpu.memory_space<hbm>>) dst(%arg11 : memref<128x128xf32, #tpu.memory_space<vmem>>)
      %dma_wait3A_397 = arith.constant 0 : i32
      %dma_wait3A_398 = arith.constant 0 : i32
      %dma_wait3A_399 = arith.constant 0 : i32
      %dma_wait3A_400 = arith.constant 0 : i32
      %dma_wait3A_401 = tpu.memref_slice %arg3[%add3A, %dma_wait3A_398, %dma_wait3A_399, %dma_wait3A_400] : memref<32x84x2x128xi32, #tpu.memory_space<hbm>> -> memref<1x84x2x128xi32, #tpu.memory_space<hbm>>
      %dma_wait3A_402 = tpu.memref_squeeze %dma_wait3A_401 : memref<1x84x2x128xi32, #tpu.memory_space<hbm>> -> memref<84x2x128xi32, #tpu.memory_space<hbm>>
      %dma_wait3A_403 = arith.constant 0 : i32
      %dma_wait3A_404 = arith.constant 0 : i32
      %dma_wait3A_405 = tpu.memref_slice %dma_wait3A_402[%dma_wait3A_397, %dma_wait3A_403, %dma_wait3A_404] : memref<84x2x128xi32, #tpu.memory_space<hbm>> -> memref<1x2x128xi32, #tpu.memory_space<hbm>>
      %dma_wait3A_406 = tpu.memref_squeeze %dma_wait3A_405 : memref<1x2x128xi32, #tpu.memory_space<hbm>> -> memref<2x128xi32, #tpu.memory_space<hbm>>
      %dma_wait3A_407 = arith.constant 0 : i32
      %dma_wait3A_408 = arith.constant 0 : i32
      %dma_wait3A_409 = arith.constant 0 : i32
      %dma_wait3A_410 = tpu.memref_slice %arg3[%add3A, %dma_wait3A_407, %dma_wait3A_408, %dma_wait3A_409] : memref<32x84x2x128xi32, #tpu.memory_space<hbm>> -> memref<1x84x2x128xi32, #tpu.memory_space<hbm>>
      %dma_wait3A_411 = tpu.memref_squeeze %dma_wait3A_410 : memref<1x84x2x128xi32, #tpu.memory_space<hbm>> -> memref<84x2x128xi32, #tpu.memory_space<hbm>>
      %dma_wait3A_412 = arith.constant 0 : i32
      %dma_wait3A_413 = arith.constant 0 : i32
      %dma_wait3A_414 = tpu.memref_slice %dma_wait3A_411[%dma_wait3A_397, %dma_wait3A_412, %dma_wait3A_413] : memref<84x2x128xi32, #tpu.memory_space<hbm>> -> memref<1x2x128xi32, #tpu.memory_space<hbm>>
      %dma_wait3A_415 = tpu.memref_squeeze %dma_wait3A_414 : memref<1x2x128xi32, #tpu.memory_space<hbm>> -> memref<2x128xi32, #tpu.memory_space<hbm>>
      tpu.wait_dma2 semaphore(%arg14 : memref<!tpu.dma_semaphore, #tpu.memory_space<semaphore_mem>>) src(%dma_wait3A_415 : memref<2x128xi32, #tpu.memory_space<hbm>>) dst(%arg7 : memref<2x128xi32, #tpu.memory_space<vmem>>)
      %dma_start3A_416 = arith.constant 0 : i32
      %dma_start3A_417 = arith.constant 0 : i32
      %dma_start3A_418 = tpu.memref_slice %arg7[%dma_start3A_416, %dma_start3A_417] : memref<2x128xi32, #tpu.memory_space<vmem>> -> memref<1x128xi32, #tpu.memory_space<vmem>>
      %dma_start3A_419 = tpu.memref_squeeze %dma_start3A_418 : memref<1x128xi32, #tpu.memory_space<vmem>> -> memref<128xi32, #tpu.memory_space<vmem>>
      %dma_start3A_420 = arith.constant 0 : i32
      %dma_start3A_421 = arith.constant 0 : i32
      %dma_start3A_422 = tpu.memref_slice %arg2[%dma_start3A_420, %dma_start3A_421] : memref<10112x128xf32, #tpu.memory_space<hbm>> -> memref<10112x128xf32, #tpu.memory_space<hbm>>
      tpu.enqueue_indirect_dma source(%dma_start3A_422 : memref<10112x128xf32, #tpu.memory_space<hbm>>) target(%arg10 : memref<128x128xf32, #tpu.memory_space<vmem>>) offsets(%dma_start3A_419 : memref<128xi32, #tpu.memory_space<vmem>>) semaphore(%arg17 : memref<!tpu.dma_semaphore, #tpu.memory_space<semaphore_mem>>)
      %run_scoped3A_423 = arith.constant 1 : i32
      "tpu.region"() ({
        %run_scoped3A_444 = tpu.sem_alloc : memref<!tpu.dma_semaphore, #tpu.memory_space<semaphore_mem>>
        %dma_start3A_445 = arith.constant 0 : i32
        %dma_start3A_446 = tpu.memref_slice %arg8[%run_scoped3A_423, %dma_start3A_445] : memref<2x128xi32, #tpu.memory_space<vmem>> -> memref<1x128xi32, #tpu.memory_space<vmem>>
        %dma_start3A_447 = tpu.memref_squeeze %dma_start3A_446 : memref<1x128xi32, #tpu.memory_space<vmem>> -> memref<128xi32, #tpu.memory_space<vmem>>
        %dma_start3A_448 = arith.constant 0 : i32
        %dma_start3A_449 = arith.constant 0 : i32
        %dma_start3A_450 = tpu.memref_slice %arg12[%dma_start3A_448, %dma_start3A_449] : memref<10112x128xf32, #tpu.memory_space<vmem_shared>> -> memref<10112x128xf32, #tpu.memory_space<vmem_shared>>
        tpu.enqueue_indirect_dma source(%arg11 : memref<128x128xf32, #tpu.memory_space<vmem>>) target(%dma_start3A_450 : memref<10112x128xf32, #tpu.memory_space<vmem_shared>>) offsets(%dma_start3A_447 : memref<128xi32, #tpu.memory_space<vmem>>) semaphore(%run_scoped3A_444 : memref<!tpu.dma_semaphore, #tpu.memory_space<semaphore_mem>>) {add = true}
        %dma_wait3A_451 = arith.constant 0 : i32
        %dma_wait3A_452 = tpu.memref_slice %arg8[%run_scoped3A_423, %dma_wait3A_451] : memref<2x128xi32, #tpu.memory_space<vmem>> -> memref<1x128xi32, #tpu.memory_space<vmem>>
        %dma_wait3A_453 = tpu.memref_squeeze %dma_wait3A_452 : memref<1x128xi32, #tpu.memory_space<vmem>> -> memref<128xi32, #tpu.memory_space<vmem>>
        %dma_wait3A_454 = arith.constant 0 : i32
        %dma_wait3A_455 = arith.constant 0 : i32
        %dma_wait3A_456 = tpu.memref_slice %arg12[%dma_wait3A_454, %dma_wait3A_455] : memref<10112x128xf32, #tpu.memory_space<vmem_shared>> -> memref<10112x128xf32, #tpu.memory_space<vmem_shared>>
        tpu.wait_indirect_dma semaphore(%run_scoped3A_444 : memref<!tpu.dma_semaphore, #tpu.memory_space<semaphore_mem>>) src(%arg11 : memref<128x128xf32, #tpu.memory_space<vmem>>) dst(%dma_wait3A_456 : memref<10112x128xf32, #tpu.memory_space<vmem_shared>>)
        tpu.yield
      }) : () -> ()
      %add3A_424 = arith.constant 3 : i32
      %add3A_425 = arith.addi %add3A_389, %add3A_424 : i32
      %dma_start3A_426 = arith.constant 0 : i32
      %dma_start3A_427 = arith.constant 0 : i32
      %dma_start3A_428 = arith.constant 0 : i32
      %dma_start3A_429 = tpu.memref_slice %arg3[%add3A, %dma_start3A_426, %dma_start3A_427, %dma_start3A_428] : memref<32x84x2x128xi32, #tpu.memory_space<hbm>> -> memref<1x84x2x128xi32, #tpu.memory_space<hbm>>
      %dma_start3A_430 = tpu.memref_squeeze %dma_start3A_429 : memref<1x84x2x128xi32, #tpu.memory_space<hbm>> -> memref<84x2x128xi32, #tpu.memory_space<hbm>>
      %dma_start3A_431 = arith.constant 0 : i32
      %dma_start3A_432 = arith.constant 0 : i32
      %dma_start3A_433 = tpu.memref_slice %dma_start3A_430[%add3A_425, %dma_start3A_431, %dma_start3A_432] : memref<84x2x128xi32, #tpu.memory_space<hbm>> -> memref<1x2x128xi32, #tpu.memory_space<hbm>>
      %dma_start3A_434 = tpu.memref_squeeze %dma_start3A_433 : memref<1x2x128xi32, #tpu.memory_space<hbm>> -> memref<2x128xi32, #tpu.memory_space<hbm>>
      %dma_start3A_435 = arith.constant 0 : i32
      %dma_start3A_436 = arith.constant 0 : i32
      %dma_start3A_437 = arith.constant 0 : i32
      %dma_start3A_438 = tpu.memref_slice %arg3[%add3A, %dma_start3A_435, %dma_start3A_436, %dma_start3A_437] : memref<32x84x2x128xi32, #tpu.memory_space<hbm>> -> memref<1x84x2x128xi32, #tpu.memory_space<hbm>>
      %dma_start3A_439 = tpu.memref_squeeze %dma_start3A_438 : memref<1x84x2x128xi32, #tpu.memory_space<hbm>> -> memref<84x2x128xi32, #tpu.memory_space<hbm>>
      %dma_start3A_440 = arith.constant 0 : i32
      %dma_start3A_441 = arith.constant 0 : i32
      %dma_start3A_442 = tpu.memref_slice %dma_start3A_439[%add3A_425, %dma_start3A_440, %dma_start3A_441] : memref<84x2x128xi32, #tpu.memory_space<hbm>> -> memref<1x2x128xi32, #tpu.memory_space<hbm>>
      %dma_start3A_443 = tpu.memref_squeeze %dma_start3A_442 : memref<1x2x128xi32, #tpu.memory_space<hbm>> -> memref<2x128xi32, #tpu.memory_space<hbm>>
      tpu.enqueue_dma source(%dma_start3A_443 : memref<2x128xi32, #tpu.memory_space<hbm>>) target(%arg8 : memref<2x128xi32, #tpu.memory_space<vmem>>) target_semaphore(%arg15 : memref<!tpu.dma_semaphore, #tpu.memory_space<semaphore_mem>>)
    }
    %scan3A_114 = arith.constant 25 : i32
    %dma_wait3A_115 = arith.constant 0 : i32
    %dma_wait3A_116 = arith.constant 0 : i32
    %dma_wait3A_117 = tpu.memref_slice %arg6[%dma_wait3A_115, %dma_wait3A_116] : memref<2x128xi32, #tpu.memory_space<vmem>> -> memref<1x128xi32, #tpu.memory_space<vmem>>
    %dma_wait3A_118 = tpu.memref_squeeze %dma_wait3A_117 : memref<1x128xi32, #tpu.memory_space<vmem>> -> memref<128xi32, #tpu.memory_space<vmem>>
    %dma_wait3A_119 = arith.constant 0 : i32
    %dma_wait3A_120 = arith.constant 0 : i32
    %dma_wait3A_121 = tpu.memref_slice %arg2[%dma_wait3A_119, %dma_wait3A_120] : memref<10112x128xf32, #tpu.memory_space<hbm>> -> memref<10112x128xf32, #tpu.memory_space<hbm>>
    tpu.wait_indirect_dma semaphore(%arg16 : memref<!tpu.dma_semaphore, #tpu.memory_space<semaphore_mem>>) src(%dma_wait3A_121 : memref<10112x128xf32, #tpu.memory_space<hbm>>) dst(%arg9 : memref<128x128xf32, #tpu.memory_space<vmem>>)
    %dma_wait3A_122 = arith.constant 0 : i32
    %dma_wait3A_123 = arith.constant 0 : i32
    %dma_wait3A_124 = arith.constant 0 : i32
    %dma_wait3A_125 = arith.constant 0 : i32
    %dma_wait3A_126 = tpu.memref_slice %arg3[%add3A, %dma_wait3A_123, %dma_wait3A_124, %dma_wait3A_125] : memref<32x84x2x128xi32, #tpu.memory_space<hbm>> -> memref<1x84x2x128xi32, #tpu.memory_space<hbm>>
    %dma_wait3A_127 = tpu.memref_squeeze %dma_wait3A_126 : memref<1x84x2x128xi32, #tpu.memory_space<hbm>> -> memref<84x2x128xi32, #tpu.memory_space<hbm>>
    %dma_wait3A_128 = arith.constant 0 : i32
    %dma_wait3A_129 = arith.constant 0 : i32
    %dma_wait3A_130 = tpu.memref_slice %dma_wait3A_127[%dma_wait3A_122, %dma_wait3A_128, %dma_wait3A_129] : memref<84x2x128xi32, #tpu.memory_space<hbm>> -> memref<1x2x128xi32, #tpu.memory_space<hbm>>
    %dma_wait3A_131 = tpu.memref_squeeze %dma_wait3A_130 : memref<1x2x128xi32, #tpu.memory_space<hbm>> -> memref<2x128xi32, #tpu.memory_space<hbm>>
    %dma_wait3A_132 = arith.constant 0 : i32
    %dma_wait3A_133 = arith.constant 0 : i32
    %dma_wait3A_134 = arith.constant 0 : i32
    %dma_wait3A_135 = tpu.memref_slice %arg3[%add3A, %dma_wait3A_132, %dma_wait3A_133, %dma_wait3A_134] : memref<32x84x2x128xi32, #tpu.memory_space<hbm>> -> memref<1x84x2x128xi32, #tpu.memory_space<hbm>>
    %dma_wait3A_136 = tpu.memref_squeeze %dma_wait3A_135 : memref<1x84x2x128xi32, #tpu.memory_space<hbm>> -> memref<84x2x128xi32, #tpu.memory_space<hbm>>
    %dma_wait3A_137 = arith.constant 0 : i32
    %dma_wait3A_138 = arith.constant 0 : i32
    %dma_wait3A_139 = tpu.memref_slice %dma_wait3A_136[%dma_wait3A_122, %dma_wait3A_137, %dma_wait3A_138] : memref<84x2x128xi32, #tpu.memory_space<hbm>> -> memref<1x2x128xi32, #tpu.memory_space<hbm>>
    %dma_wait3A_140 = tpu.memref_squeeze %dma_wait3A_139 : memref<1x2x128xi32, #tpu.memory_space<hbm>> -> memref<2x128xi32, #tpu.memory_space<hbm>>
    tpu.wait_dma2 semaphore(%arg15 : memref<!tpu.dma_semaphore, #tpu.memory_space<semaphore_mem>>) src(%dma_wait3A_140 : memref<2x128xi32, #tpu.memory_space<hbm>>) dst(%arg8 : memref<2x128xi32, #tpu.memory_space<vmem>>)
    %dma_start3A_141 = arith.constant 0 : i32
    %dma_start3A_142 = arith.constant 0 : i32
    %dma_start3A_143 = tpu.memref_slice %arg8[%dma_start3A_141, %dma_start3A_142] : memref<2x128xi32, #tpu.memory_space<vmem>> -> memref<1x128xi32, #tpu.memory_space<vmem>>
    %dma_start3A_144 = tpu.memref_squeeze %dma_start3A_143 : memref<1x128xi32, #tpu.memory_space<vmem>> -> memref<128xi32, #tpu.memory_space<vmem>>
    %dma_start3A_145 = arith.constant 0 : i32
    %dma_start3A_146 = arith.constant 0 : i32
    %dma_start3A_147 = tpu.memref_slice %arg2[%dma_start3A_145, %dma_start3A_146] : memref<10112x128xf32, #tpu.memory_space<hbm>> -> memref<10112x128xf32, #tpu.memory_space<hbm>>
    tpu.enqueue_indirect_dma source(%dma_start3A_147 : memref<10112x128xf32, #tpu.memory_space<hbm>>) target(%arg11 : memref<128x128xf32, #tpu.memory_space<vmem>>) offsets(%dma_start3A_144 : memref<128xi32, #tpu.memory_space<vmem>>) semaphore(%arg18 : memref<!tpu.dma_semaphore, #tpu.memory_space<semaphore_mem>>)
    %run_scoped3A = arith.constant 1 : i32
    "tpu.region"() ({
      %run_scoped3A_273 = tpu.sem_alloc : memref<!tpu.dma_semaphore, #tpu.memory_space<semaphore_mem>>
      %dma_start3A_274 = arith.constant 0 : i32
      %dma_start3A_275 = tpu.memref_slice %arg6[%run_scoped3A, %dma_start3A_274] : memref<2x128xi32, #tpu.memory_space<vmem>> -> memref<1x128xi32, #tpu.memory_space<vmem>>
      %dma_start3A_276 = tpu.memref_squeeze %dma_start3A_275 : memref<1x128xi32, #tpu.memory_space<vmem>> -> memref<128xi32, #tpu.memory_space<vmem>>
      %dma_start3A_277 = arith.constant 0 : i32
      %dma_start3A_278 = arith.constant 0 : i32
      %dma_start3A_279 = tpu.memref_slice %arg12[%dma_start3A_277, %dma_start3A_278] : memref<10112x128xf32, #tpu.memory_space<vmem_shared>> -> memref<10112x128xf32, #tpu.memory_space<vmem_shared>>
      tpu.enqueue_indirect_dma source(%arg9 : memref<128x128xf32, #tpu.memory_space<vmem>>) target(%dma_start3A_279 : memref<10112x128xf32, #tpu.memory_space<vmem_shared>>) offsets(%dma_start3A_276 : memref<128xi32, #tpu.memory_space<vmem>>) semaphore(%run_scoped3A_273 : memref<!tpu.dma_semaphore, #tpu.memory_space<semaphore_mem>>) {add = true}
      %dma_wait3A_280 = arith.constant 0 : i32
      %dma_wait3A_281 = tpu.memref_slice %arg6[%run_scoped3A, %dma_wait3A_280] : memref<2x128xi32, #tpu.memory_space<vmem>> -> memref<1x128xi32, #tpu.memory_space<vmem>>
      %dma_wait3A_282 = tpu.memref_squeeze %dma_wait3A_281 : memref<1x128xi32, #tpu.memory_space<vmem>> -> memref<128xi32, #tpu.memory_space<vmem>>
      %dma_wait3A_283 = arith.constant 0 : i32
      %dma_wait3A_284 = arith.constant 0 : i32
      %dma_wait3A_285 = tpu.memref_slice %arg12[%dma_wait3A_283, %dma_wait3A_284] : memref<10112x128xf32, #tpu.memory_space<vmem_shared>> -> memref<10112x128xf32, #tpu.memory_space<vmem_shared>>
      tpu.wait_indirect_dma semaphore(%run_scoped3A_273 : memref<!tpu.dma_semaphore, #tpu.memory_space<semaphore_mem>>) src(%arg9 : memref<128x128xf32, #tpu.memory_space<vmem>>) dst(%dma_wait3A_285 : memref<10112x128xf32, #tpu.memory_space<vmem_shared>>)
      tpu.yield
    }) : () -> ()
    %dma_start3A_148 = arith.constant 78 : i32
    %dma_start3A_149 = arith.constant 0 : i32
    %dma_start3A_150 = arith.constant 0 : i32
    %dma_start3A_151 = arith.constant 0 : i32
    %dma_start3A_152 = tpu.memref_slice %arg3[%add3A, %dma_start3A_149, %dma_start3A_150, %dma_start3A_151] : memref<32x84x2x128xi32, #tpu.memory_space<hbm>> -> memref<1x84x2x128xi32, #tpu.memory_space<hbm>>
    %dma_start3A_153 = tpu.memref_squeeze %dma_start3A_152 : memref<1x84x2x128xi32, #tpu.memory_space<hbm>> -> memref<84x2x128xi32, #tpu.memory_space<hbm>>
    %dma_start3A_154 = arith.constant 0 : i32
    %dma_start3A_155 = arith.constant 0 : i32
    %dma_start3A_156 = tpu.memref_slice %dma_start3A_153[%dma_start3A_148, %dma_start3A_154, %dma_start3A_155] : memref<84x2x128xi32, #tpu.memory_space<hbm>> -> memref<1x2x128xi32, #tpu.memory_space<hbm>>
    %dma_start3A_157 = tpu.memref_squeeze %dma_start3A_156 : memref<1x2x128xi32, #tpu.memory_space<hbm>> -> memref<2x128xi32, #tpu.memory_space<hbm>>
    %dma_start3A_158 = arith.constant 0 : i32
    %dma_start3A_159 = arith.constant 0 : i32
    %dma_start3A_160 = arith.constant 0 : i32
    %dma_start3A_161 = tpu.memref_slice %arg3[%add3A, %dma_start3A_158, %dma_start3A_159, %dma_start3A_160] : memref<32x84x2x128xi32, #tpu.memory_space<hbm>> -> memref<1x84x2x128xi32, #tpu.memory_space<hbm>>
    %dma_start3A_162 = tpu.memref_squeeze %dma_start3A_161 : memref<1x84x2x128xi32, #tpu.memory_space<hbm>> -> memref<84x2x128xi32, #tpu.memory_space<hbm>>
    %dma_start3A_163 = arith.constant 0 : i32
    %dma_start3A_164 = arith.constant 0 : i32
    %dma_start3A_165 = tpu.memref_slice %dma_start3A_162[%dma_start3A_148, %dma_start3A_163, %dma_start3A_164] : memref<84x2x128xi32, #tpu.memory_space<hbm>> -> memref<1x2x128xi32, #tpu.memory_space<hbm>>
    %dma_start3A_166 = tpu.memref_squeeze %dma_start3A_165 : memref<1x2x128xi32, #tpu.memory_space<hbm>> -> memref<2x128xi32, #tpu.memory_space<hbm>>
    tpu.enqueue_dma source(%dma_start3A_166 : memref<2x128xi32, #tpu.memory_space<hbm>>) target(%arg6 : memref<2x128xi32, #tpu.memory_space<vmem>>) target_semaphore(%arg13 : memref<!tpu.dma_semaphore, #tpu.memory_space<semaphore_mem>>)
    %dma_wait3A_167 = arith.constant 0 : i32
    %dma_wait3A_168 = arith.constant 0 : i32
    %dma_wait3A_169 = tpu.memref_slice %arg7[%dma_wait3A_167, %dma_wait3A_168] : memref<2x128xi32, #tpu.memory_space<vmem>> -> memref<1x128xi32, #tpu.memory_space<vmem>>
    %dma_wait3A_170 = tpu.memref_squeeze %dma_wait3A_169 : memref<1x128xi32, #tpu.memory_space<vmem>> -> memref<128xi32, #tpu.memory_space<vmem>>
    %dma_wait3A_171 = arith.constant 0 : i32
    %dma_wait3A_172 = arith.constant 0 : i32
    %dma_wait3A_173 = tpu.memref_slice %arg2[%dma_wait3A_171, %dma_wait3A_172] : memref<10112x128xf32, #tpu.memory_space<hbm>> -> memref<10112x128xf32, #tpu.memory_space<hbm>>
    tpu.wait_indirect_dma semaphore(%arg17 : memref<!tpu.dma_semaphore, #tpu.memory_space<semaphore_mem>>) src(%dma_wait3A_173 : memref<10112x128xf32, #tpu.memory_space<hbm>>) dst(%arg10 : memref<128x128xf32, #tpu.memory_space<vmem>>)
    %dma_wait3A_174 = arith.constant 0 : i32
    %dma_wait3A_175 = arith.constant 0 : i32
    %dma_wait3A_176 = arith.constant 0 : i32
    %dma_wait3A_177 = arith.constant 0 : i32
    %dma_wait3A_178 = tpu.memref_slice %arg3[%add3A, %dma_wait3A_175, %dma_wait3A_176, %dma_wait3A_177] : memref<32x84x2x128xi32, #tpu.memory_space<hbm>> -> memref<1x84x2x128xi32, #tpu.memory_space<hbm>>
    %dma_wait3A_179 = tpu.memref_squeeze %dma_wait3A_178 : memref<1x84x2x128xi32, #tpu.memory_space<hbm>> -> memref<84x2x128xi32, #tpu.memory_space<hbm>>
    %dma_wait3A_180 = arith.constant 0 : i32
    %dma_wait3A_181 = arith.constant 0 : i32
    %dma_wait3A_182 = tpu.memref_slice %dma_wait3A_179[%dma_wait3A_174, %dma_wait3A_180, %dma_wait3A_181] : memref<84x2x128xi32, #tpu.memory_space<hbm>> -> memref<1x2x128xi32, #tpu.memory_space<hbm>>
    %dma_wait3A_183 = tpu.memref_squeeze %dma_wait3A_182 : memref<1x2x128xi32, #tpu.memory_space<hbm>> -> memref<2x128xi32, #tpu.memory_space<hbm>>
    %dma_wait3A_184 = arith.constant 0 : i32
    %dma_wait3A_185 = arith.constant 0 : i32
    %dma_wait3A_186 = arith.constant 0 : i32
    %dma_wait3A_187 = tpu.memref_slice %arg3[%add3A, %dma_wait3A_184, %dma_wait3A_185, %dma_wait3A_186] : memref<32x84x2x128xi32, #tpu.memory_space<hbm>> -> memref<1x84x2x128xi32, #tpu.memory_space<hbm>>
    %dma_wait3A_188 = tpu.memref_squeeze %dma_wait3A_187 : memref<1x84x2x128xi32, #tpu.memory_space<hbm>> -> memref<84x2x128xi32, #tpu.memory_space<hbm>>
    %dma_wait3A_189 = arith.constant 0 : i32
    %dma_wait3A_190 = arith.constant 0 : i32
    %dma_wait3A_191 = tpu.memref_slice %dma_wait3A_188[%dma_wait3A_174, %dma_wait3A_189, %dma_wait3A_190] : memref<84x2x128xi32, #tpu.memory_space<hbm>> -> memref<1x2x128xi32, #tpu.memory_space<hbm>>
    %dma_wait3A_192 = tpu.memref_squeeze %dma_wait3A_191 : memref<1x2x128xi32, #tpu.memory_space<hbm>> -> memref<2x128xi32, #tpu.memory_space<hbm>>
    tpu.wait_dma2 semaphore(%arg13 : memref<!tpu.dma_semaphore, #tpu.memory_space<semaphore_mem>>) src(%dma_wait3A_192 : memref<2x128xi32, #tpu.memory_space<hbm>>) dst(%arg6 : memref<2x128xi32, #tpu.memory_space<vmem>>)
    %dma_start3A_193 = arith.constant 0 : i32
    %dma_start3A_194 = arith.constant 0 : i32
    %dma_start3A_195 = tpu.memref_slice %arg6[%dma_start3A_193, %dma_start3A_194] : memref<2x128xi32, #tpu.memory_space<vmem>> -> memref<1x128xi32, #tpu.memory_space<vmem>>
    %dma_start3A_196 = tpu.memref_squeeze %dma_start3A_195 : memref<1x128xi32, #tpu.memory_space<vmem>> -> memref<128xi32, #tpu.memory_space<vmem>>
    %dma_start3A_197 = arith.constant 0 : i32
    %dma_start3A_198 = arith.constant 0 : i32
    %dma_start3A_199 = tpu.memref_slice %arg2[%dma_start3A_197, %dma_start3A_198] : memref<10112x128xf32, #tpu.memory_space<hbm>> -> memref<10112x128xf32, #tpu.memory_space<hbm>>
    tpu.enqueue_indirect_dma source(%dma_start3A_199 : memref<10112x128xf32, #tpu.memory_space<hbm>>) target(%arg9 : memref<128x128xf32, #tpu.memory_space<vmem>>) offsets(%dma_start3A_196 : memref<128xi32, #tpu.memory_space<vmem>>) semaphore(%arg16 : memref<!tpu.dma_semaphore, #tpu.memory_space<semaphore_mem>>)
    %run_scoped3A_200 = arith.constant 1 : i32
    "tpu.region"() ({
      %run_scoped3A_273 = tpu.sem_alloc : memref<!tpu.dma_semaphore, #tpu.memory_space<semaphore_mem>>
      %dma_start3A_274 = arith.constant 0 : i32
      %dma_start3A_275 = tpu.memref_slice %arg7[%run_scoped3A_200, %dma_start3A_274] : memref<2x128xi32, #tpu.memory_space<vmem>> -> memref<1x128xi32, #tpu.memory_space<vmem>>
      %dma_start3A_276 = tpu.memref_squeeze %dma_start3A_275 : memref<1x128xi32, #tpu.memory_space<vmem>> -> memref<128xi32, #tpu.memory_space<vmem>>
      %dma_start3A_277 = arith.constant 0 : i32
      %dma_start3A_278 = arith.constant 0 : i32
      %dma_start3A_279 = tpu.memref_slice %arg12[%dma_start3A_277, %dma_start3A_278] : memref<10112x128xf32, #tpu.memory_space<vmem_shared>> -> memref<10112x128xf32, #tpu.memory_space<vmem_shared>>
      tpu.enqueue_indirect_dma source(%arg10 : memref<128x128xf32, #tpu.memory_space<vmem>>) target(%dma_start3A_279 : memref<10112x128xf32, #tpu.memory_space<vmem_shared>>) offsets(%dma_start3A_276 : memref<128xi32, #tpu.memory_space<vmem>>) semaphore(%run_scoped3A_273 : memref<!tpu.dma_semaphore, #tpu.memory_space<semaphore_mem>>) {add = true}
      %dma_wait3A_280 = arith.constant 0 : i32
      %dma_wait3A_281 = tpu.memref_slice %arg7[%run_scoped3A_200, %dma_wait3A_280] : memref<2x128xi32, #tpu.memory_space<vmem>> -> memref<1x128xi32, #tpu.memory_space<vmem>>
      %dma_wait3A_282 = tpu.memref_squeeze %dma_wait3A_281 : memref<1x128xi32, #tpu.memory_space<vmem>> -> memref<128xi32, #tpu.memory_space<vmem>>
      %dma_wait3A_283 = arith.constant 0 : i32
      %dma_wait3A_284 = arith.constant 0 : i32
      %dma_wait3A_285 = tpu.memref_slice %arg12[%dma_wait3A_283, %dma_wait3A_284] : memref<10112x128xf32, #tpu.memory_space<vmem_shared>> -> memref<10112x128xf32, #tpu.memory_space<vmem_shared>>
      tpu.wait_indirect_dma semaphore(%run_scoped3A_273 : memref<!tpu.dma_semaphore, #tpu.memory_space<semaphore_mem>>) src(%arg10 : memref<128x128xf32, #tpu.memory_space<vmem>>) dst(%dma_wait3A_285 : memref<10112x128xf32, #tpu.memory_space<vmem_shared>>)
      tpu.yield
    }) : () -> ()
    %dma_start3A_201 = arith.constant 79 : i32
    %dma_start3A_202 = arith.constant 0 : i32
    %dma_start3A_203 = arith.constant 0 : i32
    %dma_start3A_204 = arith.constant 0 : i32
    %dma_start3A_205 = tpu.memref_slice %arg3[%add3A, %dma_start3A_202, %dma_start3A_203, %dma_start3A_204] : memref<32x84x2x128xi32, #tpu.memory_space<hbm>> -> memref<1x84x2x128xi32, #tpu.memory_space<hbm>>
    %dma_start3A_206 = tpu.memref_squeeze %dma_start3A_205 : memref<1x84x2x128xi32, #tpu.memory_space<hbm>> -> memref<84x2x128xi32, #tpu.memory_space<hbm>>
    %dma_start3A_207 = arith.constant 0 : i32
    %dma_start3A_208 = arith.constant 0 : i32
    %dma_start3A_209 = tpu.memref_slice %dma_start3A_206[%dma_start3A_201, %dma_start3A_207, %dma_start3A_208] : memref<84x2x128xi32, #tpu.memory_space<hbm>> -> memref<1x2x128xi32, #tpu.memory_space<hbm>>
    %dma_start3A_210 = tpu.memref_squeeze %dma_start3A_209 : memref<1x2x128xi32, #tpu.memory_space<hbm>> -> memref<2x128xi32, #tpu.memory_space<hbm>>
    %dma_start3A_211 = arith.constant 0 : i32
    %dma_start3A_212 = arith.constant 0 : i32
    %dma_start3A_213 = arith.constant 0 : i32
    %dma_start3A_214 = tpu.memref_slice %arg3[%add3A, %dma_start3A_211, %dma_start3A_212, %dma_start3A_213] : memref<32x84x2x128xi32, #tpu.memory_space<hbm>> -> memref<1x84x2x128xi32, #tpu.memory_space<hbm>>
    %dma_start3A_215 = tpu.memref_squeeze %dma_start3A_214 : memref<1x84x2x128xi32, #tpu.memory_space<hbm>> -> memref<84x2x128xi32, #tpu.memory_space<hbm>>
    %dma_start3A_216 = arith.constant 0 : i32
    %dma_start3A_217 = arith.constant 0 : i32
    %dma_start3A_218 = tpu.memref_slice %dma_start3A_215[%dma_start3A_201, %dma_start3A_216, %dma_start3A_217] : memref<84x2x128xi32, #tpu.memory_space<hbm>> -> memref<1x2x128xi32, #tpu.memory_space<hbm>>
    %dma_start3A_219 = tpu.memref_squeeze %dma_start3A_218 : memref<1x2x128xi32, #tpu.memory_space<hbm>> -> memref<2x128xi32, #tpu.memory_space<hbm>>
    tpu.enqueue_dma source(%dma_start3A_219 : memref<2x128xi32, #tpu.memory_space<hbm>>) target(%arg7 : memref<2x128xi32, #tpu.memory_space<vmem>>) target_semaphore(%arg14 : memref<!tpu.dma_semaphore, #tpu.memory_space<semaphore_mem>>)
    %dma_wait3A_220 = arith.constant 0 : i32
    %dma_wait3A_221 = arith.constant 0 : i32
    %dma_wait3A_222 = tpu.memref_slice %arg8[%dma_wait3A_220, %dma_wait3A_221] : memref<2x128xi32, #tpu.memory_space<vmem>> -> memref<1x128xi32, #tpu.memory_space<vmem>>
    %dma_wait3A_223 = tpu.memref_squeeze %dma_wait3A_222 : memref<1x128xi32, #tpu.memory_space<vmem>> -> memref<128xi32, #tpu.memory_space<vmem>>
    %dma_wait3A_224 = arith.constant 0 : i32
    %dma_wait3A_225 = arith.constant 0 : i32
    %dma_wait3A_226 = tpu.memref_slice %arg2[%dma_wait3A_224, %dma_wait3A_225] : memref<10112x128xf32, #tpu.memory_space<hbm>> -> memref<10112x128xf32, #tpu.memory_space<hbm>>
    tpu.wait_indirect_dma semaphore(%arg18 : memref<!tpu.dma_semaphore, #tpu.memory_space<semaphore_mem>>) src(%dma_wait3A_226 : memref<10112x128xf32, #tpu.memory_space<hbm>>) dst(%arg11 : memref<128x128xf32, #tpu.memory_space<vmem>>)
    %dma_wait3A_227 = arith.constant 0 : i32
    %dma_wait3A_228 = arith.constant 0 : i32
    %dma_wait3A_229 = arith.constant 0 : i32
    %dma_wait3A_230 = arith.constant 0 : i32
    %dma_wait3A_231 = tpu.memref_slice %arg3[%add3A, %dma_wait3A_228, %dma_wait3A_229, %dma_wait3A_230] : memref<32x84x2x128xi32, #tpu.memory_space<hbm>> -> memref<1x84x2x128xi32, #tpu.memory_space<hbm>>
    %dma_wait3A_232 = tpu.memref_squeeze %dma_wait3A_231 : memref<1x84x2x128xi32, #tpu.memory_space<hbm>> -> memref<84x2x128xi32, #tpu.memory_space<hbm>>
    %dma_wait3A_233 = arith.constant 0 : i32
    %dma_wait3A_234 = arith.constant 0 : i32
    %dma_wait3A_235 = tpu.memref_slice %dma_wait3A_232[%dma_wait3A_227, %dma_wait3A_233, %dma_wait3A_234] : memref<84x2x128xi32, #tpu.memory_space<hbm>> -> memref<1x2x128xi32, #tpu.memory_space<hbm>>
    %dma_wait3A_236 = tpu.memref_squeeze %dma_wait3A_235 : memref<1x2x128xi32, #tpu.memory_space<hbm>> -> memref<2x128xi32, #tpu.memory_space<hbm>>
    %dma_wait3A_237 = arith.constant 0 : i32
    %dma_wait3A_238 = arith.constant 0 : i32
    %dma_wait3A_239 = arith.constant 0 : i32
    %dma_wait3A_240 = tpu.memref_slice %arg3[%add3A, %dma_wait3A_237, %dma_wait3A_238, %dma_wait3A_239] : memref<32x84x2x128xi32, #tpu.memory_space<hbm>> -> memref<1x84x2x128xi32, #tpu.memory_space<hbm>>
    %dma_wait3A_241 = tpu.memref_squeeze %dma_wait3A_240 : memref<1x84x2x128xi32, #tpu.memory_space<hbm>> -> memref<84x2x128xi32, #tpu.memory_space<hbm>>
    %dma_wait3A_242 = arith.constant 0 : i32
    %dma_wait3A_243 = arith.constant 0 : i32
    %dma_wait3A_244 = tpu.memref_slice %dma_wait3A_241[%dma_wait3A_227, %dma_wait3A_242, %dma_wait3A_243] : memref<84x2x128xi32, #tpu.memory_space<hbm>> -> memref<1x2x128xi32, #tpu.memory_space<hbm>>
    %dma_wait3A_245 = tpu.memref_squeeze %dma_wait3A_244 : memref<1x2x128xi32, #tpu.memory_space<hbm>> -> memref<2x128xi32, #tpu.memory_space<hbm>>
    tpu.wait_dma2 semaphore(%arg14 : memref<!tpu.dma_semaphore, #tpu.memory_space<semaphore_mem>>) src(%dma_wait3A_245 : memref<2x128xi32, #tpu.memory_space<hbm>>) dst(%arg7 : memref<2x128xi32, #tpu.memory_space<vmem>>)
    %dma_start3A_246 = arith.constant 0 : i32
    %dma_start3A_247 = arith.constant 0 : i32
    %dma_start3A_248 = tpu.memref_slice %arg7[%dma_start3A_246, %dma_start3A_247] : memref<2x128xi32, #tpu.memory_space<vmem>> -> memref<1x128xi32, #tpu.memory_space<vmem>>
    %dma_start3A_249 = tpu.memref_squeeze %dma_start3A_248 : memref<1x128xi32, #tpu.memory_space<vmem>> -> memref<128xi32, #tpu.memory_space<vmem>>
    %dma_start3A_250 = arith.constant 0 : i32
    %dma_start3A_251 = arith.constant 0 : i32
    %dma_start3A_252 = tpu.memref_slice %arg2[%dma_start3A_250, %dma_start3A_251] : memref<10112x128xf32, #tpu.memory_space<hbm>> -> memref<10112x128xf32, #tpu.memory_space<hbm>>
    tpu.enqueue_indirect_dma source(%dma_start3A_252 : memref<10112x128xf32, #tpu.memory_space<hbm>>) target(%arg10 : memref<128x128xf32, #tpu.memory_space<vmem>>) offsets(%dma_start3A_249 : memref<128xi32, #tpu.memory_space<vmem>>) semaphore(%arg17 : memref<!tpu.dma_semaphore, #tpu.memory_space<semaphore_mem>>)
    %run_scoped3A_253 = arith.constant 1 : i32
    "tpu.region"() ({
      %run_scoped3A_273 = tpu.sem_alloc : memref<!tpu.dma_semaphore, #tpu.memory_space<semaphore_mem>>
      %dma_start3A_274 = arith.constant 0 : i32
      %dma_start3A_275 = tpu.memref_slice %arg8[%run_scoped3A_253, %dma_start3A_274] : memref<2x128xi32, #tpu.memory_space<vmem>> -> memref<1x128xi32, #tpu.memory_space<vmem>>
      %dma_start3A_276 = tpu.memref_squeeze %dma_start3A_275 : memref<1x128xi32, #tpu.memory_space<vmem>> -> memref<128xi32, #tpu.memory_space<vmem>>
      %dma_start3A_277 = arith.constant 0 : i32
      %dma_start3A_278 = arith.constant 0 : i32
      %dma_start3A_279 = tpu.memref_slice %arg12[%dma_start3A_277, %dma_start3A_278] : memref<10112x128xf32, #tpu.memory_space<vmem_shared>> -> memref<10112x128xf32, #tpu.memory_space<vmem_shared>>
      tpu.enqueue_indirect_dma source(%arg11 : memref<128x128xf32, #tpu.memory_space<vmem>>) target(%dma_start3A_279 : memref<10112x128xf32, #tpu.memory_space<vmem_shared>>) offsets(%dma_start3A_276 : memref<128xi32, #tpu.memory_space<vmem>>) semaphore(%run_scoped3A_273 : memref<!tpu.dma_semaphore, #tpu.memory_space<semaphore_mem>>) {add = true}
      %dma_wait3A_280 = arith.constant 0 : i32
      %dma_wait3A_281 = tpu.memref_slice %arg8[%run_scoped3A_253, %dma_wait3A_280] : memref<2x128xi32, #tpu.memory_space<vmem>> -> memref<1x128xi32, #tpu.memory_space<vmem>>
      %dma_wait3A_282 = tpu.memref_squeeze %dma_wait3A_281 : memref<1x128xi32, #tpu.memory_space<vmem>> -> memref<128xi32, #tpu.memory_space<vmem>>
      %dma_wait3A_283 = arith.constant 0 : i32
      %dma_wait3A_284 = arith.constant 0 : i32
      %dma_wait3A_285 = tpu.memref_slice %arg12[%dma_wait3A_283, %dma_wait3A_284] : memref<10112x128xf32, #tpu.memory_space<vmem_shared>> -> memref<10112x128xf32, #tpu.memory_space<vmem_shared>>
      tpu.wait_indirect_dma semaphore(%run_scoped3A_273 : memref<!tpu.dma_semaphore, #tpu.memory_space<semaphore_mem>>) src(%arg11 : memref<128x128xf32, #tpu.memory_space<vmem>>) dst(%dma_wait3A_285 : memref<10112x128xf32, #tpu.memory_space<vmem_shared>>)
      tpu.yield
    }) : () -> ()
    %dma_wait3A_254 = arith.constant 0 : i32
    %dma_wait3A_255 = arith.constant 0 : i32
    %dma_wait3A_256 = tpu.memref_slice %arg6[%dma_wait3A_254, %dma_wait3A_255] : memref<2x128xi32, #tpu.memory_space<vmem>> -> memref<1x128xi32, #tpu.memory_space<vmem>>
    %dma_wait3A_257 = tpu.memref_squeeze %dma_wait3A_256 : memref<1x128xi32, #tpu.memory_space<vmem>> -> memref<128xi32, #tpu.memory_space<vmem>>
    %dma_wait3A_258 = arith.constant 0 : i32
    %dma_wait3A_259 = arith.constant 0 : i32
    %dma_wait3A_260 = tpu.memref_slice %arg2[%dma_wait3A_258, %dma_wait3A_259] : memref<10112x128xf32, #tpu.memory_space<hbm>> -> memref<10112x128xf32, #tpu.memory_space<hbm>>
    tpu.wait_indirect_dma semaphore(%arg16 : memref<!tpu.dma_semaphore, #tpu.memory_space<semaphore_mem>>) src(%dma_wait3A_260 : memref<10112x128xf32, #tpu.memory_space<hbm>>) dst(%arg9 : memref<128x128xf32, #tpu.memory_space<vmem>>)
    %run_scoped3A_261 = arith.constant 1 : i32
    "tpu.region"() ({
      %run_scoped3A_273 = tpu.sem_alloc : memref<!tpu.dma_semaphore, #tpu.memory_space<semaphore_mem>>
      %dma_start3A_274 = arith.constant 0 : i32
      %dma_start3A_275 = tpu.memref_slice %arg6[%run_scoped3A_261, %dma_start3A_274] : memref<2x128xi32, #tpu.memory_space<vmem>> -> memref<1x128xi32, #tpu.memory_space<vmem>>
      %dma_start3A_276 = tpu.memref_squeeze %dma_start3A_275 : memref<1x128xi32, #tpu.memory_space<vmem>> -> memref<128xi32, #tpu.memory_space<vmem>>
      %dma_start3A_277 = arith.constant 0 : i32
      %dma_start3A_278 = arith.constant 0 : i32
      %dma_start3A_279 = tpu.memref_slice %arg12[%dma_start3A_277, %dma_start3A_278] : memref<10112x128xf32, #tpu.memory_space<vmem_shared>> -> memref<10112x128xf32, #tpu.memory_space<vmem_shared>>
      tpu.enqueue_indirect_dma source(%arg9 : memref<128x128xf32, #tpu.memory_space<vmem>>) target(%dma_start3A_279 : memref<10112x128xf32, #tpu.memory_space<vmem_shared>>) offsets(%dma_start3A_276 : memref<128xi32, #tpu.memory_space<vmem>>) semaphore(%run_scoped3A_273 : memref<!tpu.dma_semaphore, #tpu.memory_space<semaphore_mem>>) {add = true}
      %dma_wait3A_280 = arith.constant 0 : i32
      %dma_wait3A_281 = tpu.memref_slice %arg6[%run_scoped3A_261, %dma_wait3A_280] : memref<2x128xi32, #tpu.memory_space<vmem>> -> memref<1x128xi32, #tpu.memory_space<vmem>>
      %dma_wait3A_282 = tpu.memref_squeeze %dma_wait3A_281 : memref<1x128xi32, #tpu.memory_space<vmem>> -> memref<128xi32, #tpu.memory_space<vmem>>
      %dma_wait3A_283 = arith.constant 0 : i32
      %dma_wait3A_284 = arith.constant 0 : i32
      %dma_wait3A_285 = tpu.memref_slice %arg12[%dma_wait3A_283, %dma_wait3A_284] : memref<10112x128xf32, #tpu.memory_space<vmem_shared>> -> memref<10112x128xf32, #tpu.memory_space<vmem_shared>>
      tpu.wait_indirect_dma semaphore(%run_scoped3A_273 : memref<!tpu.dma_semaphore, #tpu.memory_space<semaphore_mem>>) src(%arg9 : memref<128x128xf32, #tpu.memory_space<vmem>>) dst(%dma_wait3A_285 : memref<10112x128xf32, #tpu.memory_space<vmem_shared>>)
      tpu.yield
    }) : () -> ()
    %dma_wait3A_262 = arith.constant 0 : i32
    %dma_wait3A_263 = arith.constant 0 : i32
    %dma_wait3A_264 = tpu.memref_slice %arg7[%dma_wait3A_262, %dma_wait3A_263] : memref<2x128xi32, #tpu.memory_space<vmem>> -> memref<1x128xi32, #tpu.memory_space<vmem>>
    %dma_wait3A_265 = tpu.memref_squeeze %dma_wait3A_264 : memref<1x128xi32, #tpu.memory_space<vmem>> -> memref<128xi32, #tpu.memory_space<vmem>>
    %dma_wait3A_266 = arith.constant 0 : i32
    %dma_wait3A_267 = arith.constant 0 : i32
    %dma_wait3A_268 = tpu.memref_slice %arg2[%dma_wait3A_266, %dma_wait3A_267] : memref<10112x128xf32, #tpu.memory_space<hbm>> -> memref<10112x128xf32, #tpu.memory_space<hbm>>
    tpu.wait_indirect_dma semaphore(%arg17 : memref<!tpu.dma_semaphore, #tpu.memory_space<semaphore_mem>>) src(%dma_wait3A_268 : memref<10112x128xf32, #tpu.memory_space<hbm>>) dst(%arg10 : memref<128x128xf32, #tpu.memory_space<vmem>>)
    %run_scoped3A_269 = arith.constant 1 : i32
    "tpu.region"() ({
      %run_scoped3A_273 = tpu.sem_alloc : memref<!tpu.dma_semaphore, #tpu.memory_space<semaphore_mem>>
      %dma_start3A_274 = arith.constant 0 : i32
      %dma_start3A_275 = tpu.memref_slice %arg7[%run_scoped3A_269, %dma_start3A_274] : memref<2x128xi32, #tpu.memory_space<vmem>> -> memref<1x128xi32, #tpu.memory_space<vmem>>
      %dma_start3A_276 = tpu.memref_squeeze %dma_start3A_275 : memref<1x128xi32, #tpu.memory_space<vmem>> -> memref<128xi32, #tpu.memory_space<vmem>>
      %dma_start3A_277 = arith.constant 0 : i32
      %dma_start3A_278 = arith.constant 0 : i32
      %dma_start3A_279 = tpu.memref_slice %arg12[%dma_start3A_277, %dma_start3A_278] : memref<10112x128xf32, #tpu.memory_space<vmem_shared>> -> memref<10112x128xf32, #tpu.memory_space<vmem_shared>>
      tpu.enqueue_indirect_dma source(%arg10 : memref<128x128xf32, #tpu.memory_space<vmem>>) target(%dma_start3A_279 : memref<10112x128xf32, #tpu.memory_space<vmem_shared>>) offsets(%dma_start3A_276 : memref<128xi32, #tpu.memory_space<vmem>>) semaphore(%run_scoped3A_273 : memref<!tpu.dma_semaphore, #tpu.memory_space<semaphore_mem>>) {add = true}
      %dma_wait3A_280 = arith.constant 0 : i32
      %dma_wait3A_281 = tpu.memref_slice %arg7[%run_scoped3A_269, %dma_wait3A_280] : memref<2x128xi32, #tpu.memory_space<vmem>> -> memref<1x128xi32, #tpu.memory_space<vmem>>
      %dma_wait3A_282 = tpu.memref_squeeze %dma_wait3A_281 : memref<1x128xi32, #tpu.memory_space<vmem>> -> memref<128xi32, #tpu.memory_space<vmem>>
      %dma_wait3A_283 = arith.constant 0 : i32
      %dma_wait3A_284 = arith.constant 0 : i32
      %dma_wait3A_285 = tpu.memref_slice %arg12[%dma_wait3A_283, %dma_wait3A_284] : memref<10112x128xf32, #tpu.memory_space<vmem_shared>> -> memref<10112x128xf32, #tpu.memory_space<vmem_shared>>
      tpu.wait_indirect_dma semaphore(%run_scoped3A_273 : memref<!tpu.dma_semaphore, #tpu.memory_space<semaphore_mem>>) src(%arg10 : memref<128x128xf32, #tpu.memory_space<vmem>>) dst(%dma_wait3A_285 : memref<10112x128xf32, #tpu.memory_space<vmem_shared>>)
      tpu.yield
    }) : () -> ()
    %barrier3A_270 = arith.constant 0 : index
    tpu.barrier barrier_id(%barrier3A_270)
    %mul3A_271 = arith.constant 632 : i32
    %mul3A_272 = arith.muli %arg1, %mul3A_271 : i32
    "tpu.region"() ({
      %run_scoped3A_273 = tpu.sem_alloc : memref<!tpu.dma_semaphore, #tpu.memory_space<semaphore_mem>>
      %dma_start3A_274 = arith.constant 0 : i32
      %dma_start3A_275 = arith.constant 0 : i32
      %dma_start3A_276 = tpu.memref_slice %arg5[%arg0, %dma_start3A_274, %dma_start3A_275] : memref<2x10112x128xf32, #tpu.memory_space<hbm>> -> memref<1x10112x128xf32, #tpu.memory_space<hbm>>
      %dma_start3A_277 = tpu.memref_squeeze %dma_start3A_276 : memref<1x10112x128xf32, #tpu.memory_space<hbm>> -> memref<10112x128xf32, #tpu.memory_space<hbm>>
      %dma_start3A_278 = arith.constant 0 : i32
      %dma_start3A_279 = tpu.memref_slice %dma_start3A_277[%mul3A_272, %dma_start3A_278] : memref<10112x128xf32, #tpu.memory_space<hbm>> -> memref<632x128xf32, #tpu.memory_space<hbm>>
      %dma_start3A_280 = arith.constant 0 : i32
      %dma_start3A_281 = tpu.memref_slice %arg12[%mul3A_272, %dma_start3A_280] : memref<10112x128xf32, #tpu.memory_space<vmem_shared>> -> memref<632x128xf32, #tpu.memory_space<vmem_shared>>
      tpu.enqueue_dma source(%dma_start3A_281 : memref<632x128xf32, #tpu.memory_space<vmem_shared>>) target(%dma_start3A_279 : memref<632x128xf32, #tpu.memory_space<hbm>>) target_semaphore(%run_scoped3A_273 : memref<!tpu.dma_semaphore, #tpu.memory_space<semaphore_mem>>)
      %dma_wait3A_282 = arith.constant 0 : i32
      %dma_wait3A_283 = arith.constant 0 : i32
      %dma_wait3A_284 = tpu.memref_slice %arg5[%arg0, %dma_wait3A_282, %dma_wait3A_283] : memref<2x10112x128xf32, #tpu.memory_space<hbm>> -> memref<1x10112x128xf32, #tpu.memory_space<hbm>>
      %dma_wait3A_285 = tpu.memref_squeeze %dma_wait3A_284 : memref<1x10112x128xf32, #tpu.memory_space<hbm>> -> memref<10112x128xf32, #tpu.memory_space<hbm>>
      %dma_wait3A_286 = arith.constant 0 : i32
      %dma_wait3A_287 = tpu.memref_slice %dma_wait3A_285[%mul3A_272, %dma_wait3A_286] : memref<10112x128xf32, #tpu.memory_space<hbm>> -> memref<632x128xf32, #tpu.memory_space<hbm>>
      %dma_wait3A_288 = arith.constant 0 : i32
      %dma_wait3A_289 = tpu.memref_slice %arg12[%mul3A_272, %dma_wait3A_288] : memref<10112x128xf32, #tpu.memory_space<vmem_shared>> -> memref<632x128xf32, #tpu.memory_space<vmem_shared>>
      tpu.wait_dma2 semaphore(%run_scoped3A_273 : memref<!tpu.dma_semaphore, #tpu.memory_space<semaphore_mem>>) src(%dma_wait3A_289 : memref<632x128xf32, #tpu.memory_space<vmem_shared>>) dst(%dma_wait3A_287 : memref<632x128xf32, #tpu.memory_space<hbm>>)
      tpu.yield
    }) : () -> ()
    return
  }
}

module attributes {stable_mosaic.version = 14 : i64} {
  func.func @body(%arg0: i32, %arg1: memref<1264x128xf32, #tpu.memory_space<vmem>>, %arg2: memref<1264x128xf32, #tpu.memory_space<vmem>>, %arg3: memref<1264x128xf32, #tpu.memory_space<vmem>>, %arg4: memref<1264x1xf32, #tpu.memory_space<vmem>>, %arg5: memref<1264x128xf32, #tpu.memory_space<vmem>>) attributes {dimension_semantics = [#tpu.dimension_semantics<arbitrary>], iteration_bounds = array<i64: 8>, scalar_prefetch = 0 : i64, scratch_operands = 0 : i64, tpu.core_type = #tpu.core_type<tc>, window_params = [{transform_indices = @transform_0, window_bounds = array<i64: 1264, 128>}, {transform_indices = @transform_1, window_bounds = array<i64: 1264, 128>}, {transform_indices = @transform_2, window_bounds = array<i64: 1264, 128>}, {transform_indices = @transform_3, window_bounds = array<i64: 1264, 1>}, {transform_indices = @transform_4, window_bounds = array<i64: 1264, 128>}]} {
    %get3A = arith.constant 0 : index
    %get3A_0 = arith.constant 0 : index
    %get3A_1 = vector.load %arg1[%get3A, %get3A_0] : memref<1264x128xf32, #tpu.memory_space<vmem>>, vector<1264x1xf32>
    %get3A_2 = arith.constant 0 : index
    %get3A_3 = arith.constant 0 : index
    %get3A_4 = vector.load %arg2[%get3A_2, %get3A_3] : memref<1264x128xf32, #tpu.memory_space<vmem>>, vector<1264x1xf32>
    %add3A = arith.addf %get3A_1, %get3A_4 : vector<1264x1xf32>
    %max3A = arith.constant 1.000000e+00 : f32
    %max3A_5 = vector.broadcast %max3A : f32 to vector<1264x1xf32>
    %max3A_6 = arith.maximumf %add3A, %max3A_5 : vector<1264x1xf32>
    %rsqrt3A = math.rsqrt %max3A_6 : vector<1264x1xf32>
    %swap3A = arith.constant 0 : index
    %swap3A_7 = arith.constant 0 : index
    %swap3A_8 = vector.load %arg4[%swap3A, %swap3A_7] : memref<1264x1xf32, #tpu.memory_space<vmem>>, vector<1264x1xf32>
    tpu.vector_store %arg4[%swap3A, %swap3A_7], %rsqrt3A {strides = array<i32>} : memref<1264x1xf32, #tpu.memory_space<vmem>>, vector<1264x1xf32>,
    %get3A_9 = arith.constant 0 : index
    %get3A_10 = arith.constant 0 : index
    %get3A_11 = vector.load %arg3[%get3A_9, %get3A_10] : memref<1264x128xf32, #tpu.memory_space<vmem>>, vector<1264x128xf32>
    %mul3A = vector.broadcast %rsqrt3A : vector<1264x1xf32> to vector<1264x128xf32>
    %mul3A_12 = arith.mulf %get3A_11, %mul3A : vector<1264x128xf32>
    %swap3A_13 = arith.constant 0 : index
    %swap3A_14 = arith.constant 0 : index
    %swap3A_15 = vector.load %arg5[%swap3A_13, %swap3A_14] : memref<1264x128xf32, #tpu.memory_space<vmem>>, vector<1264x128xf32>
    tpu.vector_store %arg5[%swap3A_13, %swap3A_14], %mul3A_12 {strides = array<i32>} : memref<1264x128xf32, #tpu.memory_space<vmem>>, vector<1264x128xf32>,
    return
  }
  func.func @transform_0(%arg0: i32) -> (i32, i32) {
    %c0_i32 = arith.constant 0 : i32
    %c0_i32_0 = arith.constant 0 : i32
    return %arg0, %c0_i32 : i32, i32
  }
  func.func @transform_1(%arg0: i32) -> (i32, i32) {
    %c0_i32 = arith.constant 0 : i32
    %c0_i32_0 = arith.constant 0 : i32
    return %arg0, %c0_i32 : i32, i32
  }
  func.func @transform_2(%arg0: i32) -> (i32, i32) {
    %c0_i32 = arith.constant 0 : i32
    %c0_i32_0 = arith.constant 0 : i32
    return %arg0, %c0_i32 : i32, i32
  }
  func.func @transform_3(%arg0: i32) -> (i32, i32) {
    %c0_i32 = arith.constant 0 : i32
    %c0_i32_0 = arith.constant 0 : i32
    return %arg0, %c0_i32 : i32, i32
  }
  func.func @transform_4(%arg0: i32) -> (i32, i32) {
    %c0_i32 = arith.constant 0 : i32
    %c0_i32_0 = arith.constant 0 : i32
    return %arg0, %c0_i32 : i32, i32
  }
}

module attributes {stable_mosaic.version = 14 : i64} {
  func.func @body(%arg0: i32, %arg1: memref<1264x128xf32, #tpu.memory_space<vmem>>, %arg2: memref<1264x128xf32, #tpu.memory_space<vmem>>, %arg3: memref<1264x128xf32, #tpu.memory_space<vmem>>, %arg4: memref<1264x1xf32, #tpu.memory_space<vmem>>, %arg5: memref<1264x128xf32, #tpu.memory_space<vmem>>, %arg6: memref<1264x128xf32, #tpu.memory_space<vmem>>, %arg7: memref<1264x128xf32, #tpu.memory_space<vmem>>, %arg8: memref<1264x128xf32, #tpu.memory_space<vmem>>) attributes {dimension_semantics = [#tpu.dimension_semantics<arbitrary>], iteration_bounds = array<i64: 8>, scalar_prefetch = 0 : i64, scratch_operands = 0 : i64, tpu.core_type = #tpu.core_type<tc>, window_params = [{transform_indices = @transform_0, window_bounds = array<i64: 1264, 128>}, {transform_indices = @transform_1, window_bounds = array<i64: 1264, 128>}, {transform_indices = @transform_2, window_bounds = array<i64: 1264, 128>}, {transform_indices = @transform_3, window_bounds = array<i64: 1264, 1>}, {transform_indices = @transform_4, window_bounds = array<i64: 1264, 128>}, {transform_indices = @transform_5, window_bounds = array<i64: 1264, 128>}, {transform_indices = @transform_6, window_bounds = array<i64: 1264, 128>}, {transform_indices = @transform_7, window_bounds = array<i64: 1264, 128>}]} {
    %get3A = arith.constant 0 : index
    %get3A_0 = arith.constant 0 : index
    %get3A_1 = vector.load %arg1[%get3A, %get3A_0] : memref<1264x128xf32, #tpu.memory_space<vmem>>, vector<1264x128xf32>
    %get3A_2 = arith.constant 0 : index
    %get3A_3 = arith.constant 0 : index
    %get3A_4 = vector.load %arg2[%get3A_2, %get3A_3] : memref<1264x128xf32, #tpu.memory_space<vmem>>, vector<1264x128xf32>
    %add3A = arith.addf %get3A_1, %get3A_4 : vector<1264x128xf32>
    %get3A_5 = arith.constant 0 : index
    %get3A_6 = arith.constant 0 : index
    %get3A_7 = vector.load %arg4[%get3A_5, %get3A_6] : memref<1264x1xf32, #tpu.memory_space<vmem>>, vector<1264x1xf32>
    %get3A_8 = arith.constant 0 : index
    %get3A_9 = arith.constant 0 : index
    %get3A_10 = vector.load %arg3[%get3A_8, %get3A_9] : memref<1264x128xf32, #tpu.memory_space<vmem>>, vector<1264x128xf32>
    %mul3A = vector.broadcast %get3A_7 : vector<1264x1xf32> to vector<1264x128xf32>
    %mul3A_11 = arith.mulf %mul3A, %add3A : vector<1264x128xf32>
    %sub3A = arith.subf %get3A_10, %mul3A_11 : vector<1264x128xf32>
    %swap3A = arith.constant 0 : index
    %swap3A_12 = arith.constant 0 : index
    %swap3A_13 = vector.load %arg6[%swap3A, %swap3A_12] : memref<1264x128xf32, #tpu.memory_space<vmem>>, vector<1264x128xf32>
    tpu.vector_store %arg6[%swap3A, %swap3A_12], %sub3A {strides = array<i32>} : memref<1264x128xf32, #tpu.memory_space<vmem>>, vector<1264x128xf32>,
    %get3A_14 = arith.constant 0 : index
    %get3A_15 = arith.constant 0 : index
    %get3A_16 = vector.load %arg5[%get3A_14, %get3A_15] : memref<1264x128xf32, #tpu.memory_space<vmem>>, vector<1264x128xf32>
    %mul3A_17 = arith.constant -5.000000e-01 : f32
    %mul3A_18 = vector.broadcast %mul3A_17 : f32 to vector<1264x128xf32>
    %mul3A_19 = arith.mulf %mul3A_18, %sub3A : vector<1264x128xf32>
    %add3A_20 = arith.addf %get3A_16, %mul3A_19 : vector<1264x128xf32>
    %swap3A_21 = arith.constant 0 : index
    %swap3A_22 = arith.constant 0 : index
    %swap3A_23 = vector.load %arg7[%swap3A_21, %swap3A_22] : memref<1264x128xf32, #tpu.memory_space<vmem>>, vector<1264x128xf32>
    tpu.vector_store %arg7[%swap3A_21, %swap3A_22], %add3A_20 {strides = array<i32>} : memref<1264x128xf32, #tpu.memory_space<vmem>>, vector<1264x128xf32>,
    %mul3A_24 = vector.broadcast %get3A_7 : vector<1264x1xf32> to vector<1264x128xf32>
    %mul3A_25 = arith.mulf %sub3A, %mul3A_24 : vector<1264x128xf32>
    %swap3A_26 = arith.constant 0 : index
    %swap3A_27 = arith.constant 0 : index
    %swap3A_28 = vector.load %arg8[%swap3A_26, %swap3A_27] : memref<1264x128xf32, #tpu.memory_space<vmem>>, vector<1264x128xf32>
    tpu.vector_store %arg8[%swap3A_26, %swap3A_27], %mul3A_25 {strides = array<i32>} : memref<1264x128xf32, #tpu.memory_space<vmem>>, vector<1264x128xf32>,
    return
  }
  func.func @transform_0(%arg0: i32) -> (i32, i32) {
    %c0_i32 = arith.constant 0 : i32
    %c0_i32_0 = arith.constant 0 : i32
    return %arg0, %c0_i32 : i32, i32
  }
  func.func @transform_1(%arg0: i32) -> (i32, i32) {
    %c0_i32 = arith.constant 0 : i32
    %c0_i32_0 = arith.constant 0 : i32
    return %arg0, %c0_i32 : i32, i32
  }
  func.func @transform_2(%arg0: i32) -> (i32, i32) {
    %c0_i32 = arith.constant 0 : i32
    %c0_i32_0 = arith.constant 0 : i32
    return %arg0, %c0_i32 : i32, i32
  }
  func.func @transform_3(%arg0: i32) -> (i32, i32) {
    %c0_i32 = arith.constant 0 : i32
    %c0_i32_0 = arith.constant 0 : i32
    return %arg0, %c0_i32 : i32, i32
  }
  func.func @transform_4(%arg0: i32) -> (i32, i32) {
    %c0_i32 = arith.constant 0 : i32
    %c0_i32_0 = arith.constant 0 : i32
    return %arg0, %c0_i32 : i32, i32
  }
  func.func @transform_5(%arg0: i32) -> (i32, i32) {
    %c0_i32 = arith.constant 0 : i32
    %c0_i32_0 = arith.constant 0 : i32
    return %arg0, %c0_i32 : i32, i32
  }
  func.func @transform_6(%arg0: i32) -> (i32, i32) {
    %c0_i32 = arith.constant 0 : i32
    %c0_i32_0 = arith.constant 0 : i32
    return %arg0, %c0_i32 : i32, i32
  }
  func.func @transform_7(%arg0: i32) -> (i32, i32) {
    %c0_i32 = arith.constant 0 : i32
    %c0_i32_0 = arith.constant 0 : i32
    return %arg0, %c0_i32 : i32, i32
  }
}

module attributes {stable_mosaic.version = 14 : i64} {
  func.func @body(%arg0: i32, %arg1: memref<1264x128xf32, #tpu.memory_space<vmem>>, %arg2: memref<1264x128xf32, #tpu.memory_space<vmem>>, %arg3: memref<1264x128xf32, #tpu.memory_space<vmem>>, %arg4: memref<1264x1xf32, #tpu.memory_space<vmem>>, %arg5: memref<1264x128xf32, #tpu.memory_space<vmem>>, %arg6: memref<1264x128xf32, #tpu.memory_space<vmem>>, %arg7: memref<1264x128xf32, #tpu.memory_space<vmem>>, %arg8: memref<1264x128xf32, #tpu.memory_space<vmem>>) attributes {dimension_semantics = [#tpu.dimension_semantics<arbitrary>], iteration_bounds = array<i64: 8>, scalar_prefetch = 0 : i64, scratch_operands = 0 : i64, tpu.core_type = #tpu.core_type<tc>, window_params = [{transform_indices = @transform_0, window_bounds = array<i64: 1264, 128>}, {transform_indices = @transform_1, window_bounds = array<i64: 1264, 128>}, {transform_indices = @transform_2, window_bounds = array<i64: 1264, 128>}, {transform_indices = @transform_3, window_bounds = array<i64: 1264, 1>}, {transform_indices = @transform_4, window_bounds = array<i64: 1264, 128>}, {transform_indices = @transform_5, window_bounds = array<i64: 1264, 128>}, {transform_indices = @transform_6, window_bounds = array<i64: 1264, 128>}, {transform_indices = @transform_7, window_bounds = array<i64: 1264, 128>}]} {
    %get3A = arith.constant 0 : index
    %get3A_0 = arith.constant 0 : index
    %get3A_1 = vector.load %arg1[%get3A, %get3A_0] : memref<1264x128xf32, #tpu.memory_space<vmem>>, vector<1264x128xf32>
    %get3A_2 = arith.constant 0 : index
    %get3A_3 = arith.constant 0 : index
    %get3A_4 = vector.load %arg2[%get3A_2, %get3A_3] : memref<1264x128xf32, #tpu.memory_space<vmem>>, vector<1264x128xf32>
    %add3A = arith.addf %get3A_1, %get3A_4 : vector<1264x128xf32>
    %get3A_5 = arith.constant 0 : index
    %get3A_6 = arith.constant 0 : index
    %get3A_7 = vector.load %arg4[%get3A_5, %get3A_6] : memref<1264x1xf32, #tpu.memory_space<vmem>>, vector<1264x1xf32>
    %get3A_8 = arith.constant 0 : index
    %get3A_9 = arith.constant 0 : index
    %get3A_10 = vector.load %arg3[%get3A_8, %get3A_9] : memref<1264x128xf32, #tpu.memory_space<vmem>>, vector<1264x128xf32>
    %mul3A = vector.broadcast %get3A_7 : vector<1264x1xf32> to vector<1264x128xf32>
    %mul3A_11 = arith.mulf %mul3A, %add3A : vector<1264x128xf32>
    %sub3A = arith.subf %get3A_10, %mul3A_11 : vector<1264x128xf32>
    %swap3A = arith.constant 0 : index
    %swap3A_12 = arith.constant 0 : index
    %swap3A_13 = vector.load %arg6[%swap3A, %swap3A_12] : memref<1264x128xf32, #tpu.memory_space<vmem>>, vector<1264x128xf32>
    tpu.vector_store %arg6[%swap3A, %swap3A_12], %sub3A {strides = array<i32>} : memref<1264x128xf32, #tpu.memory_space<vmem>>, vector<1264x128xf32>,
    %get3A_14 = arith.constant 0 : index
    %get3A_15 = arith.constant 0 : index
    %get3A_16 = vector.load %arg5[%get3A_14, %get3A_15] : memref<1264x128xf32, #tpu.memory_space<vmem>>, vector<1264x128xf32>
    %mul3A_17 = arith.constant 2.500000e-01 : f32
    %mul3A_18 = vector.broadcast %mul3A_17 : f32 to vector<1264x128xf32>
    %mul3A_19 = arith.mulf %mul3A_18, %sub3A : vector<1264x128xf32>
    %add3A_20 = arith.addf %get3A_16, %mul3A_19 : vector<1264x128xf32>
    %swap3A_21 = arith.constant 0 : index
    %swap3A_22 = arith.constant 0 : index
    %swap3A_23 = vector.load %arg7[%swap3A_21, %swap3A_22] : memref<1264x128xf32, #tpu.memory_space<vmem>>, vector<1264x128xf32>
    tpu.vector_store %arg7[%swap3A_21, %swap3A_22], %add3A_20 {strides = array<i32>} : memref<1264x128xf32, #tpu.memory_space<vmem>>, vector<1264x128xf32>,
    %mul3A_24 = vector.broadcast %get3A_7 : vector<1264x1xf32> to vector<1264x128xf32>
    %mul3A_25 = arith.mulf %sub3A, %mul3A_24 : vector<1264x128xf32>
    %swap3A_26 = arith.constant 0 : index
    %swap3A_27 = arith.constant 0 : index
    %swap3A_28 = vector.load %arg8[%swap3A_26, %swap3A_27] : memref<1264x128xf32, #tpu.memory_space<vmem>>, vector<1264x128xf32>
    tpu.vector_store %arg8[%swap3A_26, %swap3A_27], %mul3A_25 {strides = array<i32>} : memref<1264x128xf32, #tpu.memory_space<vmem>>, vector<1264x128xf32>,
    return
  }
  func.func @transform_0(%arg0: i32) -> (i32, i32) {
    %c0_i32 = arith.constant 0 : i32
    %c0_i32_0 = arith.constant 0 : i32
    return %arg0, %c0_i32 : i32, i32
  }
  func.func @transform_1(%arg0: i32) -> (i32, i32) {
    %c0_i32 = arith.constant 0 : i32
    %c0_i32_0 = arith.constant 0 : i32
    return %arg0, %c0_i32 : i32, i32
  }
  func.func @transform_2(%arg0: i32) -> (i32, i32) {
    %c0_i32 = arith.constant 0 : i32
    %c0_i32_0 = arith.constant 0 : i32
    return %arg0, %c0_i32 : i32, i32
  }
  func.func @transform_3(%arg0: i32) -> (i32, i32) {
    %c0_i32 = arith.constant 0 : i32
    %c0_i32_0 = arith.constant 0 : i32
    return %arg0, %c0_i32 : i32, i32
  }
  func.func @transform_4(%arg0: i32) -> (i32, i32) {
    %c0_i32 = arith.constant 0 : i32
    %c0_i32_0 = arith.constant 0 : i32
    return %arg0, %c0_i32 : i32, i32
  }
  func.func @transform_5(%arg0: i32) -> (i32, i32) {
    %c0_i32 = arith.constant 0 : i32
    %c0_i32_0 = arith.constant 0 : i32
    return %arg0, %c0_i32 : i32, i32
  }
  func.func @transform_6(%arg0: i32) -> (i32, i32) {
    %c0_i32 = arith.constant 0 : i32
    %c0_i32_0 = arith.constant 0 : i32
    return %arg0, %c0_i32 : i32, i32
  }
  func.func @transform_7(%arg0: i32) -> (i32, i32) {
    %c0_i32 = arith.constant 0 : i32
    %c0_i32_0 = arith.constant 0 : i32
    return %arg0, %c0_i32 : i32, i32
  }
}

module attributes {stable_mosaic.version = 14 : i64} {
  func.func @body(%arg0: i32, %arg1: memref<1264x128xf32, #tpu.memory_space<vmem>>, %arg2: memref<1264x128xf32, #tpu.memory_space<vmem>>, %arg3: memref<1264x128xf32, #tpu.memory_space<vmem>>, %arg4: memref<1264x1xf32, #tpu.memory_space<vmem>>, %arg5: memref<1264x128xf32, #tpu.memory_space<vmem>>, %arg6: memref<1264x128xf32, #tpu.memory_space<vmem>>, %arg7: memref<1264x128xf32, #tpu.memory_space<vmem>>, %arg8: memref<1264x128xf32, #tpu.memory_space<vmem>>) attributes {dimension_semantics = [#tpu.dimension_semantics<arbitrary>], iteration_bounds = array<i64: 8>, scalar_prefetch = 0 : i64, scratch_operands = 0 : i64, tpu.core_type = #tpu.core_type<tc>, window_params = [{transform_indices = @transform_0, window_bounds = array<i64: 1264, 128>}, {transform_indices = @transform_1, window_bounds = array<i64: 1264, 128>}, {transform_indices = @transform_2, window_bounds = array<i64: 1264, 128>}, {transform_indices = @transform_3, window_bounds = array<i64: 1264, 1>}, {transform_indices = @transform_4, window_bounds = array<i64: 1264, 128>}, {transform_indices = @transform_5, window_bounds = array<i64: 1264, 128>}, {transform_indices = @transform_6, window_bounds = array<i64: 1264, 128>}, {transform_indices = @transform_7, window_bounds = array<i64: 1264, 128>}]} {
    %get3A = arith.constant 0 : index
    %get3A_0 = arith.constant 0 : index
    %get3A_1 = vector.load %arg1[%get3A, %get3A_0] : memref<1264x128xf32, #tpu.memory_space<vmem>>, vector<1264x128xf32>
    %get3A_2 = arith.constant 0 : index
    %get3A_3 = arith.constant 0 : index
    %get3A_4 = vector.load %arg2[%get3A_2, %get3A_3] : memref<1264x128xf32, #tpu.memory_space<vmem>>, vector<1264x128xf32>
    %add3A = arith.addf %get3A_1, %get3A_4 : vector<1264x128xf32>
    %get3A_5 = arith.constant 0 : index
    %get3A_6 = arith.constant 0 : index
    %get3A_7 = vector.load %arg4[%get3A_5, %get3A_6] : memref<1264x1xf32, #tpu.memory_space<vmem>>, vector<1264x1xf32>
    %get3A_8 = arith.constant 0 : index
    %get3A_9 = arith.constant 0 : index
    %get3A_10 = vector.load %arg3[%get3A_8, %get3A_9] : memref<1264x128xf32, #tpu.memory_space<vmem>>, vector<1264x128xf32>
    %mul3A = vector.broadcast %get3A_7 : vector<1264x1xf32> to vector<1264x128xf32>
    %mul3A_11 = arith.mulf %mul3A, %add3A : vector<1264x128xf32>
    %sub3A = arith.subf %get3A_10, %mul3A_11 : vector<1264x128xf32>
    %swap3A = arith.constant 0 : index
    %swap3A_12 = arith.constant 0 : index
    %swap3A_13 = vector.load %arg6[%swap3A, %swap3A_12] : memref<1264x128xf32, #tpu.memory_space<vmem>>, vector<1264x128xf32>
    tpu.vector_store %arg6[%swap3A, %swap3A_12], %sub3A {strides = array<i32>} : memref<1264x128xf32, #tpu.memory_space<vmem>>, vector<1264x128xf32>,
    %get3A_14 = arith.constant 0 : index
    %get3A_15 = arith.constant 0 : index
    %get3A_16 = vector.load %arg5[%get3A_14, %get3A_15] : memref<1264x128xf32, #tpu.memory_space<vmem>>, vector<1264x128xf32>
    %mul3A_17 = arith.constant -1.250000e-01 : f32
    %mul3A_18 = vector.broadcast %mul3A_17 : f32 to vector<1264x128xf32>
    %mul3A_19 = arith.mulf %mul3A_18, %sub3A : vector<1264x128xf32>
    %add3A_20 = arith.addf %get3A_16, %mul3A_19 : vector<1264x128xf32>
    %swap3A_21 = arith.constant 0 : index
    %swap3A_22 = arith.constant 0 : index
    %swap3A_23 = vector.load %arg7[%swap3A_21, %swap3A_22] : memref<1264x128xf32, #tpu.memory_space<vmem>>, vector<1264x128xf32>
    tpu.vector_store %arg7[%swap3A_21, %swap3A_22], %add3A_20 {strides = array<i32>} : memref<1264x128xf32, #tpu.memory_space<vmem>>, vector<1264x128xf32>,
    %mul3A_24 = vector.broadcast %get3A_7 : vector<1264x1xf32> to vector<1264x128xf32>
    %mul3A_25 = arith.mulf %sub3A, %mul3A_24 : vector<1264x128xf32>
    %swap3A_26 = arith.constant 0 : index
    %swap3A_27 = arith.constant 0 : index
    %swap3A_28 = vector.load %arg8[%swap3A_26, %swap3A_27] : memref<1264x128xf32, #tpu.memory_space<vmem>>, vector<1264x128xf32>
    tpu.vector_store %arg8[%swap3A_26, %swap3A_27], %mul3A_25 {strides = array<i32>} : memref<1264x128xf32, #tpu.memory_space<vmem>>, vector<1264x128xf32>,
    return
  }
  func.func @transform_0(%arg0: i32) -> (i32, i32) {
    %c0_i32 = arith.constant 0 : i32
    %c0_i32_0 = arith.constant 0 : i32
    return %arg0, %c0_i32 : i32, i32
  }
  func.func @transform_1(%arg0: i32) -> (i32, i32) {
    %c0_i32 = arith.constant 0 : i32
    %c0_i32_0 = arith.constant 0 : i32
    return %arg0, %c0_i32 : i32, i32
  }
  func.func @transform_2(%arg0: i32) -> (i32, i32) {
    %c0_i32 = arith.constant 0 : i32
    %c0_i32_0 = arith.constant 0 : i32
    return %arg0, %c0_i32 : i32, i32
  }
  func.func @transform_3(%arg0: i32) -> (i32, i32) {
    %c0_i32 = arith.constant 0 : i32
    %c0_i32_0 = arith.constant 0 : i32
    return %arg0, %c0_i32 : i32, i32
  }
  func.func @transform_4(%arg0: i32) -> (i32, i32) {
    %c0_i32 = arith.constant 0 : i32
    %c0_i32_0 = arith.constant 0 : i32
    return %arg0, %c0_i32 : i32, i32
  }
  func.func @transform_5(%arg0: i32) -> (i32, i32) {
    %c0_i32 = arith.constant 0 : i32
    %c0_i32_0 = arith.constant 0 : i32
    return %arg0, %c0_i32 : i32, i32
  }
  func.func @transform_6(%arg0: i32) -> (i32, i32) {
    %c0_i32 = arith.constant 0 : i32
    %c0_i32_0 = arith.constant 0 : i32
    return %arg0, %c0_i32 : i32, i32
  }
  func.func @transform_7(%arg0: i32) -> (i32, i32) {
    %c0_i32 = arith.constant 0 : i32
    %c0_i32_0 = arith.constant 0 : i32
    return %arg0, %c0_i32 : i32, i32
  }
}

module attributes {stable_mosaic.version = 14 : i64} {
  func.func @body(%arg0: i32, %arg1: memref<1264x128xf32, #tpu.memory_space<vmem>>, %arg2: memref<1264x128xf32, #tpu.memory_space<vmem>>, %arg3: memref<1264x128xf32, #tpu.memory_space<vmem>>, %arg4: memref<1264x1xf32, #tpu.memory_space<vmem>>, %arg5: memref<1264x128xf32, #tpu.memory_space<vmem>>, %arg6: memref<1264x128xf32, #tpu.memory_space<vmem>>, %arg7: memref<1264x128xf32, #tpu.memory_space<vmem>>, %arg8: memref<1264x128xf32, #tpu.memory_space<vmem>>) attributes {dimension_semantics = [#tpu.dimension_semantics<arbitrary>], iteration_bounds = array<i64: 8>, scalar_prefetch = 0 : i64, scratch_operands = 0 : i64, tpu.core_type = #tpu.core_type<tc>, window_params = [{transform_indices = @transform_0, window_bounds = array<i64: 1264, 128>}, {transform_indices = @transform_1, window_bounds = array<i64: 1264, 128>}, {transform_indices = @transform_2, window_bounds = array<i64: 1264, 128>}, {transform_indices = @transform_3, window_bounds = array<i64: 1264, 1>}, {transform_indices = @transform_4, window_bounds = array<i64: 1264, 128>}, {transform_indices = @transform_5, window_bounds = array<i64: 1264, 128>}, {transform_indices = @transform_6, window_bounds = array<i64: 1264, 128>}, {transform_indices = @transform_7, window_bounds = array<i64: 1264, 128>}]} {
    %get3A = arith.constant 0 : index
    %get3A_0 = arith.constant 0 : index
    %get3A_1 = vector.load %arg1[%get3A, %get3A_0] : memref<1264x128xf32, #tpu.memory_space<vmem>>, vector<1264x128xf32>
    %get3A_2 = arith.constant 0 : index
    %get3A_3 = arith.constant 0 : index
    %get3A_4 = vector.load %arg2[%get3A_2, %get3A_3] : memref<1264x128xf32, #tpu.memory_space<vmem>>, vector<1264x128xf32>
    %add3A = arith.addf %get3A_1, %get3A_4 : vector<1264x128xf32>
    %get3A_5 = arith.constant 0 : index
    %get3A_6 = arith.constant 0 : index
    %get3A_7 = vector.load %arg4[%get3A_5, %get3A_6] : memref<1264x1xf32, #tpu.memory_space<vmem>>, vector<1264x1xf32>
    %get3A_8 = arith.constant 0 : index
    %get3A_9 = arith.constant 0 : index
    %get3A_10 = vector.load %arg3[%get3A_8, %get3A_9] : memref<1264x128xf32, #tpu.memory_space<vmem>>, vector<1264x128xf32>
    %mul3A = vector.broadcast %get3A_7 : vector<1264x1xf32> to vector<1264x128xf32>
    %mul3A_11 = arith.mulf %mul3A, %add3A : vector<1264x128xf32>
    %sub3A = arith.subf %get3A_10, %mul3A_11 : vector<1264x128xf32>
    %swap3A = arith.constant 0 : index
    %swap3A_12 = arith.constant 0 : index
    %swap3A_13 = vector.load %arg6[%swap3A, %swap3A_12] : memref<1264x128xf32, #tpu.memory_space<vmem>>, vector<1264x128xf32>
    tpu.vector_store %arg6[%swap3A, %swap3A_12], %sub3A {strides = array<i32>} : memref<1264x128xf32, #tpu.memory_space<vmem>>, vector<1264x128xf32>,
    %get3A_14 = arith.constant 0 : index
    %get3A_15 = arith.constant 0 : index
    %get3A_16 = vector.load %arg5[%get3A_14, %get3A_15] : memref<1264x128xf32, #tpu.memory_space<vmem>>, vector<1264x128xf32>
    %mul3A_17 = arith.constant 6.250000e-02 : f32
    %mul3A_18 = vector.broadcast %mul3A_17 : f32 to vector<1264x128xf32>
    %mul3A_19 = arith.mulf %mul3A_18, %sub3A : vector<1264x128xf32>
    %add3A_20 = arith.addf %get3A_16, %mul3A_19 : vector<1264x128xf32>
    %swap3A_21 = arith.constant 0 : index
    %swap3A_22 = arith.constant 0 : index
    %swap3A_23 = vector.load %arg7[%swap3A_21, %swap3A_22] : memref<1264x128xf32, #tpu.memory_space<vmem>>, vector<1264x128xf32>
    tpu.vector_store %arg7[%swap3A_21, %swap3A_22], %add3A_20 {strides = array<i32>} : memref<1264x128xf32, #tpu.memory_space<vmem>>, vector<1264x128xf32>,
    %mul3A_24 = vector.broadcast %get3A_7 : vector<1264x1xf32> to vector<1264x128xf32>
    %mul3A_25 = arith.mulf %sub3A, %mul3A_24 : vector<1264x128xf32>
    %swap3A_26 = arith.constant 0 : index
    %swap3A_27 = arith.constant 0 : index
    %swap3A_28 = vector.load %arg8[%swap3A_26, %swap3A_27] : memref<1264x128xf32, #tpu.memory_space<vmem>>, vector<1264x128xf32>
    tpu.vector_store %arg8[%swap3A_26, %swap3A_27], %mul3A_25 {strides = array<i32>} : memref<1264x128xf32, #tpu.memory_space<vmem>>, vector<1264x128xf32>,
    return
  }
  func.func @transform_0(%arg0: i32) -> (i32, i32) {
    %c0_i32 = arith.constant 0 : i32
    %c0_i32_0 = arith.constant 0 : i32
    return %arg0, %c0_i32 : i32, i32
  }
  func.func @transform_1(%arg0: i32) -> (i32, i32) {
    %c0_i32 = arith.constant 0 : i32
    %c0_i32_0 = arith.constant 0 : i32
    return %arg0, %c0_i32 : i32, i32
  }
  func.func @transform_2(%arg0: i32) -> (i32, i32) {
    %c0_i32 = arith.constant 0 : i32
    %c0_i32_0 = arith.constant 0 : i32
    return %arg0, %c0_i32 : i32, i32
  }
  func.func @transform_3(%arg0: i32) -> (i32, i32) {
    %c0_i32 = arith.constant 0 : i32
    %c0_i32_0 = arith.constant 0 : i32
    return %arg0, %c0_i32 : i32, i32
  }
  func.func @transform_4(%arg0: i32) -> (i32, i32) {
    %c0_i32 = arith.constant 0 : i32
    %c0_i32_0 = arith.constant 0 : i32
    return %arg0, %c0_i32 : i32, i32
  }
  func.func @transform_5(%arg0: i32) -> (i32, i32) {
    %c0_i32 = arith.constant 0 : i32
    %c0_i32_0 = arith.constant 0 : i32
    return %arg0, %c0_i32 : i32, i32
  }
  func.func @transform_6(%arg0: i32) -> (i32, i32) {
    %c0_i32 = arith.constant 0 : i32
    %c0_i32_0 = arith.constant 0 : i32
    return %arg0, %c0_i32 : i32, i32
  }
  func.func @transform_7(%arg0: i32) -> (i32, i32) {
    %c0_i32 = arith.constant 0 : i32
    %c0_i32_0 = arith.constant 0 : i32
    return %arg0, %c0_i32 : i32, i32
  }
}

</mosaic_0001>

<sc_bundles>
// kernel: kernel.12.cloned.1.call-start
scs
__scs_entry_jumppad:
0x0: {  	(pc) =	sbr.rel $0x88, $3  }
0x1: {  	(tag) =	ssettag $0x0;
	lr =	simm.s32 $0x1  }
0x2: {  	[smem:$0x3F9F] =	sst lr;
	_ =	strace $0xD0000000  }
0x3: {  	_ = 	snop  }
0x4: {  	_ = 	snop  }
0x5: {  	_ = 	snop  }
0x6: {  	_ = 	snop  }
0x7: {  	_ = 	snop  }
__scs_overlays_trampoline_lowered:
0x8: {  	[smem:$0x3FAE] =	sst s0  }
0x9: {  	[smem:$0x3FAF] =	sst s1  }
0xa: {  	[smem:$0x3FB0] =	sst s2  }
0xb: {  	[smem:$0x3FB1] =	sst s3  }
0xc: {  	[smem:$0x3FB2] =	sst s4  }
0xd: {  	[smem:$0x3FB3] =	sst s5  }
0xe: {  	[smem:$0x3FB4] =	sst s6  }
0xf: {  	[smem:$0x3FB5] =	sst s7  }
0x10: {  	[smem:$0x3FB6] =	sst s8  }
0x11: {  	[smem:$0x3FB7] =	sst s9;
	s0 =	simm.s32 @!p0 $0x0  }
0x12: {  	s1 =	sld [smem:$0x3F9D];
	s0 =	simm.s32 @p0 $0x1  }
0x13: {  	[smem:$0x3FB8] =	sst s0;
	s0 =	simm.s32 @!p1 $0x0  }
0x14: {  	s2 =	sld [smem:$0x3F9C];
	s0 =	simm.s32 @p1 $0x1  }
0x15: {  	[smem:$0x3FB9] =	sst s0;
	s0 =	simm.s32 @!p2 $0x0  }
0x16: {  	s3 =	sld [smem:$0x3FDB];
	s0 =	simm.s32 @p2 $0x1  }
0x17: {  	s4 =	simm.s32 $0x1BF5;
	[smem:$0x3FBB] =	sst s0  }
0x18: {  	s0 =	sld [smem:$0x3F9E];
	_ =	swait.ge [sflag:s4], $0x0  }
0x19: {  	s7 =	sld [smem:$0x3F9F]  }
0x1a: {  	s8 =	sadd.s32 $0xFFFFE003, lr  }
0x1b: {  	s9 =	sadd.s32 $0xFFFFFEF7, lr;
	s5 =	simm.s32 $0xFFFFFFFF;
	p2 =	slt.u32 s8, $0xFFFFF086  }
0x1c: {  	p1 =	slt.u32 s9, $0xF7A;
	s5 =	simm.s32 @!p2 $0x0  }
0x1d: {  	s5 =	simm.s32 @p1 $0x1;
	p0 =	seq.s32 s7, s2  }
0x1e: {  	s7 =	smul.u32 @!p0 $0xF7A, s2;
	p2 =	seq.s32 @!p0 s5, $0x0  }
0x1f: {  	s9 =	smul.u32 $0xF7A, s1;
	s8 =	simm.s32 @!p0 $0x1BF5;
	p2 =	por !p2, p0  }
0x20: {  	[sflag:s8] =	ssyncset.s32 @!p0 $0xFFFFF086;
	s6 =	sadd.s32 @!p0 s3, s7;
	s7 =	simm.s32 @!p0 $0x108  }
0x21: {  	s3 =	sadd.s32 s3, s9;
	s6 =	sadd.s32 @!p0 $0x88, s6;
	s7 =	simm.s32 @p2 $0x1082  }
0x22: {  	[simem:s7], [sflag:s8] =	dma.local @!p0 [hbm:s6], $0xF7A  }
0x23: {  	s9 =	sor.u32 $0xD0000000, s2;
	s6 =	simm.s32 $0x108;
	_ =	swait.ge @!p0 [sflag:s8], $0x0  }
0x24: {  	s3 =	sadd.s32 $0x88, s3;
	s6 =	simm.s32 @!p1 $0x1082;
	[sflag:s4] =	ssyncset.s32 $0xFFFFF086  }
0x25: {  	[simem:s6], [sflag:s4] =	dma.local [hbm:s3], $0xF7A  }
0x26: {  	[smem:$0x3F9F] =	sst s1;
	(tag) =	ssettag s2;
	_ =	strace s9  }
0x27: {  	s1 =	sld [smem:$0x3FAF]  }
0x28: {  	s2 =	sld [smem:$0x3FB0]  }
0x29: {  	s4 =	sld [smem:$0x3FB2]  }
0x2a: {  	p0 =	seq.s32 s5, $0x0;
	s5 =	sld [smem:$0x3FB3]  }
0x2b: {  	s6 =	sld [smem:$0x3FB4]  }
0x2c: {  	s7 =	sld [smem:$0x3FB5]  }
0x2d: {  	s3 =	simm.s32 $0x108;
	s8 =	sld [smem:$0x3FB6]  }
0x2e: {  	s3 =	simm.s32 @!p0 $0x1082;
	s9 =	sld [smem:$0x3FB7]  }
0x2f: {  	lr =	sadd.s32 s0, s3;
	s0 =	sld [smem:$0x3FAE]  }
0x30: {  	s3 =	sld [smem:$0x3FB1]  }
0x31: {  	[smem:$0x3FBA] =	sst s10  }
0x32: {  	s10 =	sld [smem:$0x3FB8];
	_ =	sdelay $0x3  }
0x33: {  	p0 =	seq.s32 s10, $0x1;
	s10 =	sld [smem:$0x3FBA];
	_ =	sdelay $0x3  }
0x34: {  	[smem:$0x3FBA] =	sst s10  }
0x35: {  	s10 =	sld [smem:$0x3FB9];
	_ =	sdelay $0x3  }
0x36: {  	p1 =	seq.s32 s10, $0x1;
	s10 =	sld [smem:$0x3FBA];
	_ =	sdelay $0x3  }
0x37: {  	[smem:$0x3FBA] =	sst s10  }
0x38: {  	s10 =	sld [smem:$0x3FBB]  }
0x39: {  	_ = 	snop;
	(pc) =	sbr.ind lr, $3  }
0x3a: {  	_ = 	snop  }
0x3b: {  	_ = 	snop  }
0x3c: {  	p2 =	seq.s32 s10, $0x1;
	s10 =	sld [smem:$0x3FBA]  }
0x3d: {  	_ =	shalt  }
0x3e: {  	_ =	shalt  }
0x3f: {  	_ =	shalt  }
0x40: {  	_ =	shalt  }
0x41: {  	_ =	shalt  }
0x42: {  	_ =	shalt  }
0x43: {  	_ =	shalt  }
0x44: {  	_ =	shalt  }
0x45: {  	_ =	shalt  }
0x46: {  	_ =	shalt  }
0x47: {  	_ =	shalt  }
0x48: {  	_ =	shalt  }
0x49: {  	_ =	shalt  }
0x4a: {  	_ =	shalt  }
0x4b: {  	_ =	shalt  }
0x4c: {  	_ =	shalt  }
0x4d: {  	_ =	shalt  }
0x4e: {  	_ =	shalt  }
0x4f: {  	_ =	shalt  }
0x50: {  	_ =	shalt  }
0x51: {  	_ =	shalt  }
0x52: {  	_ =	shalt  }
0x53: {  	_ =	shalt  }
0x54: {  	_ =	shalt  }
0x55: {  	_ =	shalt  }
0x56: {  	_ =	shalt  }
0x57: {  	_ =	shalt  }
0x58: {  	_ =	shalt  }
0x59: {  	_ =	shalt  }
0x5a: {  	_ =	shalt  }
0x5b: {  	_ =	shalt  }
0x5c: {  	_ =	shalt  }
0x5d: {  	_ =	shalt  }
0x5e: {  	_ =	shalt  }
0x5f: {  	_ =	shalt  }
0x60: {  	_ =	shalt  }
0x61: {  	_ =	shalt  }
0x62: {  	_ =	shalt  }
0x63: {  	_ =	shalt  }
0x64: {  	_ =	shalt  }
0x65: {  	_ =	shalt  }
0x66: {  	_ =	shalt  }
0x67: {  	_ =	shalt  }
0x68: {  	_ =	shalt  }
0x69: {  	_ =	shalt  }
0x6a: {  	_ =	shalt  }
0x6b: {  	_ =	shalt  }
0x6c: {  	_ =	shalt  }
0x6d: {  	_ =	shalt  }
0x6e: {  	_ =	shalt  }
0x6f: {  	_ =	shalt  }
0x70: {  	_ =	shalt  }
0x71: {  	_ =	shalt  }
0x72: {  	_ =	shalt  }
0x73: {  	_ =	shalt  }
0x74: {  	_ =	shalt  }
0x75: {  	_ =	shalt  }
0x76: {  	_ =	shalt  }
0x77: {  	_ =	shalt  }
0x78: {  	_ =	shalt  }
0x79: {  	_ =	shalt  }
0x7a: {  	_ =	shalt  }
0x7b: {  	_ =	shalt  }
0x7c: {  	_ =	shalt  }
0x7d: {  	_ =	shalt  }
0x7e: {  	_ =	shalt  }
0x7f: {  	_ =	shalt  }
0x80: {  	_ =	shalt  }
0x81: {  	_ =	shalt  }
0x82: {  	_ =	shalt  }
0x83: {  	_ =	shalt  }
0x84: {  	_ =	shalt  }
0x85: {  	_ =	shalt  }
0x86: {  	_ =	shalt  }
0x87: {  	_ =	shalt  }
.Lfunc_end0:
.L_simem_size_0:
called_computation_lowered:
.L_overlay_start_0:
0x88: {  	s2 =	sld [smem:$0x3FD9]  }
0x89: {  	s3 =	sld [smem:$0x3FFE];
	_ =	sdelay $0x1  }
0x8a: {  	s1 =	srdreg.scid  }
0x8b: {  	s0 =	sand.u32 $0x1, s1  }
0x8c: {  	s16 =	sshll.u32 s0, $0xA;
	s2 =	sadd.s32 s3, s2  }
0x8d: {  	s2 =	sadd.s32 s2, s16  }
0x8e: {  	[smem:$0x3FC6] =	sst s2  }
0x8f: {  	_ = 	snop  }
0x90: {  	(tm) =	ssettm $0x1  }
0x91: {  	s17 =	sld [smem:$0x3FFB];
	_ =	sdelay $0x3  }
0x92: {  	_ =	strace s17  }
0x93: {  	s2 =	sld [smem:$0x3FFC];
	_ =	sdelay $0x3  }
0x94: {  	_ =	strace s2  }
0x95: {  	s2 =	sld [smem:$0x3FFD];
	_ =	sdelay $0x3  }
0x96: {  	_ =	strace s2  }
0x97: {  	_ =	strace $0x8FFFFFFF  }
0x98: {  	s18 =	sld [smem:$0x3FDB];
	_ =	sdelay $0x1  }
0x99: {  	s19 =	simm.s32 $_scs_section_size  }
0x9a: {  	s4 =	simm.s32 $_size__tile_overlayer_lowered;
	s5 =	simm.s32 $_tile_overlayer_lowered  }
0x9b: {  	s22 =	simm.s32 $0x1BFF;
	s21 =	sshll.u32 s5, $0x1;
	s2 =	sadd.s32 s19, s18  }
0x9c: {  	s6 =	simm.s32 $0x0;
	s20 =	sshll.u32 s4, $0x1;
	s4 =	sadd.s32 s21, s2  }
0x9d: {  	[timem:s6], [sflag:s22] =	dma.local [hbm:s4], s20  }
0x9e: {  	_ =	swait.ge [sflag:s22], s20  }
0x9f: {  	s3 =	ssub.s32 $0x0, s20;
	[sflag:s22] =	ssyncset.done $0x0  }
0xa0: {  	[sflag:s22] =	ssyncadd.s32 s3;
	_ =	sdelay $0x1  }
0xa1: {  	s23 =	simm.s32 $0x1B8B  }
0xa2: {  	_ =	swait.ge [sflag:s23], $0x1  }
0xa3: {  	[sflag:s23] =	ssyncset.done $0x0  }
0xa4: {  	s25 =	simm.s32 $0x1B8E;
	s24 =	sld [smem:$0x3FFE];
	[sflag:s23] =	ssyncadd.s32 $0xFFFFFFFF  }
0xa5: {  	s26 =	simm.s32 $execute0_lowered;
	[smem:$0x3FD2] =	sst s25  }
0xa6: {  	s4 =	sshll.u32 s26, $0x1;
	_ =	strace $0x80000046;
	[dreg:$0x1] =	wrdreg $0xFFFFFFFF  }
0xa7: {  	s28 =	simm.s32 $_size_execute0_lowered;
	s2 =	sadd.s32 s2, s4;
	[dreg:$0x0] =	wrdreg $0x0  }
0xa8: {  	s4 =	sshll.u32 s28, $0x1;
	[dreg:$0x2] =	wrdreg s2  }
0xa9: {  	[dreg:$0x3] =	wrdreg s4  }
0xaa: {  	[dreg:$0x4] =	wrdreg $0xC0  }
0xab: {  	_ =	task [dreg:s6], $0x5FFFF  }
0xac: {  	[dreg:$0x1] =	wrdreg $0xFFFFFFFF  }
0xad: {  	[dreg:$0x0] =	wrdreg $0x60  }
0xae: {  	[dreg:$0x2] =	wrdreg s24  }
0xaf: {  	[dreg:$0x3] =	wrdreg $0x68000  }
0xb0: {  	[dreg:$0x4] =	wrdreg $0x9  }
0xb1: {  	_ =	task.clear_ibuf [dreg:s6], $0x5FFFF;
	_ =	strace $0x90000046  }
0xb2: {  	s29 =	simm.s32 $0x9;
	_ =	strace $0x80000048  }
0xb3: {  	_ =	swait.ge [sflag:s29], $0x1  }
0xb4: {  	[sflag:s29] =	ssyncadd.s32 $0xFFFFFFFF  }
0xb5: {  	_ =	strace $0x90000048  }
0xb6: {  	_ =	sfence  }
0xb7: {  	s30 =	sld [smem:$0x0];
	_ =	sdelay $0x2  }
0xb8: {  	s31 =	sshll.u32 s1, $0xD;
	s1 =	sshrl.u32 s1, $0x2  }
0xb9: {  	s3 =	sand.u32 $0x4000, s31;
	s1 =	sadd.s32 s1, s30  }
0xba: {  	s0 =	sor.u32 s3, s0;
	s1 =	sshll.u32 s1, $0x11  }
0xbb: {  	s0 =	sor.u32 s1, s0  }
0xbc: {  	s0 =	sadd.s32 $0x8F2B, s0  }
0xbd: {  	[sflag:s0] =	ssyncadd.remote.s32 $0x1  }
0xbe: {  	_ =	sfence.sel $0xFFFF  }
0xbf: {  	[dreg:$0x0] =	wrdreg $0xFFFFFFFF;
	(pc) =	sbr.abs _section_cstart, $3  }
0xc0: {  	[dreg:$0x1] =	wrdreg $0xFFFFFFFF  }
0xc1: {  	_ =	task.clear_ibuf [dreg:s6], $0x2FFFF;
	_ =	strace $0x9FFFFFFF  }
0xc2: {  	(tm) =	ssettm $0x7FFFFFFF  }
0xc3: {  	_ =	shalt  }
tec
execute0_lowered:
.L_overlay_start_1:
0x0: {  	(tag) =	ssettag $0x1  }
0x1: {  	s0 =	srdreg.scid;
	s6 =	rddreg [dreg:$0x0]  }
0x2: {  	s2 =	rddreg [dreg:$0x1];
	s3 =	simm.s32 $0x0;
	s12 =	simm.s32 $0x80  }
0x3: {  	s5 =	sand.u32 $0x1, s0;
	s0 =	stileid.u32;
	[smem:$0x7FF] =	sst s3  }
0x4: {  	s1 =	sshll.u32 s5, $0x4;
	s8 =	smul.u32 $0x27800, s5;
	s9 =	ssub.s32 $0x2, s5  }
0x5: {  	s10 =	smul.u32 $0x4F000, s0;
	s5 =	sadd.s32 $0xEA00, s6;
	s31 =	sshll.u32 s0, $0x6  }
0x6: {  	s14 =	smul.u32 $0x2780, s0;
	s4 =	sor.u32 s0, s1;
	s1 =	rddreg [dreg:$0x2]  }
0x7: {  	_ =	strace $0x80000047;
	s29 =	sshrl.u32 s9, $0x1;
	s4 =	smul.u32 $0x500, s4  }
0x8: {  	s8 =	sadd.s32 s8, s6;
	s9 =	ssub.s32 s9, s29;
	s30 =	sshrl.u32 s10, $0x2  }
0x9: {  	s10 =	simm.s32 $0x1;
	s11 =	sadd.s32 s30, s2;
	s13 =	sadd.s32 $0x11200, s8  }
0xa: {  	s8 =	smax.u32 s9, $0x1;
	s7 =	sadd.s32 s4, s6;
	s4 =	sadd.s32 $0xE200, s6  }
0xb: {  	s6 =	sor.u32 $0x1C01, s31;
	s9 =	sshrl.u32 s11, $0x3;
	s11 =	simm.s32 $0x2800  }
0xc: {  	s13 =	sadd.s32 s14, s13;
	s14 =	simm.s32 $0x0;
	s7 =	sadd.s32 $0x4200, s7  }
.LBB2_1:
0xd: {  	[spmem:s9], [sflag:s6] =	dma.local [hbm:s5], $0x2780  }
0xe: {  	_ =	swait.ge [sflag:s10], $0x2780  }
0xf: {  	[sflag:s10] =	ssyncset.done $0x0  }
0x10: {  	[sflag:s10] =	ssyncadd.s32 $0xFFFFD880  }
0x11: {  	[tilespmem:s3], [sflag:$0x1] =	stream.linear.gather [hbm4b:s7+s3], $0x2800, $0x38;
	[tilespmem:$0x1A400] =	vst v63  }
0x12: {  	_ =	swait.ge [sflag:s10], $0x2800  }
0x13: {  	[sflag:s10] =	ssyncset.done $0x0  }
0x14: {  	[sflag:s10] =	ssyncadd.s32 $0xFFFFD800  }
0x15: {  	[tilespmem:s11], [sflag:$0x1] =	stream.linear.gather [hbm4b:s4+s3], $0x4000, $0x38;
	[tilespmem:$0x1A400] =	vst v63  }
0x16: {  	_ =	swait.ge [sflag:s10], $0x4000  }
0x17: {  	[sflag:s10] =	ssyncset.done $0x0  }
0x18: {  	[sflag:s10] =	ssyncadd.s32 $0xFFFFC000  }
0x19: {  	s15 =	simm.s32 $0x0;
	[bflag:$0x0] =	sbarrier.arrive $0xFFFF  }
0x1a: {  	[spmem:s2] =	stream.indirect.scatter.add.f32 [tilespmem:s11], [sflag:$0x1], $0x80, s15, s12, $0xb8;
	[tilespmem:$0x1A400] =	vst v63  }
0x1b: {  	_ =	swait.ge [sflag:s10], $0x4000  }
0x1c: {  	s15 =	simm.s32 $0x200;
	[sflag:s10] =	ssyncset.done $0x0  }
.LBB2_2:
0x1d: {  	s16 =	sshra.s32 s15, $0x2;
	[sflag:s10] =	ssyncadd.s32 $0xFFFFC000;
	p0 =	sne.s32 s15, $0x9E00  }
0x1e: {  	[spmem:s2] =	stream.indirect.scatter.add.f32 [tilespmem:s11], [sflag:$0x1], $0x80, s16, s12, $0xb8;
	[tilespmem:$0x1A400] =	vst v63  }
.Ltmp0:
0x1f: {  	_ = 	snop;
	(pc) =	sbr.rel @p0 .LBB2_2-.Ltmp0, $4  }
0x20: {  	_ = 	snop  }
0x21: {  	s15 =	sadd.s32 $0x200, s15  }
0x22: {  	_ =	swait.ge [sflag:s10], $0x4000  }
0x23: {  	[sflag:s10] =	ssyncset.done $0x0  }
0x24: {  	s14 =	sadd.s32 $0x1, s14  }
0x25: {  	[sflag:s10] =	ssyncadd.s32 $0xFFFFC000;
	p0 =	sne.s32 s14, s8  }
.Ltmp1:
0x26: {  	[bflag:$0x0] =	sbarrier.arrive $0xFFFF;
	(pc) =	sbr.rel @p0 .LBB2_1-.Ltmp1, $4  }
0x27: {  	[hbm:s13], [sflag:s6] =	dma.local [spmem:s9], $0x2780  }
0x28: {  	_ =	swait.ge [sflag:s10], $0x2780  }
0x29: {  	[sflag:s10] =	ssyncset.done $0x0  }
0x2a: {  	[sflag:s10] =	ssyncadd.s32 $0xFFFFD880  }
0x2b: {  	_ =	sfence.sel $0x180000  }
0x2c: {  	[bflag:$0x0] =	sbarrier.arrive $0xFFFF  }
0x2d: {  	p0 =	sne.s32 s0, $0x0;
	_ =	strace $0x90000047  }
0x2e: {  	s0 =	sadd.s32 @!p0 $0x100000, s1;
	[bflag:$0x2] =	sbarrier.arrive $0xFFFF  }
0x2f: {  	[sflag:s0] =	ssyncadd.tile.s32 @!p0 $0x1;
	_ =	shalt  }
.Lfunc_end2:
_tile_overlayer_lowered:
.L_overlay_start_2:
0x30: {  	(tag) =	ssettag $0x2  }
0x31: {  	s0 =	rddreg [dreg:$0x0];
	s2 =	stileid.u32  }
0x32: {  	s1 =	rddreg [dreg:$0x1];
	p0 =	sne.s32 s2, $0x0  }
0x33: {  	s3 =	rddreg [dreg:$0x2];
	[bflag:$0x3] =	sbarrier.arrive $0xFFFF;
	s2 =	simm.s32 @!p0 $0x1C01  }
0x34: {  	[timem:s3], [sflag:s2] =	dma.local @!p0 [hbm:s0], s1  }
0x35: {  	s0 =	simm.s32 @!p0 $0x1  }
0x36: {  	_ =	swait.ge @!p0 [sflag:s0], s1  }
0x37: {  	s1 =	ssub.s32 @!p0 $0x0, s1;
	[sflag:s0] =	ssyncset.done @!p0 $0x0  }
0x38: {  	[sflag:s0] =	ssyncadd.s32 @!p0 s1  }
0x39: {  	[bflag:$0x3] =	sbarrier.arrive $0xFFFF  }
0x3a: {  	_ =	shalt  }

// kernel: kernel.15.cloned.1.call-start
scs
__scs_entry_jumppad:
0x0: {  	(pc) =	sbr.rel $0x88, $3  }
0x1: {  	(tag) =	ssettag $0x0;
	lr =	simm.s32 $0x1  }
0x2: {  	[smem:$0x3F9F] =	sst lr;
	_ =	strace $0xD0000000  }
0x3: {  	_ = 	snop  }
0x4: {  	_ = 	snop  }
0x5: {  	_ = 	snop  }
0x6: {  	_ = 	snop  }
0x7: {  	_ = 	snop  }
__scs_overlays_trampoline_lowered:
0x8: {  	[smem:$0x3FAE] =	sst s0  }
0x9: {  	[smem:$0x3FAF] =	sst s1  }
0xa: {  	[smem:$0x3FB0] =	sst s2  }
0xb: {  	[smem:$0x3FB1] =	sst s3  }
0xc: {  	[smem:$0x3FB2] =	sst s4  }
0xd: {  	[smem:$0x3FB3] =	sst s5  }
0xe: {  	[smem:$0x3FB4] =	sst s6  }
0xf: {  	[smem:$0x3FB5] =	sst s7  }
0x10: {  	[smem:$0x3FB6] =	sst s8  }
0x11: {  	[smem:$0x3FB7] =	sst s9;
	s0 =	simm.s32 @!p0 $0x0  }
0x12: {  	s1 =	sld [smem:$0x3F9D];
	s0 =	simm.s32 @p0 $0x1  }
0x13: {  	[smem:$0x3FB8] =	sst s0;
	s0 =	simm.s32 @!p1 $0x0  }
0x14: {  	s2 =	sld [smem:$0x3F9C];
	s0 =	simm.s32 @p1 $0x1  }
0x15: {  	[smem:$0x3FB9] =	sst s0;
	s0 =	simm.s32 @!p2 $0x0  }
0x16: {  	s3 =	sld [smem:$0x3FDB];
	s0 =	simm.s32 @p2 $0x1  }
0x17: {  	s4 =	simm.s32 $0x1BF5;
	[smem:$0x3FBB] =	sst s0  }
0x18: {  	s0 =	sld [smem:$0x3F9E];
	_ =	swait.ge [sflag:s4], $0x0  }
0x19: {  	s7 =	sld [smem:$0x3F9F]  }
0x1a: {  	s8 =	sadd.s32 $0xFFFFE003, lr  }
0x1b: {  	s9 =	sadd.s32 $0xFFFFFEF7, lr;
	s5 =	simm.s32 $0xFFFFFFFF;
	p2 =	slt.u32 s8, $0xFFFFF086  }
0x1c: {  	p1 =	slt.u32 s9, $0xF7A;
	s5 =	simm.s32 @!p2 $0x0  }
0x1d: {  	s5 =	simm.s32 @p1 $0x1;
	p0 =	seq.s32 s7, s2  }
0x1e: {  	s7 =	smul.u32 @!p0 $0xF7A, s2;
	p2 =	seq.s32 @!p0 s5, $0x0  }
0x1f: {  	s9 =	smul.u32 $0xF7A, s1;
	s8 =	simm.s32 @!p0 $0x1BF5;
	p2 =	por !p2, p0  }
0x20: {  	[sflag:s8] =	ssyncset.s32 @!p0 $0xFFFFF086;
	s6 =	sadd.s32 @!p0 s3, s7;
	s7 =	simm.s32 @!p0 $0x108  }
0x21: {  	s3 =	sadd.s32 s3, s9;
	s6 =	sadd.s32 @!p0 $0x88, s6;
	s7 =	simm.s32 @p2 $0x1082  }
0x22: {  	[simem:s7], [sflag:s8] =	dma.local @!p0 [hbm:s6], $0xF7A  }
0x23: {  	s9 =	sor.u32 $0xD0000000, s2;
	s6 =	simm.s32 $0x108;
	_ =	swait.ge @!p0 [sflag:s8], $0x0  }
0x24: {  	s3 =	sadd.s32 $0x88, s3;
	s6 =	simm.s32 @!p1 $0x1082;
	[sflag:s4] =	ssyncset.s32 $0xFFFFF086  }
0x25: {  	[simem:s6], [sflag:s4] =	dma.local [hbm:s3], $0xF7A  }
0x26: {  	[smem:$0x3F9F] =	sst s1;
	(tag) =	ssettag s2;
	_ =	strace s9  }
0x27: {  	s1 =	sld [smem:$0x3FAF]  }
0x28: {  	s2 =	sld [smem:$0x3FB0]  }
0x29: {  	s4 =	sld [smem:$0x3FB2]  }
0x2a: {  	p0 =	seq.s32 s5, $0x0;
	s5 =	sld [smem:$0x3FB3]  }
0x2b: {  	s6 =	sld [smem:$0x3FB4]  }
0x2c: {  	s7 =	sld [smem:$0x3FB5]  }
0x2d: {  	s3 =	simm.s32 $0x108;
	s8 =	sld [smem:$0x3FB6]  }
0x2e: {  	s3 =	simm.s32 @!p0 $0x1082;
	s9 =	sld [smem:$0x3FB7]  }
0x2f: {  	lr =	sadd.s32 s0, s3;
	s0 =	sld [smem:$0x3FAE]  }
0x30: {  	s3 =	sld [smem:$0x3FB1]  }
0x31: {  	[smem:$0x3FBA] =	sst s10  }
0x32: {  	s10 =	sld [smem:$0x3FB8];
	_ =	sdelay $0x3  }
0x33: {  	p0 =	seq.s32 s10, $0x1;
	s10 =	sld [smem:$0x3FBA];
	_ =	sdelay $0x3  }
0x34: {  	[smem:$0x3FBA] =	sst s10  }
0x35: {  	s10 =	sld [smem:$0x3FB9];
	_ =	sdelay $0x3  }
0x36: {  	p1 =	seq.s32 s10, $0x1;
	s10 =	sld [smem:$0x3FBA];
	_ =	sdelay $0x3  }
0x37: {  	[smem:$0x3FBA] =	sst s10  }
0x38: {  	s10 =	sld [smem:$0x3FBB]  }
0x39: {  	_ = 	snop;
	(pc) =	sbr.ind lr, $3  }
0x3a: {  	_ = 	snop  }
0x3b: {  	_ = 	snop  }
0x3c: {  	p2 =	seq.s32 s10, $0x1;
	s10 =	sld [smem:$0x3FBA]  }
0x3d: {  	_ =	shalt  }
0x3e: {  	_ =	shalt  }
0x3f: {  	_ =	shalt  }
0x40: {  	_ =	shalt  }
0x41: {  	_ =	shalt  }
0x42: {  	_ =	shalt  }
0x43: {  	_ =	shalt  }
0x44: {  	_ =	shalt  }
0x45: {  	_ =	shalt  }
0x46: {  	_ =	shalt  }
0x47: {  	_ =	shalt  }
0x48: {  	_ =	shalt  }
0x49: {  	_ =	shalt  }
0x4a: {  	_ =	shalt  }
0x4b: {  	_ =	shalt  }
0x4c: {  	_ =	shalt  }
0x4d: {  	_ =	shalt  }
0x4e: {  	_ =	shalt  }
0x4f: {  	_ =	shalt  }
0x50: {  	_ =	shalt  }
0x51: {  	_ =	shalt  }
0x52: {  	_ =	shalt  }
0x53: {  	_ =	shalt  }
0x54: {  	_ =	shalt  }
0x55: {  	_ =	shalt  }
0x56: {  	_ =	shalt  }
0x57: {  	_ =	shalt  }
0x58: {  	_ =	shalt  }
0x59: {  	_ =	shalt  }
0x5a: {  	_ =	shalt  }
0x5b: {  	_ =	shalt  }
0x5c: {  	_ =	shalt  }
0x5d: {  	_ =	shalt  }
0x5e: {  	_ =	shalt  }
0x5f: {  	_ =	shalt  }
0x60: {  	_ =	shalt  }
0x61: {  	_ =	shalt  }
0x62: {  	_ =	shalt  }
0x63: {  	_ =	shalt  }
0x64: {  	_ =	shalt  }
0x65: {  	_ =	shalt  }
0x66: {  	_ =	shalt  }
0x67: {  	_ =	shalt  }
0x68: {  	_ =	shalt  }
0x69: {  	_ =	shalt  }
0x6a: {  	_ =	shalt  }
0x6b: {  	_ =	shalt  }
0x6c: {  	_ =	shalt  }
0x6d: {  	_ =	shalt  }
0x6e: {  	_ =	shalt  }
0x6f: {  	_ =	shalt  }
0x70: {  	_ =	shalt  }
0x71: {  	_ =	shalt  }
0x72: {  	_ =	shalt  }
0x73: {  	_ =	shalt  }
0x74: {  	_ =	shalt  }
0x75: {  	_ =	shalt  }
0x76: {  	_ =	shalt  }
0x77: {  	_ =	shalt  }
0x78: {  	_ =	shalt  }
0x79: {  	_ =	shalt  }
0x7a: {  	_ =	shalt  }
0x7b: {  	_ =	shalt  }
0x7c: {  	_ =	shalt  }
0x7d: {  	_ =	shalt  }
0x7e: {  	_ =	shalt  }
0x7f: {  	_ =	shalt  }
0x80: {  	_ =	shalt  }
0x81: {  	_ =	shalt  }
0x82: {  	_ =	shalt  }
0x83: {  	_ =	shalt  }
0x84: {  	_ =	shalt  }
0x85: {  	_ =	shalt  }
0x86: {  	_ =	shalt  }
0x87: {  	_ =	shalt  }
.Lfunc_end0:
.L_simem_size_0:
called_computation.1_lowered:
.L_overlay_start_0:
0x88: {  	s2 =	sld [smem:$0x3FD9]  }
0x89: {  	s3 =	sld [smem:$0x3FFE];
	_ =	sdelay $0x1  }
0x8a: {  	s1 =	srdreg.scid  }
0x8b: {  	s0 =	sand.u32 $0x1, s1  }
0x8c: {  	s17 =	sshll.u32 s0, $0xA;
	s2 =	sadd.s32 s3, s2  }
0x8d: {  	s2 =	sadd.s32 s2, s17  }
0x8e: {  	[smem:$0x3FC6] =	sst s2  }
0x8f: {  	_ = 	snop  }
0x90: {  	s2 =	sld [smem:$0x3FD0];
	(tm) =	ssettm $0x1  }
0x91: {  	s18 =	sld [smem:$0x3FFB];
	_ =	sdelay $0x3  }
0x92: {  	_ =	strace s18  }
0x93: {  	s3 =	sld [smem:$0x3FFC];
	_ =	sdelay $0x3  }
0x94: {  	_ =	strace s3  }
0x95: {  	s3 =	sld [smem:$0x3FFD];
	_ =	sdelay $0x3  }
0x96: {  	_ =	strace s3  }
0x97: {  	_ =	strace $0x8FFFFFFF  }
0x98: {  	s19 =	sld [smem:$0x3FDB];
	_ =	sdelay $0x1  }
0x99: {  	s4 =	simm.s32 $_scs_section_size  }
0x9a: {  	s5 =	simm.s32 $_size__tile_overlayer_lowered;
	s6 =	simm.s32 $_tile_overlayer_lowered  }
0x9b: {  	s22 =	simm.s32 $0x1BFF;
	s21 =	sshll.u32 s6, $0x1;
	s3 =	sadd.s32 s4, s19  }
0x9c: {  	s7 =	simm.s32 $0x0;
	s20 =	sshll.u32 s5, $0x1;
	s5 =	sadd.s32 s21, s3  }
0x9d: {  	[timem:s7], [sflag:s22] =	dma.local [hbm:s5], s20  }
0x9e: {  	_ =	swait.ge [sflag:s22], s20  }
0x9f: {  	s4 =	ssub.s32 $0x0, s20;
	[sflag:s22] =	ssyncset.done $0x0  }
0xa0: {  	[sflag:s22] =	ssyncadd.s32 s4;
	_ =	sdelay $0x1  }
0xa1: {  	s23 =	simm.s32 $0x1B8B  }
0xa2: {  	_ =	swait.ge [sflag:s23], $0x1  }
0xa3: {  	[sflag:s23] =	ssyncset.done $0x0  }
0xa4: {  	s25 =	simm.s32 $0x1B8E;
	s24 =	sld [smem:$0x3FFE];
	[sflag:s23] =	ssyncadd.s32 $0xFFFFFFFF  }
0xa5: {  	s26 =	simm.s32 $execute0_lowered;
	[smem:$0x3FD2] =	sst s25  }
0xa6: {  	s5 =	sshll.u32 s26, $0x1;
	_ =	strace $0x80000049;
	[dreg:$0x1] =	wrdreg $0xFFFFFFFF  }
0xa7: {  	s28 =	simm.s32 $_size_execute0_lowered;
	s3 =	sadd.s32 s3, s5;
	[dreg:$0x0] =	wrdreg $0x0  }
0xa8: {  	s5 =	sshll.u32 s28, $0x1;
	[dreg:$0x2] =	wrdreg s3  }
0xa9: {  	[dreg:$0x3] =	wrdreg s5  }
0xaa: {  	[dreg:$0x4] =	wrdreg $0xC0  }
0xab: {  	_ =	task [dreg:s7], $0x5FFFF  }
0xac: {  	[dreg:$0x1] =	wrdreg $0xFFFFFFFF  }
0xad: {  	[dreg:$0x0] =	wrdreg $0x60  }
0xae: {  	[dreg:$0x2] =	wrdreg s24  }
0xaf: {  	[dreg:$0x3] =	wrdreg s2  }
0xb0: {  	[dreg:$0x4] =	wrdreg $0xC3000  }
0xb1: {  	[dreg:$0x5] =	wrdreg $0x9  }
0xb2: {  	_ =	task.clear_ibuf [dreg:s7], $0x6FFFF;
	_ =	strace $0x90000049  }
0xb3: {  	s29 =	simm.s32 $0x9;
	_ =	strace $0x8000004B  }
0xb4: {  	_ =	swait.ge [sflag:s29], $0x1  }
0xb5: {  	[sflag:s29] =	ssyncadd.s32 $0xFFFFFFFF  }
0xb6: {  	_ =	strace $0x9000004B  }
0xb7: {  	_ =	sfence  }
0xb8: {  	s30 =	sld [smem:$0x0];
	_ =	sdelay $0x2  }
0xb9: {  	s31 =	sshll.u32 s1, $0xD;
	s1 =	sshrl.u32 s1, $0x2  }
0xba: {  	s3 =	sand.u32 $0x4000, s31;
	s1 =	sadd.s32 s1, s30  }
0xbb: {  	s0 =	sor.u32 s3, s0;
	s1 =	sshll.u32 s1, $0x11  }
0xbc: {  	s0 =	sor.u32 s1, s0  }
0xbd: {  	s0 =	sadd.s32 $0x8F2B, s0  }
0xbe: {  	[sflag:s0] =	ssyncadd.remote.s32 $0x1  }
0xbf: {  	_ =	sfence.sel $0xFFFF  }
0xc0: {  	[dreg:$0x0] =	wrdreg $0xFFFFFFFF;
	(pc) =	sbr.abs _section_cstart, $3  }
0xc1: {  	[dreg:$0x1] =	wrdreg $0xFFFFFFFF  }
0xc2: {  	_ =	task.clear_ibuf [dreg:s7], $0x2FFFF;
	_ =	strace $0x9FFFFFFF  }
0xc3: {  	(tm) =	ssettm $0x7FFFFFFF  }
tec
execute0_lowered:
.L_overlay_start_1:
0x0: {  	(tag) =	ssettag $0x1  }
0x1: {  	s6 =	rddreg [dreg:$0x0]  }
0x2: {  	s7 =	rddreg [dreg:$0x1]  }
0x3: {  	s1 =	rddreg [dreg:$0x2]  }
0x4: {  	s2 =	simm.s32 $0x0;
	s3 =	srdreg.scid;
	s13 =	simm.s32 $0x1  }
0x5: {  	s14 =	simm.s32 $0x80;
	s15 =	simm.s32 $0x300;
	s16 =	simm.s32 $0x2  }
0x6: {  	s17 =	simm.s32 $0x4300;
	s19 =	simm.s32 $0x200;
	s20 =	simm.s32 $0x4  }
0x7: {  	s21 =	simm.s32 $0x3;
	s22 =	simm.s32 $0x8300;
	s23 =	simm.s32 $0x5  }
0x8: {  	s26 =	simm.s32 $0x6;
	s28 =	simm.s32 $0x280;
	s29 =	simm.s32 $0x0  }
0x9: {  	[smem:$0x7FF] =	sst s2;
	s4 =	sadd.s32 $0x11200, s6;
	s8 =	sand.u32 $0x1, s3  }
0xa: {  	s5 =	sadd.s32 $0xEA00, s6;
	s3 =	stileid.u32;
	s9 =	smul.u32 $0x27800, s8  }
0xb: {  	_ =	strace $0x8000004A;
	s10 =	ssub.s32 $0x2, s8;
	s11 =	smul.u32 $0x4F000, s3  }
0xc: {  	s8 =	sshll.u32 s8, $0x4;
	s12 =	sshll.u32 s3, $0x6;
	s25 =	smul.u32 $0x2780, s3  }
0xd: {  	s31 =	sshrl.u32 s10, $0x1;
	s8 =	sor.u32 s3, s8;
	s9 =	sadd.s32 s9, s6  }
0xe: {  	s11 =	sshrl.u32 s11, $0x2;
	s8 =	smul.u32 $0xA80, s8;
	s10 =	ssub.s32 s10, s31  }
0xf: {  	s6 =	sor.u32 $0x1C07, s12;
	s12 =	simm.s32 $0x100;
	s11 =	sadd.s32 s11, s1  }
0x10: {  	s24 =	sadd.s32 $0x87A00, s9;
	s7 =	sadd.s32 s7, s8;
	s8 =	smax.u32 s10, $0x1  }
0x11: {  	s9 =	sshrl.u32 s11, $0x3;
	s10 =	simm.s32 $0x7;
	s24 =	sadd.s32 s25, s24  }
0x12: {  	s25 =	simm.s32 $0x180;
	s11 =	sadd.s32 $0x20, s7;
	s18 =	sadd.s32 $0x40, s7  }
.LBB2_1:
0x13: {  	[spmem:s9], [sflag:s6] =	dma.local [hbm:s5], $0x2780  }
0x14: {  	_ =	swait.ge [sflag:s10], $0x2780  }
0x15: {  	[sflag:s10] =	ssyncset.done $0x0  }
0x16: {  	[sflag:s10] =	ssyncadd.s32 $0xFFFFD880  }
0x17: {  	[bflag:$0x0] =	sbarrier.arrive $0xFFFF  }
0x18: {  	[tilespmem:s2], [sflag:$0x1] =	stream.linear.gather [hbm4b:s7+s2], $0x100, $0x38;
	[tilespmem:$0x1FF00] =	vst v63  }
0x19: {  	_ = 	snop  }
0x1a: {  	[tilespmem:s12], [sflag:$0x2] =	stream.linear.gather [hbm4b:s11+s2], $0x100, $0x38;
	[tilespmem:$0x1FF00] =	vst v63  }
0x1b: {  	_ =	swait.ge [sflag:s13], $0x100  }
0x1c: {  	[sflag:s13] =	ssyncset.done $0x0  }
0x1d: {  	[sflag:s13] =	ssyncadd.s32 $0xFFFFFF00  }
0x1e: {  	[tilespmem:s15], [sflag:$0x4] =	stream.indirect.gather [hbm4b:s4+s14], $0x80, s2, s14, $0xb8;
	[tilespmem:$0x1FF00] =	vst v63  }
0x1f: {  	_ =	swait.ge [sflag:s16], $0x100  }
0x20: {  	[sflag:s16] =	ssyncset.done $0x0  }
0x21: {  	[sflag:s16] =	ssyncadd.s32 $0xFFFFFF00  }
0x22: {  	[tilespmem:s17], [sflag:$0x5] =	stream.indirect.gather [hbm4b:s4+s14], $0x80, s12, s14, $0xb8;
	[tilespmem:$0x1FF00] =	vst v63  }
0x23: {  	_ = 	snop  }
0x24: {  	[tilespmem:s19], [sflag:$0x3] =	stream.linear.gather [hbm4b:s18+s2], $0x100, $0x38;
	[tilespmem:$0x1FF00] =	vst v63  }
0x25: {  	_ =	swait.ge [sflag:s20], $0x4000  }
0x26: {  	[sflag:s20] =	ssyncset.done $0x0  }
0x27: {  	[sflag:s20] =	ssyncadd.s32 $0xFFFFC000  }
0x28: {  	_ =	swait.ge [sflag:s21], $0x100  }
0x29: {  	[sflag:s21] =	ssyncset.done $0x0  }
0x2a: {  	[sflag:s21] =	ssyncadd.s32 $0xFFFFFF00  }
0x2b: {  	[tilespmem:s22], [sflag:$0x6] =	stream.indirect.gather [hbm4b:s4+s14], $0x80, s19, s14, $0xb8;
	[tilespmem:$0x1FF00] =	vst v63  }
0x2c: {  	_ = 	snop  }
0x2d: {  	[spmem:s1] =	stream.indirect.scatter.add.f32 [tilespmem:s15], [sflag:$0x7], $0x80, s14, s14, $0xb8;
	[tilespmem:$0x1FF00] =	vst v63  }
0x2e: {  	_ =	swait.ge [sflag:s10], $0x4000  }
0x2f: {  	s31 =	sadd.s32 $0xFFFFF6A0, s7;
	[sflag:s10] =	ssyncset.done $0x0  }
0x30: {  	s30 =	sadd.s32 $0x9C0, s31;
	[sflag:s10] =	ssyncadd.s32 $0xFFFFC000  }
0x31: {  	[tilespmem:s2], [sflag:$0x1] =	stream.linear.gather [hbm4b:s30+s2], $0x100, $0x38;
	[tilespmem:$0x1FF00] =	vst v63  }
0x32: {  	_ =	swait.ge [sflag:s23], $0x4000  }
0x33: {  	[sflag:s23] =	ssyncset.done $0x0  }
0x34: {  	[sflag:s23] =	ssyncadd.s32 $0xFFFFC000  }
0x35: {  	_ =	swait.ge [sflag:s13], $0x100  }
0x36: {  	[sflag:s13] =	ssyncset.done $0x0  }
0x37: {  	[sflag:s13] =	ssyncadd.s32 $0xFFFFFF00  }
0x38: {  	[tilespmem:s15], [sflag:$0x4] =	stream.indirect.gather [hbm4b:s4+s14], $0x80, s2, s14, $0xb8;
	[tilespmem:$0x1FF00] =	vst v63  }
0x39: {  	_ = 	snop  }
0x3a: {  	[spmem:s1] =	stream.indirect.scatter.add.f32 [tilespmem:s17], [sflag:$0x7], $0x80, s25, s14, $0xb8;
	[tilespmem:$0x1FF00] =	vst v63  }
0x3b: {  	_ =	swait.ge [sflag:s10], $0x4000  }
0x3c: {  	[sflag:s10] =	ssyncset.done $0x0  }
0x3d: {  	s30 =	sadd.s32 $0x9E0, s31;
	[sflag:s10] =	ssyncadd.s32 $0xFFFFC000  }
0x3e: {  	[tilespmem:s12], [sflag:$0x2] =	stream.linear.gather [hbm4b:s30+s2], $0x100, $0x38;
	[tilespmem:$0x1FF00] =	vst v63  }
0x3f: {  	_ =	swait.ge [sflag:s26], $0x4000  }
0x40: {  	[sflag:s26] =	ssyncset.done $0x0  }
0x41: {  	[sflag:s26] =	ssyncadd.s32 $0xFFFFC000  }
0x42: {  	_ =	swait.ge [sflag:s16], $0x100  }
0x43: {  	[sflag:s16] =	ssyncset.done $0x0  }
0x44: {  	[sflag:s16] =	ssyncadd.s32 $0xFFFFFF00  }
0x45: {  	[tilespmem:s17], [sflag:$0x5] =	stream.indirect.gather [hbm4b:s4+s14], $0x80, s12, s14, $0xb8;
	[tilespmem:$0x1FF00] =	vst v63  }
0x46: {  	_ = 	snop  }
0x47: {  	[spmem:s1] =	stream.indirect.scatter.add.f32 [tilespmem:s22], [sflag:$0x7], $0x80, s28, s14, $0xb8;
	[tilespmem:$0x1FF00] =	vst v63  }
0x48: {  	_ =	swait.ge [sflag:s10], $0x4000  }
0x49: {  	[sflag:s10] =	ssyncset.done $0x0  }
0x4a: {  	s31 =	sadd.s32 $0xA00, s31;
	s30 =	simm.s32 $0xFFFFF700;
	[sflag:s10] =	ssyncadd.s32 $0xFFFFC000  }
.LBB2_2:
0x4b: {  	[tilespmem:s19], [sflag:$0x3] =	stream.linear.gather [hbm4b:s31+s2], $0x100, $0x38;
	[tilespmem:$0x1FF00] =	vst v63  }
0x4c: {  	s31 =	smov.u32 s30  }
0x4d: {  	p0 =	sne.s32 s30, $0xFFFFFFA0;
	s30 =	sadd.s32 $0x60, s30;
	_ =	swait.ge [sflag:s20], $0x4000  }
0x4e: {  	[sflag:s20] =	ssyncset.done $0x0  }
0x4f: {  	[sflag:s20] =	ssyncadd.s32 $0xFFFFC000  }
0x50: {  	_ =	swait.ge [sflag:s21], $0x100  }
0x51: {  	[sflag:s21] =	ssyncset.done $0x0  }
0x52: {  	[sflag:s21] =	ssyncadd.s32 $0xFFFFFF00  }
0x53: {  	[tilespmem:s22], [sflag:$0x6] =	stream.indirect.gather [hbm4b:s4+s14], $0x80, s19, s14, $0xb8;
	[tilespmem:$0x1FF00] =	vst v63  }
0x54: {  	_ = 	snop  }
0x55: {  	[spmem:s1] =	stream.indirect.scatter.add.f32 [tilespmem:s15], [sflag:$0x7], $0x80, s14, s14, $0xb8;
	[tilespmem:$0x1FF00] =	vst v63  }
0x56: {  	_ =	swait.ge [sflag:s10], $0x4000  }
0x57: {  	s31 =	sadd.s32 s31, s7;
	[sflag:s10] =	ssyncset.done $0x0  }
0x58: {  	s0 =	sadd.s32 $0x9C0, s31;
	[sflag:s10] =	ssyncadd.s32 $0xFFFFC000  }
0x59: {  	[tilespmem:s2], [sflag:$0x1] =	stream.linear.gather [hbm4b:s0+s2], $0x100, $0x38;
	[tilespmem:$0x1FF00] =	vst v63  }
0x5a: {  	_ =	swait.ge [sflag:s23], $0x4000  }
0x5b: {  	[sflag:s23] =	ssyncset.done $0x0  }
0x5c: {  	[sflag:s23] =	ssyncadd.s32 $0xFFFFC000  }
0x5d: {  	_ =	swait.ge [sflag:s13], $0x100  }
0x5e: {  	[sflag:s13] =	ssyncset.done $0x0  }
0x5f: {  	[sflag:s13] =	ssyncadd.s32 $0xFFFFFF00  }
0x60: {  	[tilespmem:s15], [sflag:$0x4] =	stream.indirect.gather [hbm4b:s4+s14], $0x80, s2, s14, $0xb8;
	[tilespmem:$0x1FF00] =	vst v63  }
0x61: {  	_ = 	snop  }
0x62: {  	[spmem:s1] =	stream.indirect.scatter.add.f32 [tilespmem:s17], [sflag:$0x7], $0x80, s25, s14, $0xb8;
	[tilespmem:$0x1FF00] =	vst v63  }
0x63: {  	_ =	swait.ge [sflag:s10], $0x4000  }
0x64: {  	[sflag:s10] =	ssyncset.done $0x0  }
0x65: {  	s0 =	sadd.s32 $0x9E0, s31;
	[sflag:s10] =	ssyncadd.s32 $0xFFFFC000  }
0x66: {  	[tilespmem:s12], [sflag:$0x2] =	stream.linear.gather [hbm4b:s0+s2], $0x100, $0x38;
	[tilespmem:$0x1FF00] =	vst v63  }
0x67: {  	_ =	swait.ge [sflag:s26], $0x4000  }
0x68: {  	[sflag:s26] =	ssyncset.done $0x0  }
0x69: {  	[sflag:s26] =	ssyncadd.s32 $0xFFFFC000  }
0x6a: {  	_ =	swait.ge [sflag:s16], $0x100  }
0x6b: {  	[sflag:s16] =	ssyncset.done $0x0  }
0x6c: {  	[sflag:s16] =	ssyncadd.s32 $0xFFFFFF00  }
0x6d: {  	[tilespmem:s17], [sflag:$0x5] =	stream.indirect.gather [hbm4b:s4+s14], $0x80, s12, s14, $0xb8;
	[tilespmem:$0x1FF00] =	vst v63  }
.Ltmp0:
0x6e: {  	(pc) =	sbr.rel @p0 .LBB2_2-.Ltmp0, $4  }
0x6f: {  	[spmem:s1] =	stream.indirect.scatter.add.f32 [tilespmem:s22], [sflag:$0x7], $0x80, s28, s14, $0xb8;
	[tilespmem:$0x1FF00] =	vst v63  }
0x70: {  	_ =	swait.ge [sflag:s10], $0x4000  }
0x71: {  	[sflag:s10] =	ssyncset.done $0x0  }
0x72: {  	s31 =	sadd.s32 $0xA00, s31;
	[sflag:s10] =	ssyncadd.s32 $0xFFFFC000  }
0x73: {  	[tilespmem:s19], [sflag:$0x3] =	stream.linear.gather [hbm4b:s31+s2], $0x100, $0x38;
	[tilespmem:$0x1FF00] =	vst v63  }
0x74: {  	_ =	swait.ge [sflag:s20], $0x4000  }
0x75: {  	[sflag:s20] =	ssyncset.done $0x0  }
0x76: {  	[sflag:s20] =	ssyncadd.s32 $0xFFFFC000  }
0x77: {  	_ =	swait.ge [sflag:s21], $0x100  }
0x78: {  	[sflag:s21] =	ssyncset.done $0x0  }
0x79: {  	[sflag:s21] =	ssyncadd.s32 $0xFFFFFF00  }
0x7a: {  	[tilespmem:s22], [sflag:$0x6] =	stream.indirect.gather [hbm4b:s4+s14], $0x80, s19, s14, $0xb8;
	[tilespmem:$0x1FF00] =	vst v63  }
0x7b: {  	_ = 	snop  }
0x7c: {  	[spmem:s1] =	stream.indirect.scatter.add.f32 [tilespmem:s15], [sflag:$0x7], $0x80, s14, s14, $0xb8;
	[tilespmem:$0x1FF00] =	vst v63  }
0x7d: {  	_ =	swait.ge [sflag:s10], $0x4000  }
0x7e: {  	[sflag:s10] =	ssyncset.done $0x0  }
0x7f: {  	s0 =	sadd.s32 $0x9C0, s7;
	[sflag:s10] =	ssyncadd.s32 $0xFFFFC000  }
0x80: {  	[tilespmem:s2], [sflag:$0x1] =	stream.linear.gather [hbm4b:s0+s2], $0x100, $0x38;
	[tilespmem:$0x1FF00] =	vst v63  }
0x81: {  	_ =	swait.ge [sflag:s23], $0x4000  }
0x82: {  	[sflag:s23] =	ssyncset.done $0x0  }
0x83: {  	[sflag:s23] =	ssyncadd.s32 $0xFFFFC000  }
0x84: {  	_ =	swait.ge [sflag:s13], $0x100  }
0x85: {  	[sflag:s13] =	ssyncset.done $0x0  }
0x86: {  	[sflag:s13] =	ssyncadd.s32 $0xFFFFFF00  }
0x87: {  	[tilespmem:s15], [sflag:$0x4] =	stream.indirect.gather [hbm4b:s4+s14], $0x80, s2, s14, $0xb8;
	[tilespmem:$0x1FF00] =	vst v63  }
0x88: {  	_ = 	snop  }
0x89: {  	[spmem:s1] =	stream.indirect.scatter.add.f32 [tilespmem:s17], [sflag:$0x7], $0x80, s25, s14, $0xb8;
	[tilespmem:$0x1FF00] =	vst v63  }
0x8a: {  	_ =	swait.ge [sflag:s10], $0x4000  }
0x8b: {  	[sflag:s10] =	ssyncset.done $0x0  }
0x8c: {  	s31 =	sadd.s32 $0x9E0, s7;
	[sflag:s10] =	ssyncadd.s32 $0xFFFFC000  }
0x8d: {  	[tilespmem:s12], [sflag:$0x2] =	stream.linear.gather [hbm4b:s31+s2], $0x100, $0x38;
	[tilespmem:$0x1FF00] =	vst v63  }
0x8e: {  	_ =	swait.ge [sflag:s26], $0x4000  }
0x8f: {  	[sflag:s26] =	ssyncset.done $0x0  }
0x90: {  	[sflag:s26] =	ssyncadd.s32 $0xFFFFC000  }
0x91: {  	_ =	swait.ge [sflag:s16], $0x100  }
0x92: {  	[sflag:s16] =	ssyncset.done $0x0  }
0x93: {  	[sflag:s16] =	ssyncadd.s32 $0xFFFFFF00  }
0x94: {  	[tilespmem:s17], [sflag:$0x5] =	stream.indirect.gather [hbm4b:s4+s14], $0x80, s12, s14, $0xb8;
	[tilespmem:$0x1FF00] =	vst v63  }
0x95: {  	_ = 	snop  }
0x96: {  	[spmem:s1] =	stream.indirect.scatter.add.f32 [tilespmem:s22], [sflag:$0x7], $0x80, s28, s14, $0xb8;
	[tilespmem:$0x1FF00] =	vst v63  }
0x97: {  	_ =	swait.ge [sflag:s10], $0x4000  }
0x98: {  	[sflag:s10] =	ssyncset.done $0x0  }
0x99: {  	[sflag:s10] =	ssyncadd.s32 $0xFFFFC000  }
0x9a: {  	_ =	swait.ge [sflag:s20], $0x4000  }
0x9b: {  	[sflag:s20] =	ssyncset.done $0x0  }
0x9c: {  	[sflag:s20] =	ssyncadd.s32 $0xFFFFC000  }
0x9d: {  	[spmem:s1] =	stream.indirect.scatter.add.f32 [tilespmem:s15], [sflag:$0x7], $0x80, s14, s14, $0xb8;
	[tilespmem:$0x1FF00] =	vst v63  }
0x9e: {  	_ =	swait.ge [sflag:s10], $0x4000  }
0x9f: {  	[sflag:s10] =	ssyncset.done $0x0  }
0xa0: {  	[sflag:s10] =	ssyncadd.s32 $0xFFFFC000  }
0xa1: {  	_ =	swait.ge [sflag:s23], $0x4000  }
0xa2: {  	[sflag:s23] =	ssyncset.done $0x0  }
0xa3: {  	[sflag:s23] =	ssyncadd.s32 $0xFFFFC000  }
0xa4: {  	[spmem:s1] =	stream.indirect.scatter.add.f32 [tilespmem:s17], [sflag:$0x7], $0x80, s25, s14, $0xb8;
	[tilespmem:$0x1FF00] =	vst v63  }
0xa5: {  	_ =	swait.ge [sflag:s10], $0x4000  }
0xa6: {  	s29 =	sadd.s32 $0x1, s29;
	[sflag:s10] =	ssyncset.done $0x0  }
0xa7: {  	p0 =	sne.s32 s29, s8;
	[sflag:s10] =	ssyncadd.s32 $0xFFFFC000  }
.Ltmp1:
0xa8: {  	[bflag:$0x0] =	sbarrier.arrive $0xFFFF;
	(pc) =	sbr.rel @p0 .LBB2_1-.Ltmp1, $4  }
0xa9: {  	[hbm:s24], [sflag:s6] =	dma.local [spmem:s9], $0x2780  }
0xaa: {  	_ =	swait.ge [sflag:s10], $0x2780  }
0xab: {  	[sflag:s10] =	ssyncset.done $0x0  }
0xac: {  	[sflag:s10] =	ssyncadd.s32 $0xFFFFD880  }
0xad: {  	_ =	sfence.sel $0x180000  }
0xae: {  	[bflag:$0x0] =	sbarrier.arrive $0xFFFF  }
0xaf: {  	_ =	strace $0x9000004A  }
0xb0: {  	[bflag:$0x2] =	sbarrier.arrive $0xFFFF  }
0xb1: {  	p0 =	sne.s32 s3, $0x0;
	s0 =	rddreg [dreg:$0x3]  }
0xb2: {  	s0 =	sadd.s32 @!p0 $0x100000, s0  }
0xb3: {  	[sflag:s0] =	ssyncadd.tile.s32 @!p0 $0x1;
	_ =	shalt  }
.Lfunc_end2:
_tile_overlayer_lowered:
.L_overlay_start_2:
0xb4: {  	(tag) =	ssettag $0x2  }
0xb5: {  	s0 =	rddreg [dreg:$0x0];
	s2 =	stileid.u32  }
0xb6: {  	s1 =	rddreg [dreg:$0x1];
	p0 =	sne.s32 s2, $0x0  }
0xb7: {  	s3 =	rddreg [dreg:$0x2];
	[bflag:$0x3] =	sbarrier.arrive $0xFFFF;
	s2 =	simm.s32 @!p0 $0x1C07  }
0xb8: {  	[timem:s3], [sflag:s2] =	dma.local @!p0 [hbm:s0], s1  }
0xb9: {  	s0 =	simm.s32 @!p0 $0x7  }
0xba: {  	_ =	swait.ge @!p0 [sflag:s0], s1  }
0xbb: {  	s1 =	ssub.s32 @!p0 $0x0, s1;
	[sflag:s0] =	ssyncset.done @!p0 $0x0  }
0xbc: {  	[sflag:s0] =	ssyncadd.s32 @!p0 s1  }
0xbd: {  	[bflag:$0x3] =	sbarrier.arrive $0xFFFF  }
0xbe: {  	_ =	shalt  }

// kernel: kernel.18.cloned.1.call-start
scs
__scs_entry_jumppad:
0x0: {  	(pc) =	sbr.rel $0x88, $3  }
0x1: {  	(tag) =	ssettag $0x0;
	lr =	simm.s32 $0x1  }
0x2: {  	[smem:$0x3F9F] =	sst lr;
	_ =	strace $0xD0000000  }
0x3: {  	_ = 	snop  }
0x4: {  	_ = 	snop  }
0x5: {  	_ = 	snop  }
0x6: {  	_ = 	snop  }
0x7: {  	_ = 	snop  }
__scs_overlays_trampoline_lowered:
0x8: {  	[smem:$0x3FAE] =	sst s0  }
0x9: {  	[smem:$0x3FAF] =	sst s1  }
0xa: {  	[smem:$0x3FB0] =	sst s2  }
0xb: {  	[smem:$0x3FB1] =	sst s3  }
0xc: {  	[smem:$0x3FB2] =	sst s4  }
0xd: {  	[smem:$0x3FB3] =	sst s5  }
0xe: {  	[smem:$0x3FB4] =	sst s6  }
0xf: {  	[smem:$0x3FB5] =	sst s7  }
0x10: {  	[smem:$0x3FB6] =	sst s8  }
0x11: {  	[smem:$0x3FB7] =	sst s9;
	s0 =	simm.s32 @!p0 $0x0  }
0x12: {  	s1 =	sld [smem:$0x3F9D];
	s0 =	simm.s32 @p0 $0x1  }
0x13: {  	[smem:$0x3FB8] =	sst s0;
	s0 =	simm.s32 @!p1 $0x0  }
0x14: {  	s2 =	sld [smem:$0x3F9C];
	s0 =	simm.s32 @p1 $0x1  }
0x15: {  	[smem:$0x3FB9] =	sst s0;
	s0 =	simm.s32 @!p2 $0x0  }
0x16: {  	s3 =	sld [smem:$0x3FDB];
	s0 =	simm.s32 @p2 $0x1  }
0x17: {  	s4 =	simm.s32 $0x1BF5;
	[smem:$0x3FBB] =	sst s0  }
0x18: {  	s0 =	sld [smem:$0x3F9E];
	_ =	swait.ge [sflag:s4], $0x0  }
0x19: {  	s7 =	sld [smem:$0x3F9F]  }
0x1a: {  	s8 =	sadd.s32 $0xFFFFE003, lr  }
0x1b: {  	s9 =	sadd.s32 $0xFFFFFEF7, lr;
	s5 =	simm.s32 $0xFFFFFFFF;
	p2 =	slt.u32 s8, $0xFFFFF086  }
0x1c: {  	p1 =	slt.u32 s9, $0xF7A;
	s5 =	simm.s32 @!p2 $0x0  }
0x1d: {  	s5 =	simm.s32 @p1 $0x1;
	p0 =	seq.s32 s7, s2  }
0x1e: {  	s7 =	smul.u32 @!p0 $0xF7A, s2;
	p2 =	seq.s32 @!p0 s5, $0x0  }
0x1f: {  	s9 =	smul.u32 $0xF7A, s1;
	s8 =	simm.s32 @!p0 $0x1BF5;
	p2 =	por !p2, p0  }
0x20: {  	[sflag:s8] =	ssyncset.s32 @!p0 $0xFFFFF086;
	s6 =	sadd.s32 @!p0 s3, s7;
	s7 =	simm.s32 @!p0 $0x108  }
0x21: {  	s3 =	sadd.s32 s3, s9;
	s6 =	sadd.s32 @!p0 $0x88, s6;
	s7 =	simm.s32 @p2 $0x1082  }
0x22: {  	[simem:s7], [sflag:s8] =	dma.local @!p0 [hbm:s6], $0xF7A  }
0x23: {  	s9 =	sor.u32 $0xD0000000, s2;
	s6 =	simm.s32 $0x108;
	_ =	swait.ge @!p0 [sflag:s8], $0x0  }
0x24: {  	s3 =	sadd.s32 $0x88, s3;
	s6 =	simm.s32 @!p1 $0x1082;
	[sflag:s4] =	ssyncset.s32 $0xFFFFF086  }
0x25: {  	[simem:s6], [sflag:s4] =	dma.local [hbm:s3], $0xF7A  }
0x26: {  	[smem:$0x3F9F] =	sst s1;
	(tag) =	ssettag s2;
	_ =	strace s9  }
0x27: {  	s1 =	sld [smem:$0x3FAF]  }
0x28: {  	s2 =	sld [smem:$0x3FB0]  }
0x29: {  	s4 =	sld [smem:$0x3FB2]  }
0x2a: {  	p0 =	seq.s32 s5, $0x0;
	s5 =	sld [smem:$0x3FB3]  }
0x2b: {  	s6 =	sld [smem:$0x3FB4]  }
0x2c: {  	s7 =	sld [smem:$0x3FB5]  }
0x2d: {  	s3 =	simm.s32 $0x108;
	s8 =	sld [smem:$0x3FB6]  }
0x2e: {  	s3 =	simm.s32 @!p0 $0x1082;
	s9 =	sld [smem:$0x3FB7]  }
0x2f: {  	lr =	sadd.s32 s0, s3;
	s0 =	sld [smem:$0x3FAE]  }
0x30: {  	s3 =	sld [smem:$0x3FB1]  }
0x31: {  	[smem:$0x3FBA] =	sst s10  }
0x32: {  	s10 =	sld [smem:$0x3FB8];
	_ =	sdelay $0x3  }
0x33: {  	p0 =	seq.s32 s10, $0x1;
	s10 =	sld [smem:$0x3FBA];
	_ =	sdelay $0x3  }
0x34: {  	[smem:$0x3FBA] =	sst s10  }
0x35: {  	s10 =	sld [smem:$0x3FB9];
	_ =	sdelay $0x3  }
0x36: {  	p1 =	seq.s32 s10, $0x1;
	s10 =	sld [smem:$0x3FBA];
	_ =	sdelay $0x3  }
0x37: {  	[smem:$0x3FBA] =	sst s10  }
0x38: {  	s10 =	sld [smem:$0x3FBB]  }
0x39: {  	_ = 	snop;
	(pc) =	sbr.ind lr, $3  }
0x3a: {  	_ = 	snop  }
0x3b: {  	_ = 	snop  }
0x3c: {  	p2 =	seq.s32 s10, $0x1;
	s10 =	sld [smem:$0x3FBA]  }
0x3d: {  	_ =	shalt  }
0x3e: {  	_ =	shalt  }
0x3f: {  	_ =	shalt  }
0x40: {  	_ =	shalt  }
0x41: {  	_ =	shalt  }
0x42: {  	_ =	shalt  }
0x43: {  	_ =	shalt  }
0x44: {  	_ =	shalt  }
0x45: {  	_ =	shalt  }
0x46: {  	_ =	shalt  }
0x47: {  	_ =	shalt  }
0x48: {  	_ =	shalt  }
0x49: {  	_ =	shalt  }
0x4a: {  	_ =	shalt  }
0x4b: {  	_ =	shalt  }
0x4c: {  	_ =	shalt  }
0x4d: {  	_ =	shalt  }
0x4e: {  	_ =	shalt  }
0x4f: {  	_ =	shalt  }
0x50: {  	_ =	shalt  }
0x51: {  	_ =	shalt  }
0x52: {  	_ =	shalt  }
0x53: {  	_ =	shalt  }
0x54: {  	_ =	shalt  }
0x55: {  	_ =	shalt  }
0x56: {  	_ =	shalt  }
0x57: {  	_ =	shalt  }
0x58: {  	_ =	shalt  }
0x59: {  	_ =	shalt  }
0x5a: {  	_ =	shalt  }
0x5b: {  	_ =	shalt  }
0x5c: {  	_ =	shalt  }
0x5d: {  	_ =	shalt  }
0x5e: {  	_ =	shalt  }
0x5f: {  	_ =	shalt  }
0x60: {  	_ =	shalt  }
0x61: {  	_ =	shalt  }
0x62: {  	_ =	shalt  }
0x63: {  	_ =	shalt  }
0x64: {  	_ =	shalt  }
0x65: {  	_ =	shalt  }
0x66: {  	_ =	shalt  }
0x67: {  	_ =	shalt  }
0x68: {  	_ =	shalt  }
0x69: {  	_ =	shalt  }
0x6a: {  	_ =	shalt  }
0x6b: {  	_ =	shalt  }
0x6c: {  	_ =	shalt  }
0x6d: {  	_ =	shalt  }
0x6e: {  	_ =	shalt  }
0x6f: {  	_ =	shalt  }
0x70: {  	_ =	shalt  }
0x71: {  	_ =	shalt  }
0x72: {  	_ =	shalt  }
0x73: {  	_ =	shalt  }
0x74: {  	_ =	shalt  }
0x75: {  	_ =	shalt  }
0x76: {  	_ =	shalt  }
0x77: {  	_ =	shalt  }
0x78: {  	_ =	shalt  }
0x79: {  	_ =	shalt  }
0x7a: {  	_ =	shalt  }
0x7b: {  	_ =	shalt  }
0x7c: {  	_ =	shalt  }
0x7d: {  	_ =	shalt  }
0x7e: {  	_ =	shalt  }
0x7f: {  	_ =	shalt  }
0x80: {  	_ =	shalt  }
0x81: {  	_ =	shalt  }
0x82: {  	_ =	shalt  }
0x83: {  	_ =	shalt  }
0x84: {  	_ =	shalt  }
0x85: {  	_ =	shalt  }
0x86: {  	_ =	shalt  }
0x87: {  	_ =	shalt  }
.Lfunc_end0:
.L_simem_size_0:
called_computation.2_lowered:
.L_overlay_start_0:
0x88: {  	s2 =	sld [smem:$0x3FD9]  }
0x89: {  	s3 =	sld [smem:$0x3FFE];
	_ =	sdelay $0x1  }
0x8a: {  	s1 =	srdreg.scid  }
0x8b: {  	s0 =	sand.u32 $0x1, s1  }
0x8c: {  	s17 =	sshll.u32 s0, $0xA;
	s2 =	sadd.s32 s3, s2  }
0x8d: {  	s2 =	sadd.s32 s2, s17  }
0x8e: {  	[smem:$0x3FC6] =	sst s2  }
0x8f: {  	_ = 	snop  }
0x90: {  	s2 =	sld [smem:$0x3FD0];
	(tm) =	ssettm $0x1  }
0x91: {  	s18 =	sld [smem:$0x3FFB];
	_ =	sdelay $0x3  }
0x92: {  	_ =	strace s18  }
0x93: {  	s3 =	sld [smem:$0x3FFC];
	_ =	sdelay $0x3  }
0x94: {  	_ =	strace s3  }
0x95: {  	s3 =	sld [smem:$0x3FFD];
	_ =	sdelay $0x3  }
0x96: {  	_ =	strace s3  }
0x97: {  	_ =	strace $0x8FFFFFFF  }
0x98: {  	s19 =	sld [smem:$0x3FDB];
	_ =	sdelay $0x1  }
0x99: {  	s4 =	simm.s32 $_scs_section_size  }
0x9a: {  	s5 =	simm.s32 $_size__tile_overlayer_lowered;
	s6 =	simm.s32 $_tile_overlayer_lowered  }
0x9b: {  	s22 =	simm.s32 $0x1BFF;
	s21 =	sshll.u32 s6, $0x1;
	s3 =	sadd.s32 s4, s19  }
0x9c: {  	s7 =	simm.s32 $0x0;
	s20 =	sshll.u32 s5, $0x1;
	s5 =	sadd.s32 s21, s3  }
0x9d: {  	[timem:s7], [sflag:s22] =	dma.local [hbm:s5], s20  }
0x9e: {  	_ =	swait.ge [sflag:s22], s20  }
0x9f: {  	s4 =	ssub.s32 $0x0, s20;
	[sflag:s22] =	ssyncset.done $0x0  }
0xa0: {  	[sflag:s22] =	ssyncadd.s32 s4;
	_ =	sdelay $0x1  }
0xa1: {  	s23 =	simm.s32 $0x1B8B  }
0xa2: {  	_ =	swait.ge [sflag:s23], $0x1  }
0xa3: {  	[sflag:s23] =	ssyncset.done $0x0  }
0xa4: {  	s25 =	simm.s32 $0x1B8E;
	s24 =	sld [smem:$0x3FFE];
	[sflag:s23] =	ssyncadd.s32 $0xFFFFFFFF  }
0xa5: {  	s26 =	simm.s32 $execute0_lowered;
	[smem:$0x3FD2] =	sst s25  }
0xa6: {  	s5 =	sshll.u32 s26, $0x1;
	_ =	strace $0x8000004C;
	[dreg:$0x1] =	wrdreg $0xFFFFFFFF  }
0xa7: {  	s28 =	simm.s32 $_size_execute0_lowered;
	s3 =	sadd.s32 s3, s5;
	[dreg:$0x0] =	wrdreg $0x0  }
0xa8: {  	s5 =	sshll.u32 s28, $0x1;
	[dreg:$0x2] =	wrdreg s3  }
0xa9: {  	[dreg:$0x3] =	wrdreg s5  }
0xaa: {  	[dreg:$0x4] =	wrdreg $0xC0  }
0xab: {  	_ =	task [dreg:s7], $0x5FFFF  }
0xac: {  	[dreg:$0x1] =	wrdreg $0xFFFFFFFF  }
0xad: {  	[dreg:$0x0] =	wrdreg $0x60  }
0xae: {  	[dreg:$0x2] =	wrdreg s24  }
0xaf: {  	[dreg:$0x3] =	wrdreg s2  }
0xb0: {  	[dreg:$0x4] =	wrdreg $0xC3000  }
0xb1: {  	[dreg:$0x5] =	wrdreg $0x9  }
0xb2: {  	_ =	task.clear_ibuf [dreg:s7], $0x6FFFF;
	_ =	strace $0x9000004C  }
0xb3: {  	s29 =	simm.s32 $0x9;
	_ =	strace $0x8000004E  }
0xb4: {  	_ =	swait.ge [sflag:s29], $0x1  }
0xb5: {  	[sflag:s29] =	ssyncadd.s32 $0xFFFFFFFF  }
0xb6: {  	_ =	strace $0x9000004E  }
0xb7: {  	_ =	sfence  }
0xb8: {  	s30 =	sld [smem:$0x0];
	_ =	sdelay $0x2  }
0xb9: {  	s31 =	sshll.u32 s1, $0xD;
	s1 =	sshrl.u32 s1, $0x2  }
0xba: {  	s3 =	sand.u32 $0x4000, s31;
	s1 =	sadd.s32 s1, s30  }
0xbb: {  	s0 =	sor.u32 s3, s0;
	s1 =	sshll.u32 s1, $0x11  }
0xbc: {  	s0 =	sor.u32 s1, s0  }
0xbd: {  	s0 =	sadd.s32 $0x8F2B, s0  }
0xbe: {  	[sflag:s0] =	ssyncadd.remote.s32 $0x1  }
0xbf: {  	_ =	sfence.sel $0xFFFF  }
0xc0: {  	[dreg:$0x0] =	wrdreg $0xFFFFFFFF;
	(pc) =	sbr.abs _section_cstart, $3  }
0xc1: {  	[dreg:$0x1] =	wrdreg $0xFFFFFFFF  }
0xc2: {  	_ =	task.clear_ibuf [dreg:s7], $0x2FFFF;
	_ =	strace $0x9FFFFFFF  }
0xc3: {  	(tm) =	ssettm $0x7FFFFFFF  }
tec
execute0_lowered:
.L_overlay_start_1:
0x0: {  	(tag) =	ssettag $0x1  }
0x1: {  	s6 =	rddreg [dreg:$0x0]  }
0x2: {  	s7 =	rddreg [dreg:$0x1]  }
0x3: {  	s1 =	rddreg [dreg:$0x2]  }
0x4: {  	s2 =	simm.s32 $0x0;
	s3 =	srdreg.scid;
	s13 =	simm.s32 $0x1  }
0x5: {  	s14 =	simm.s32 $0x80;
	s15 =	simm.s32 $0x300;
	s16 =	simm.s32 $0x2  }
0x6: {  	s17 =	simm.s32 $0x4300;
	s19 =	simm.s32 $0x200;
	s20 =	simm.s32 $0x4  }
0x7: {  	s21 =	simm.s32 $0x3;
	s22 =	simm.s32 $0x8300;
	s23 =	simm.s32 $0x5  }
0x8: {  	s26 =	simm.s32 $0x6;
	s28 =	simm.s32 $0x280;
	s29 =	simm.s32 $0x0  }
0x9: {  	[smem:$0x7FF] =	sst s2;
	s4 =	sadd.s32 $0x11200, s6;
	s8 =	sand.u32 $0x1, s3  }
0xa: {  	s5 =	sadd.s32 $0xEA00, s6;
	s3 =	stileid.u32;
	s9 =	smul.u32 $0x27800, s8  }
0xb: {  	_ =	strace $0x8000004D;
	s10 =	ssub.s32 $0x2, s8;
	s11 =	smul.u32 $0x4F000, s3  }
0xc: {  	s8 =	sshll.u32 s8, $0x4;
	s12 =	sshll.u32 s3, $0x6;
	s25 =	smul.u32 $0x2780, s3  }
0xd: {  	s31 =	sshrl.u32 s10, $0x1;
	s8 =	sor.u32 s3, s8;
	s9 =	sadd.s32 s9, s6  }
0xe: {  	s11 =	sshrl.u32 s11, $0x2;
	s8 =	smul.u32 $0xA80, s8;
	s10 =	ssub.s32 s10, s31  }
0xf: {  	s6 =	sor.u32 $0x1C07, s12;
	s12 =	simm.s32 $0x100;
	s11 =	sadd.s32 s11, s1  }
0x10: {  	s24 =	sadd.s32 $0xAF200, s9;
	s7 =	sadd.s32 s7, s8;
	s8 =	smax.u32 s10, $0x1  }
0x11: {  	s9 =	sshrl.u32 s11, $0x3;
	s10 =	simm.s32 $0x7;
	s24 =	sadd.s32 s25, s24  }
0x12: {  	s25 =	simm.s32 $0x180;
	s11 =	sadd.s32 $0x20, s7;
	s18 =	sadd.s32 $0x40, s7  }
.LBB2_1:
0x13: {  	[spmem:s9], [sflag:s6] =	dma.local [hbm:s5], $0x2780  }
0x14: {  	_ =	swait.ge [sflag:s10], $0x2780  }
0x15: {  	[sflag:s10] =	ssyncset.done $0x0  }
0x16: {  	[sflag:s10] =	ssyncadd.s32 $0xFFFFD880  }
0x17: {  	[bflag:$0x0] =	sbarrier.arrive $0xFFFF  }
0x18: {  	[tilespmem:s2], [sflag:$0x1] =	stream.linear.gather [hbm4b:s7+s2], $0x100, $0x38;
	[tilespmem:$0x1FF00] =	vst v63  }
0x19: {  	_ = 	snop  }
0x1a: {  	[tilespmem:s12], [sflag:$0x2] =	stream.linear.gather [hbm4b:s11+s2], $0x100, $0x38;
	[tilespmem:$0x1FF00] =	vst v63  }
0x1b: {  	_ =	swait.ge [sflag:s13], $0x100  }
0x1c: {  	[sflag:s13] =	ssyncset.done $0x0  }
0x1d: {  	[sflag:s13] =	ssyncadd.s32 $0xFFFFFF00  }
0x1e: {  	[tilespmem:s15], [sflag:$0x4] =	stream.indirect.gather [hbm4b:s4+s14], $0x80, s2, s14, $0xb8;
	[tilespmem:$0x1FF00] =	vst v63  }
0x1f: {  	_ =	swait.ge [sflag:s16], $0x100  }
0x20: {  	[sflag:s16] =	ssyncset.done $0x0  }
0x21: {  	[sflag:s16] =	ssyncadd.s32 $0xFFFFFF00  }
0x22: {  	[tilespmem:s17], [sflag:$0x5] =	stream.indirect.gather [hbm4b:s4+s14], $0x80, s12, s14, $0xb8;
	[tilespmem:$0x1FF00] =	vst v63  }
0x23: {  	_ = 	snop  }
0x24: {  	[tilespmem:s19], [sflag:$0x3] =	stream.linear.gather [hbm4b:s18+s2], $0x100, $0x38;
	[tilespmem:$0x1FF00] =	vst v63  }
0x25: {  	_ =	swait.ge [sflag:s20], $0x4000  }
0x26: {  	[sflag:s20] =	ssyncset.done $0x0  }
0x27: {  	[sflag:s20] =	ssyncadd.s32 $0xFFFFC000  }
0x28: {  	_ =	swait.ge [sflag:s21], $0x100  }
0x29: {  	[sflag:s21] =	ssyncset.done $0x0  }
0x2a: {  	[sflag:s21] =	ssyncadd.s32 $0xFFFFFF00  }
0x2b: {  	[tilespmem:s22], [sflag:$0x6] =	stream.indirect.gather [hbm4b:s4+s14], $0x80, s19, s14, $0xb8;
	[tilespmem:$0x1FF00] =	vst v63  }
0x2c: {  	_ = 	snop  }
0x2d: {  	[spmem:s1] =	stream.indirect.scatter.add.f32 [tilespmem:s15], [sflag:$0x7], $0x80, s14, s14, $0xb8;
	[tilespmem:$0x1FF00] =	vst v63  }
0x2e: {  	_ =	swait.ge [sflag:s10], $0x4000  }
0x2f: {  	s31 =	sadd.s32 $0xFFFFF6A0, s7;
	[sflag:s10] =	ssyncset.done $0x0  }
0x30: {  	s30 =	sadd.s32 $0x9C0, s31;
	[sflag:s10] =	ssyncadd.s32 $0xFFFFC000  }
0x31: {  	[tilespmem:s2], [sflag:$0x1] =	stream.linear.gather [hbm4b:s30+s2], $0x100, $0x38;
	[tilespmem:$0x1FF00] =	vst v63  }
0x32: {  	_ =	swait.ge [sflag:s23], $0x4000  }
0x33: {  	[sflag:s23] =	ssyncset.done $0x0  }
0x34: {  	[sflag:s23] =	ssyncadd.s32 $0xFFFFC000  }
0x35: {  	_ =	swait.ge [sflag:s13], $0x100  }
0x36: {  	[sflag:s13] =	ssyncset.done $0x0  }
0x37: {  	[sflag:s13] =	ssyncadd.s32 $0xFFFFFF00  }
0x38: {  	[tilespmem:s15], [sflag:$0x4] =	stream.indirect.gather [hbm4b:s4+s14], $0x80, s2, s14, $0xb8;
	[tilespmem:$0x1FF00] =	vst v63  }
0x39: {  	_ = 	snop  }
0x3a: {  	[spmem:s1] =	stream.indirect.scatter.add.f32 [tilespmem:s17], [sflag:$0x7], $0x80, s25, s14, $0xb8;
	[tilespmem:$0x1FF00] =	vst v63  }
0x3b: {  	_ =	swait.ge [sflag:s10], $0x4000  }
0x3c: {  	[sflag:s10] =	ssyncset.done $0x0  }
0x3d: {  	s30 =	sadd.s32 $0x9E0, s31;
	[sflag:s10] =	ssyncadd.s32 $0xFFFFC000  }
0x3e: {  	[tilespmem:s12], [sflag:$0x2] =	stream.linear.gather [hbm4b:s30+s2], $0x100, $0x38;
	[tilespmem:$0x1FF00] =	vst v63  }
0x3f: {  	_ =	swait.ge [sflag:s26], $0x4000  }
0x40: {  	[sflag:s26] =	ssyncset.done $0x0  }
0x41: {  	[sflag:s26] =	ssyncadd.s32 $0xFFFFC000  }
0x42: {  	_ =	swait.ge [sflag:s16], $0x100  }
0x43: {  	[sflag:s16] =	ssyncset.done $0x0  }
0x44: {  	[sflag:s16] =	ssyncadd.s32 $0xFFFFFF00  }
0x45: {  	[tilespmem:s17], [sflag:$0x5] =	stream.indirect.gather [hbm4b:s4+s14], $0x80, s12, s14, $0xb8;
	[tilespmem:$0x1FF00] =	vst v63  }
0x46: {  	_ = 	snop  }
0x47: {  	[spmem:s1] =	stream.indirect.scatter.add.f32 [tilespmem:s22], [sflag:$0x7], $0x80, s28, s14, $0xb8;
	[tilespmem:$0x1FF00] =	vst v63  }
0x48: {  	_ =	swait.ge [sflag:s10], $0x4000  }
0x49: {  	[sflag:s10] =	ssyncset.done $0x0  }
0x4a: {  	s31 =	sadd.s32 $0xA00, s31;
	s30 =	simm.s32 $0xFFFFF700;
	[sflag:s10] =	ssyncadd.s32 $0xFFFFC000  }
.LBB2_2:
0x4b: {  	[tilespmem:s19], [sflag:$0x3] =	stream.linear.gather [hbm4b:s31+s2], $0x100, $0x38;
	[tilespmem:$0x1FF00] =	vst v63  }
0x4c: {  	s31 =	smov.u32 s30  }
0x4d: {  	p0 =	sne.s32 s30, $0xFFFFFFA0;
	s30 =	sadd.s32 $0x60, s30;
	_ =	swait.ge [sflag:s20], $0x4000  }
0x4e: {  	[sflag:s20] =	ssyncset.done $0x0  }
0x4f: {  	[sflag:s20] =	ssyncadd.s32 $0xFFFFC000  }
0x50: {  	_ =	swait.ge [sflag:s21], $0x100  }
0x51: {  	[sflag:s21] =	ssyncset.done $0x0  }
0x52: {  	[sflag:s21] =	ssyncadd.s32 $0xFFFFFF00  }
0x53: {  	[tilespmem:s22], [sflag:$0x6] =	stream.indirect.gather [hbm4b:s4+s14], $0x80, s19, s14, $0xb8;
	[tilespmem:$0x1FF00] =	vst v63  }
0x54: {  	_ = 	snop  }
0x55: {  	[spmem:s1] =	stream.indirect.scatter.add.f32 [tilespmem:s15], [sflag:$0x7], $0x80, s14, s14, $0xb8;
	[tilespmem:$0x1FF00] =	vst v63  }
0x56: {  	_ =	swait.ge [sflag:s10], $0x4000  }
0x57: {  	s31 =	sadd.s32 s31, s7;
	[sflag:s10] =	ssyncset.done $0x0  }
0x58: {  	s0 =	sadd.s32 $0x9C0, s31;
	[sflag:s10] =	ssyncadd.s32 $0xFFFFC000  }
0x59: {  	[tilespmem:s2], [sflag:$0x1] =	stream.linear.gather [hbm4b:s0+s2], $0x100, $0x38;
	[tilespmem:$0x1FF00] =	vst v63  }
0x5a: {  	_ =	swait.ge [sflag:s23], $0x4000  }
0x5b: {  	[sflag:s23] =	ssyncset.done $0x0  }
0x5c: {  	[sflag:s23] =	ssyncadd.s32 $0xFFFFC000  }
0x5d: {  	_ =	swait.ge [sflag:s13], $0x100  }
0x5e: {  	[sflag:s13] =	ssyncset.done $0x0  }
0x5f: {  	[sflag:s13] =	ssyncadd.s32 $0xFFFFFF00  }
0x60: {  	[tilespmem:s15], [sflag:$0x4] =	stream.indirect.gather [hbm4b:s4+s14], $0x80, s2, s14, $0xb8;
	[tilespmem:$0x1FF00] =	vst v63  }
0x61: {  	_ = 	snop  }
0x62: {  	[spmem:s1] =	stream.indirect.scatter.add.f32 [tilespmem:s17], [sflag:$0x7], $0x80, s25, s14, $0xb8;
	[tilespmem:$0x1FF00] =	vst v63  }
0x63: {  	_ =	swait.ge [sflag:s10], $0x4000  }
0x64: {  	[sflag:s10] =	ssyncset.done $0x0  }
0x65: {  	s0 =	sadd.s32 $0x9E0, s31;
	[sflag:s10] =	ssyncadd.s32 $0xFFFFC000  }
0x66: {  	[tilespmem:s12], [sflag:$0x2] =	stream.linear.gather [hbm4b:s0+s2], $0x100, $0x38;
	[tilespmem:$0x1FF00] =	vst v63  }
0x67: {  	_ =	swait.ge [sflag:s26], $0x4000  }
0x68: {  	[sflag:s26] =	ssyncset.done $0x0  }
0x69: {  	[sflag:s26] =	ssyncadd.s32 $0xFFFFC000  }
0x6a: {  	_ =	swait.ge [sflag:s16], $0x100  }
0x6b: {  	[sflag:s16] =	ssyncset.done $0x0  }
0x6c: {  	[sflag:s16] =	ssyncadd.s32 $0xFFFFFF00  }
0x6d: {  	[tilespmem:s17], [sflag:$0x5] =	stream.indirect.gather [hbm4b:s4+s14], $0x80, s12, s14, $0xb8;
	[tilespmem:$0x1FF00] =	vst v63  }
.Ltmp0:
0x6e: {  	(pc) =	sbr.rel @p0 .LBB2_2-.Ltmp0, $4  }
0x6f: {  	[spmem:s1] =	stream.indirect.scatter.add.f32 [tilespmem:s22], [sflag:$0x7], $0x80, s28, s14, $0xb8;
	[tilespmem:$0x1FF00] =	vst v63  }
0x70: {  	_ =	swait.ge [sflag:s10], $0x4000  }
0x71: {  	[sflag:s10] =	ssyncset.done $0x0  }
0x72: {  	s31 =	sadd.s32 $0xA00, s31;
	[sflag:s10] =	ssyncadd.s32 $0xFFFFC000  }
0x73: {  	[tilespmem:s19], [sflag:$0x3] =	stream.linear.gather [hbm4b:s31+s2], $0x100, $0x38;
	[tilespmem:$0x1FF00] =	vst v63  }
0x74: {  	_ =	swait.ge [sflag:s20], $0x4000  }
0x75: {  	[sflag:s20] =	ssyncset.done $0x0  }
0x76: {  	[sflag:s20] =	ssyncadd.s32 $0xFFFFC000  }
0x77: {  	_ =	swait.ge [sflag:s21], $0x100  }
0x78: {  	[sflag:s21] =	ssyncset.done $0x0  }
0x79: {  	[sflag:s21] =	ssyncadd.s32 $0xFFFFFF00  }
0x7a: {  	[tilespmem:s22], [sflag:$0x6] =	stream.indirect.gather [hbm4b:s4+s14], $0x80, s19, s14, $0xb8;
	[tilespmem:$0x1FF00] =	vst v63  }
0x7b: {  	_ = 	snop  }
0x7c: {  	[spmem:s1] =	stream.indirect.scatter.add.f32 [tilespmem:s15], [sflag:$0x7], $0x80, s14, s14, $0xb8;
	[tilespmem:$0x1FF00] =	vst v63  }
0x7d: {  	_ =	swait.ge [sflag:s10], $0x4000  }
0x7e: {  	[sflag:s10] =	ssyncset.done $0x0  }
0x7f: {  	s0 =	sadd.s32 $0x9C0, s7;
	[sflag:s10] =	ssyncadd.s32 $0xFFFFC000  }
0x80: {  	[tilespmem:s2], [sflag:$0x1] =	stream.linear.gather [hbm4b:s0+s2], $0x100, $0x38;
	[tilespmem:$0x1FF00] =	vst v63  }
0x81: {  	_ =	swait.ge [sflag:s23], $0x4000  }
0x82: {  	[sflag:s23] =	ssyncset.done $0x0  }
0x83: {  	[sflag:s23] =	ssyncadd.s32 $0xFFFFC000  }
0x84: {  	_ =	swait.ge [sflag:s13], $0x100  }
0x85: {  	[sflag:s13] =	ssyncset.done $0x0  }
0x86: {  	[sflag:s13] =	ssyncadd.s32 $0xFFFFFF00  }
0x87: {  	[tilespmem:s15], [sflag:$0x4] =	stream.indirect.gather [hbm4b:s4+s14], $0x80, s2, s14, $0xb8;
	[tilespmem:$0x1FF00] =	vst v63  }
0x88: {  	_ = 	snop  }
0x89: {  	[spmem:s1] =	stream.indirect.scatter.add.f32 [tilespmem:s17], [sflag:$0x7], $0x80, s25, s14, $0xb8;
	[tilespmem:$0x1FF00] =	vst v63  }
0x8a: {  	_ =	swait.ge [sflag:s10], $0x4000  }
0x8b: {  	[sflag:s10] =	ssyncset.done $0x0  }
0x8c: {  	s31 =	sadd.s32 $0x9E0, s7;
	[sflag:s10] =	ssyncadd.s32 $0xFFFFC000  }
0x8d: {  	[tilespmem:s12], [sflag:$0x2] =	stream.linear.gather [hbm4b:s31+s2], $0x100, $0x38;
	[tilespmem:$0x1FF00] =	vst v63  }
0x8e: {  	_ =	swait.ge [sflag:s26], $0x4000  }
0x8f: {  	[sflag:s26] =	ssyncset.done $0x0  }
0x90: {  	[sflag:s26] =	ssyncadd.s32 $0xFFFFC000  }
0x91: {  	_ =	swait.ge [sflag:s16], $0x100  }
0x92: {  	[sflag:s16] =	ssyncset.done $0x0  }
0x93: {  	[sflag:s16] =	ssyncadd.s32 $0xFFFFFF00  }
0x94: {  	[tilespmem:s17], [sflag:$0x5] =	stream.indirect.gather [hbm4b:s4+s14], $0x80, s12, s14, $0xb8;
	[tilespmem:$0x1FF00] =	vst v63  }
0x95: {  	_ = 	snop  }
0x96: {  	[spmem:s1] =	stream.indirect.scatter.add.f32 [tilespmem:s22], [sflag:$0x7], $0x80, s28, s14, $0xb8;
	[tilespmem:$0x1FF00] =	vst v63  }
0x97: {  	_ =	swait.ge [sflag:s10], $0x4000  }
0x98: {  	[sflag:s10] =	ssyncset.done $0x0  }
0x99: {  	[sflag:s10] =	ssyncadd.s32 $0xFFFFC000  }
0x9a: {  	_ =	swait.ge [sflag:s20], $0x4000  }
0x9b: {  	[sflag:s20] =	ssyncset.done $0x0  }
0x9c: {  	[sflag:s20] =	ssyncadd.s32 $0xFFFFC000  }
0x9d: {  	[spmem:s1] =	stream.indirect.scatter.add.f32 [tilespmem:s15], [sflag:$0x7], $0x80, s14, s14, $0xb8;
	[tilespmem:$0x1FF00] =	vst v63  }
0x9e: {  	_ =	swait.ge [sflag:s10], $0x4000  }
0x9f: {  	[sflag:s10] =	ssyncset.done $0x0  }
0xa0: {  	[sflag:s10] =	ssyncadd.s32 $0xFFFFC000  }
0xa1: {  	_ =	swait.ge [sflag:s23], $0x4000  }
0xa2: {  	[sflag:s23] =	ssyncset.done $0x0  }
0xa3: {  	[sflag:s23] =	ssyncadd.s32 $0xFFFFC000  }
0xa4: {  	[spmem:s1] =	stream.indirect.scatter.add.f32 [tilespmem:s17], [sflag:$0x7], $0x80, s25, s14, $0xb8;
	[tilespmem:$0x1FF00] =	vst v63  }
0xa5: {  	_ =	swait.ge [sflag:s10], $0x4000  }
0xa6: {  	s29 =	sadd.s32 $0x1, s29;
	[sflag:s10] =	ssyncset.done $0x0  }
0xa7: {  	p0 =	sne.s32 s29, s8;
	[sflag:s10] =	ssyncadd.s32 $0xFFFFC000  }
.Ltmp1:
0xa8: {  	[bflag:$0x0] =	sbarrier.arrive $0xFFFF;
	(pc) =	sbr.rel @p0 .LBB2_1-.Ltmp1, $4  }
0xa9: {  	[hbm:s24], [sflag:s6] =	dma.local [spmem:s9], $0x2780  }
0xaa: {  	_ =	swait.ge [sflag:s10], $0x2780  }
0xab: {  	[sflag:s10] =	ssyncset.done $0x0  }
0xac: {  	[sflag:s10] =	ssyncadd.s32 $0xFFFFD880  }
0xad: {  	_ =	sfence.sel $0x180000  }
0xae: {  	[bflag:$0x0] =	sbarrier.arrive $0xFFFF  }
0xaf: {  	_ =	strace $0x9000004D  }
0xb0: {  	[bflag:$0x2] =	sbarrier.arrive $0xFFFF  }
0xb1: {  	p0 =	sne.s32 s3, $0x0;
	s0 =	rddreg [dreg:$0x3]  }
0xb2: {  	s0 =	sadd.s32 @!p0 $0x100000, s0  }
0xb3: {  	[sflag:s0] =	ssyncadd.tile.s32 @!p0 $0x1;
	_ =	shalt  }
.Lfunc_end2:
_tile_overlayer_lowered:
.L_overlay_start_2:
0xb4: {  	(tag) =	ssettag $0x2  }
0xb5: {  	s0 =	rddreg [dreg:$0x0];
	s2 =	stileid.u32  }
0xb6: {  	s1 =	rddreg [dreg:$0x1];
	p0 =	sne.s32 s2, $0x0  }
0xb7: {  	s3 =	rddreg [dreg:$0x2];
	[bflag:$0x3] =	sbarrier.arrive $0xFFFF;
	s2 =	simm.s32 @!p0 $0x1C07  }
0xb8: {  	[timem:s3], [sflag:s2] =	dma.local @!p0 [hbm:s0], s1  }
0xb9: {  	s0 =	simm.s32 @!p0 $0x7  }
0xba: {  	_ =	swait.ge @!p0 [sflag:s0], s1  }
0xbb: {  	s1 =	ssub.s32 @!p0 $0x0, s1;
	[sflag:s0] =	ssyncset.done @!p0 $0x0  }
0xbc: {  	[sflag:s0] =	ssyncadd.s32 @!p0 s1  }
0xbd: {  	[bflag:$0x3] =	sbarrier.arrive $0xFFFF  }
0xbe: {  	_ =	shalt  }

// kernel: kernel.21.cloned.1.call-start
scs
__scs_entry_jumppad:
0x0: {  	(pc) =	sbr.rel $0x88, $3  }
0x1: {  	(tag) =	ssettag $0x0;
	lr =	simm.s32 $0x1  }
0x2: {  	[smem:$0x3F9F] =	sst lr;
	_ =	strace $0xD0000000  }
0x3: {  	_ = 	snop  }
0x4: {  	_ = 	snop  }
0x5: {  	_ = 	snop  }
0x6: {  	_ = 	snop  }
0x7: {  	_ = 	snop  }
__scs_overlays_trampoline_lowered:
0x8: {  	[smem:$0x3FAE] =	sst s0  }
0x9: {  	[smem:$0x3FAF] =	sst s1  }
0xa: {  	[smem:$0x3FB0] =	sst s2  }
0xb: {  	[smem:$0x3FB1] =	sst s3  }
0xc: {  	[smem:$0x3FB2] =	sst s4  }
0xd: {  	[smem:$0x3FB3] =	sst s5  }
0xe: {  	[smem:$0x3FB4] =	sst s6  }
0xf: {  	[smem:$0x3FB5] =	sst s7  }
0x10: {  	[smem:$0x3FB6] =	sst s8  }
0x11: {  	[smem:$0x3FB7] =	sst s9;
	s0 =	simm.s32 @!p0 $0x0  }
0x12: {  	s1 =	sld [smem:$0x3F9D];
	s0 =	simm.s32 @p0 $0x1  }
0x13: {  	[smem:$0x3FB8] =	sst s0;
	s0 =	simm.s32 @!p1 $0x0  }
0x14: {  	s2 =	sld [smem:$0x3F9C];
	s0 =	simm.s32 @p1 $0x1  }
0x15: {  	[smem:$0x3FB9] =	sst s0;
	s0 =	simm.s32 @!p2 $0x0  }
0x16: {  	s3 =	sld [smem:$0x3FDB];
	s0 =	simm.s32 @p2 $0x1  }
0x17: {  	s4 =	simm.s32 $0x1BF5;
	[smem:$0x3FBB] =	sst s0  }
0x18: {  	s0 =	sld [smem:$0x3F9E];
	_ =	swait.ge [sflag:s4], $0x0  }
0x19: {  	s7 =	sld [smem:$0x3F9F]  }
0x1a: {  	s8 =	sadd.s32 $0xFFFFE003, lr  }
0x1b: {  	s9 =	sadd.s32 $0xFFFFFEF7, lr;
	s5 =	simm.s32 $0xFFFFFFFF;
	p2 =	slt.u32 s8, $0xFFFFF086  }
0x1c: {  	p1 =	slt.u32 s9, $0xF7A;
	s5 =	simm.s32 @!p2 $0x0  }
0x1d: {  	s5 =	simm.s32 @p1 $0x1;
	p0 =	seq.s32 s7, s2  }
0x1e: {  	s7 =	smul.u32 @!p0 $0xF7A, s2;
	p2 =	seq.s32 @!p0 s5, $0x0  }
0x1f: {  	s9 =	smul.u32 $0xF7A, s1;
	s8 =	simm.s32 @!p0 $0x1BF5;
	p2 =	por !p2, p0  }
0x20: {  	[sflag:s8] =	ssyncset.s32 @!p0 $0xFFFFF086;
	s6 =	sadd.s32 @!p0 s3, s7;
	s7 =	simm.s32 @!p0 $0x108  }
0x21: {  	s3 =	sadd.s32 s3, s9;
	s6 =	sadd.s32 @!p0 $0x88, s6;
	s7 =	simm.s32 @p2 $0x1082  }
0x22: {  	[simem:s7], [sflag:s8] =	dma.local @!p0 [hbm:s6], $0xF7A  }
0x23: {  	s9 =	sor.u32 $0xD0000000, s2;
	s6 =	simm.s32 $0x108;
	_ =	swait.ge @!p0 [sflag:s8], $0x0  }
0x24: {  	s3 =	sadd.s32 $0x88, s3;
	s6 =	simm.s32 @!p1 $0x1082;
	[sflag:s4] =	ssyncset.s32 $0xFFFFF086  }
0x25: {  	[simem:s6], [sflag:s4] =	dma.local [hbm:s3], $0xF7A  }
0x26: {  	[smem:$0x3F9F] =	sst s1;
	(tag) =	ssettag s2;
	_ =	strace s9  }
0x27: {  	s1 =	sld [smem:$0x3FAF]  }
0x28: {  	s2 =	sld [smem:$0x3FB0]  }
0x29: {  	s4 =	sld [smem:$0x3FB2]  }
0x2a: {  	p0 =	seq.s32 s5, $0x0;
	s5 =	sld [smem:$0x3FB3]  }
0x2b: {  	s6 =	sld [smem:$0x3FB4]  }
0x2c: {  	s7 =	sld [smem:$0x3FB5]  }
0x2d: {  	s3 =	simm.s32 $0x108;
	s8 =	sld [smem:$0x3FB6]  }
0x2e: {  	s3 =	simm.s32 @!p0 $0x1082;
	s9 =	sld [smem:$0x3FB7]  }
0x2f: {  	lr =	sadd.s32 s0, s3;
	s0 =	sld [smem:$0x3FAE]  }
0x30: {  	s3 =	sld [smem:$0x3FB1]  }
0x31: {  	[smem:$0x3FBA] =	sst s10  }
0x32: {  	s10 =	sld [smem:$0x3FB8];
	_ =	sdelay $0x3  }
0x33: {  	p0 =	seq.s32 s10, $0x1;
	s10 =	sld [smem:$0x3FBA];
	_ =	sdelay $0x3  }
0x34: {  	[smem:$0x3FBA] =	sst s10  }
0x35: {  	s10 =	sld [smem:$0x3FB9];
	_ =	sdelay $0x3  }
0x36: {  	p1 =	seq.s32 s10, $0x1;
	s10 =	sld [smem:$0x3FBA];
	_ =	sdelay $0x3  }
0x37: {  	[smem:$0x3FBA] =	sst s10  }
0x38: {  	s10 =	sld [smem:$0x3FBB]  }
0x39: {  	_ = 	snop;
	(pc) =	sbr.ind lr, $3  }
0x3a: {  	_ = 	snop  }
0x3b: {  	_ = 	snop  }
0x3c: {  	p2 =	seq.s32 s10, $0x1;
	s10 =	sld [smem:$0x3FBA]  }
0x3d: {  	_ =	shalt  }
0x3e: {  	_ =	shalt  }
0x3f: {  	_ =	shalt  }
0x40: {  	_ =	shalt  }
0x41: {  	_ =	shalt  }
0x42: {  	_ =	shalt  }
0x43: {  	_ =	shalt  }
0x44: {  	_ =	shalt  }
0x45: {  	_ =	shalt  }
0x46: {  	_ =	shalt  }
0x47: {  	_ =	shalt  }
0x48: {  	_ =	shalt  }
0x49: {  	_ =	shalt  }
0x4a: {  	_ =	shalt  }
0x4b: {  	_ =	shalt  }
0x4c: {  	_ =	shalt  }
0x4d: {  	_ =	shalt  }
0x4e: {  	_ =	shalt  }
0x4f: {  	_ =	shalt  }
0x50: {  	_ =	shalt  }
0x51: {  	_ =	shalt  }
0x52: {  	_ =	shalt  }
0x53: {  	_ =	shalt  }
0x54: {  	_ =	shalt  }
0x55: {  	_ =	shalt  }
0x56: {  	_ =	shalt  }
0x57: {  	_ =	shalt  }
0x58: {  	_ =	shalt  }
0x59: {  	_ =	shalt  }
0x5a: {  	_ =	shalt  }
0x5b: {  	_ =	shalt  }
0x5c: {  	_ =	shalt  }
0x5d: {  	_ =	shalt  }
0x5e: {  	_ =	shalt  }
0x5f: {  	_ =	shalt  }
0x60: {  	_ =	shalt  }
0x61: {  	_ =	shalt  }
0x62: {  	_ =	shalt  }
0x63: {  	_ =	shalt  }
0x64: {  	_ =	shalt  }
0x65: {  	_ =	shalt  }
0x66: {  	_ =	shalt  }
0x67: {  	_ =	shalt  }
0x68: {  	_ =	shalt  }
0x69: {  	_ =	shalt  }
0x6a: {  	_ =	shalt  }
0x6b: {  	_ =	shalt  }
0x6c: {  	_ =	shalt  }
0x6d: {  	_ =	shalt  }
0x6e: {  	_ =	shalt  }
0x6f: {  	_ =	shalt  }
0x70: {  	_ =	shalt  }
0x71: {  	_ =	shalt  }
0x72: {  	_ =	shalt  }
0x73: {  	_ =	shalt  }
0x74: {  	_ =	shalt  }
0x75: {  	_ =	shalt  }
0x76: {  	_ =	shalt  }
0x77: {  	_ =	shalt  }
0x78: {  	_ =	shalt  }
0x79: {  	_ =	shalt  }
0x7a: {  	_ =	shalt  }
0x7b: {  	_ =	shalt  }
0x7c: {  	_ =	shalt  }
0x7d: {  	_ =	shalt  }
0x7e: {  	_ =	shalt  }
0x7f: {  	_ =	shalt  }
0x80: {  	_ =	shalt  }
0x81: {  	_ =	shalt  }
0x82: {  	_ =	shalt  }
0x83: {  	_ =	shalt  }
0x84: {  	_ =	shalt  }
0x85: {  	_ =	shalt  }
0x86: {  	_ =	shalt  }
0x87: {  	_ =	shalt  }
.Lfunc_end0:
.L_simem_size_0:
called_computation.3_lowered:
.L_overlay_start_0:
0x88: {  	s2 =	sld [smem:$0x3FD9]  }
0x89: {  	s3 =	sld [smem:$0x3FFE];
	_ =	sdelay $0x1  }
0x8a: {  	s1 =	srdreg.scid  }
0x8b: {  	s0 =	sand.u32 $0x1, s1  }
0x8c: {  	s17 =	sshll.u32 s0, $0xA;
	s2 =	sadd.s32 s3, s2  }
0x8d: {  	s2 =	sadd.s32 s2, s17  }
0x8e: {  	[smem:$0x3FC6] =	sst s2  }
0x8f: {  	_ = 	snop  }
0x90: {  	s2 =	sld [smem:$0x3FD0];
	(tm) =	ssettm $0x1  }
0x91: {  	s18 =	sld [smem:$0x3FFB];
	_ =	sdelay $0x3  }
0x92: {  	_ =	strace s18  }
0x93: {  	s3 =	sld [smem:$0x3FFC];
	_ =	sdelay $0x3  }
0x94: {  	_ =	strace s3  }
0x95: {  	s3 =	sld [smem:$0x3FFD];
	_ =	sdelay $0x3  }
0x96: {  	_ =	strace s3  }
0x97: {  	_ =	strace $0x8FFFFFFF  }
0x98: {  	s19 =	sld [smem:$0x3FDB];
	_ =	sdelay $0x1  }
0x99: {  	s4 =	simm.s32 $_scs_section_size  }
0x9a: {  	s5 =	simm.s32 $_size__tile_overlayer_lowered;
	s6 =	simm.s32 $_tile_overlayer_lowered  }
0x9b: {  	s22 =	simm.s32 $0x1BFF;
	s21 =	sshll.u32 s6, $0x1;
	s3 =	sadd.s32 s4, s19  }
0x9c: {  	s7 =	simm.s32 $0x0;
	s20 =	sshll.u32 s5, $0x1;
	s5 =	sadd.s32 s21, s3  }
0x9d: {  	[timem:s7], [sflag:s22] =	dma.local [hbm:s5], s20  }
0x9e: {  	_ =	swait.ge [sflag:s22], s20  }
0x9f: {  	s4 =	ssub.s32 $0x0, s20;
	[sflag:s22] =	ssyncset.done $0x0  }
0xa0: {  	[sflag:s22] =	ssyncadd.s32 s4;
	_ =	sdelay $0x1  }
0xa1: {  	s23 =	simm.s32 $0x1B8B  }
0xa2: {  	_ =	swait.ge [sflag:s23], $0x1  }
0xa3: {  	[sflag:s23] =	ssyncset.done $0x0  }
0xa4: {  	s25 =	simm.s32 $0x1B8E;
	s24 =	sld [smem:$0x3FFE];
	[sflag:s23] =	ssyncadd.s32 $0xFFFFFFFF  }
0xa5: {  	s26 =	simm.s32 $execute0_lowered;
	[smem:$0x3FD2] =	sst s25  }
0xa6: {  	s5 =	sshll.u32 s26, $0x1;
	_ =	strace $0x8000004F;
	[dreg:$0x1] =	wrdreg $0xFFFFFFFF  }
0xa7: {  	s28 =	simm.s32 $_size_execute0_lowered;
	s3 =	sadd.s32 s3, s5;
	[dreg:$0x0] =	wrdreg $0x0  }
0xa8: {  	s5 =	sshll.u32 s28, $0x1;
	[dreg:$0x2] =	wrdreg s3  }
0xa9: {  	[dreg:$0x3] =	wrdreg s5  }
0xaa: {  	[dreg:$0x4] =	wrdreg $0xC0  }
0xab: {  	_ =	task [dreg:s7], $0x5FFFF  }
0xac: {  	[dreg:$0x1] =	wrdreg $0xFFFFFFFF  }
0xad: {  	[dreg:$0x0] =	wrdreg $0x60  }
0xae: {  	[dreg:$0x2] =	wrdreg s24  }
0xaf: {  	[dreg:$0x3] =	wrdreg s2  }
0xb0: {  	[dreg:$0x4] =	wrdreg $0xC3000  }
0xb1: {  	[dreg:$0x5] =	wrdreg $0x9  }
0xb2: {  	_ =	task.clear_ibuf [dreg:s7], $0x6FFFF;
	_ =	strace $0x9000004F  }
0xb3: {  	s29 =	simm.s32 $0x9;
	_ =	strace $0x80000051  }
0xb4: {  	_ =	swait.ge [sflag:s29], $0x1  }
0xb5: {  	[sflag:s29] =	ssyncadd.s32 $0xFFFFFFFF  }
0xb6: {  	_ =	strace $0x90000051  }
0xb7: {  	_ =	sfence  }
0xb8: {  	s30 =	sld [smem:$0x0];
	_ =	sdelay $0x2  }
0xb9: {  	s31 =	sshll.u32 s1, $0xD;
	s1 =	sshrl.u32 s1, $0x2  }
0xba: {  	s3 =	sand.u32 $0x4000, s31;
	s1 =	sadd.s32 s1, s30  }
0xbb: {  	s0 =	sor.u32 s3, s0;
	s1 =	sshll.u32 s1, $0x11  }
0xbc: {  	s0 =	sor.u32 s1, s0  }
0xbd: {  	s0 =	sadd.s32 $0x8F2B, s0  }
0xbe: {  	[sflag:s0] =	ssyncadd.remote.s32 $0x1  }
0xbf: {  	_ =	sfence.sel $0xFFFF  }
0xc0: {  	[dreg:$0x0] =	wrdreg $0xFFFFFFFF;
	(pc) =	sbr.abs _section_cstart, $3  }
0xc1: {  	[dreg:$0x1] =	wrdreg $0xFFFFFFFF  }
0xc2: {  	_ =	task.clear_ibuf [dreg:s7], $0x2FFFF;
	_ =	strace $0x9FFFFFFF  }
0xc3: {  	(tm) =	ssettm $0x7FFFFFFF  }
tec
execute0_lowered:
.L_overlay_start_1:
0x0: {  	(tag) =	ssettag $0x1  }
0x1: {  	s6 =	rddreg [dreg:$0x0]  }
0x2: {  	s7 =	rddreg [dreg:$0x1]  }
0x3: {  	s1 =	rddreg [dreg:$0x2]  }
0x4: {  	s2 =	simm.s32 $0x0;
	s3 =	srdreg.scid;
	s13 =	simm.s32 $0x1  }
0x5: {  	s14 =	simm.s32 $0x80;
	s15 =	simm.s32 $0x300;
	s16 =	simm.s32 $0x2  }
0x6: {  	s17 =	simm.s32 $0x4300;
	s19 =	simm.s32 $0x200;
	s20 =	simm.s32 $0x4  }
0x7: {  	s21 =	simm.s32 $0x3;
	s22 =	simm.s32 $0x8300;
	s23 =	simm.s32 $0x5  }
0x8: {  	s26 =	simm.s32 $0x6;
	s28 =	simm.s32 $0x280;
	s29 =	simm.s32 $0x0  }
0x9: {  	[smem:$0x7FF] =	sst s2;
	s4 =	sadd.s32 $0x11200, s6;
	s8 =	sand.u32 $0x1, s3  }
0xa: {  	s5 =	sadd.s32 $0xEA00, s6;
	s3 =	stileid.u32;
	s9 =	smul.u32 $0x27800, s8  }
0xb: {  	_ =	strace $0x80000050;
	s10 =	ssub.s32 $0x2, s8;
	s11 =	smul.u32 $0x4F000, s3  }
0xc: {  	s8 =	sshll.u32 s8, $0x4;
	s12 =	sshll.u32 s3, $0x6;
	s25 =	smul.u32 $0x2780, s3  }
0xd: {  	s31 =	sshrl.u32 s10, $0x1;
	s8 =	sor.u32 s3, s8;
	s9 =	sadd.s32 s9, s6  }
0xe: {  	s11 =	sshrl.u32 s11, $0x2;
	s8 =	smul.u32 $0xA80, s8;
	s10 =	ssub.s32 s10, s31  }
0xf: {  	s6 =	sor.u32 $0x1C07, s12;
	s12 =	simm.s32 $0x100;
	s11 =	sadd.s32 s11, s1  }
0x10: {  	s24 =	sadd.s32 $0xAF200, s9;
	s7 =	sadd.s32 s7, s8;
	s8 =	smax.u32 s10, $0x1  }
0x11: {  	s9 =	sshrl.u32 s11, $0x3;
	s10 =	simm.s32 $0x7;
	s24 =	sadd.s32 s25, s24  }
0x12: {  	s25 =	simm.s32 $0x180;
	s11 =	sadd.s32 $0x20, s7;
	s18 =	sadd.s32 $0x40, s7  }
.LBB2_1:
0x13: {  	[spmem:s9], [sflag:s6] =	dma.local [hbm:s5], $0x2780  }
0x14: {  	_ =	swait.ge [sflag:s10], $0x2780  }
0x15: {  	[sflag:s10] =	ssyncset.done $0x0  }
0x16: {  	[sflag:s10] =	ssyncadd.s32 $0xFFFFD880  }
0x17: {  	[bflag:$0x0] =	sbarrier.arrive $0xFFFF  }
0x18: {  	[tilespmem:s2], [sflag:$0x1] =	stream.linear.gather [hbm4b:s7+s2], $0x100, $0x38;
	[tilespmem:$0x1FF00] =	vst v63  }
0x19: {  	_ = 	snop  }
0x1a: {  	[tilespmem:s12], [sflag:$0x2] =	stream.linear.gather [hbm4b:s11+s2], $0x100, $0x38;
	[tilespmem:$0x1FF00] =	vst v63  }
0x1b: {  	_ =	swait.ge [sflag:s13], $0x100  }
0x1c: {  	[sflag:s13] =	ssyncset.done $0x0  }
0x1d: {  	[sflag:s13] =	ssyncadd.s32 $0xFFFFFF00  }
0x1e: {  	[tilespmem:s15], [sflag:$0x4] =	stream.indirect.gather [hbm4b:s4+s14], $0x80, s2, s14, $0xb8;
	[tilespmem:$0x1FF00] =	vst v63  }
0x1f: {  	_ =	swait.ge [sflag:s16], $0x100  }
0x20: {  	[sflag:s16] =	ssyncset.done $0x0  }
0x21: {  	[sflag:s16] =	ssyncadd.s32 $0xFFFFFF00  }
0x22: {  	[tilespmem:s17], [sflag:$0x5] =	stream.indirect.gather [hbm4b:s4+s14], $0x80, s12, s14, $0xb8;
	[tilespmem:$0x1FF00] =	vst v63  }
0x23: {  	_ = 	snop  }
0x24: {  	[tilespmem:s19], [sflag:$0x3] =	stream.linear.gather [hbm4b:s18+s2], $0x100, $0x38;
	[tilespmem:$0x1FF00] =	vst v63  }
0x25: {  	_ =	swait.ge [sflag:s20], $0x4000  }
0x26: {  	[sflag:s20] =	ssyncset.done $0x0  }
0x27: {  	[sflag:s20] =	ssyncadd.s32 $0xFFFFC000  }
0x28: {  	_ =	swait.ge [sflag:s21], $0x100  }
0x29: {  	[sflag:s21] =	ssyncset.done $0x0  }
0x2a: {  	[sflag:s21] =	ssyncadd.s32 $0xFFFFFF00  }
0x2b: {  	[tilespmem:s22], [sflag:$0x6] =	stream.indirect.gather [hbm4b:s4+s14], $0x80, s19, s14, $0xb8;
	[tilespmem:$0x1FF00] =	vst v63  }
0x2c: {  	_ = 	snop  }
0x2d: {  	[spmem:s1] =	stream.indirect.scatter.add.f32 [tilespmem:s15], [sflag:$0x7], $0x80, s14, s14, $0xb8;
	[tilespmem:$0x1FF00] =	vst v63  }
0x2e: {  	_ =	swait.ge [sflag:s10], $0x4000  }
0x2f: {  	s31 =	sadd.s32 $0xFFFFF6A0, s7;
	[sflag:s10] =	ssyncset.done $0x0  }
0x30: {  	s30 =	sadd.s32 $0x9C0, s31;
	[sflag:s10] =	ssyncadd.s32 $0xFFFFC000  }
0x31: {  	[tilespmem:s2], [sflag:$0x1] =	stream.linear.gather [hbm4b:s30+s2], $0x100, $0x38;
	[tilespmem:$0x1FF00] =	vst v63  }
0x32: {  	_ =	swait.ge [sflag:s23], $0x4000  }
0x33: {  	[sflag:s23] =	ssyncset.done $0x0  }
0x34: {  	[sflag:s23] =	ssyncadd.s32 $0xFFFFC000  }
0x35: {  	_ =	swait.ge [sflag:s13], $0x100  }
0x36: {  	[sflag:s13] =	ssyncset.done $0x0  }
0x37: {  	[sflag:s13] =	ssyncadd.s32 $0xFFFFFF00  }
0x38: {  	[tilespmem:s15], [sflag:$0x4] =	stream.indirect.gather [hbm4b:s4+s14], $0x80, s2, s14, $0xb8;
	[tilespmem:$0x1FF00] =	vst v63  }
0x39: {  	_ = 	snop  }
0x3a: {  	[spmem:s1] =	stream.indirect.scatter.add.f32 [tilespmem:s17], [sflag:$0x7], $0x80, s25, s14, $0xb8;
	[tilespmem:$0x1FF00] =	vst v63  }
0x3b: {  	_ =	swait.ge [sflag:s10], $0x4000  }
0x3c: {  	[sflag:s10] =	ssyncset.done $0x0  }
0x3d: {  	s30 =	sadd.s32 $0x9E0, s31;
	[sflag:s10] =	ssyncadd.s32 $0xFFFFC000  }
0x3e: {  	[tilespmem:s12], [sflag:$0x2] =	stream.linear.gather [hbm4b:s30+s2], $0x100, $0x38;
	[tilespmem:$0x1FF00] =	vst v63  }
0x3f: {  	_ =	swait.ge [sflag:s26], $0x4000  }
0x40: {  	[sflag:s26] =	ssyncset.done $0x0  }
0x41: {  	[sflag:s26] =	ssyncadd.s32 $0xFFFFC000  }
0x42: {  	_ =	swait.ge [sflag:s16], $0x100  }
0x43: {  	[sflag:s16] =	ssyncset.done $0x0  }
0x44: {  	[sflag:s16] =	ssyncadd.s32 $0xFFFFFF00  }
0x45: {  	[tilespmem:s17], [sflag:$0x5] =	stream.indirect.gather [hbm4b:s4+s14], $0x80, s12, s14, $0xb8;
	[tilespmem:$0x1FF00] =	vst v63  }
0x46: {  	_ = 	snop  }
0x47: {  	[spmem:s1] =	stream.indirect.scatter.add.f32 [tilespmem:s22], [sflag:$0x7], $0x80, s28, s14, $0xb8;
	[tilespmem:$0x1FF00] =	vst v63  }
0x48: {  	_ =	swait.ge [sflag:s10], $0x4000  }
0x49: {  	[sflag:s10] =	ssyncset.done $0x0  }
0x4a: {  	s31 =	sadd.s32 $0xA00, s31;
	s30 =	simm.s32 $0xFFFFF700;
	[sflag:s10] =	ssyncadd.s32 $0xFFFFC000  }
.LBB2_2:
0x4b: {  	[tilespmem:s19], [sflag:$0x3] =	stream.linear.gather [hbm4b:s31+s2], $0x100, $0x38;
	[tilespmem:$0x1FF00] =	vst v63  }
0x4c: {  	s31 =	smov.u32 s30  }
0x4d: {  	p0 =	sne.s32 s30, $0xFFFFFFA0;
	s30 =	sadd.s32 $0x60, s30;
	_ =	swait.ge [sflag:s20], $0x4000  }
0x4e: {  	[sflag:s20] =	ssyncset.done $0x0  }
0x4f: {  	[sflag:s20] =	ssyncadd.s32 $0xFFFFC000  }
0x50: {  	_ =	swait.ge [sflag:s21], $0x100  }
0x51: {  	[sflag:s21] =	ssyncset.done $0x0  }
0x52: {  	[sflag:s21] =	ssyncadd.s32 $0xFFFFFF00  }
0x53: {  	[tilespmem:s22], [sflag:$0x6] =	stream.indirect.gather [hbm4b:s4+s14], $0x80, s19, s14, $0xb8;
	[tilespmem:$0x1FF00] =	vst v63  }
0x54: {  	_ = 	snop  }
0x55: {  	[spmem:s1] =	stream.indirect.scatter.add.f32 [tilespmem:s15], [sflag:$0x7], $0x80, s14, s14, $0xb8;
	[tilespmem:$0x1FF00] =	vst v63  }
0x56: {  	_ =	swait.ge [sflag:s10], $0x4000  }
0x57: {  	s31 =	sadd.s32 s31, s7;
	[sflag:s10] =	ssyncset.done $0x0  }
0x58: {  	s0 =	sadd.s32 $0x9C0, s31;
	[sflag:s10] =	ssyncadd.s32 $0xFFFFC000  }
0x59: {  	[tilespmem:s2], [sflag:$0x1] =	stream.linear.gather [hbm4b:s0+s2], $0x100, $0x38;
	[tilespmem:$0x1FF00] =	vst v63  }
0x5a: {  	_ =	swait.ge [sflag:s23], $0x4000  }
0x5b: {  	[sflag:s23] =	ssyncset.done $0x0  }
0x5c: {  	[sflag:s23] =	ssyncadd.s32 $0xFFFFC000  }
0x5d: {  	_ =	swait.ge [sflag:s13], $0x100  }
0x5e: {  	[sflag:s13] =	ssyncset.done $0x0  }
0x5f: {  	[sflag:s13] =	ssyncadd.s32 $0xFFFFFF00  }
0x60: {  	[tilespmem:s15], [sflag:$0x4] =	stream.indirect.gather [hbm4b:s4+s14], $0x80, s2, s14, $0xb8;
	[tilespmem:$0x1FF00] =	vst v63  }
0x61: {  	_ = 	snop  }
0x62: {  	[spmem:s1] =	stream.indirect.scatter.add.f32 [tilespmem:s17], [sflag:$0x7], $0x80, s25, s14, $0xb8;
	[tilespmem:$0x1FF00] =	vst v63  }
0x63: {  	_ =	swait.ge [sflag:s10], $0x4000  }
0x64: {  	[sflag:s10] =	ssyncset.done $0x0  }
0x65: {  	s0 =	sadd.s32 $0x9E0, s31;
	[sflag:s10] =	ssyncadd.s32 $0xFFFFC000  }
0x66: {  	[tilespmem:s12], [sflag:$0x2] =	stream.linear.gather [hbm4b:s0+s2], $0x100, $0x38;
	[tilespmem:$0x1FF00] =	vst v63  }
0x67: {  	_ =	swait.ge [sflag:s26], $0x4000  }
0x68: {  	[sflag:s26] =	ssyncset.done $0x0  }
0x69: {  	[sflag:s26] =	ssyncadd.s32 $0xFFFFC000  }
0x6a: {  	_ =	swait.ge [sflag:s16], $0x100  }
0x6b: {  	[sflag:s16] =	ssyncset.done $0x0  }
0x6c: {  	[sflag:s16] =	ssyncadd.s32 $0xFFFFFF00  }
0x6d: {  	[tilespmem:s17], [sflag:$0x5] =	stream.indirect.gather [hbm4b:s4+s14], $0x80, s12, s14, $0xb8;
	[tilespmem:$0x1FF00] =	vst v63  }
.Ltmp0:
0x6e: {  	(pc) =	sbr.rel @p0 .LBB2_2-.Ltmp0, $4  }
0x6f: {  	[spmem:s1] =	stream.indirect.scatter.add.f32 [tilespmem:s22], [sflag:$0x7], $0x80, s28, s14, $0xb8;
	[tilespmem:$0x1FF00] =	vst v63  }
0x70: {  	_ =	swait.ge [sflag:s10], $0x4000  }
0x71: {  	[sflag:s10] =	ssyncset.done $0x0  }
0x72: {  	s31 =	sadd.s32 $0xA00, s31;
	[sflag:s10] =	ssyncadd.s32 $0xFFFFC000  }
0x73: {  	[tilespmem:s19], [sflag:$0x3] =	stream.linear.gather [hbm4b:s31+s2], $0x100, $0x38;
	[tilespmem:$0x1FF00] =	vst v63  }
0x74: {  	_ =	swait.ge [sflag:s20], $0x4000  }
0x75: {  	[sflag:s20] =	ssyncset.done $0x0  }
0x76: {  	[sflag:s20] =	ssyncadd.s32 $0xFFFFC000  }
0x77: {  	_ =	swait.ge [sflag:s21], $0x100  }
0x78: {  	[sflag:s21] =	ssyncset.done $0x0  }
0x79: {  	[sflag:s21] =	ssyncadd.s32 $0xFFFFFF00  }
0x7a: {  	[tilespmem:s22], [sflag:$0x6] =	stream.indirect.gather [hbm4b:s4+s14], $0x80, s19, s14, $0xb8;
	[tilespmem:$0x1FF00] =	vst v63  }
0x7b: {  	_ = 	snop  }
0x7c: {  	[spmem:s1] =	stream.indirect.scatter.add.f32 [tilespmem:s15], [sflag:$0x7], $0x80, s14, s14, $0xb8;
	[tilespmem:$0x1FF00] =	vst v63  }
0x7d: {  	_ =	swait.ge [sflag:s10], $0x4000  }
0x7e: {  	[sflag:s10] =	ssyncset.done $0x0  }
0x7f: {  	s0 =	sadd.s32 $0x9C0, s7;
	[sflag:s10] =	ssyncadd.s32 $0xFFFFC000  }
0x80: {  	[tilespmem:s2], [sflag:$0x1] =	stream.linear.gather [hbm4b:s0+s2], $0x100, $0x38;
	[tilespmem:$0x1FF00] =	vst v63  }
0x81: {  	_ =	swait.ge [sflag:s23], $0x4000  }
0x82: {  	[sflag:s23] =	ssyncset.done $0x0  }
0x83: {  	[sflag:s23] =	ssyncadd.s32 $0xFFFFC000  }
0x84: {  	_ =	swait.ge [sflag:s13], $0x100  }
0x85: {  	[sflag:s13] =	ssyncset.done $0x0  }
0x86: {  	[sflag:s13] =	ssyncadd.s32 $0xFFFFFF00  }
0x87: {  	[tilespmem:s15], [sflag:$0x4] =	stream.indirect.gather [hbm4b:s4+s14], $0x80, s2, s14, $0xb8;
	[tilespmem:$0x1FF00] =	vst v63  }
0x88: {  	_ = 	snop  }
0x89: {  	[spmem:s1] =	stream.indirect.scatter.add.f32 [tilespmem:s17], [sflag:$0x7], $0x80, s25, s14, $0xb8;
	[tilespmem:$0x1FF00] =	vst v63  }
0x8a: {  	_ =	swait.ge [sflag:s10], $0x4000  }
0x8b: {  	[sflag:s10] =	ssyncset.done $0x0  }
0x8c: {  	s31 =	sadd.s32 $0x9E0, s7;
	[sflag:s10] =	ssyncadd.s32 $0xFFFFC000  }
0x8d: {  	[tilespmem:s12], [sflag:$0x2] =	stream.linear.gather [hbm4b:s31+s2], $0x100, $0x38;
	[tilespmem:$0x1FF00] =	vst v63  }
0x8e: {  	_ =	swait.ge [sflag:s26], $0x4000  }
0x8f: {  	[sflag:s26] =	ssyncset.done $0x0  }
0x90: {  	[sflag:s26] =	ssyncadd.s32 $0xFFFFC000  }
0x91: {  	_ =	swait.ge [sflag:s16], $0x100  }
0x92: {  	[sflag:s16] =	ssyncset.done $0x0  }
0x93: {  	[sflag:s16] =	ssyncadd.s32 $0xFFFFFF00  }
0x94: {  	[tilespmem:s17], [sflag:$0x5] =	stream.indirect.gather [hbm4b:s4+s14], $0x80, s12, s14, $0xb8;
	[tilespmem:$0x1FF00] =	vst v63  }
0x95: {  	_ = 	snop  }
0x96: {  	[spmem:s1] =	stream.indirect.scatter.add.f32 [tilespmem:s22], [sflag:$0x7], $0x80, s28, s14, $0xb8;
	[tilespmem:$0x1FF00] =	vst v63  }
0x97: {  	_ =	swait.ge [sflag:s10], $0x4000  }
0x98: {  	[sflag:s10] =	ssyncset.done $0x0  }
0x99: {  	[sflag:s10] =	ssyncadd.s32 $0xFFFFC000  }
0x9a: {  	_ =	swait.ge [sflag:s20], $0x4000  }
0x9b: {  	[sflag:s20] =	ssyncset.done $0x0  }
0x9c: {  	[sflag:s20] =	ssyncadd.s32 $0xFFFFC000  }
0x9d: {  	[spmem:s1] =	stream.indirect.scatter.add.f32 [tilespmem:s15], [sflag:$0x7], $0x80, s14, s14, $0xb8;
	[tilespmem:$0x1FF00] =	vst v63  }
0x9e: {  	_ =	swait.ge [sflag:s10], $0x4000  }
0x9f: {  	[sflag:s10] =	ssyncset.done $0x0  }
0xa0: {  	[sflag:s10] =	ssyncadd.s32 $0xFFFFC000  }
0xa1: {  	_ =	swait.ge [sflag:s23], $0x4000  }
0xa2: {  	[sflag:s23] =	ssyncset.done $0x0  }
0xa3: {  	[sflag:s23] =	ssyncadd.s32 $0xFFFFC000  }
0xa4: {  	[spmem:s1] =	stream.indirect.scatter.add.f32 [tilespmem:s17], [sflag:$0x7], $0x80, s25, s14, $0xb8;
	[tilespmem:$0x1FF00] =	vst v63  }
0xa5: {  	_ =	swait.ge [sflag:s10], $0x4000  }
0xa6: {  	s29 =	sadd.s32 $0x1, s29;
	[sflag:s10] =	ssyncset.done $0x0  }
0xa7: {  	p0 =	sne.s32 s29, s8;
	[sflag:s10] =	ssyncadd.s32 $0xFFFFC000  }
.Ltmp1:
0xa8: {  	[bflag:$0x0] =	sbarrier.arrive $0xFFFF;
	(pc) =	sbr.rel @p0 .LBB2_1-.Ltmp1, $4  }
0xa9: {  	[hbm:s24], [sflag:s6] =	dma.local [spmem:s9], $0x2780  }
0xaa: {  	_ =	swait.ge [sflag:s10], $0x2780  }
0xab: {  	[sflag:s10] =	ssyncset.done $0x0  }
0xac: {  	[sflag:s10] =	ssyncadd.s32 $0xFFFFD880  }
0xad: {  	_ =	sfence.sel $0x180000  }
0xae: {  	[bflag:$0x0] =	sbarrier.arrive $0xFFFF  }
0xaf: {  	_ =	strace $0x90000050  }
0xb0: {  	[bflag:$0x2] =	sbarrier.arrive $0xFFFF  }
0xb1: {  	p0 =	sne.s32 s3, $0x0;
	s0 =	rddreg [dreg:$0x3]  }
0xb2: {  	s0 =	sadd.s32 @!p0 $0x100000, s0  }
0xb3: {  	[sflag:s0] =	ssyncadd.tile.s32 @!p0 $0x1;
	_ =	shalt  }
.Lfunc_end2:
_tile_overlayer_lowered:
.L_overlay_start_2:
0xb4: {  	(tag) =	ssettag $0x2  }
0xb5: {  	s0 =	rddreg [dreg:$0x0];
	s2 =	stileid.u32  }
0xb6: {  	s1 =	rddreg [dreg:$0x1];
	p0 =	sne.s32 s2, $0x0  }
0xb7: {  	s3 =	rddreg [dreg:$0x2];
	[bflag:$0x3] =	sbarrier.arrive $0xFFFF;
	s2 =	simm.s32 @!p0 $0x1C07  }
0xb8: {  	[timem:s3], [sflag:s2] =	dma.local @!p0 [hbm:s0], s1  }
0xb9: {  	s0 =	simm.s32 @!p0 $0x7  }
0xba: {  	_ =	swait.ge @!p0 [sflag:s0], s1  }
0xbb: {  	s1 =	ssub.s32 @!p0 $0x0, s1;
	[sflag:s0] =	ssyncset.done @!p0 $0x0  }
0xbc: {  	[sflag:s0] =	ssyncadd.s32 @!p0 s1  }
0xbd: {  	[bflag:$0x3] =	sbarrier.arrive $0xFFFF  }
0xbe: {  	_ =	shalt  }

// kernel: kernel.24.cloned.1.call-start
scs
__scs_entry_jumppad:
0x0: {  	(pc) =	sbr.rel $0x88, $3  }
0x1: {  	(tag) =	ssettag $0x0;
	lr =	simm.s32 $0x1  }
0x2: {  	[smem:$0x3F9F] =	sst lr;
	_ =	strace $0xD0000000  }
0x3: {  	_ = 	snop  }
0x4: {  	_ = 	snop  }
0x5: {  	_ = 	snop  }
0x6: {  	_ = 	snop  }
0x7: {  	_ = 	snop  }
__scs_overlays_trampoline_lowered:
0x8: {  	[smem:$0x3FAE] =	sst s0  }
0x9: {  	[smem:$0x3FAF] =	sst s1  }
0xa: {  	[smem:$0x3FB0] =	sst s2  }
0xb: {  	[smem:$0x3FB1] =	sst s3  }
0xc: {  	[smem:$0x3FB2] =	sst s4  }
0xd: {  	[smem:$0x3FB3] =	sst s5  }
0xe: {  	[smem:$0x3FB4] =	sst s6  }
0xf: {  	[smem:$0x3FB5] =	sst s7  }
0x10: {  	[smem:$0x3FB6] =	sst s8  }
0x11: {  	[smem:$0x3FB7] =	sst s9;
	s0 =	simm.s32 @!p0 $0x0  }
0x12: {  	s1 =	sld [smem:$0x3F9D];
	s0 =	simm.s32 @p0 $0x1  }
0x13: {  	[smem:$0x3FB8] =	sst s0;
	s0 =	simm.s32 @!p1 $0x0  }
0x14: {  	s2 =	sld [smem:$0x3F9C];
	s0 =	simm.s32 @p1 $0x1  }
0x15: {  	[smem:$0x3FB9] =	sst s0;
	s0 =	simm.s32 @!p2 $0x0  }
0x16: {  	s3 =	sld [smem:$0x3FDB];
	s0 =	simm.s32 @p2 $0x1  }
0x17: {  	s4 =	simm.s32 $0x1BF5;
	[smem:$0x3FBB] =	sst s0  }
0x18: {  	s0 =	sld [smem:$0x3F9E];
	_ =	swait.ge [sflag:s4], $0x0  }
0x19: {  	s7 =	sld [smem:$0x3F9F]  }
0x1a: {  	s8 =	sadd.s32 $0xFFFFE003, lr  }
0x1b: {  	s9 =	sadd.s32 $0xFFFFFEF7, lr;
	s5 =	simm.s32 $0xFFFFFFFF;
	p2 =	slt.u32 s8, $0xFFFFF086  }
0x1c: {  	p1 =	slt.u32 s9, $0xF7A;
	s5 =	simm.s32 @!p2 $0x0  }
0x1d: {  	s5 =	simm.s32 @p1 $0x1;
	p0 =	seq.s32 s7, s2  }
0x1e: {  	s7 =	smul.u32 @!p0 $0xF7A, s2;
	p2 =	seq.s32 @!p0 s5, $0x0  }
0x1f: {  	s9 =	smul.u32 $0xF7A, s1;
	s8 =	simm.s32 @!p0 $0x1BF5;
	p2 =	por !p2, p0  }
0x20: {  	[sflag:s8] =	ssyncset.s32 @!p0 $0xFFFFF086;
	s6 =	sadd.s32 @!p0 s3, s7;
	s7 =	simm.s32 @!p0 $0x108  }
0x21: {  	s3 =	sadd.s32 s3, s9;
	s6 =	sadd.s32 @!p0 $0x88, s6;
	s7 =	simm.s32 @p2 $0x1082  }
0x22: {  	[simem:s7], [sflag:s8] =	dma.local @!p0 [hbm:s6], $0xF7A  }
0x23: {  	s9 =	sor.u32 $0xD0000000, s2;
	s6 =	simm.s32 $0x108;
	_ =	swait.ge @!p0 [sflag:s8], $0x0  }
0x24: {  	s3 =	sadd.s32 $0x88, s3;
	s6 =	simm.s32 @!p1 $0x1082;
	[sflag:s4] =	ssyncset.s32 $0xFFFFF086  }
0x25: {  	[simem:s6], [sflag:s4] =	dma.local [hbm:s3], $0xF7A  }
0x26: {  	[smem:$0x3F9F] =	sst s1;
	(tag) =	ssettag s2;
	_ =	strace s9  }
0x27: {  	s1 =	sld [smem:$0x3FAF]  }
0x28: {  	s2 =	sld [smem:$0x3FB0]  }
0x29: {  	s4 =	sld [smem:$0x3FB2]  }
0x2a: {  	p0 =	seq.s32 s5, $0x0;
	s5 =	sld [smem:$0x3FB3]  }
0x2b: {  	s6 =	sld [smem:$0x3FB4]  }
0x2c: {  	s7 =	sld [smem:$0x3FB5]  }
0x2d: {  	s3 =	simm.s32 $0x108;
	s8 =	sld [smem:$0x3FB6]  }
0x2e: {  	s3 =	simm.s32 @!p0 $0x1082;
	s9 =	sld [smem:$0x3FB7]  }
0x2f: {  	lr =	sadd.s32 s0, s3;
	s0 =	sld [smem:$0x3FAE]  }
0x30: {  	s3 =	sld [smem:$0x3FB1]  }
0x31: {  	[smem:$0x3FBA] =	sst s10  }
0x32: {  	s10 =	sld [smem:$0x3FB8];
	_ =	sdelay $0x3  }
0x33: {  	p0 =	seq.s32 s10, $0x1;
	s10 =	sld [smem:$0x3FBA];
	_ =	sdelay $0x3  }
0x34: {  	[smem:$0x3FBA] =	sst s10  }
0x35: {  	s10 =	sld [smem:$0x3FB9];
	_ =	sdelay $0x3  }
0x36: {  	p1 =	seq.s32 s10, $0x1;
	s10 =	sld [smem:$0x3FBA];
	_ =	sdelay $0x3  }
0x37: {  	[smem:$0x3FBA] =	sst s10  }
0x38: {  	s10 =	sld [smem:$0x3FBB]  }
0x39: {  	_ = 	snop;
	(pc) =	sbr.ind lr, $3  }
0x3a: {  	_ = 	snop  }
0x3b: {  	_ = 	snop  }
0x3c: {  	p2 =	seq.s32 s10, $0x1;
	s10 =	sld [smem:$0x3FBA]  }
0x3d: {  	_ =	shalt  }
0x3e: {  	_ =	shalt  }
0x3f: {  	_ =	shalt  }
0x40: {  	_ =	shalt  }
0x41: {  	_ =	shalt  }
0x42: {  	_ =	shalt  }
0x43: {  	_ =	shalt  }
0x44: {  	_ =	shalt  }
0x45: {  	_ =	shalt  }
0x46: {  	_ =	shalt  }
0x47: {  	_ =	shalt  }
0x48: {  	_ =	shalt  }
0x49: {  	_ =	shalt  }
0x4a: {  	_ =	shalt  }
0x4b: {  	_ =	shalt  }
0x4c: {  	_ =	shalt  }
0x4d: {  	_ =	shalt  }
0x4e: {  	_ =	shalt  }
0x4f: {  	_ =	shalt  }
0x50: {  	_ =	shalt  }
0x51: {  	_ =	shalt  }
0x52: {  	_ =	shalt  }
0x53: {  	_ =	shalt  }
0x54: {  	_ =	shalt  }
0x55: {  	_ =	shalt  }
0x56: {  	_ =	shalt  }
0x57: {  	_ =	shalt  }
0x58: {  	_ =	shalt  }
0x59: {  	_ =	shalt  }
0x5a: {  	_ =	shalt  }
0x5b: {  	_ =	shalt  }
0x5c: {  	_ =	shalt  }
0x5d: {  	_ =	shalt  }
0x5e: {  	_ =	shalt  }
0x5f: {  	_ =	shalt  }
0x60: {  	_ =	shalt  }
0x61: {  	_ =	shalt  }
0x62: {  	_ =	shalt  }
0x63: {  	_ =	shalt  }
0x64: {  	_ =	shalt  }
0x65: {  	_ =	shalt  }
0x66: {  	_ =	shalt  }
0x67: {  	_ =	shalt  }
0x68: {  	_ =	shalt  }
0x69: {  	_ =	shalt  }
0x6a: {  	_ =	shalt  }
0x6b: {  	_ =	shalt  }
0x6c: {  	_ =	shalt  }
0x6d: {  	_ =	shalt  }
0x6e: {  	_ =	shalt  }
0x6f: {  	_ =	shalt  }
0x70: {  	_ =	shalt  }
0x71: {  	_ =	shalt  }
0x72: {  	_ =	shalt  }
0x73: {  	_ =	shalt  }
0x74: {  	_ =	shalt  }
0x75: {  	_ =	shalt  }
0x76: {  	_ =	shalt  }
0x77: {  	_ =	shalt  }
0x78: {  	_ =	shalt  }
0x79: {  	_ =	shalt  }
0x7a: {  	_ =	shalt  }
0x7b: {  	_ =	shalt  }
0x7c: {  	_ =	shalt  }
0x7d: {  	_ =	shalt  }
0x7e: {  	_ =	shalt  }
0x7f: {  	_ =	shalt  }
0x80: {  	_ =	shalt  }
0x81: {  	_ =	shalt  }
0x82: {  	_ =	shalt  }
0x83: {  	_ =	shalt  }
0x84: {  	_ =	shalt  }
0x85: {  	_ =	shalt  }
0x86: {  	_ =	shalt  }
0x87: {  	_ =	shalt  }
.Lfunc_end0:
.L_simem_size_0:
called_computation.4_lowered:
.L_overlay_start_0:
0x88: {  	s2 =	sld [smem:$0x3FD9]  }
0x89: {  	s3 =	sld [smem:$0x3FFE];
	_ =	sdelay $0x1  }
0x8a: {  	s1 =	srdreg.scid  }
0x8b: {  	s0 =	sand.u32 $0x1, s1  }
0x8c: {  	s17 =	sshll.u32 s0, $0xA;
	s2 =	sadd.s32 s3, s2  }
0x8d: {  	s2 =	sadd.s32 s2, s17  }
0x8e: {  	[smem:$0x3FC6] =	sst s2  }
0x8f: {  	_ = 	snop  }
0x90: {  	s2 =	sld [smem:$0x3FD0];
	(tm) =	ssettm $0x1  }
0x91: {  	s18 =	sld [smem:$0x3FFB];
	_ =	sdelay $0x3  }
0x92: {  	_ =	strace s18  }
0x93: {  	s3 =	sld [smem:$0x3FFC];
	_ =	sdelay $0x3  }
0x94: {  	_ =	strace s3  }
0x95: {  	s3 =	sld [smem:$0x3FFD];
	_ =	sdelay $0x3  }
0x96: {  	_ =	strace s3  }
0x97: {  	_ =	strace $0x8FFFFFFF  }
0x98: {  	s19 =	sld [smem:$0x3FDB];
	_ =	sdelay $0x1  }
0x99: {  	s4 =	simm.s32 $_scs_section_size  }
0x9a: {  	s5 =	simm.s32 $_size__tile_overlayer_lowered;
	s6 =	simm.s32 $_tile_overlayer_lowered  }
0x9b: {  	s22 =	simm.s32 $0x1BFF;
	s21 =	sshll.u32 s6, $0x1;
	s3 =	sadd.s32 s4, s19  }
0x9c: {  	s7 =	simm.s32 $0x0;
	s20 =	sshll.u32 s5, $0x1;
	s5 =	sadd.s32 s21, s3  }
0x9d: {  	[timem:s7], [sflag:s22] =	dma.local [hbm:s5], s20  }
0x9e: {  	_ =	swait.ge [sflag:s22], s20  }
0x9f: {  	s4 =	ssub.s32 $0x0, s20;
	[sflag:s22] =	ssyncset.done $0x0  }
0xa0: {  	[sflag:s22] =	ssyncadd.s32 s4;
	_ =	sdelay $0x1  }
0xa1: {  	s23 =	simm.s32 $0x1B8B  }
0xa2: {  	_ =	swait.ge [sflag:s23], $0x1  }
0xa3: {  	[sflag:s23] =	ssyncset.done $0x0  }
0xa4: {  	s25 =	simm.s32 $0x1B8E;
	s24 =	sld [smem:$0x3FFE];
	[sflag:s23] =	ssyncadd.s32 $0xFFFFFFFF  }
0xa5: {  	s26 =	simm.s32 $execute0_lowered;
	[smem:$0x3FD2] =	sst s25  }
0xa6: {  	s5 =	sshll.u32 s26, $0x1;
	_ =	strace $0x80000052;
	[dreg:$0x1] =	wrdreg $0xFFFFFFFF  }
0xa7: {  	s28 =	simm.s32 $_size_execute0_lowered;
	s3 =	sadd.s32 s3, s5;
	[dreg:$0x0] =	wrdreg $0x0  }
0xa8: {  	s5 =	sshll.u32 s28, $0x1;
	[dreg:$0x2] =	wrdreg s3  }
0xa9: {  	[dreg:$0x3] =	wrdreg s5  }
0xaa: {  	[dreg:$0x4] =	wrdreg $0xC0  }
0xab: {  	_ =	task [dreg:s7], $0x5FFFF  }
0xac: {  	[dreg:$0x1] =	wrdreg $0xFFFFFFFF  }
0xad: {  	[dreg:$0x0] =	wrdreg $0x60  }
0xae: {  	[dreg:$0x2] =	wrdreg s24  }
0xaf: {  	[dreg:$0x3] =	wrdreg s2  }
0xb0: {  	[dreg:$0x4] =	wrdreg $0xC3000  }
0xb1: {  	[dreg:$0x5] =	wrdreg $0x9  }
0xb2: {  	_ =	task.clear_ibuf [dreg:s7], $0x6FFFF;
	_ =	strace $0x90000052  }
0xb3: {  	s29 =	simm.s32 $0x9;
	_ =	strace $0x80000054  }
0xb4: {  	_ =	swait.ge [sflag:s29], $0x1  }
0xb5: {  	[sflag:s29] =	ssyncadd.s32 $0xFFFFFFFF  }
0xb6: {  	_ =	strace $0x90000054  }
0xb7: {  	_ =	sfence  }
0xb8: {  	s30 =	sld [smem:$0x0];
	_ =	sdelay $0x2  }
0xb9: {  	s31 =	sshll.u32 s1, $0xD;
	s1 =	sshrl.u32 s1, $0x2  }
0xba: {  	s3 =	sand.u32 $0x4000, s31;
	s1 =	sadd.s32 s1, s30  }
0xbb: {  	s0 =	sor.u32 s3, s0;
	s1 =	sshll.u32 s1, $0x11  }
0xbc: {  	s0 =	sor.u32 s1, s0  }
0xbd: {  	s0 =	sadd.s32 $0x8F2B, s0  }
0xbe: {  	[sflag:s0] =	ssyncadd.remote.s32 $0x1  }
0xbf: {  	_ =	sfence.sel $0xFFFF  }
0xc0: {  	[dreg:$0x0] =	wrdreg $0xFFFFFFFF;
	(pc) =	sbr.abs _section_cstart, $3  }
0xc1: {  	[dreg:$0x1] =	wrdreg $0xFFFFFFFF  }
0xc2: {  	_ =	task.clear_ibuf [dreg:s7], $0x2FFFF;
	_ =	strace $0x9FFFFFFF  }
0xc3: {  	(tm) =	ssettm $0x7FFFFFFF  }
tec
execute0_lowered:
.L_overlay_start_1:
0x0: {  	(tag) =	ssettag $0x1  }
0x1: {  	s6 =	rddreg [dreg:$0x0]  }
0x2: {  	s7 =	rddreg [dreg:$0x1]  }
0x3: {  	s1 =	rddreg [dreg:$0x2]  }
0x4: {  	s2 =	simm.s32 $0x0;
	s3 =	srdreg.scid;
	s13 =	simm.s32 $0x1  }
0x5: {  	s14 =	simm.s32 $0x80;
	s15 =	simm.s32 $0x300;
	s16 =	simm.s32 $0x2  }
0x6: {  	s17 =	simm.s32 $0x4300;
	s19 =	simm.s32 $0x200;
	s20 =	simm.s32 $0x4  }
0x7: {  	s21 =	simm.s32 $0x3;
	s22 =	simm.s32 $0x8300;
	s23 =	simm.s32 $0x5  }
0x8: {  	s26 =	simm.s32 $0x6;
	s28 =	simm.s32 $0x280;
	s29 =	simm.s32 $0x0  }
0x9: {  	[smem:$0x7FF] =	sst s2;
	s4 =	sadd.s32 $0x11200, s6;
	s8 =	sand.u32 $0x1, s3  }
0xa: {  	s5 =	sadd.s32 $0xEA00, s6;
	s3 =	stileid.u32;
	s9 =	smul.u32 $0x27800, s8  }
0xb: {  	_ =	strace $0x80000053;
	s10 =	ssub.s32 $0x2, s8;
	s11 =	smul.u32 $0x4F000, s3  }
0xc: {  	s8 =	sshll.u32 s8, $0x4;
	s12 =	sshll.u32 s3, $0x6;
	s25 =	smul.u32 $0x2780, s3  }
0xd: {  	s31 =	sshrl.u32 s10, $0x1;
	s8 =	sor.u32 s3, s8;
	s9 =	sadd.s32 s9, s6  }
0xe: {  	s11 =	sshrl.u32 s11, $0x2;
	s8 =	smul.u32 $0xA80, s8;
	s10 =	ssub.s32 s10, s31  }
0xf: {  	s6 =	sor.u32 $0x1C07, s12;
	s12 =	simm.s32 $0x100;
	s11 =	sadd.s32 s11, s1  }
0x10: {  	s24 =	sadd.s32 $0xAF200, s9;
	s7 =	sadd.s32 s7, s8;
	s8 =	smax.u32 s10, $0x1  }
0x11: {  	s9 =	sshrl.u32 s11, $0x3;
	s10 =	simm.s32 $0x7;
	s24 =	sadd.s32 s25, s24  }
0x12: {  	s25 =	simm.s32 $0x180;
	s11 =	sadd.s32 $0x20, s7;
	s18 =	sadd.s32 $0x40, s7  }
.LBB2_1:
0x13: {  	[spmem:s9], [sflag:s6] =	dma.local [hbm:s5], $0x2780  }
0x14: {  	_ =	swait.ge [sflag:s10], $0x2780  }
0x15: {  	[sflag:s10] =	ssyncset.done $0x0  }
0x16: {  	[sflag:s10] =	ssyncadd.s32 $0xFFFFD880  }
0x17: {  	[bflag:$0x0] =	sbarrier.arrive $0xFFFF  }
0x18: {  	[tilespmem:s2], [sflag:$0x1] =	stream.linear.gather [hbm4b:s7+s2], $0x100, $0x38;
	[tilespmem:$0x1FF00] =	vst v63  }
0x19: {  	_ = 	snop  }
0x1a: {  	[tilespmem:s12], [sflag:$0x2] =	stream.linear.gather [hbm4b:s11+s2], $0x100, $0x38;
	[tilespmem:$0x1FF00] =	vst v63  }
0x1b: {  	_ =	swait.ge [sflag:s13], $0x100  }
0x1c: {  	[sflag:s13] =	ssyncset.done $0x0  }
0x1d: {  	[sflag:s13] =	ssyncadd.s32 $0xFFFFFF00  }
0x1e: {  	[tilespmem:s15], [sflag:$0x4] =	stream.indirect.gather [hbm4b:s4+s14], $0x80, s2, s14, $0xb8;
	[tilespmem:$0x1FF00] =	vst v63  }
0x1f: {  	_ =	swait.ge [sflag:s16], $0x100  }
0x20: {  	[sflag:s16] =	ssyncset.done $0x0  }
0x21: {  	[sflag:s16] =	ssyncadd.s32 $0xFFFFFF00  }
0x22: {  	[tilespmem:s17], [sflag:$0x5] =	stream.indirect.gather [hbm4b:s4+s14], $0x80, s12, s14, $0xb8;
	[tilespmem:$0x1FF00] =	vst v63  }
0x23: {  	_ = 	snop  }
0x24: {  	[tilespmem:s19], [sflag:$0x3] =	stream.linear.gather [hbm4b:s18+s2], $0x100, $0x38;
	[tilespmem:$0x1FF00] =	vst v63  }
0x25: {  	_ =	swait.ge [sflag:s20], $0x4000  }
0x26: {  	[sflag:s20] =	ssyncset.done $0x0  }
0x27: {  	[sflag:s20] =	ssyncadd.s32 $0xFFFFC000  }
0x28: {  	_ =	swait.ge [sflag:s21], $0x100  }
0x29: {  	[sflag:s21] =	ssyncset.done $0x0  }
0x2a: {  	[sflag:s21] =	ssyncadd.s32 $0xFFFFFF00  }
0x2b: {  	[tilespmem:s22], [sflag:$0x6] =	stream.indirect.gather [hbm4b:s4+s14], $0x80, s19, s14, $0xb8;
	[tilespmem:$0x1FF00] =	vst v63  }
0x2c: {  	_ = 	snop  }
0x2d: {  	[spmem:s1] =	stream.indirect.scatter.add.f32 [tilespmem:s15], [sflag:$0x7], $0x80, s14, s14, $0xb8;
	[tilespmem:$0x1FF00] =	vst v63  }
0x2e: {  	_ =	swait.ge [sflag:s10], $0x4000  }
0x2f: {  	s31 =	sadd.s32 $0xFFFFF6A0, s7;
	[sflag:s10] =	ssyncset.done $0x0  }
0x30: {  	s30 =	sadd.s32 $0x9C0, s31;
	[sflag:s10] =	ssyncadd.s32 $0xFFFFC000  }
0x31: {  	[tilespmem:s2], [sflag:$0x1] =	stream.linear.gather [hbm4b:s30+s2], $0x100, $0x38;
	[tilespmem:$0x1FF00] =	vst v63  }
0x32: {  	_ =	swait.ge [sflag:s23], $0x4000  }
0x33: {  	[sflag:s23] =	ssyncset.done $0x0  }
0x34: {  	[sflag:s23] =	ssyncadd.s32 $0xFFFFC000  }
0x35: {  	_ =	swait.ge [sflag:s13], $0x100  }
0x36: {  	[sflag:s13] =	ssyncset.done $0x0  }
0x37: {  	[sflag:s13] =	ssyncadd.s32 $0xFFFFFF00  }
0x38: {  	[tilespmem:s15], [sflag:$0x4] =	stream.indirect.gather [hbm4b:s4+s14], $0x80, s2, s14, $0xb8;
	[tilespmem:$0x1FF00] =	vst v63  }
0x39: {  	_ = 	snop  }
0x3a: {  	[spmem:s1] =	stream.indirect.scatter.add.f32 [tilespmem:s17], [sflag:$0x7], $0x80, s25, s14, $0xb8;
	[tilespmem:$0x1FF00] =	vst v63  }
0x3b: {  	_ =	swait.ge [sflag:s10], $0x4000  }
0x3c: {  	[sflag:s10] =	ssyncset.done $0x0  }
0x3d: {  	s30 =	sadd.s32 $0x9E0, s31;
	[sflag:s10] =	ssyncadd.s32 $0xFFFFC000  }
0x3e: {  	[tilespmem:s12], [sflag:$0x2] =	stream.linear.gather [hbm4b:s30+s2], $0x100, $0x38;
	[tilespmem:$0x1FF00] =	vst v63  }
0x3f: {  	_ =	swait.ge [sflag:s26], $0x4000  }
0x40: {  	[sflag:s26] =	ssyncset.done $0x0  }
0x41: {  	[sflag:s26] =	ssyncadd.s32 $0xFFFFC000  }
0x42: {  	_ =	swait.ge [sflag:s16], $0x100  }
0x43: {  	[sflag:s16] =	ssyncset.done $0x0  }
0x44: {  	[sflag:s16] =	ssyncadd.s32 $0xFFFFFF00  }
0x45: {  	[tilespmem:s17], [sflag:$0x5] =	stream.indirect.gather [hbm4b:s4+s14], $0x80, s12, s14, $0xb8;
	[tilespmem:$0x1FF00] =	vst v63  }
0x46: {  	_ = 	snop  }
0x47: {  	[spmem:s1] =	stream.indirect.scatter.add.f32 [tilespmem:s22], [sflag:$0x7], $0x80, s28, s14, $0xb8;
	[tilespmem:$0x1FF00] =	vst v63  }
0x48: {  	_ =	swait.ge [sflag:s10], $0x4000  }
0x49: {  	[sflag:s10] =	ssyncset.done $0x0  }
0x4a: {  	s31 =	sadd.s32 $0xA00, s31;
	s30 =	simm.s32 $0xFFFFF700;
	[sflag:s10] =	ssyncadd.s32 $0xFFFFC000  }
.LBB2_2:
0x4b: {  	[tilespmem:s19], [sflag:$0x3] =	stream.linear.gather [hbm4b:s31+s2], $0x100, $0x38;
	[tilespmem:$0x1FF00] =	vst v63  }
0x4c: {  	s31 =	smov.u32 s30  }
0x4d: {  	p0 =	sne.s32 s30, $0xFFFFFFA0;
	s30 =	sadd.s32 $0x60, s30;
	_ =	swait.ge [sflag:s20], $0x4000  }
0x4e: {  	[sflag:s20] =	ssyncset.done $0x0  }
0x4f: {  	[sflag:s20] =	ssyncadd.s32 $0xFFFFC000  }
0x50: {  	_ =	swait.ge [sflag:s21], $0x100  }
0x51: {  	[sflag:s21] =	ssyncset.done $0x0  }
0x52: {  	[sflag:s21] =	ssyncadd.s32 $0xFFFFFF00  }
0x53: {  	[tilespmem:s22], [sflag:$0x6] =	stream.indirect.gather [hbm4b:s4+s14], $0x80, s19, s14, $0xb8;
	[tilespmem:$0x1FF00] =	vst v63  }
0x54: {  	_ = 	snop  }
0x55: {  	[spmem:s1] =	stream.indirect.scatter.add.f32 [tilespmem:s15], [sflag:$0x7], $0x80, s14, s14, $0xb8;
	[tilespmem:$0x1FF00] =	vst v63  }
0x56: {  	_ =	swait.ge [sflag:s10], $0x4000  }
0x57: {  	s31 =	sadd.s32 s31, s7;
	[sflag:s10] =	ssyncset.done $0x0  }
0x58: {  	s0 =	sadd.s32 $0x9C0, s31;
	[sflag:s10] =	ssyncadd.s32 $0xFFFFC000  }
0x59: {  	[tilespmem:s2], [sflag:$0x1] =	stream.linear.gather [hbm4b:s0+s2], $0x100, $0x38;
	[tilespmem:$0x1FF00] =	vst v63  }
0x5a: {  	_ =	swait.ge [sflag:s23], $0x4000  }
0x5b: {  	[sflag:s23] =	ssyncset.done $0x0  }
0x5c: {  	[sflag:s23] =	ssyncadd.s32 $0xFFFFC000  }
0x5d: {  	_ =	swait.ge [sflag:s13], $0x100  }
0x5e: {  	[sflag:s13] =	ssyncset.done $0x0  }
0x5f: {  	[sflag:s13] =	ssyncadd.s32 $0xFFFFFF00  }
0x60: {  	[tilespmem:s15], [sflag:$0x4] =	stream.indirect.gather [hbm4b:s4+s14], $0x80, s2, s14, $0xb8;
	[tilespmem:$0x1FF00] =	vst v63  }
0x61: {  	_ = 	snop  }
0x62: {  	[spmem:s1] =	stream.indirect.scatter.add.f32 [tilespmem:s17], [sflag:$0x7], $0x80, s25, s14, $0xb8;
	[tilespmem:$0x1FF00] =	vst v63  }
0x63: {  	_ =	swait.ge [sflag:s10], $0x4000  }
0x64: {  	[sflag:s10] =	ssyncset.done $0x0  }
0x65: {  	s0 =	sadd.s32 $0x9E0, s31;
	[sflag:s10] =	ssyncadd.s32 $0xFFFFC000  }
0x66: {  	[tilespmem:s12], [sflag:$0x2] =	stream.linear.gather [hbm4b:s0+s2], $0x100, $0x38;
	[tilespmem:$0x1FF00] =	vst v63  }
0x67: {  	_ =	swait.ge [sflag:s26], $0x4000  }
0x68: {  	[sflag:s26] =	ssyncset.done $0x0  }
0x69: {  	[sflag:s26] =	ssyncadd.s32 $0xFFFFC000  }
0x6a: {  	_ =	swait.ge [sflag:s16], $0x100  }
0x6b: {  	[sflag:s16] =	ssyncset.done $0x0  }
0x6c: {  	[sflag:s16] =	ssyncadd.s32 $0xFFFFFF00  }
0x6d: {  	[tilespmem:s17], [sflag:$0x5] =	stream.indirect.gather [hbm4b:s4+s14], $0x80, s12, s14, $0xb8;
	[tilespmem:$0x1FF00] =	vst v63  }
.Ltmp0:
0x6e: {  	(pc) =	sbr.rel @p0 .LBB2_2-.Ltmp0, $4  }
0x6f: {  	[spmem:s1] =	stream.indirect.scatter.add.f32 [tilespmem:s22], [sflag:$0x7], $0x80, s28, s14, $0xb8;
	[tilespmem:$0x1FF00] =	vst v63  }
0x70: {  	_ =	swait.ge [sflag:s10], $0x4000  }
0x71: {  	[sflag:s10] =	ssyncset.done $0x0  }
0x72: {  	s31 =	sadd.s32 $0xA00, s31;
	[sflag:s10] =	ssyncadd.s32 $0xFFFFC000  }
0x73: {  	[tilespmem:s19], [sflag:$0x3] =	stream.linear.gather [hbm4b:s31+s2], $0x100, $0x38;
	[tilespmem:$0x1FF00] =	vst v63  }
0x74: {  	_ =	swait.ge [sflag:s20], $0x4000  }
0x75: {  	[sflag:s20] =	ssyncset.done $0x0  }
0x76: {  	[sflag:s20] =	ssyncadd.s32 $0xFFFFC000  }
0x77: {  	_ =	swait.ge [sflag:s21], $0x100  }
0x78: {  	[sflag:s21] =	ssyncset.done $0x0  }
0x79: {  	[sflag:s21] =	ssyncadd.s32 $0xFFFFFF00  }
0x7a: {  	[tilespmem:s22], [sflag:$0x6] =	stream.indirect.gather [hbm4b:s4+s14], $0x80, s19, s14, $0xb8;
	[tilespmem:$0x1FF00] =	vst v63  }
0x7b: {  	_ = 	snop  }
0x7c: {  	[spmem:s1] =	stream.indirect.scatter.add.f32 [tilespmem:s15], [sflag:$0x7], $0x80, s14, s14, $0xb8;
	[tilespmem:$0x1FF00] =	vst v63  }
0x7d: {  	_ =	swait.ge [sflag:s10], $0x4000  }
0x7e: {  	[sflag:s10] =	ssyncset.done $0x0  }
0x7f: {  	s0 =	sadd.s32 $0x9C0, s7;
	[sflag:s10] =	ssyncadd.s32 $0xFFFFC000  }
0x80: {  	[tilespmem:s2], [sflag:$0x1] =	stream.linear.gather [hbm4b:s0+s2], $0x100, $0x38;
	[tilespmem:$0x1FF00] =	vst v63  }
0x81: {  	_ =	swait.ge [sflag:s23], $0x4000  }
0x82: {  	[sflag:s23] =	ssyncset.done $0x0  }
0x83: {  	[sflag:s23] =	ssyncadd.s32 $0xFFFFC000  }
0x84: {  	_ =	swait.ge [sflag:s13], $0x100  }
0x85: {  	[sflag:s13] =	ssyncset.done $0x0  }
0x86: {  	[sflag:s13] =	ssyncadd.s32 $0xFFFFFF00  }
0x87: {  	[tilespmem:s15], [sflag:$0x4] =	stream.indirect.gather [hbm4b:s4+s14], $0x80, s2, s14, $0xb8;
	[tilespmem:$0x1FF00] =	vst v63  }
0x88: {  	_ = 	snop  }
0x89: {  	[spmem:s1] =	stream.indirect.scatter.add.f32 [tilespmem:s17], [sflag:$0x7], $0x80, s25, s14, $0xb8;
	[tilespmem:$0x1FF00] =	vst v63  }
0x8a: {  	_ =	swait.ge [sflag:s10], $0x4000  }
0x8b: {  	[sflag:s10] =	ssyncset.done $0x0  }
0x8c: {  	s31 =	sadd.s32 $0x9E0, s7;
	[sflag:s10] =	ssyncadd.s32 $0xFFFFC000  }
0x8d: {  	[tilespmem:s12], [sflag:$0x2] =	stream.linear.gather [hbm4b:s31+s2], $0x100, $0x38;
	[tilespmem:$0x1FF00] =	vst v63  }
0x8e: {  	_ =	swait.ge [sflag:s26], $0x4000  }
0x8f: {  	[sflag:s26] =	ssyncset.done $0x0  }
0x90: {  	[sflag:s26] =	ssyncadd.s32 $0xFFFFC000  }
0x91: {  	_ =	swait.ge [sflag:s16], $0x100  }
0x92: {  	[sflag:s16] =	ssyncset.done $0x0  }
0x93: {  	[sflag:s16] =	ssyncadd.s32 $0xFFFFFF00  }
0x94: {  	[tilespmem:s17], [sflag:$0x5] =	stream.indirect.gather [hbm4b:s4+s14], $0x80, s12, s14, $0xb8;
	[tilespmem:$0x1FF00] =	vst v63  }
0x95: {  	_ = 	snop  }
0x96: {  	[spmem:s1] =	stream.indirect.scatter.add.f32 [tilespmem:s22], [sflag:$0x7], $0x80, s28, s14, $0xb8;
	[tilespmem:$0x1FF00] =	vst v63  }
0x97: {  	_ =	swait.ge [sflag:s10], $0x4000  }
0x98: {  	[sflag:s10] =	ssyncset.done $0x0  }
0x99: {  	[sflag:s10] =	ssyncadd.s32 $0xFFFFC000  }
0x9a: {  	_ =	swait.ge [sflag:s20], $0x4000  }
0x9b: {  	[sflag:s20] =	ssyncset.done $0x0  }
0x9c: {  	[sflag:s20] =	ssyncadd.s32 $0xFFFFC000  }
0x9d: {  	[spmem:s1] =	stream.indirect.scatter.add.f32 [tilespmem:s15], [sflag:$0x7], $0x80, s14, s14, $0xb8;
	[tilespmem:$0x1FF00] =	vst v63  }
0x9e: {  	_ =	swait.ge [sflag:s10], $0x4000  }
0x9f: {  	[sflag:s10] =	ssyncset.done $0x0  }
0xa0: {  	[sflag:s10] =	ssyncadd.s32 $0xFFFFC000  }
0xa1: {  	_ =	swait.ge [sflag:s23], $0x4000  }
0xa2: {  	[sflag:s23] =	ssyncset.done $0x0  }
0xa3: {  	[sflag:s23] =	ssyncadd.s32 $0xFFFFC000  }
0xa4: {  	[spmem:s1] =	stream.indirect.scatter.add.f32 [tilespmem:s17], [sflag:$0x7], $0x80, s25, s14, $0xb8;
	[tilespmem:$0x1FF00] =	vst v63  }
0xa5: {  	_ =	swait.ge [sflag:s10], $0x4000  }
0xa6: {  	s29 =	sadd.s32 $0x1, s29;
	[sflag:s10] =	ssyncset.done $0x0  }
0xa7: {  	p0 =	sne.s32 s29, s8;
	[sflag:s10] =	ssyncadd.s32 $0xFFFFC000  }
.Ltmp1:
0xa8: {  	[bflag:$0x0] =	sbarrier.arrive $0xFFFF;
	(pc) =	sbr.rel @p0 .LBB2_1-.Ltmp1, $4  }
0xa9: {  	[hbm:s24], [sflag:s6] =	dma.local [spmem:s9], $0x2780  }
0xaa: {  	_ =	swait.ge [sflag:s10], $0x2780  }
0xab: {  	[sflag:s10] =	ssyncset.done $0x0  }
0xac: {  	[sflag:s10] =	ssyncadd.s32 $0xFFFFD880  }
0xad: {  	_ =	sfence.sel $0x180000  }
0xae: {  	[bflag:$0x0] =	sbarrier.arrive $0xFFFF  }
0xaf: {  	_ =	strace $0x90000053  }
0xb0: {  	[bflag:$0x2] =	sbarrier.arrive $0xFFFF  }
0xb1: {  	p0 =	sne.s32 s3, $0x0;
	s0 =	rddreg [dreg:$0x3]  }
0xb2: {  	s0 =	sadd.s32 @!p0 $0x100000, s0  }
0xb3: {  	[sflag:s0] =	ssyncadd.tile.s32 @!p0 $0x1;
	_ =	shalt  }
.Lfunc_end2:
_tile_overlayer_lowered:
.L_overlay_start_2:
0xb4: {  	(tag) =	ssettag $0x2  }
0xb5: {  	s0 =	rddreg [dreg:$0x0];
	s2 =	stileid.u32  }
0xb6: {  	s1 =	rddreg [dreg:$0x1];
	p0 =	sne.s32 s2, $0x0  }
0xb7: {  	s3 =	rddreg [dreg:$0x2];
	[bflag:$0x3] =	sbarrier.arrive $0xFFFF;
	s2 =	simm.s32 @!p0 $0x1C07  }
0xb8: {  	[timem:s3], [sflag:s2] =	dma.local @!p0 [hbm:s0], s1  }
0xb9: {  	s0 =	simm.s32 @!p0 $0x7  }
0xba: {  	_ =	swait.ge @!p0 [sflag:s0], s1  }
0xbb: {  	s1 =	ssub.s32 @!p0 $0x0, s1;
	[sflag:s0] =	ssyncset.done @!p0 $0x0  }
0xbc: {  	[sflag:s0] =	ssyncadd.s32 @!p0 s1  }
0xbd: {  	[bflag:$0x3] =	sbarrier.arrive $0xFFFF  }
0xbe: {  	_ =	shalt  }

</sc_bundles>
